<compile_context>
chip_gen: v7x
topology: tpu7x:2x2x1
jax: 0.10.2.dev20260603
libtpu: 0.0.44.dev20260713+nightly
codegen_flags: <defaults>
</compile_context>

<pallas_src>
import jax
import jax.numpy as jnp
from jax import lax
from jax.experimental import pallas as pl
from jax.experimental.pallas import tpu as pltpu
from jax.experimental.pallas import tpu_sc as plsc
import jax.scipy.linalg as jsl

_F32 = jnp.float32
_I32 = jnp.int32
_NC = 2
_NS = 16
_NW = _NC * _NS
_CH = 400
_DEN = 16
_ZR = 632


def _edge_pass(N, E, D, H):
    EPW = E // _NW
    NCH = EPW // _CH
    G = _CH // 16
    WH = D // H
    nlast = N - (_NS - 1) * _ZR
    mesh = plsc.VectorSubcoreMesh(core_axis_name="c", subcore_axis_name="s")

    def _chunks(nr):
        out = []
        off = 0
        while off < nr:
            sz = min(_CH, nr - off)
            out.append((off, sz))
            off += sz
        return out

    def body(src_hbm, dst_hbm, h_hbm, a_hbm, acc_out, den_out,
             sidx, didx, rows, exb, ar_s, ar_d, acc_sh, den_sh, sem, sem_a):
        c = lax.axis_index("c")
        s = lax.axis_index("s")
        w = c * _NS + s
        z16 = jnp.zeros((16,), _F32)

        def _zx(e, carry):
            exb[e, pl.ds(0, _DEN)] = z16
            for q in range(D // 16):
                rows[e, pl.ds(q * 16, 16)] = z16
            return carry
        lax.fori_loop(0, _CH, _zx, 0)

        r0 = s * _ZR

        def _init(nr):
            for off, sz in _chunks(nr):
                pltpu.sync_copy(rows.at[pl.ds(0, sz)],
                                acc_sh.at[pl.ds(r0 + off, sz)])
                pltpu.sync_copy(exb.at[pl.ds(0, sz)],
                                den_sh.at[pl.ds(r0 + off, sz)])

        @pl.when(s < _NS - 1)
        def _():
            _init(_ZR)

        @pl.when(s == _NS - 1)
        def _():
            _init(nlast)

        plsc.subcore_barrier()
        lanes = lax.iota(_I32, 16)

        def chunk(i, carry):
            base = w * EPW + i * _CH
            pltpu.sync_copy(src_hbm.at[pl.ds(base, _CH)], sidx)
            pltpu.sync_copy(dst_hbm.at[pl.ds(base, _CH)], didx)
            cp = pltpu.async_copy(h_hbm.at[sidx], rows, sem)
            cpa = pltpu.async_copy(a_hbm.at[sidx], ar_s, sem_a)
            cpb = pltpu.async_copy(a_hbm.at[didx], ar_d, sem_a)
            cpa.wait()
            cpb.wait()
            for g in range(G):
                ev = g * 16 + lanes
                for h in range(H):
                    asrc = plsc.load_gather(ar_s, [ev, jnp.full((16,), h, _I32)])
                    adst = plsc.load_gather(ar_d, [ev, jnp.full((16,), H + h, _I32)])
                    al = asrc + adst
                    ex = jnp.exp(jnp.maximum(al, 0.2 * al))
                    plsc.store_scatter(exb, [ev, jnp.full((16,), h, _I32)], ex)
            cp.wait()

            @plsc.parallel_loop(0, _CH, step=1, unroll=4)
            def scale(e):
                exv = exb[e, pl.ds(0, 16)]
                for h in range(H):
                    m = jnp.full((16,), exv[h])
                    for q in range(WH // 16):
                        sl = pl.ds(h * WH + q * 16, 16)
                        rows[e, sl] = rows[e, sl] * m
            pltpu.sync_copy(rows, acc_sh.at[didx], add=True)
            pltpu.sync_copy(exb, den_sh.at[didx], add=True)
            return carry
        lax.fori_loop(0, NCH, chunk, 0)
        plsc.subcore_barrier()

        def _writeback(nr):
            for off, sz in _chunks(nr):
                pltpu.sync_copy(acc_sh.at[pl.ds(r0 + off, sz)],
                                rows.at[pl.ds(0, sz)])
                pltpu.sync_copy(rows.at[pl.ds(0, sz)],
                                acc_out.at[c, pl.ds(r0 + off, sz)])
                pltpu.sync_copy(den_sh.at[pl.ds(r0 + off, sz)],
                                exb.at[pl.ds(0, sz)])
                pltpu.sync_copy(exb.at[pl.ds(0, sz)],
                                den_out.at[c, pl.ds(r0 + off, sz)])

        @pl.when(s < _NS - 1)
        def _():
            _writeback(_ZR)

        @pl.when(s == _NS - 1)
        def _():
            _writeback(nlast)

    return pl.kernel(
        body,
        out_type=[jax.ShapeDtypeStruct((_NC, N, D), _F32),
                  jax.ShapeDtypeStruct((_NC, N, _DEN), _F32)],
        mesh=mesh,
        compiler_params=pltpu.CompilerParams(use_tc_tiling_on_sc=False,
                                              needs_layout_passes=False),
        scratch_types=[
            pltpu.VMEM((_CH,), _I32),
            pltpu.VMEM((_CH,), _I32),
            pltpu.VMEM((_CH, D), _F32),
            pltpu.VMEM((_CH, _DEN), _F32),
            pltpu.VMEM((_CH, _DEN), _F32),
            pltpu.VMEM((_CH, _DEN), _F32),
            pltpu.VMEM_SHARED((N, D), _F32),
            pltpu.VMEM_SHARED((N, _DEN), _F32),
            pltpu.SemaphoreType.DMA,
            pltpu.SemaphoreType.DMA,
        ],
    )


def _pq_pass(N, E, D):
    EPW = E // _NW
    NCH = EPW // _CH
    mesh = plsc.VectorSubcoreMesh(core_axis_name="c", subcore_axis_name="s")

    PK = 128 // D

    def body(src_hbm, dst_hbm, p_hbm, q_hbm, s_out, sidx, didx, pr, qr, s4, sem):
        c = lax.axis_index("c")
        s = lax.axis_index("s")
        w = c * _NS + s

        def chunk(i, carry):
            base = w * EPW + i * _CH
            pltpu.sync_copy(src_hbm.at[pl.ds(base, _CH)], sidx)
            pltpu.sync_copy(dst_hbm.at[pl.ds(base, _CH)], didx)
            cp1 = pltpu.async_copy(p_hbm.at[sidx], pr, sem)
            cp2 = pltpu.async_copy(q_hbm.at[didx], qr, sem)
            cp1.wait()
            cp2.wait()

            @plsc.parallel_loop(0, _CH, step=1, unroll=4)
            def add(e):
                r = e // PK
                col0 = (e % PK) * D
                for q in range(D // 16):
                    sl = pl.ds(q * 16, 16)
                    s4[r, pl.ds(col0 + q * 16, 16)] = pr[e, sl] + qr[e, sl]
            pltpu.sync_copy(s4, s_out.at[pl.ds(base // PK, _CH // PK)])
            return carry
        lax.fori_loop(0, NCH, chunk, 0)

    return pl.kernel(
        body,
        out_type=jax.ShapeDtypeStruct((E // PK, 128), _F32),
        mesh=mesh,
        compiler_params=pltpu.CompilerParams(use_tc_tiling_on_sc=False,
                                              needs_layout_passes=False),
        scratch_types=[
            pltpu.VMEM((_CH,), _I32),
            pltpu.VMEM((_CH,), _I32),
            pltpu.VMEM((_CH, D), _F32),
            pltpu.VMEM((_CH, D), _F32),
            pltpu.VMEM((_CH // 4, 128), _F32),
            pltpu.SemaphoreType.DMA,
        ],
    )


def _stage_in(x, w1, m4, h1_ref, a4_ref):
    h1 = jnp.dot(x[...], w1[...], preferred_element_type=_F32)
    h1_ref[...] = h1
    a4_ref[...] = jnp.dot(h1, m4[...], preferred_element_type=_F32)


def _stage_combine1(acc, den, a4, h1, b1, w2, m2, h2_ref, a2_ref):
    N = h1.shape[0]
    a4v = a4[...]
    accs = acc[0, :, :] + acc[1, :, :]
    h1v = h1[...]
    cols = []
    dens = []
    for h in range(2):
        al = a4v[:, h:h + 1] + a4v[:, 2 + h:3 + h]
        es = jnp.exp(jnp.maximum(al, 0.2 * al))
        cols.append(accs[:, 32 * h:32 * h + 32] + es * h1v[:, 32 * h:32 * h + 32])
        d = den[0, :, h:h + 1] + den[1, :, h:h + 1] + es + 1e-16
        dens.append(jnp.broadcast_to(d, (N, 32)))
    num = jnp.concatenate(cols, axis=1)
    dd = jnp.concatenate(dens, axis=1)
    h1_out = jnp.maximum(num / dd + b1[...], 0.0)
    h2 = jnp.dot(h1_out, w2[...], preferred_element_type=_F32)
    h2_ref[...] = h2
    a2_ref[...] = jnp.dot(h2, m2[...], preferred_element_type=_F32)


def _stage_combine2(acc, den, a2, h2, b2, wm1a, wm1b, p_ref, q_ref):
    a2v = a2[...]
    al = a2v[:, 0:1] + a2v[:, 1:2]
    es = jnp.exp(jnp.maximum(al, 0.2 * al))
    num = acc[0, :, :] + acc[1, :, :] + es * h2[...]
    d = den[0, :, 0:1] + den[1, :, 0:1] + es + 1e-16
    node = num / d + b2[...]
    p_ref[...] = jnp.dot(node, wm1a[...], preferred_element_type=_F32)
    q_ref[...] = jnp.dot(node, wm1b[...], preferred_element_type=_F32)


def _stage_mlp(s, ea, wm1e, bm1, wm2, bm2, wm3, bm3, out_ref):
    pre = s[...] + jnp.dot(ea[...], wm1e[...], preferred_element_type=_F32) + bm1[...]
    h = jnp.maximum(pre, 0.0)
    h2 = jnp.maximum(jnp.dot(h, wm2[...], preferred_element_type=_F32) + bm2[...], 0.0)
    z = jnp.dot(h2, wm3[...], preferred_element_type=_F32) + bm3[...]
    out_ref[...] = 1.0 / (1.0 + jnp.exp(-z))


def kernel(x, edge_index, edge_attr, W1, att_src1, att_dst1, b1,
           W2, att_src2, att_dst2, b2, Wm1, bm1, Wm2, bm2, Wm3, bm3):
    N, _ = x.shape
    E = edge_index.shape[1]
    src = edge_index[0]
    dst = edge_index[1]

    s1 = att_src1.reshape(-1)
    d1 = att_dst1.reshape(-1)
    z32 = jnp.zeros((32,), _F32)
    z64 = jnp.zeros((64,), _F32)
    m4 = jnp.stack([
        jnp.concatenate([s1[:32], z32]),
        jnp.concatenate([z32, s1[32:]]),
        jnp.concatenate([d1[:32], z32]),
        jnp.concatenate([z32, d1[32:]]),
    ] + [z64] * 12, axis=1)
    m2 = jnp.stack([att_src2.reshape(-1), att_dst2.reshape(-1)]
                   + [z32] * 14, axis=1)

    h1_mat, a4 = pl.pallas_call(
        _stage_in,
compiler_params=pltpu.CompilerParams(vmem_limit_bytes=114 * 1024 * 1024),
                out_shape=[jax.ShapeDtypeStruct((N, 64), _F32),
                   jax.ShapeDtypeStruct((N, 16), _F32)],
    )(x, W1, m4)

    acc_a, den_a = _edge_pass(N, E, 64, 2)(src, dst, h1_mat, a4)

    h2_mat, a2 = pl.pallas_call(
        _stage_combine1,
compiler_params=pltpu.CompilerParams(vmem_limit_bytes=114 * 1024 * 1024),
                out_shape=[jax.ShapeDtypeStruct((N, 32), _F32),
                   jax.ShapeDtypeStruct((N, 16), _F32)],
    )(acc_a, den_a, a4, h1_mat, b1.reshape(1, -1), W2, m2)

    acc_b, den_b = _edge_pass(N, E, 32, 1)(src, dst, h2_mat, a2)

    p_mat, q_mat = pl.pallas_call(
        _stage_combine2,
compiler_params=pltpu.CompilerParams(vmem_limit_bytes=114 * 1024 * 1024),
                out_shape=[jax.ShapeDtypeStruct((N, 32), _F32),
                   jax.ShapeDtypeStruct((N, 32), _F32)],
    )(acc_b, den_b, a2, h2_mat, b2.reshape(1, -1), Wm1[:32], Wm1[32:64])

    s_mat = _pq_pass(N, E, 32)(src, dst, p_mat, q_mat)

    wm1e = Wm1[64:68]
    wm1e4 = jsl.block_diag(wm1e, wm1e, wm1e, wm1e)
    wm2_4 = jsl.block_diag(Wm2, Wm2, Wm2, Wm2)
    wm3_4 = jsl.block_diag(Wm3, Wm3, Wm3, Wm3)
    bm1_4 = jnp.tile(bm1, 4).reshape(1, 128)
    bm2_4 = jnp.tile(bm2, 4).reshape(1, 64)
    bm3_4 = jnp.tile(bm3, 4).reshape(1, 4)
    ea4 = edge_attr.reshape(E // 4, 16)

    B = 1600
    scores = pl.pallas_call(
        _stage_mlp,
        grid=(E // (4 * B),),
        in_specs=[
            pl.BlockSpec((B, 128), lambda i: (i, 0)),
            pl.BlockSpec((B, 16), lambda i: (i, 0)),
            pl.BlockSpec((16, 128), lambda i: (0, 0)),
            pl.BlockSpec((1, 128), lambda i: (0, 0)),
            pl.BlockSpec((128, 64), lambda i: (0, 0)),
            pl.BlockSpec((1, 64), lambda i: (0, 0)),
            pl.BlockSpec((64, 4), lambda i: (0, 0)),
            pl.BlockSpec((1, 4), lambda i: (0, 0)),
        ],
        out_specs=pl.BlockSpec((B, 4), lambda i: (i, 0)),
        out_shape=jax.ShapeDtypeStruct((E // 4, 4), _F32),
    )(s_mat, ea4, wm1e4, bm1_4, wm2_4, bm2_4, wm3_4, bm3_4)

    return scores.reshape(E)

# --- scband reference (transcript-rebuilt; emitter-appended) ---
"""Pipeline reference for scband-route-safety-gnn-22067541967001 (READ-ONLY COPY).

The authoritative reference and input builder live on the scoring server;
editing this copy changes nothing except your own understanding.
"""

import jax, jax.numpy as jnp
import numpy as np

N = 10000
E = 320000
D_IN = 128
D_EDGE = 4
HID = 32
HEADS = 2


def setup_inputs(seed: int = 0) -> dict:
    key = jax.random.key(seed)
    ks = jax.random.split(key, 20)
    inp = {}
    inp["x"] = jax.random.normal(ks[0], (N, D_IN), dtype=jnp.float32)
    inp["edge_index"] = jax.random.randint(ks[1], (2, E), 0, N, dtype=jnp.int32)
    inp["edge_attr"] = jax.random.normal(ks[2], (E, D_EDGE), dtype=jnp.float32)
    # GATConv 1: in=D_IN, out=HID, heads=HEADS, concat=True
    inp["W1"] = jax.random.normal(ks[3], (D_IN, HEADS * HID), dtype=jnp.float32) * 0.1
    inp["att_src1"] = jax.random.normal(ks[4], (1, HEADS, HID), dtype=jnp.float32) * 0.1
    inp["att_dst1"] = jax.random.normal(ks[5], (1, HEADS, HID), dtype=jnp.float32) * 0.1
    inp["b1"] = jnp.zeros((HEADS * HID,), dtype=jnp.float32)
    # GATConv 2: in=HEADS*HID, out=HID, heads=1, concat=False
    inp["W2"] = jax.random.normal(ks[6], (HEADS * HID, HID), dtype=jnp.float32) * 0.1
    inp["att_src2"] = jax.random.normal(ks[7], (1, 1, HID), dtype=jnp.float32) * 0.1
    inp["att_dst2"] = jax.random.normal(ks[8], (1, 1, HID), dtype=jnp.float32) * 0.1
    inp["b2"] = jnp.zeros((HID,), dtype=jnp.float32)
    # edge MLP: Linear(2*HID+D_EDGE, 32) -> ReLU -> Dropout(eval) -> Linear(32,16) -> ReLU -> Linear(16,1) -> Sigmoid
    inp["Wm1"] = jax.random.normal(ks[9], (2 * HID + D_EDGE, 32), dtype=jnp.float32) * 0.1
    inp["bm1"] = jnp.zeros((32,), dtype=jnp.float32)
    inp["Wm2"] = jax.random.normal(ks[10], (32, 16), dtype=jnp.float32) * 0.1
    inp["bm2"] = jnp.zeros((16,), dtype=jnp.float32)
    inp["Wm3"] = jax.random.normal(ks[11], (16, 1), dtype=jnp.float32) * 0.1
    inp["bm3"] = jnp.zeros((1,), dtype=jnp.float32)
    return inp


def gat_conv(x, edge_index, W, att_src, att_dst, bias, heads, out_ch, concat):
    n = x.shape[0]
    # PyG GATConv adds self-loops by default
    loop = jnp.arange(n, dtype=edge_index.dtype)
    src = jnp.concatenate([edge_index[0], loop])
    dst = jnp.concatenate([edge_index[1], loop])
    h = (x @ W).reshape(n, heads, out_ch)
    a_src = jnp.sum(h * att_src, axis=-1)  # [n, heads]
    a_dst = jnp.sum(h * att_dst, axis=-1)  # [n, heads]
    alpha = a_src[src] + a_dst[dst]        # [e, heads]
    alpha = jax.nn.leaky_relu(alpha, negative_slope=0.2)
    amax = jax.lax.stop_gradient(jax.ops.segment_max(alpha, dst, num_segments=n))
    ex = jnp.exp(alpha - amax[dst])
    denom = jax.ops.segment_sum(ex, dst, num_segments=n)
    attn = ex / (denom[dst] + 1e-16)
    msg = h[src] * attn[..., None]
    out = jax.ops.segment_sum(msg, dst, num_segments=n)  # [n, heads, out_ch]
    if concat:
        out = out.reshape(n, heads * out_ch)
    else:
        out = out.mean(axis=1)
    return out + bias


def reference(x, edge_index, edge_attr, W1, att_src1, att_dst1, b1, W2, att_src2, att_dst2, b2, Wm1, bm1, Wm2, bm2, Wm3, bm3):
    h1 = gat_conv(x, edge_index, W1, att_src1, att_dst1, b1, HEADS, HID, True)
    h1 = jax.nn.relu(h1)
    node_embs = gat_conv(h1, edge_index, W2, att_src2, att_dst2, b2, 1, HID, False)
    src = edge_index[0]
    dst = edge_index[1]
    emb_src = node_embs[src]
    emb_dst = node_embs[dst]
    feat = jnp.concatenate([emb_src, emb_dst, edge_attr], axis=1)
    h = jax.nn.relu(feat @ Wm1 + bm1)
    h = jax.nn.relu(h @ Wm2 + bm2)
    scores = jax.nn.sigmoid(h @ Wm3 + bm3)
    return scores.squeeze()

if __name__ == "__main__":
    import jax
    _d = setup_inputs()
    print(jax.jit(kernel)(*tuple(_d.values())))

</pallas_src>

<mosaic_0001>
#map = affine_map<(d0, d1) -> (0)>
#map1 = affine_map<(d0, d1) -> (0, 0)>
module attributes {stable_mosaic.version = 14 : i64} {
  func.func @body(%arg0: i32, %arg1: i32, %arg2: memref<320000xi32, #tpu.memory_space<hbm>>, %arg3: memref<320000xi32, #tpu.memory_space<hbm>>, %arg4: memref<10000x32xf32, #tpu.memory_space<hbm>>, %arg5: memref<10000x32xf32, #tpu.memory_space<hbm>>, %arg6: memref<80000x128xf32, #tpu.memory_space<hbm>>, %arg7: memref<400xi32, #tpu.memory_space<vmem>>, %arg8: memref<400xi32, #tpu.memory_space<vmem>>, %arg9: memref<400x32xf32, #tpu.memory_space<vmem>>, %arg10: memref<400x32xf32, #tpu.memory_space<vmem>>, %arg11: memref<100x128xf32, #tpu.memory_space<vmem>>, %arg12: memref<!tpu.dma_semaphore, #tpu.memory_space<semaphore_mem>>) attributes {dimension_semantics = [#tpu.dimension_semantics<core_parallel>, #tpu.dimension_semantics<subcore_parallel>], iteration_bounds = array<i64: 2, 16>, scalar_prefetch = 0 : i64, scratch_operands = 6 : i64, tpu.core_type = #tpu.core_type<sc_vector_subcore>, window_params = [{transform_indices = #map}, {transform_indices = #map}, {transform_indices = #map1}, {transform_indices = #map1}, {transform_indices = #map1}]} {
    %mul3A = arith.constant 16 : i32
    %mul3A_0 = arith.muli %arg0, %mul3A : i32
    %add3A = arith.addi %mul3A_0, %arg1 : i32
    %scan3A = arith.constant 0 : i32
    %scan3A_1 = arith.constant 0 : i32
    %scan3A_2 = arith.constant 25 : i32
    %scan3A_3 = arith.addi %scan3A_1, %scan3A_2 : i32
    %scan3A_4 = arith.constant 1 : i32
    scf.for %scan3A_6 = %scan3A_1 to %scan3A_3 step %scan3A_4  : i32 {
      %mul3A_7 = arith.constant 10000 : i32
      %mul3A_8 = arith.muli %add3A, %mul3A_7 : i32
      %mul3A_9 = arith.constant 400 : i32
      %mul3A_10 = arith.muli %scan3A_6, %mul3A_9 : i32
      %add3A_11 = arith.addi %mul3A_8, %mul3A_10 : i32
      "tpu.region"() ({
        %run_scoped3A = tpu.sem_alloc : memref<!tpu.dma_semaphore, #tpu.memory_space<semaphore_mem>>
        %dma_start3A_40 = tpu.memref_slice %arg2[%add3A_11] : memref<320000xi32, #tpu.memory_space<hbm>> -> memref<400xi32, #tpu.memory_space<hbm>>
        %dma_start3A_41 = tpu.memref_slice %arg2[%add3A_11] : memref<320000xi32, #tpu.memory_space<hbm>> -> memref<400xi32, #tpu.memory_space<hbm>>
        tpu.enqueue_dma source(%dma_start3A_41 : memref<400xi32, #tpu.memory_space<hbm>>) target(%arg7 : memref<400xi32, #tpu.memory_space<vmem>>) target_semaphore(%run_scoped3A : memref<!tpu.dma_semaphore, #tpu.memory_space<semaphore_mem>>)
        %dma_wait3A_42 = tpu.memref_slice %arg2[%add3A_11] : memref<320000xi32, #tpu.memory_space<hbm>> -> memref<400xi32, #tpu.memory_space<hbm>>
        %dma_wait3A_43 = tpu.memref_slice %arg2[%add3A_11] : memref<320000xi32, #tpu.memory_space<hbm>> -> memref<400xi32, #tpu.memory_space<hbm>>
        tpu.wait_dma2 semaphore(%run_scoped3A : memref<!tpu.dma_semaphore, #tpu.memory_space<semaphore_mem>>) src(%dma_wait3A_43 : memref<400xi32, #tpu.memory_space<hbm>>) dst(%arg7 : memref<400xi32, #tpu.memory_space<vmem>>)
        tpu.yield
      }) : () -> ()
      "tpu.region"() ({
        %run_scoped3A = tpu.sem_alloc : memref<!tpu.dma_semaphore, #tpu.memory_space<semaphore_mem>>
        %dma_start3A_40 = tpu.memref_slice %arg3[%add3A_11] : memref<320000xi32, #tpu.memory_space<hbm>> -> memref<400xi32, #tpu.memory_space<hbm>>
        %dma_start3A_41 = tpu.memref_slice %arg3[%add3A_11] : memref<320000xi32, #tpu.memory_space<hbm>> -> memref<400xi32, #tpu.memory_space<hbm>>
        tpu.enqueue_dma source(%dma_start3A_41 : memref<400xi32, #tpu.memory_space<hbm>>) target(%arg8 : memref<400xi32, #tpu.memory_space<vmem>>) target_semaphore(%run_scoped3A : memref<!tpu.dma_semaphore, #tpu.memory_space<semaphore_mem>>)
        %dma_wait3A_42 = tpu.memref_slice %arg3[%add3A_11] : memref<320000xi32, #tpu.memory_space<hbm>> -> memref<400xi32, #tpu.memory_space<hbm>>
        %dma_wait3A_43 = tpu.memref_slice %arg3[%add3A_11] : memref<320000xi32, #tpu.memory_space<hbm>> -> memref<400xi32, #tpu.memory_space<hbm>>
        tpu.wait_dma2 semaphore(%run_scoped3A : memref<!tpu.dma_semaphore, #tpu.memory_space<semaphore_mem>>) src(%dma_wait3A_43 : memref<400xi32, #tpu.memory_space<hbm>>) dst(%arg8 : memref<400xi32, #tpu.memory_space<vmem>>)
        tpu.yield
      }) : () -> ()
      %dma_start3A = arith.constant 0 : i32
      %dma_start3A_12 = arith.constant 0 : i32
      %dma_start3A_13 = tpu.memref_slice %arg4[%dma_start3A, %dma_start3A_12] : memref<10000x32xf32, #tpu.memory_space<hbm>> -> memref<10000x32xf32, #tpu.memory_space<hbm>>
      tpu.enqueue_indirect_dma source(%dma_start3A_13 : memref<10000x32xf32, #tpu.memory_space<hbm>>) target(%arg9 : memref<400x32xf32, #tpu.memory_space<vmem>>) offsets(%arg7 : memref<400xi32, #tpu.memory_space<vmem>>) semaphore(%arg12 : memref<!tpu.dma_semaphore, #tpu.memory_space<semaphore_mem>>)
      %dma_start3A_14 = arith.constant 0 : i32
      %dma_start3A_15 = arith.constant 0 : i32
      %dma_start3A_16 = tpu.memref_slice %arg5[%dma_start3A_14, %dma_start3A_15] : memref<10000x32xf32, #tpu.memory_space<hbm>> -> memref<10000x32xf32, #tpu.memory_space<hbm>>
      tpu.enqueue_indirect_dma source(%dma_start3A_16 : memref<10000x32xf32, #tpu.memory_space<hbm>>) target(%arg10 : memref<400x32xf32, #tpu.memory_space<vmem>>) offsets(%arg8 : memref<400xi32, #tpu.memory_space<vmem>>) semaphore(%arg12 : memref<!tpu.dma_semaphore, #tpu.memory_space<semaphore_mem>>)
      %dma_wait3A = arith.constant 0 : i32
      %dma_wait3A_17 = arith.constant 0 : i32
      %dma_wait3A_18 = tpu.memref_slice %arg4[%dma_wait3A, %dma_wait3A_17] : memref<10000x32xf32, #tpu.memory_space<hbm>> -> memref<10000x32xf32, #tpu.memory_space<hbm>>
      tpu.wait_indirect_dma semaphore(%arg12 : memref<!tpu.dma_semaphore, #tpu.memory_space<semaphore_mem>>) src(%dma_wait3A_18 : memref<10000x32xf32, #tpu.memory_space<hbm>>) dst(%arg9 : memref<400x32xf32, #tpu.memory_space<vmem>>)
      %dma_wait3A_19 = arith.constant 0 : i32
      %dma_wait3A_20 = arith.constant 0 : i32
      %dma_wait3A_21 = tpu.memref_slice %arg5[%dma_wait3A_19, %dma_wait3A_20] : memref<10000x32xf32, #tpu.memory_space<hbm>> -> memref<10000x32xf32, #tpu.memory_space<hbm>>
      tpu.wait_indirect_dma semaphore(%arg12 : memref<!tpu.dma_semaphore, #tpu.memory_space<semaphore_mem>>) src(%dma_wait3A_21 : memref<10000x32xf32, #tpu.memory_space<hbm>>) dst(%arg10 : memref<400x32xf32, #tpu.memory_space<vmem>>)
      %parallel_loop3A = arith.constant 0 : i32
      %parallel_loop3A_22 = arith.constant 400 : i32
      %parallel_loop3A_23 = arith.constant 1 : i32
      scf.for %parallel_loop3A_40 = %parallel_loop3A to %parallel_loop3A_22 step %parallel_loop3A_23  : i32 {
        %parallel_loop3A_41 = arith.constant 4 : i32
        %parallel_loop3A_42 = arith.divsi %parallel_loop3A_40, %parallel_loop3A_41 : i32
        %parallel_loop3A_43 = arith.constant 0 : i32
        %parallel_loop3A_44 = arith.cmpi sgt, %parallel_loop3A_40, %parallel_loop3A_43 : i32
        %parallel_loop3A_45 = arith.extui %parallel_loop3A_44 : i1 to i32
        %parallel_loop3A_46 = arith.constant 0 : i32
        %parallel_loop3A_47 = arith.cmpi slt, %parallel_loop3A_40, %parallel_loop3A_46 : i32
        %parallel_loop3A_48 = arith.extui %parallel_loop3A_47 : i1 to i32
        %parallel_loop3A_49 = arith.subi %parallel_loop3A_45, %parallel_loop3A_48 : i32
        %parallel_loop3A_50 = arith.constant 0 : i32
        %parallel_loop3A_51 = arith.cmpi sgt, %parallel_loop3A_41, %parallel_loop3A_50 : i32
        %parallel_loop3A_52 = arith.extui %parallel_loop3A_51 : i1 to i32
        %parallel_loop3A_53 = arith.constant 0 : i32
        %parallel_loop3A_54 = arith.cmpi slt, %parallel_loop3A_41, %parallel_loop3A_53 : i32
        %parallel_loop3A_55 = arith.extui %parallel_loop3A_54 : i1 to i32
        %parallel_loop3A_56 = arith.subi %parallel_loop3A_52, %parallel_loop3A_55 : i32
        %parallel_loop3A_57 = arith.cmpi ne, %parallel_loop3A_49, %parallel_loop3A_56 : i32
        %parallel_loop3A_58 = arith.remsi %parallel_loop3A_40, %parallel_loop3A_41 : i32
        %parallel_loop3A_59 = arith.constant 0 : i32
        %parallel_loop3A_60 = arith.cmpi ne, %parallel_loop3A_58, %parallel_loop3A_59 : i32
        %parallel_loop3A_61 = arith.andi %parallel_loop3A_57, %parallel_loop3A_60 : i1
        %parallel_loop3A_62 = arith.constant 1 : i32
        %parallel_loop3A_63 = arith.subi %parallel_loop3A_42, %parallel_loop3A_62 : i32
        %parallel_loop3A_64 = arith.select %parallel_loop3A_61, %parallel_loop3A_63, %parallel_loop3A_42 : i32
        %parallel_loop3A_65 = arith.constant 4 : i32
        %parallel_loop3A_66 = arith.constant 0 : i32
        %parallel_loop3A_67 = arith.cmpi eq, %parallel_loop3A_65, %parallel_loop3A_66 : i32
        %parallel_loop3A_68 = arith.constant 1 : i32
        %parallel_loop3A_69 = arith.select %parallel_loop3A_67, %parallel_loop3A_68, %parallel_loop3A_65 : i32
        %parallel_loop3A_70 = arith.remsi %parallel_loop3A_40, %parallel_loop3A_69 : i32
        %parallel_loop3A_71 = arith.constant 0 : i32
        %parallel_loop3A_72 = arith.cmpi ne, %parallel_loop3A_70, %parallel_loop3A_71 : i32
        %parallel_loop3A_73 = arith.constant 0 : i32
        %parallel_loop3A_74 = arith.cmpi slt, %parallel_loop3A_70, %parallel_loop3A_73 : i32
        %parallel_loop3A_75 = arith.constant 0 : i32
        %parallel_loop3A_76 = arith.cmpi slt, %parallel_loop3A_69, %parallel_loop3A_75 : i32
        %parallel_loop3A_77 = arith.xori %parallel_loop3A_74, %parallel_loop3A_76 : i1
        %parallel_loop3A_78 = arith.andi %parallel_loop3A_77, %parallel_loop3A_72 : i1
        %parallel_loop3A_79 = arith.addi %parallel_loop3A_70, %parallel_loop3A_69 : i32
        %parallel_loop3A_80 = arith.select %parallel_loop3A_78, %parallel_loop3A_79, %parallel_loop3A_70 : i32
        %parallel_loop3A_81 = arith.constant 32 : i32
        %parallel_loop3A_82 = arith.muli %parallel_loop3A_80, %parallel_loop3A_81 : i32
        %parallel_loop3A_83 = arith.index_cast %parallel_loop3A_40 : i32 to index
        %parallel_loop3A_84 = arith.constant 0 : index
        %parallel_loop3A_85 = tpu.vector_load %arg9[%parallel_loop3A_83, %parallel_loop3A_84] {strides = array<i32>} : memref<400x32xf32, #tpu.memory_space<vmem>>, vector<16xf32>,
        %parallel_loop3A_86 = arith.index_cast %parallel_loop3A_40 : i32 to index
        %parallel_loop3A_87 = arith.constant 0 : index
        %parallel_loop3A_88 = tpu.vector_load %arg10[%parallel_loop3A_86, %parallel_loop3A_87] {strides = array<i32>} : memref<400x32xf32, #tpu.memory_space<vmem>>, vector<16xf32>,
        %parallel_loop3A_89 = arith.addf %parallel_loop3A_85, %parallel_loop3A_88 : vector<16xf32>
        %parallel_loop3A_90 = arith.constant 0 : i32
        %parallel_loop3A_91 = arith.addi %parallel_loop3A_82, %parallel_loop3A_90 : i32
        %parallel_loop3A_92 = arith.index_cast %parallel_loop3A_64 : i32 to index
        %parallel_loop3A_93 = arith.index_cast %parallel_loop3A_91 : i32 to index
        %parallel_loop3A_94 = tpu.vector_load %arg11[%parallel_loop3A_92, %parallel_loop3A_93] {strides = array<i32>} : memref<100x128xf32, #tpu.memory_space<vmem>>, vector<16xf32>,
        tpu.vector_store %arg11[%parallel_loop3A_92, %parallel_loop3A_93], %parallel_loop3A_89 {strides = array<i32>} : memref<100x128xf32, #tpu.memory_space<vmem>>, vector<16xf32>,
        %parallel_loop3A_95 = arith.index_cast %parallel_loop3A_40 : i32 to index
        %parallel_loop3A_96 = arith.constant 16 : index
        %parallel_loop3A_97 = tpu.vector_load %arg9[%parallel_loop3A_95, %parallel_loop3A_96] {strides = array<i32>} : memref<400x32xf32, #tpu.memory_space<vmem>>, vector<16xf32>,
        %parallel_loop3A_98 = arith.index_cast %parallel_loop3A_40 : i32 to index
        %parallel_loop3A_99 = arith.constant 16 : index
        %parallel_loop3A_100 = tpu.vector_load %arg10[%parallel_loop3A_98, %parallel_loop3A_99] {strides = array<i32>} : memref<400x32xf32, #tpu.memory_space<vmem>>, vector<16xf32>,
        %parallel_loop3A_101 = arith.addf %parallel_loop3A_97, %parallel_loop3A_100 : vector<16xf32>
        %parallel_loop3A_102 = arith.constant 16 : i32
        %parallel_loop3A_103 = arith.addi %parallel_loop3A_82, %parallel_loop3A_102 : i32
        %parallel_loop3A_104 = arith.index_cast %parallel_loop3A_64 : i32 to index
        %parallel_loop3A_105 = arith.index_cast %parallel_loop3A_103 : i32 to index
        %parallel_loop3A_106 = tpu.vector_load %arg11[%parallel_loop3A_104, %parallel_loop3A_105] {strides = array<i32>} : memref<100x128xf32, #tpu.memory_space<vmem>>, vector<16xf32>,
        tpu.vector_store %arg11[%parallel_loop3A_104, %parallel_loop3A_105], %parallel_loop3A_101 {strides = array<i32>} : memref<100x128xf32, #tpu.memory_space<vmem>>, vector<16xf32>,
      } {sc.loop_unroll_factor = 4 : i64, sc.parallel_access}
      %jit3A = arith.constant 4 : i32
      %div3A = arith.divsi %add3A_11, %jit3A : i32
      %sign3A = arith.constant 0 : i32
      %sign3A_24 = arith.cmpi sgt, %add3A_11, %sign3A : i32
      %sign3A_25 = arith.extui %sign3A_24 : i1 to i32
      %sign3A_26 = arith.constant 0 : i32
      %sign3A_27 = arith.cmpi slt, %add3A_11, %sign3A_26 : i32
      %sign3A_28 = arith.extui %sign3A_27 : i1 to i32
      %sign3A_29 = arith.subi %sign3A_25, %sign3A_28 : i32
      %sign3A_30 = arith.constant 0 : i32
      %sign3A_31 = arith.cmpi sgt, %jit3A, %sign3A_30 : i32
      %sign3A_32 = arith.extui %sign3A_31 : i1 to i32
      %sign3A_33 = arith.constant 0 : i32
      %sign3A_34 = arith.cmpi slt, %jit3A, %sign3A_33 : i32
      %sign3A_35 = arith.extui %sign3A_34 : i1 to i32
      %sign3A_36 = arith.subi %sign3A_32, %sign3A_35 : i32
      %ne3A = arith.cmpi ne, %sign3A_29, %sign3A_36 : i32
      %rem3A = arith.remsi %add3A_11, %jit3A : i32
      %ne3A_37 = arith.constant 0 : i32
      %ne3A_38 = arith.cmpi ne, %rem3A, %ne3A_37 : i32
      %and3A = arith.andi %ne3A, %ne3A_38 : i1
      %sub3A = arith.constant 1 : i32
      %sub3A_39 = arith.subi %div3A, %sub3A : i32
      %select_n3A = arith.select %and3A, %sub3A_39, %div3A : i32
      "tpu.region"() ({
        %run_scoped3A = tpu.sem_alloc : memref<!tpu.dma_semaphore, #tpu.memory_space<semaphore_mem>>
        %dma_start3A_40 = arith.constant 0 : i32
        %dma_start3A_41 = tpu.memref_slice %arg6[%select_n3A, %dma_start3A_40] : memref<80000x128xf32, #tpu.memory_space<hbm>> -> memref<100x128xf32, #tpu.memory_space<hbm>>
        %dma_start3A_42 = arith.constant 0 : i32
        %dma_start3A_43 = tpu.memref_slice %arg6[%select_n3A, %dma_start3A_42] : memref<80000x128xf32, #tpu.memory_space<hbm>> -> memref<100x128xf32, #tpu.memory_space<hbm>>
        tpu.enqueue_dma source(%arg11 : memref<100x128xf32, #tpu.memory_space<vmem>>) target(%dma_start3A_43 : memref<100x128xf32, #tpu.memory_space<hbm>>) target_semaphore(%run_scoped3A : memref<!tpu.dma_semaphore, #tpu.memory_space<semaphore_mem>>)
        %dma_wait3A_44 = arith.constant 0 : i32
        %dma_wait3A_45 = tpu.memref_slice %arg6[%select_n3A, %dma_wait3A_44] : memref<80000x128xf32, #tpu.memory_space<hbm>> -> memref<100x128xf32, #tpu.memory_space<hbm>>
        %dma_wait3A_46 = arith.constant 0 : i32
        %dma_wait3A_47 = tpu.memref_slice %arg6[%select_n3A, %dma_wait3A_46] : memref<80000x128xf32, #tpu.memory_space<hbm>> -> memref<100x128xf32, #tpu.memory_space<hbm>>
        tpu.wait_dma2 semaphore(%run_scoped3A : memref<!tpu.dma_semaphore, #tpu.memory_space<semaphore_mem>>) src(%arg11 : memref<100x128xf32, #tpu.memory_space<vmem>>) dst(%dma_wait3A_47 : memref<100x128xf32, #tpu.memory_space<hbm>>)
        tpu.yield
      }) : () -> ()
    }
    %scan3A_5 = arith.constant 25 : i32
    return
  }
}

#map = affine_map<(d0, d1) -> (0)>
#map1 = affine_map<(d0, d1) -> (0, 0)>
#map2 = affine_map<(d0, d1) -> (0, 0, 0)>
module attributes {stable_mosaic.version = 14 : i64} {
  func.func @body(%arg0: i32, %arg1: i32, %arg2: memref<320000xi32, #tpu.memory_space<hbm>>, %arg3: memref<320000xi32, #tpu.memory_space<hbm>>, %arg4: memref<10000x64xf32, #tpu.memory_space<hbm>>, %arg5: memref<10000x16xf32, #tpu.memory_space<hbm>>, %arg6: memref<2x10000x64xf32, #tpu.memory_space<hbm>>, %arg7: memref<2x10000x16xf32, #tpu.memory_space<hbm>>, %arg8: memref<400xi32, #tpu.memory_space<vmem>>, %arg9: memref<400xi32, #tpu.memory_space<vmem>>, %arg10: memref<400x64xf32, #tpu.memory_space<vmem>>, %arg11: memref<400x16xf32, #tpu.memory_space<vmem>>, %arg12: memref<400x16xf32, #tpu.memory_space<vmem>>, %arg13: memref<400x16xf32, #tpu.memory_space<vmem>>, %arg14: memref<10000x64xf32, #tpu.memory_space<vmem_shared>>, %arg15: memref<10000x16xf32, #tpu.memory_space<vmem_shared>>, %arg16: memref<!tpu.dma_semaphore, #tpu.memory_space<semaphore_mem>>, %arg17: memref<!tpu.dma_semaphore, #tpu.memory_space<semaphore_mem>>) attributes {dimension_semantics = [#tpu.dimension_semantics<core_parallel>, #tpu.dimension_semantics<subcore_parallel>], iteration_bounds = array<i64: 2, 16>, scalar_prefetch = 0 : i64, scratch_operands = 10 : i64, tpu.core_type = #tpu.core_type<sc_vector_subcore>, window_params = [{transform_indices = #map}, {transform_indices = #map}, {transform_indices = #map1}, {transform_indices = #map1}, {transform_indices = #map2}, {transform_indices = #map2}]} {
    %mul3A = arith.constant 16 : i32
    %mul3A_0 = arith.muli %arg0, %mul3A : i32
    %add3A = arith.addi %mul3A_0, %arg1 : i32
    %broadcast_in_dim3A = arith.constant 0.000000e+00 : f32
    %broadcast_in_dim3A_1 = vector.broadcast %broadcast_in_dim3A : f32 to vector<16xf32>
    %scan3A = arith.constant 0 : i32
    %scan3A_2 = arith.constant 0 : i32
    %scan3A_3 = arith.constant 400 : i32
    %scan3A_4 = arith.addi %scan3A_2, %scan3A_3 : i32
    %scan3A_5 = arith.constant 1 : i32
    scf.for %scan3A_32 = %scan3A_2 to %scan3A_4 step %scan3A_5  : i32 {
      %swap3A = arith.index_cast %scan3A_32 : i32 to index
      %swap3A_33 = arith.constant 0 : index
      %swap3A_34 = tpu.vector_load %arg11[%swap3A, %swap3A_33] {strides = array<i32>} : memref<400x16xf32, #tpu.memory_space<vmem>>, vector<16xf32>,
      tpu.vector_store %arg11[%swap3A, %swap3A_33], %broadcast_in_dim3A_1 {strides = array<i32>} : memref<400x16xf32, #tpu.memory_space<vmem>>, vector<16xf32>,
      %swap3A_35 = arith.index_cast %scan3A_32 : i32 to index
      %swap3A_36 = arith.constant 0 : index
      %swap3A_37 = tpu.vector_load %arg10[%swap3A_35, %swap3A_36] {strides = array<i32>} : memref<400x64xf32, #tpu.memory_space<vmem>>, vector<16xf32>,
      tpu.vector_store %arg10[%swap3A_35, %swap3A_36], %broadcast_in_dim3A_1 {strides = array<i32>} : memref<400x64xf32, #tpu.memory_space<vmem>>, vector<16xf32>,
      %swap3A_38 = arith.index_cast %scan3A_32 : i32 to index
      %swap3A_39 = arith.constant 16 : index
      %swap3A_40 = tpu.vector_load %arg10[%swap3A_38, %swap3A_39] {strides = array<i32>} : memref<400x64xf32, #tpu.memory_space<vmem>>, vector<16xf32>,
      tpu.vector_store %arg10[%swap3A_38, %swap3A_39], %broadcast_in_dim3A_1 {strides = array<i32>} : memref<400x64xf32, #tpu.memory_space<vmem>>, vector<16xf32>,
      %swap3A_41 = arith.index_cast %scan3A_32 : i32 to index
      %swap3A_42 = arith.constant 32 : index
      %swap3A_43 = tpu.vector_load %arg10[%swap3A_41, %swap3A_42] {strides = array<i32>} : memref<400x64xf32, #tpu.memory_space<vmem>>, vector<16xf32>,
      tpu.vector_store %arg10[%swap3A_41, %swap3A_42], %broadcast_in_dim3A_1 {strides = array<i32>} : memref<400x64xf32, #tpu.memory_space<vmem>>, vector<16xf32>,
      %swap3A_44 = arith.index_cast %scan3A_32 : i32 to index
      %swap3A_45 = arith.constant 48 : index
      %swap3A_46 = tpu.vector_load %arg10[%swap3A_44, %swap3A_45] {strides = array<i32>} : memref<400x64xf32, #tpu.memory_space<vmem>>, vector<16xf32>,
      tpu.vector_store %arg10[%swap3A_44, %swap3A_45], %broadcast_in_dim3A_1 {strides = array<i32>} : memref<400x64xf32, #tpu.memory_space<vmem>>, vector<16xf32>,
    }
    %scan3A_6 = arith.constant 400 : i32
    %mul3A_7 = arith.constant 632 : i32
    %mul3A_8 = arith.muli %arg1, %mul3A_7 : i32
    %lt3A = arith.constant 15 : i32
    %lt3A_9 = arith.cmpi slt, %arg1, %lt3A : i32
    %convert_element_type3A = arith.extui %lt3A_9 : i1 to i32
    %cond3A = arith.constant 0 : i32
    %cond3A_10 = arith.cmpi ne, %convert_element_type3A, %cond3A : i32
    scf.if %cond3A_10 {
      %add3A_32 = arith.constant 0 : i32
      %add3A_33 = arith.addi %mul3A_8, %add3A_32 : i32
      "tpu.region"() ({
        %run_scoped3A = tpu.sem_alloc : memref<!tpu.dma_semaphore, #tpu.memory_space<semaphore_mem>>
        %dma_start3A = arith.constant 0 : i32
        %dma_start3A_40 = arith.constant 0 : i32
        %dma_start3A_41 = tpu.memref_slice %arg10[%dma_start3A, %dma_start3A_40] : memref<400x64xf32, #tpu.memory_space<vmem>> -> memref<400x64xf32, #tpu.memory_space<vmem>>
        %dma_start3A_42 = arith.constant 0 : i32
        %dma_start3A_43 = tpu.memref_slice %arg14[%add3A_33, %dma_start3A_42] : memref<10000x64xf32, #tpu.memory_space<vmem_shared>> -> memref<400x64xf32, #tpu.memory_space<vmem_shared>>
        %dma_start3A_44 = arith.constant 0 : i32
        %dma_start3A_45 = tpu.memref_slice %arg14[%add3A_33, %dma_start3A_44] : memref<10000x64xf32, #tpu.memory_space<vmem_shared>> -> memref<400x64xf32, #tpu.memory_space<vmem_shared>>
        %dma_start3A_46 = arith.constant 0 : i32
        %dma_start3A_47 = arith.constant 0 : i32
        %dma_start3A_48 = tpu.memref_slice %arg10[%dma_start3A_46, %dma_start3A_47] : memref<400x64xf32, #tpu.memory_space<vmem>> -> memref<400x64xf32, #tpu.memory_space<vmem>>
        tpu.enqueue_dma source(%dma_start3A_48 : memref<400x64xf32, #tpu.memory_space<vmem>>) target(%dma_start3A_45 : memref<400x64xf32, #tpu.memory_space<vmem_shared>>) target_semaphore(%run_scoped3A : memref<!tpu.dma_semaphore, #tpu.memory_space<semaphore_mem>>)
        %dma_wait3A = arith.constant 0 : i32
        %dma_wait3A_49 = arith.constant 0 : i32
        %dma_wait3A_50 = tpu.memref_slice %arg10[%dma_wait3A, %dma_wait3A_49] : memref<400x64xf32, #tpu.memory_space<vmem>> -> memref<400x64xf32, #tpu.memory_space<vmem>>
        %dma_wait3A_51 = arith.constant 0 : i32
        %dma_wait3A_52 = tpu.memref_slice %arg14[%add3A_33, %dma_wait3A_51] : memref<10000x64xf32, #tpu.memory_space<vmem_shared>> -> memref<400x64xf32, #tpu.memory_space<vmem_shared>>
        %dma_wait3A_53 = arith.constant 0 : i32
        %dma_wait3A_54 = tpu.memref_slice %arg14[%add3A_33, %dma_wait3A_53] : memref<10000x64xf32, #tpu.memory_space<vmem_shared>> -> memref<400x64xf32, #tpu.memory_space<vmem_shared>>
        %dma_wait3A_55 = arith.constant 0 : i32
        %dma_wait3A_56 = arith.constant 0 : i32
        %dma_wait3A_57 = tpu.memref_slice %arg10[%dma_wait3A_55, %dma_wait3A_56] : memref<400x64xf32, #tpu.memory_space<vmem>> -> memref<400x64xf32, #tpu.memory_space<vmem>>
        tpu.wait_dma2 semaphore(%run_scoped3A : memref<!tpu.dma_semaphore, #tpu.memory_space<semaphore_mem>>) src(%dma_wait3A_57 : memref<400x64xf32, #tpu.memory_space<vmem>>) dst(%dma_wait3A_54 : memref<400x64xf32, #tpu.memory_space<vmem_shared>>)
        tpu.yield
      }) : () -> ()
      %add3A_34 = arith.constant 0 : i32
      %add3A_35 = arith.addi %mul3A_8, %add3A_34 : i32
      "tpu.region"() ({
        %run_scoped3A = tpu.sem_alloc : memref<!tpu.dma_semaphore, #tpu.memory_space<semaphore_mem>>
        %dma_start3A = arith.constant 0 : i32
        %dma_start3A_40 = arith.constant 0 : i32
        %dma_start3A_41 = tpu.memref_slice %arg11[%dma_start3A, %dma_start3A_40] : memref<400x16xf32, #tpu.memory_space<vmem>> -> memref<400x16xf32, #tpu.memory_space<vmem>>
        %dma_start3A_42 = arith.constant 0 : i32
        %dma_start3A_43 = tpu.memref_slice %arg15[%add3A_35, %dma_start3A_42] : memref<10000x16xf32, #tpu.memory_space<vmem_shared>> -> memref<400x16xf32, #tpu.memory_space<vmem_shared>>
        %dma_start3A_44 = arith.constant 0 : i32
        %dma_start3A_45 = tpu.memref_slice %arg15[%add3A_35, %dma_start3A_44] : memref<10000x16xf32, #tpu.memory_space<vmem_shared>> -> memref<400x16xf32, #tpu.memory_space<vmem_shared>>
        %dma_start3A_46 = arith.constant 0 : i32
        %dma_start3A_47 = arith.constant 0 : i32
        %dma_start3A_48 = tpu.memref_slice %arg11[%dma_start3A_46, %dma_start3A_47] : memref<400x16xf32, #tpu.memory_space<vmem>> -> memref<400x16xf32, #tpu.memory_space<vmem>>
        tpu.enqueue_dma source(%dma_start3A_48 : memref<400x16xf32, #tpu.memory_space<vmem>>) target(%dma_start3A_45 : memref<400x16xf32, #tpu.memory_space<vmem_shared>>) target_semaphore(%run_scoped3A : memref<!tpu.dma_semaphore, #tpu.memory_space<semaphore_mem>>)
        %dma_wait3A = arith.constant 0 : i32
        %dma_wait3A_49 = arith.constant 0 : i32
        %dma_wait3A_50 = tpu.memref_slice %arg11[%dma_wait3A, %dma_wait3A_49] : memref<400x16xf32, #tpu.memory_space<vmem>> -> memref<400x16xf32, #tpu.memory_space<vmem>>
        %dma_wait3A_51 = arith.constant 0 : i32
        %dma_wait3A_52 = tpu.memref_slice %arg15[%add3A_35, %dma_wait3A_51] : memref<10000x16xf32, #tpu.memory_space<vmem_shared>> -> memref<400x16xf32, #tpu.memory_space<vmem_shared>>
        %dma_wait3A_53 = arith.constant 0 : i32
        %dma_wait3A_54 = tpu.memref_slice %arg15[%add3A_35, %dma_wait3A_53] : memref<10000x16xf32, #tpu.memory_space<vmem_shared>> -> memref<400x16xf32, #tpu.memory_space<vmem_shared>>
        %dma_wait3A_55 = arith.constant 0 : i32
        %dma_wait3A_56 = arith.constant 0 : i32
        %dma_wait3A_57 = tpu.memref_slice %arg11[%dma_wait3A_55, %dma_wait3A_56] : memref<400x16xf32, #tpu.memory_space<vmem>> -> memref<400x16xf32, #tpu.memory_space<vmem>>
        tpu.wait_dma2 semaphore(%run_scoped3A : memref<!tpu.dma_semaphore, #tpu.memory_space<semaphore_mem>>) src(%dma_wait3A_57 : memref<400x16xf32, #tpu.memory_space<vmem>>) dst(%dma_wait3A_54 : memref<400x16xf32, #tpu.memory_space<vmem_shared>>)
        tpu.yield
      }) : () -> ()
      %add3A_36 = arith.constant 400 : i32
      %add3A_37 = arith.addi %mul3A_8, %add3A_36 : i32
      "tpu.region"() ({
        %run_scoped3A = tpu.sem_alloc : memref<!tpu.dma_semaphore, #tpu.memory_space<semaphore_mem>>
        %dma_start3A = arith.constant 0 : i32
        %dma_start3A_40 = arith.constant 0 : i32
        %dma_start3A_41 = tpu.memref_slice %arg10[%dma_start3A, %dma_start3A_40] : memref<400x64xf32, #tpu.memory_space<vmem>> -> memref<232x64xf32, #tpu.memory_space<vmem>>
        %dma_start3A_42 = arith.constant 0 : i32
        %dma_start3A_43 = tpu.memref_slice %arg14[%add3A_37, %dma_start3A_42] : memref<10000x64xf32, #tpu.memory_space<vmem_shared>> -> memref<232x64xf32, #tpu.memory_space<vmem_shared>>
        %dma_start3A_44 = arith.constant 0 : i32
        %dma_start3A_45 = tpu.memref_slice %arg14[%add3A_37, %dma_start3A_44] : memref<10000x64xf32, #tpu.memory_space<vmem_shared>> -> memref<232x64xf32, #tpu.memory_space<vmem_shared>>
        %dma_start3A_46 = arith.constant 0 : i32
        %dma_start3A_47 = arith.constant 0 : i32
        %dma_start3A_48 = tpu.memref_slice %arg10[%dma_start3A_46, %dma_start3A_47] : memref<400x64xf32, #tpu.memory_space<vmem>> -> memref<232x64xf32, #tpu.memory_space<vmem>>
        tpu.enqueue_dma source(%dma_start3A_48 : memref<232x64xf32, #tpu.memory_space<vmem>>) target(%dma_start3A_45 : memref<232x64xf32, #tpu.memory_space<vmem_shared>>) target_semaphore(%run_scoped3A : memref<!tpu.dma_semaphore, #tpu.memory_space<semaphore_mem>>)
        %dma_wait3A = arith.constant 0 : i32
        %dma_wait3A_49 = arith.constant 0 : i32
        %dma_wait3A_50 = tpu.memref_slice %arg10[%dma_wait3A, %dma_wait3A_49] : memref<400x64xf32, #tpu.memory_space<vmem>> -> memref<232x64xf32, #tpu.memory_space<vmem>>
        %dma_wait3A_51 = arith.constant 0 : i32
        %dma_wait3A_52 = tpu.memref_slice %arg14[%add3A_37, %dma_wait3A_51] : memref<10000x64xf32, #tpu.memory_space<vmem_shared>> -> memref<232x64xf32, #tpu.memory_space<vmem_shared>>
        %dma_wait3A_53 = arith.constant 0 : i32
        %dma_wait3A_54 = tpu.memref_slice %arg14[%add3A_37, %dma_wait3A_53] : memref<10000x64xf32, #tpu.memory_space<vmem_shared>> -> memref<232x64xf32, #tpu.memory_space<vmem_shared>>
        %dma_wait3A_55 = arith.constant 0 : i32
        %dma_wait3A_56 = arith.constant 0 : i32
        %dma_wait3A_57 = tpu.memref_slice %arg10[%dma_wait3A_55, %dma_wait3A_56] : memref<400x64xf32, #tpu.memory_space<vmem>> -> memref<232x64xf32, #tpu.memory_space<vmem>>
        tpu.wait_dma2 semaphore(%run_scoped3A : memref<!tpu.dma_semaphore, #tpu.memory_space<semaphore_mem>>) src(%dma_wait3A_57 : memref<232x64xf32, #tpu.memory_space<vmem>>) dst(%dma_wait3A_54 : memref<232x64xf32, #tpu.memory_space<vmem_shared>>)
        tpu.yield
      }) : () -> ()
      %add3A_38 = arith.constant 400 : i32
      %add3A_39 = arith.addi %mul3A_8, %add3A_38 : i32
      "tpu.region"() ({
        %run_scoped3A = tpu.sem_alloc : memref<!tpu.dma_semaphore, #tpu.memory_space<semaphore_mem>>
        %dma_start3A = arith.constant 0 : i32
        %dma_start3A_40 = arith.constant 0 : i32
        %dma_start3A_41 = tpu.memref_slice %arg11[%dma_start3A, %dma_start3A_40] : memref<400x16xf32, #tpu.memory_space<vmem>> -> memref<232x16xf32, #tpu.memory_space<vmem>>
        %dma_start3A_42 = arith.constant 0 : i32
        %dma_start3A_43 = tpu.memref_slice %arg15[%add3A_39, %dma_start3A_42] : memref<10000x16xf32, #tpu.memory_space<vmem_shared>> -> memref<232x16xf32, #tpu.memory_space<vmem_shared>>
        %dma_start3A_44 = arith.constant 0 : i32
        %dma_start3A_45 = tpu.memref_slice %arg15[%add3A_39, %dma_start3A_44] : memref<10000x16xf32, #tpu.memory_space<vmem_shared>> -> memref<232x16xf32, #tpu.memory_space<vmem_shared>>
        %dma_start3A_46 = arith.constant 0 : i32
        %dma_start3A_47 = arith.constant 0 : i32
        %dma_start3A_48 = tpu.memref_slice %arg11[%dma_start3A_46, %dma_start3A_47] : memref<400x16xf32, #tpu.memory_space<vmem>> -> memref<232x16xf32, #tpu.memory_space<vmem>>
        tpu.enqueue_dma source(%dma_start3A_48 : memref<232x16xf32, #tpu.memory_space<vmem>>) target(%dma_start3A_45 : memref<232x16xf32, #tpu.memory_space<vmem_shared>>) target_semaphore(%run_scoped3A : memref<!tpu.dma_semaphore, #tpu.memory_space<semaphore_mem>>)
        %dma_wait3A = arith.constant 0 : i32
        %dma_wait3A_49 = arith.constant 0 : i32
        %dma_wait3A_50 = tpu.memref_slice %arg11[%dma_wait3A, %dma_wait3A_49] : memref<400x16xf32, #tpu.memory_space<vmem>> -> memref<232x16xf32, #tpu.memory_space<vmem>>
        %dma_wait3A_51 = arith.constant 0 : i32
        %dma_wait3A_52 = tpu.memref_slice %arg15[%add3A_39, %dma_wait3A_51] : memref<10000x16xf32, #tpu.memory_space<vmem_shared>> -> memref<232x16xf32, #tpu.memory_space<vmem_shared>>
        %dma_wait3A_53 = arith.constant 0 : i32
        %dma_wait3A_54 = tpu.memref_slice %arg15[%add3A_39, %dma_wait3A_53] : memref<10000x16xf32, #tpu.memory_space<vmem_shared>> -> memref<232x16xf32, #tpu.memory_space<vmem_shared>>
        %dma_wait3A_55 = arith.constant 0 : i32
        %dma_wait3A_56 = arith.constant 0 : i32
        %dma_wait3A_57 = tpu.memref_slice %arg11[%dma_wait3A_55, %dma_wait3A_56] : memref<400x16xf32, #tpu.memory_space<vmem>> -> memref<232x16xf32, #tpu.memory_space<vmem>>
        tpu.wait_dma2 semaphore(%run_scoped3A : memref<!tpu.dma_semaphore, #tpu.memory_space<semaphore_mem>>) src(%dma_wait3A_57 : memref<232x16xf32, #tpu.memory_space<vmem>>) dst(%dma_wait3A_54 : memref<232x16xf32, #tpu.memory_space<vmem_shared>>)
        tpu.yield
      }) : () -> ()
    } else {
    }
    %eq3A = arith.constant 15 : i32
    %eq3A_11 = arith.cmpi eq, %arg1, %eq3A : i32
    %convert_element_type3A_12 = arith.extui %eq3A_11 : i1 to i32
    %cond3A_13 = arith.constant 0 : i32
    %cond3A_14 = arith.cmpi ne, %convert_element_type3A_12, %cond3A_13 : i32
    scf.if %cond3A_14 {
      %add3A_32 = arith.constant 0 : i32
      %add3A_33 = arith.addi %mul3A_8, %add3A_32 : i32
      "tpu.region"() ({
        %run_scoped3A = tpu.sem_alloc : memref<!tpu.dma_semaphore, #tpu.memory_space<semaphore_mem>>
        %dma_start3A = arith.constant 0 : i32
        %dma_start3A_40 = arith.constant 0 : i32
        %dma_start3A_41 = tpu.memref_slice %arg10[%dma_start3A, %dma_start3A_40] : memref<400x64xf32, #tpu.memory_space<vmem>> -> memref<400x64xf32, #tpu.memory_space<vmem>>
        %dma_start3A_42 = arith.constant 0 : i32
        %dma_start3A_43 = tpu.memref_slice %arg14[%add3A_33, %dma_start3A_42] : memref<10000x64xf32, #tpu.memory_space<vmem_shared>> -> memref<400x64xf32, #tpu.memory_space<vmem_shared>>
        %dma_start3A_44 = arith.constant 0 : i32
        %dma_start3A_45 = tpu.memref_slice %arg14[%add3A_33, %dma_start3A_44] : memref<10000x64xf32, #tpu.memory_space<vmem_shared>> -> memref<400x64xf32, #tpu.memory_space<vmem_shared>>
        %dma_start3A_46 = arith.constant 0 : i32
        %dma_start3A_47 = arith.constant 0 : i32
        %dma_start3A_48 = tpu.memref_slice %arg10[%dma_start3A_46, %dma_start3A_47] : memref<400x64xf32, #tpu.memory_space<vmem>> -> memref<400x64xf32, #tpu.memory_space<vmem>>
        tpu.enqueue_dma source(%dma_start3A_48 : memref<400x64xf32, #tpu.memory_space<vmem>>) target(%dma_start3A_45 : memref<400x64xf32, #tpu.memory_space<vmem_shared>>) target_semaphore(%run_scoped3A : memref<!tpu.dma_semaphore, #tpu.memory_space<semaphore_mem>>)
        %dma_wait3A = arith.constant 0 : i32
        %dma_wait3A_49 = arith.constant 0 : i32
        %dma_wait3A_50 = tpu.memref_slice %arg10[%dma_wait3A, %dma_wait3A_49] : memref<400x64xf32, #tpu.memory_space<vmem>> -> memref<400x64xf32, #tpu.memory_space<vmem>>
        %dma_wait3A_51 = arith.constant 0 : i32
        %dma_wait3A_52 = tpu.memref_slice %arg14[%add3A_33, %dma_wait3A_51] : memref<10000x64xf32, #tpu.memory_space<vmem_shared>> -> memref<400x64xf32, #tpu.memory_space<vmem_shared>>
        %dma_wait3A_53 = arith.constant 0 : i32
        %dma_wait3A_54 = tpu.memref_slice %arg14[%add3A_33, %dma_wait3A_53] : memref<10000x64xf32, #tpu.memory_space<vmem_shared>> -> memref<400x64xf32, #tpu.memory_space<vmem_shared>>
        %dma_wait3A_55 = arith.constant 0 : i32
        %dma_wait3A_56 = arith.constant 0 : i32
        %dma_wait3A_57 = tpu.memref_slice %arg10[%dma_wait3A_55, %dma_wait3A_56] : memref<400x64xf32, #tpu.memory_space<vmem>> -> memref<400x64xf32, #tpu.memory_space<vmem>>
        tpu.wait_dma2 semaphore(%run_scoped3A : memref<!tpu.dma_semaphore, #tpu.memory_space<semaphore_mem>>) src(%dma_wait3A_57 : memref<400x64xf32, #tpu.memory_space<vmem>>) dst(%dma_wait3A_54 : memref<400x64xf32, #tpu.memory_space<vmem_shared>>)
        tpu.yield
      }) : () -> ()
      %add3A_34 = arith.constant 0 : i32
      %add3A_35 = arith.addi %mul3A_8, %add3A_34 : i32
      "tpu.region"() ({
        %run_scoped3A = tpu.sem_alloc : memref<!tpu.dma_semaphore, #tpu.memory_space<semaphore_mem>>
        %dma_start3A = arith.constant 0 : i32
        %dma_start3A_40 = arith.constant 0 : i32
        %dma_start3A_41 = tpu.memref_slice %arg11[%dma_start3A, %dma_start3A_40] : memref<400x16xf32, #tpu.memory_space<vmem>> -> memref<400x16xf32, #tpu.memory_space<vmem>>
        %dma_start3A_42 = arith.constant 0 : i32
        %dma_start3A_43 = tpu.memref_slice %arg15[%add3A_35, %dma_start3A_42] : memref<10000x16xf32, #tpu.memory_space<vmem_shared>> -> memref<400x16xf32, #tpu.memory_space<vmem_shared>>
        %dma_start3A_44 = arith.constant 0 : i32
        %dma_start3A_45 = tpu.memref_slice %arg15[%add3A_35, %dma_start3A_44] : memref<10000x16xf32, #tpu.memory_space<vmem_shared>> -> memref<400x16xf32, #tpu.memory_space<vmem_shared>>
        %dma_start3A_46 = arith.constant 0 : i32
        %dma_start3A_47 = arith.constant 0 : i32
        %dma_start3A_48 = tpu.memref_slice %arg11[%dma_start3A_46, %dma_start3A_47] : memref<400x16xf32, #tpu.memory_space<vmem>> -> memref<400x16xf32, #tpu.memory_space<vmem>>
        tpu.enqueue_dma source(%dma_start3A_48 : memref<400x16xf32, #tpu.memory_space<vmem>>) target(%dma_start3A_45 : memref<400x16xf32, #tpu.memory_space<vmem_shared>>) target_semaphore(%run_scoped3A : memref<!tpu.dma_semaphore, #tpu.memory_space<semaphore_mem>>)
        %dma_wait3A = arith.constant 0 : i32
        %dma_wait3A_49 = arith.constant 0 : i32
        %dma_wait3A_50 = tpu.memref_slice %arg11[%dma_wait3A, %dma_wait3A_49] : memref<400x16xf32, #tpu.memory_space<vmem>> -> memref<400x16xf32, #tpu.memory_space<vmem>>
        %dma_wait3A_51 = arith.constant 0 : i32
        %dma_wait3A_52 = tpu.memref_slice %arg15[%add3A_35, %dma_wait3A_51] : memref<10000x16xf32, #tpu.memory_space<vmem_shared>> -> memref<400x16xf32, #tpu.memory_space<vmem_shared>>
        %dma_wait3A_53 = arith.constant 0 : i32
        %dma_wait3A_54 = tpu.memref_slice %arg15[%add3A_35, %dma_wait3A_53] : memref<10000x16xf32, #tpu.memory_space<vmem_shared>> -> memref<400x16xf32, #tpu.memory_space<vmem_shared>>
        %dma_wait3A_55 = arith.constant 0 : i32
        %dma_wait3A_56 = arith.constant 0 : i32
        %dma_wait3A_57 = tpu.memref_slice %arg11[%dma_wait3A_55, %dma_wait3A_56] : memref<400x16xf32, #tpu.memory_space<vmem>> -> memref<400x16xf32, #tpu.memory_space<vmem>>
        tpu.wait_dma2 semaphore(%run_scoped3A : memref<!tpu.dma_semaphore, #tpu.memory_space<semaphore_mem>>) src(%dma_wait3A_57 : memref<400x16xf32, #tpu.memory_space<vmem>>) dst(%dma_wait3A_54 : memref<400x16xf32, #tpu.memory_space<vmem_shared>>)
        tpu.yield
      }) : () -> ()
      %add3A_36 = arith.constant 400 : i32
      %add3A_37 = arith.addi %mul3A_8, %add3A_36 : i32
      "tpu.region"() ({
        %run_scoped3A = tpu.sem_alloc : memref<!tpu.dma_semaphore, #tpu.memory_space<semaphore_mem>>
        %dma_start3A = arith.constant 0 : i32
        %dma_start3A_40 = arith.constant 0 : i32
        %dma_start3A_41 = tpu.memref_slice %arg10[%dma_start3A, %dma_start3A_40] : memref<400x64xf32, #tpu.memory_space<vmem>> -> memref<120x64xf32, #tpu.memory_space<vmem>>
        %dma_start3A_42 = arith.constant 0 : i32
        %dma_start3A_43 = tpu.memref_slice %arg14[%add3A_37, %dma_start3A_42] : memref<10000x64xf32, #tpu.memory_space<vmem_shared>> -> memref<120x64xf32, #tpu.memory_space<vmem_shared>>
        %dma_start3A_44 = arith.constant 0 : i32
        %dma_start3A_45 = tpu.memref_slice %arg14[%add3A_37, %dma_start3A_44] : memref<10000x64xf32, #tpu.memory_space<vmem_shared>> -> memref<120x64xf32, #tpu.memory_space<vmem_shared>>
        %dma_start3A_46 = arith.constant 0 : i32
        %dma_start3A_47 = arith.constant 0 : i32
        %dma_start3A_48 = tpu.memref_slice %arg10[%dma_start3A_46, %dma_start3A_47] : memref<400x64xf32, #tpu.memory_space<vmem>> -> memref<120x64xf32, #tpu.memory_space<vmem>>
        tpu.enqueue_dma source(%dma_start3A_48 : memref<120x64xf32, #tpu.memory_space<vmem>>) target(%dma_start3A_45 : memref<120x64xf32, #tpu.memory_space<vmem_shared>>) target_semaphore(%run_scoped3A : memref<!tpu.dma_semaphore, #tpu.memory_space<semaphore_mem>>)
        %dma_wait3A = arith.constant 0 : i32
        %dma_wait3A_49 = arith.constant 0 : i32
        %dma_wait3A_50 = tpu.memref_slice %arg10[%dma_wait3A, %dma_wait3A_49] : memref<400x64xf32, #tpu.memory_space<vmem>> -> memref<120x64xf32, #tpu.memory_space<vmem>>
        %dma_wait3A_51 = arith.constant 0 : i32
        %dma_wait3A_52 = tpu.memref_slice %arg14[%add3A_37, %dma_wait3A_51] : memref<10000x64xf32, #tpu.memory_space<vmem_shared>> -> memref<120x64xf32, #tpu.memory_space<vmem_shared>>
        %dma_wait3A_53 = arith.constant 0 : i32
        %dma_wait3A_54 = tpu.memref_slice %arg14[%add3A_37, %dma_wait3A_53] : memref<10000x64xf32, #tpu.memory_space<vmem_shared>> -> memref<120x64xf32, #tpu.memory_space<vmem_shared>>
        %dma_wait3A_55 = arith.constant 0 : i32
        %dma_wait3A_56 = arith.constant 0 : i32
        %dma_wait3A_57 = tpu.memref_slice %arg10[%dma_wait3A_55, %dma_wait3A_56] : memref<400x64xf32, #tpu.memory_space<vmem>> -> memref<120x64xf32, #tpu.memory_space<vmem>>
        tpu.wait_dma2 semaphore(%run_scoped3A : memref<!tpu.dma_semaphore, #tpu.memory_space<semaphore_mem>>) src(%dma_wait3A_57 : memref<120x64xf32, #tpu.memory_space<vmem>>) dst(%dma_wait3A_54 : memref<120x64xf32, #tpu.memory_space<vmem_shared>>)
        tpu.yield
      }) : () -> ()
      %add3A_38 = arith.constant 400 : i32
      %add3A_39 = arith.addi %mul3A_8, %add3A_38 : i32
      "tpu.region"() ({
        %run_scoped3A = tpu.sem_alloc : memref<!tpu.dma_semaphore, #tpu.memory_space<semaphore_mem>>
        %dma_start3A = arith.constant 0 : i32
        %dma_start3A_40 = arith.constant 0 : i32
        %dma_start3A_41 = tpu.memref_slice %arg11[%dma_start3A, %dma_start3A_40] : memref<400x16xf32, #tpu.memory_space<vmem>> -> memref<120x16xf32, #tpu.memory_space<vmem>>
        %dma_start3A_42 = arith.constant 0 : i32
        %dma_start3A_43 = tpu.memref_slice %arg15[%add3A_39, %dma_start3A_42] : memref<10000x16xf32, #tpu.memory_space<vmem_shared>> -> memref<120x16xf32, #tpu.memory_space<vmem_shared>>
        %dma_start3A_44 = arith.constant 0 : i32
        %dma_start3A_45 = tpu.memref_slice %arg15[%add3A_39, %dma_start3A_44] : memref<10000x16xf32, #tpu.memory_space<vmem_shared>> -> memref<120x16xf32, #tpu.memory_space<vmem_shared>>
        %dma_start3A_46 = arith.constant 0 : i32
        %dma_start3A_47 = arith.constant 0 : i32
        %dma_start3A_48 = tpu.memref_slice %arg11[%dma_start3A_46, %dma_start3A_47] : memref<400x16xf32, #tpu.memory_space<vmem>> -> memref<120x16xf32, #tpu.memory_space<vmem>>
        tpu.enqueue_dma source(%dma_start3A_48 : memref<120x16xf32, #tpu.memory_space<vmem>>) target(%dma_start3A_45 : memref<120x16xf32, #tpu.memory_space<vmem_shared>>) target_semaphore(%run_scoped3A : memref<!tpu.dma_semaphore, #tpu.memory_space<semaphore_mem>>)
        %dma_wait3A = arith.constant 0 : i32
        %dma_wait3A_49 = arith.constant 0 : i32
        %dma_wait3A_50 = tpu.memref_slice %arg11[%dma_wait3A, %dma_wait3A_49] : memref<400x16xf32, #tpu.memory_space<vmem>> -> memref<120x16xf32, #tpu.memory_space<vmem>>
        %dma_wait3A_51 = arith.constant 0 : i32
        %dma_wait3A_52 = tpu.memref_slice %arg15[%add3A_39, %dma_wait3A_51] : memref<10000x16xf32, #tpu.memory_space<vmem_shared>> -> memref<120x16xf32, #tpu.memory_space<vmem_shared>>
        %dma_wait3A_53 = arith.constant 0 : i32
        %dma_wait3A_54 = tpu.memref_slice %arg15[%add3A_39, %dma_wait3A_53] : memref<10000x16xf32, #tpu.memory_space<vmem_shared>> -> memref<120x16xf32, #tpu.memory_space<vmem_shared>>
        %dma_wait3A_55 = arith.constant 0 : i32
        %dma_wait3A_56 = arith.constant 0 : i32
        %dma_wait3A_57 = tpu.memref_slice %arg11[%dma_wait3A_55, %dma_wait3A_56] : memref<400x16xf32, #tpu.memory_space<vmem>> -> memref<120x16xf32, #tpu.memory_space<vmem>>
        tpu.wait_dma2 semaphore(%run_scoped3A : memref<!tpu.dma_semaphore, #tpu.memory_space<semaphore_mem>>) src(%dma_wait3A_57 : memref<120x16xf32, #tpu.memory_space<vmem>>) dst(%dma_wait3A_54 : memref<120x16xf32, #tpu.memory_space<vmem_shared>>)
        tpu.yield
      }) : () -> ()
    } else {
    }
    %barrier3A = arith.constant 0 : index
    tpu.barrier barrier_id(%barrier3A)
    %iota3A = tpu.iota {dimensions = array<i32: 0>} : vector<16xi32>
    %scan3A_15 = arith.constant 0 : i32
    %scan3A_16 = arith.constant 0 : i32
    %scan3A_17 = arith.constant 25 : i32
    %scan3A_18 = arith.addi %scan3A_16, %scan3A_17 : i32
    %scan3A_19 = arith.constant 1 : i32
    scf.for %scan3A_32 = %scan3A_16 to %scan3A_18 step %scan3A_19  : i32 {
      %mul3A_33 = arith.constant 10000 : i32
      %mul3A_34 = arith.muli %add3A, %mul3A_33 : i32
      %mul3A_35 = arith.constant 400 : i32
      %mul3A_36 = arith.muli %scan3A_32, %mul3A_35 : i32
      %add3A_37 = arith.addi %mul3A_34, %mul3A_36 : i32
      "tpu.region"() ({
        %run_scoped3A = tpu.sem_alloc : memref<!tpu.dma_semaphore, #tpu.memory_space<semaphore_mem>>
        %dma_start3A_828 = tpu.memref_slice %arg2[%add3A_37] : memref<320000xi32, #tpu.memory_space<hbm>> -> memref<400xi32, #tpu.memory_space<hbm>>
        %dma_start3A_829 = tpu.memref_slice %arg2[%add3A_37] : memref<320000xi32, #tpu.memory_space<hbm>> -> memref<400xi32, #tpu.memory_space<hbm>>
        tpu.enqueue_dma source(%dma_start3A_829 : memref<400xi32, #tpu.memory_space<hbm>>) target(%arg8 : memref<400xi32, #tpu.memory_space<vmem>>) target_semaphore(%run_scoped3A : memref<!tpu.dma_semaphore, #tpu.memory_space<semaphore_mem>>)
        %dma_wait3A_830 = tpu.memref_slice %arg2[%add3A_37] : memref<320000xi32, #tpu.memory_space<hbm>> -> memref<400xi32, #tpu.memory_space<hbm>>
        %dma_wait3A_831 = tpu.memref_slice %arg2[%add3A_37] : memref<320000xi32, #tpu.memory_space<hbm>> -> memref<400xi32, #tpu.memory_space<hbm>>
        tpu.wait_dma2 semaphore(%run_scoped3A : memref<!tpu.dma_semaphore, #tpu.memory_space<semaphore_mem>>) src(%dma_wait3A_831 : memref<400xi32, #tpu.memory_space<hbm>>) dst(%arg8 : memref<400xi32, #tpu.memory_space<vmem>>)
        tpu.yield
      }) : () -> ()
      "tpu.region"() ({
        %run_scoped3A = tpu.sem_alloc : memref<!tpu.dma_semaphore, #tpu.memory_space<semaphore_mem>>
        %dma_start3A_828 = tpu.memref_slice %arg3[%add3A_37] : memref<320000xi32, #tpu.memory_space<hbm>> -> memref<400xi32, #tpu.memory_space<hbm>>
        %dma_start3A_829 = tpu.memref_slice %arg3[%add3A_37] : memref<320000xi32, #tpu.memory_space<hbm>> -> memref<400xi32, #tpu.memory_space<hbm>>
        tpu.enqueue_dma source(%dma_start3A_829 : memref<400xi32, #tpu.memory_space<hbm>>) target(%arg9 : memref<400xi32, #tpu.memory_space<vmem>>) target_semaphore(%run_scoped3A : memref<!tpu.dma_semaphore, #tpu.memory_space<semaphore_mem>>)
        %dma_wait3A_830 = tpu.memref_slice %arg3[%add3A_37] : memref<320000xi32, #tpu.memory_space<hbm>> -> memref<400xi32, #tpu.memory_space<hbm>>
        %dma_wait3A_831 = tpu.memref_slice %arg3[%add3A_37] : memref<320000xi32, #tpu.memory_space<hbm>> -> memref<400xi32, #tpu.memory_space<hbm>>
        tpu.wait_dma2 semaphore(%run_scoped3A : memref<!tpu.dma_semaphore, #tpu.memory_space<semaphore_mem>>) src(%dma_wait3A_831 : memref<400xi32, #tpu.memory_space<hbm>>) dst(%arg9 : memref<400xi32, #tpu.memory_space<vmem>>)
        tpu.yield
      }) : () -> ()
      %dma_start3A = arith.constant 0 : i32
      %dma_start3A_38 = arith.constant 0 : i32
      %dma_start3A_39 = tpu.memref_slice %arg4[%dma_start3A, %dma_start3A_38] : memref<10000x64xf32, #tpu.memory_space<hbm>> -> memref<10000x64xf32, #tpu.memory_space<hbm>>
      tpu.enqueue_indirect_dma source(%dma_start3A_39 : memref<10000x64xf32, #tpu.memory_space<hbm>>) target(%arg10 : memref<400x64xf32, #tpu.memory_space<vmem>>) offsets(%arg8 : memref<400xi32, #tpu.memory_space<vmem>>) semaphore(%arg16 : memref<!tpu.dma_semaphore, #tpu.memory_space<semaphore_mem>>)
      %dma_start3A_40 = arith.constant 0 : i32
      %dma_start3A_41 = arith.constant 0 : i32
      %dma_start3A_42 = tpu.memref_slice %arg5[%dma_start3A_40, %dma_start3A_41] : memref<10000x16xf32, #tpu.memory_space<hbm>> -> memref<10000x16xf32, #tpu.memory_space<hbm>>
      tpu.enqueue_indirect_dma source(%dma_start3A_42 : memref<10000x16xf32, #tpu.memory_space<hbm>>) target(%arg12 : memref<400x16xf32, #tpu.memory_space<vmem>>) offsets(%arg8 : memref<400xi32, #tpu.memory_space<vmem>>) semaphore(%arg17 : memref<!tpu.dma_semaphore, #tpu.memory_space<semaphore_mem>>)
      %dma_start3A_43 = arith.constant 0 : i32
      %dma_start3A_44 = arith.constant 0 : i32
      %dma_start3A_45 = tpu.memref_slice %arg5[%dma_start3A_43, %dma_start3A_44] : memref<10000x16xf32, #tpu.memory_space<hbm>> -> memref<10000x16xf32, #tpu.memory_space<hbm>>
      tpu.enqueue_indirect_dma source(%dma_start3A_45 : memref<10000x16xf32, #tpu.memory_space<hbm>>) target(%arg13 : memref<400x16xf32, #tpu.memory_space<vmem>>) offsets(%arg9 : memref<400xi32, #tpu.memory_space<vmem>>) semaphore(%arg17 : memref<!tpu.dma_semaphore, #tpu.memory_space<semaphore_mem>>)
      %dma_wait3A = arith.constant 0 : i32
      %dma_wait3A_46 = arith.constant 0 : i32
      %dma_wait3A_47 = tpu.memref_slice %arg5[%dma_wait3A, %dma_wait3A_46] : memref<10000x16xf32, #tpu.memory_space<hbm>> -> memref<10000x16xf32, #tpu.memory_space<hbm>>
      tpu.wait_indirect_dma semaphore(%arg17 : memref<!tpu.dma_semaphore, #tpu.memory_space<semaphore_mem>>) src(%dma_wait3A_47 : memref<10000x16xf32, #tpu.memory_space<hbm>>) dst(%arg12 : memref<400x16xf32, #tpu.memory_space<vmem>>)
      %dma_wait3A_48 = arith.constant 0 : i32
      %dma_wait3A_49 = arith.constant 0 : i32
      %dma_wait3A_50 = tpu.memref_slice %arg5[%dma_wait3A_48, %dma_wait3A_49] : memref<10000x16xf32, #tpu.memory_space<hbm>> -> memref<10000x16xf32, #tpu.memory_space<hbm>>
      tpu.wait_indirect_dma semaphore(%arg17 : memref<!tpu.dma_semaphore, #tpu.memory_space<semaphore_mem>>) src(%dma_wait3A_50 : memref<10000x16xf32, #tpu.memory_space<hbm>>) dst(%arg13 : memref<400x16xf32, #tpu.memory_space<vmem>>)
      %add3A_51 = arith.constant 0 : i32
      %add3A_52 = vector.broadcast %add3A_51 : i32 to vector<16xi32>
      %add3A_53 = arith.addi %add3A_52, %iota3A : vector<16xi32>
      %broadcast_in_dim3A_54 = arith.constant 0 : i32
      %broadcast_in_dim3A_55 = vector.broadcast %broadcast_in_dim3A_54 : i32 to vector<16xi32>
      %gather3A = tpu.vector_load_idx %arg12[%add3A_53, %broadcast_in_dim3A_55] : memref<400x16xf32, #tpu.memory_space<vmem>>[vector<16xi32>, vector<16xi32>], vector<16xf32>,
      %broadcast_in_dim3A_56 = arith.constant 2 : i32
      %broadcast_in_dim3A_57 = vector.broadcast %broadcast_in_dim3A_56 : i32 to vector<16xi32>
      %gather3A_58 = tpu.vector_load_idx %arg13[%add3A_53, %broadcast_in_dim3A_57] : memref<400x16xf32, #tpu.memory_space<vmem>>[vector<16xi32>, vector<16xi32>], vector<16xf32>,
      %add3A_59 = arith.addf %gather3A, %gather3A_58 : vector<16xf32>
      %mul3A_60 = arith.constant 2.000000e-01 : f32
      %mul3A_61 = vector.broadcast %mul3A_60 : f32 to vector<16xf32>
      %mul3A_62 = arith.mulf %mul3A_61, %add3A_59 : vector<16xf32>
      %max3A = arith.maximumf %add3A_59, %mul3A_62 : vector<16xf32>
      %exp3A = math.exp %max3A : vector<16xf32>
      %broadcast_in_dim3A_63 = arith.constant 0 : i32
      %broadcast_in_dim3A_64 = vector.broadcast %broadcast_in_dim3A_63 : i32 to vector<16xi32>
      tpu.vector_store_idx %arg11[%add3A_53, %broadcast_in_dim3A_64], %exp3A : memref<400x16xf32, #tpu.memory_space<vmem>>[vector<16xi32>, vector<16xi32>], vector<16xf32>,
      %broadcast_in_dim3A_65 = arith.constant 1 : i32
      %broadcast_in_dim3A_66 = vector.broadcast %broadcast_in_dim3A_65 : i32 to vector<16xi32>
      %gather3A_67 = tpu.vector_load_idx %arg12[%add3A_53, %broadcast_in_dim3A_66] : memref<400x16xf32, #tpu.memory_space<vmem>>[vector<16xi32>, vector<16xi32>], vector<16xf32>,
      %broadcast_in_dim3A_68 = arith.constant 3 : i32
      %broadcast_in_dim3A_69 = vector.broadcast %broadcast_in_dim3A_68 : i32 to vector<16xi32>
      %gather3A_70 = tpu.vector_load_idx %arg13[%add3A_53, %broadcast_in_dim3A_69] : memref<400x16xf32, #tpu.memory_space<vmem>>[vector<16xi32>, vector<16xi32>], vector<16xf32>,
      %add3A_71 = arith.addf %gather3A_67, %gather3A_70 : vector<16xf32>
      %mul3A_72 = arith.constant 2.000000e-01 : f32
      %mul3A_73 = vector.broadcast %mul3A_72 : f32 to vector<16xf32>
      %mul3A_74 = arith.mulf %mul3A_73, %add3A_71 : vector<16xf32>
      %max3A_75 = arith.maximumf %add3A_71, %mul3A_74 : vector<16xf32>
      %exp3A_76 = math.exp %max3A_75 : vector<16xf32>
      %broadcast_in_dim3A_77 = arith.constant 1 : i32
      %broadcast_in_dim3A_78 = vector.broadcast %broadcast_in_dim3A_77 : i32 to vector<16xi32>
      tpu.vector_store_idx %arg11[%add3A_53, %broadcast_in_dim3A_78], %exp3A_76 : memref<400x16xf32, #tpu.memory_space<vmem>>[vector<16xi32>, vector<16xi32>], vector<16xf32>,
      %add3A_79 = arith.constant 16 : i32
      %add3A_80 = vector.broadcast %add3A_79 : i32 to vector<16xi32>
      %add3A_81 = arith.addi %add3A_80, %iota3A : vector<16xi32>
      %broadcast_in_dim3A_82 = arith.constant 0 : i32
      %broadcast_in_dim3A_83 = vector.broadcast %broadcast_in_dim3A_82 : i32 to vector<16xi32>
      %gather3A_84 = tpu.vector_load_idx %arg12[%add3A_81, %broadcast_in_dim3A_83] : memref<400x16xf32, #tpu.memory_space<vmem>>[vector<16xi32>, vector<16xi32>], vector<16xf32>,
      %broadcast_in_dim3A_85 = arith.constant 2 : i32
      %broadcast_in_dim3A_86 = vector.broadcast %broadcast_in_dim3A_85 : i32 to vector<16xi32>
      %gather3A_87 = tpu.vector_load_idx %arg13[%add3A_81, %broadcast_in_dim3A_86] : memref<400x16xf32, #tpu.memory_space<vmem>>[vector<16xi32>, vector<16xi32>], vector<16xf32>,
      %add3A_88 = arith.addf %gather3A_84, %gather3A_87 : vector<16xf32>
      %mul3A_89 = arith.constant 2.000000e-01 : f32
      %mul3A_90 = vector.broadcast %mul3A_89 : f32 to vector<16xf32>
      %mul3A_91 = arith.mulf %mul3A_90, %add3A_88 : vector<16xf32>
      %max3A_92 = arith.maximumf %add3A_88, %mul3A_91 : vector<16xf32>
      %exp3A_93 = math.exp %max3A_92 : vector<16xf32>
      %broadcast_in_dim3A_94 = arith.constant 0 : i32
      %broadcast_in_dim3A_95 = vector.broadcast %broadcast_in_dim3A_94 : i32 to vector<16xi32>
      tpu.vector_store_idx %arg11[%add3A_81, %broadcast_in_dim3A_95], %exp3A_93 : memref<400x16xf32, #tpu.memory_space<vmem>>[vector<16xi32>, vector<16xi32>], vector<16xf32>,
      %broadcast_in_dim3A_96 = arith.constant 1 : i32
      %broadcast_in_dim3A_97 = vector.broadcast %broadcast_in_dim3A_96 : i32 to vector<16xi32>
      %gather3A_98 = tpu.vector_load_idx %arg12[%add3A_81, %broadcast_in_dim3A_97] : memref<400x16xf32, #tpu.memory_space<vmem>>[vector<16xi32>, vector<16xi32>], vector<16xf32>,
      %broadcast_in_dim3A_99 = arith.constant 3 : i32
      %broadcast_in_dim3A_100 = vector.broadcast %broadcast_in_dim3A_99 : i32 to vector<16xi32>
      %gather3A_101 = tpu.vector_load_idx %arg13[%add3A_81, %broadcast_in_dim3A_100] : memref<400x16xf32, #tpu.memory_space<vmem>>[vector<16xi32>, vector<16xi32>], vector<16xf32>,
      %add3A_102 = arith.addf %gather3A_98, %gather3A_101 : vector<16xf32>
      %mul3A_103 = arith.constant 2.000000e-01 : f32
      %mul3A_104 = vector.broadcast %mul3A_103 : f32 to vector<16xf32>
      %mul3A_105 = arith.mulf %mul3A_104, %add3A_102 : vector<16xf32>
      %max3A_106 = arith.maximumf %add3A_102, %mul3A_105 : vector<16xf32>
      %exp3A_107 = math.exp %max3A_106 : vector<16xf32>
      %broadcast_in_dim3A_108 = arith.constant 1 : i32
      %broadcast_in_dim3A_109 = vector.broadcast %broadcast_in_dim3A_108 : i32 to vector<16xi32>
      tpu.vector_store_idx %arg11[%add3A_81, %broadcast_in_dim3A_109], %exp3A_107 : memref<400x16xf32, #tpu.memory_space<vmem>>[vector<16xi32>, vector<16xi32>], vector<16xf32>,
      %add3A_110 = arith.constant 32 : i32
      %add3A_111 = vector.broadcast %add3A_110 : i32 to vector<16xi32>
      %add3A_112 = arith.addi %add3A_111, %iota3A : vector<16xi32>
      %broadcast_in_dim3A_113 = arith.constant 0 : i32
      %broadcast_in_dim3A_114 = vector.broadcast %broadcast_in_dim3A_113 : i32 to vector<16xi32>
      %gather3A_115 = tpu.vector_load_idx %arg12[%add3A_112, %broadcast_in_dim3A_114] : memref<400x16xf32, #tpu.memory_space<vmem>>[vector<16xi32>, vector<16xi32>], vector<16xf32>,
      %broadcast_in_dim3A_116 = arith.constant 2 : i32
      %broadcast_in_dim3A_117 = vector.broadcast %broadcast_in_dim3A_116 : i32 to vector<16xi32>
      %gather3A_118 = tpu.vector_load_idx %arg13[%add3A_112, %broadcast_in_dim3A_117] : memref<400x16xf32, #tpu.memory_space<vmem>>[vector<16xi32>, vector<16xi32>], vector<16xf32>,
      %add3A_119 = arith.addf %gather3A_115, %gather3A_118 : vector<16xf32>
      %mul3A_120 = arith.constant 2.000000e-01 : f32
      %mul3A_121 = vector.broadcast %mul3A_120 : f32 to vector<16xf32>
      %mul3A_122 = arith.mulf %mul3A_121, %add3A_119 : vector<16xf32>
      %max3A_123 = arith.maximumf %add3A_119, %mul3A_122 : vector<16xf32>
      %exp3A_124 = math.exp %max3A_123 : vector<16xf32>
      %broadcast_in_dim3A_125 = arith.constant 0 : i32
      %broadcast_in_dim3A_126 = vector.broadcast %broadcast_in_dim3A_125 : i32 to vector<16xi32>
      tpu.vector_store_idx %arg11[%add3A_112, %broadcast_in_dim3A_126], %exp3A_124 : memref<400x16xf32, #tpu.memory_space<vmem>>[vector<16xi32>, vector<16xi32>], vector<16xf32>,
      %broadcast_in_dim3A_127 = arith.constant 1 : i32
      %broadcast_in_dim3A_128 = vector.broadcast %broadcast_in_dim3A_127 : i32 to vector<16xi32>
      %gather3A_129 = tpu.vector_load_idx %arg12[%add3A_112, %broadcast_in_dim3A_128] : memref<400x16xf32, #tpu.memory_space<vmem>>[vector<16xi32>, vector<16xi32>], vector<16xf32>,
      %broadcast_in_dim3A_130 = arith.constant 3 : i32
      %broadcast_in_dim3A_131 = vector.broadcast %broadcast_in_dim3A_130 : i32 to vector<16xi32>
      %gather3A_132 = tpu.vector_load_idx %arg13[%add3A_112, %broadcast_in_dim3A_131] : memref<400x16xf32, #tpu.memory_space<vmem>>[vector<16xi32>, vector<16xi32>], vector<16xf32>,
      %add3A_133 = arith.addf %gather3A_129, %gather3A_132 : vector<16xf32>
      %mul3A_134 = arith.constant 2.000000e-01 : f32
      %mul3A_135 = vector.broadcast %mul3A_134 : f32 to vector<16xf32>
      %mul3A_136 = arith.mulf %mul3A_135, %add3A_133 : vector<16xf32>
      %max3A_137 = arith.maximumf %add3A_133, %mul3A_136 : vector<16xf32>
      %exp3A_138 = math.exp %max3A_137 : vector<16xf32>
      %broadcast_in_dim3A_139 = arith.constant 1 : i32
      %broadcast_in_dim3A_140 = vector.broadcast %broadcast_in_dim3A_139 : i32 to vector<16xi32>
      tpu.vector_store_idx %arg11[%add3A_112, %broadcast_in_dim3A_140], %exp3A_138 : memref<400x16xf32, #tpu.memory_space<vmem>>[vector<16xi32>, vector<16xi32>], vector<16xf32>,
      %add3A_141 = arith.constant 48 : i32
      %add3A_142 = vector.broadcast %add3A_141 : i32 to vector<16xi32>
      %add3A_143 = arith.addi %add3A_142, %iota3A : vector<16xi32>
      %broadcast_in_dim3A_144 = arith.constant 0 : i32
      %broadcast_in_dim3A_145 = vector.broadcast %broadcast_in_dim3A_144 : i32 to vector<16xi32>
      %gather3A_146 = tpu.vector_load_idx %arg12[%add3A_143, %broadcast_in_dim3A_145] : memref<400x16xf32, #tpu.memory_space<vmem>>[vector<16xi32>, vector<16xi32>], vector<16xf32>,
      %broadcast_in_dim3A_147 = arith.constant 2 : i32
      %broadcast_in_dim3A_148 = vector.broadcast %broadcast_in_dim3A_147 : i32 to vector<16xi32>
      %gather3A_149 = tpu.vector_load_idx %arg13[%add3A_143, %broadcast_in_dim3A_148] : memref<400x16xf32, #tpu.memory_space<vmem>>[vector<16xi32>, vector<16xi32>], vector<16xf32>,
      %add3A_150 = arith.addf %gather3A_146, %gather3A_149 : vector<16xf32>
      %mul3A_151 = arith.constant 2.000000e-01 : f32
      %mul3A_152 = vector.broadcast %mul3A_151 : f32 to vector<16xf32>
      %mul3A_153 = arith.mulf %mul3A_152, %add3A_150 : vector<16xf32>
      %max3A_154 = arith.maximumf %add3A_150, %mul3A_153 : vector<16xf32>
      %exp3A_155 = math.exp %max3A_154 : vector<16xf32>
      %broadcast_in_dim3A_156 = arith.constant 0 : i32
      %broadcast_in_dim3A_157 = vector.broadcast %broadcast_in_dim3A_156 : i32 to vector<16xi32>
      tpu.vector_store_idx %arg11[%add3A_143, %broadcast_in_dim3A_157], %exp3A_155 : memref<400x16xf32, #tpu.memory_space<vmem>>[vector<16xi32>, vector<16xi32>], vector<16xf32>,
      %broadcast_in_dim3A_158 = arith.constant 1 : i32
      %broadcast_in_dim3A_159 = vector.broadcast %broadcast_in_dim3A_158 : i32 to vector<16xi32>
      %gather3A_160 = tpu.vector_load_idx %arg12[%add3A_143, %broadcast_in_dim3A_159] : memref<400x16xf32, #tpu.memory_space<vmem>>[vector<16xi32>, vector<16xi32>], vector<16xf32>,
      %broadcast_in_dim3A_161 = arith.constant 3 : i32
      %broadcast_in_dim3A_162 = vector.broadcast %broadcast_in_dim3A_161 : i32 to vector<16xi32>
      %gather3A_163 = tpu.vector_load_idx %arg13[%add3A_143, %broadcast_in_dim3A_162] : memref<400x16xf32, #tpu.memory_space<vmem>>[vector<16xi32>, vector<16xi32>], vector<16xf32>,
      %add3A_164 = arith.addf %gather3A_160, %gather3A_163 : vector<16xf32>
      %mul3A_165 = arith.constant 2.000000e-01 : f32
      %mul3A_166 = vector.broadcast %mul3A_165 : f32 to vector<16xf32>
      %mul3A_167 = arith.mulf %mul3A_166, %add3A_164 : vector<16xf32>
      %max3A_168 = arith.maximumf %add3A_164, %mul3A_167 : vector<16xf32>
      %exp3A_169 = math.exp %max3A_168 : vector<16xf32>
      %broadcast_in_dim3A_170 = arith.constant 1 : i32
      %broadcast_in_dim3A_171 = vector.broadcast %broadcast_in_dim3A_170 : i32 to vector<16xi32>
      tpu.vector_store_idx %arg11[%add3A_143, %broadcast_in_dim3A_171], %exp3A_169 : memref<400x16xf32, #tpu.memory_space<vmem>>[vector<16xi32>, vector<16xi32>], vector<16xf32>,
      %add3A_172 = arith.constant 64 : i32
      %add3A_173 = vector.broadcast %add3A_172 : i32 to vector<16xi32>
      %add3A_174 = arith.addi %add3A_173, %iota3A : vector<16xi32>
      %broadcast_in_dim3A_175 = arith.constant 0 : i32
      %broadcast_in_dim3A_176 = vector.broadcast %broadcast_in_dim3A_175 : i32 to vector<16xi32>
      %gather3A_177 = tpu.vector_load_idx %arg12[%add3A_174, %broadcast_in_dim3A_176] : memref<400x16xf32, #tpu.memory_space<vmem>>[vector<16xi32>, vector<16xi32>], vector<16xf32>,
      %broadcast_in_dim3A_178 = arith.constant 2 : i32
      %broadcast_in_dim3A_179 = vector.broadcast %broadcast_in_dim3A_178 : i32 to vector<16xi32>
      %gather3A_180 = tpu.vector_load_idx %arg13[%add3A_174, %broadcast_in_dim3A_179] : memref<400x16xf32, #tpu.memory_space<vmem>>[vector<16xi32>, vector<16xi32>], vector<16xf32>,
      %add3A_181 = arith.addf %gather3A_177, %gather3A_180 : vector<16xf32>
      %mul3A_182 = arith.constant 2.000000e-01 : f32
      %mul3A_183 = vector.broadcast %mul3A_182 : f32 to vector<16xf32>
      %mul3A_184 = arith.mulf %mul3A_183, %add3A_181 : vector<16xf32>
      %max3A_185 = arith.maximumf %add3A_181, %mul3A_184 : vector<16xf32>
      %exp3A_186 = math.exp %max3A_185 : vector<16xf32>
      %broadcast_in_dim3A_187 = arith.constant 0 : i32
      %broadcast_in_dim3A_188 = vector.broadcast %broadcast_in_dim3A_187 : i32 to vector<16xi32>
      tpu.vector_store_idx %arg11[%add3A_174, %broadcast_in_dim3A_188], %exp3A_186 : memref<400x16xf32, #tpu.memory_space<vmem>>[vector<16xi32>, vector<16xi32>], vector<16xf32>,
      %broadcast_in_dim3A_189 = arith.constant 1 : i32
      %broadcast_in_dim3A_190 = vector.broadcast %broadcast_in_dim3A_189 : i32 to vector<16xi32>
      %gather3A_191 = tpu.vector_load_idx %arg12[%add3A_174, %broadcast_in_dim3A_190] : memref<400x16xf32, #tpu.memory_space<vmem>>[vector<16xi32>, vector<16xi32>], vector<16xf32>,
      %broadcast_in_dim3A_192 = arith.constant 3 : i32
      %broadcast_in_dim3A_193 = vector.broadcast %broadcast_in_dim3A_192 : i32 to vector<16xi32>
      %gather3A_194 = tpu.vector_load_idx %arg13[%add3A_174, %broadcast_in_dim3A_193] : memref<400x16xf32, #tpu.memory_space<vmem>>[vector<16xi32>, vector<16xi32>], vector<16xf32>,
      %add3A_195 = arith.addf %gather3A_191, %gather3A_194 : vector<16xf32>
      %mul3A_196 = arith.constant 2.000000e-01 : f32
      %mul3A_197 = vector.broadcast %mul3A_196 : f32 to vector<16xf32>
      %mul3A_198 = arith.mulf %mul3A_197, %add3A_195 : vector<16xf32>
      %max3A_199 = arith.maximumf %add3A_195, %mul3A_198 : vector<16xf32>
      %exp3A_200 = math.exp %max3A_199 : vector<16xf32>
      %broadcast_in_dim3A_201 = arith.constant 1 : i32
      %broadcast_in_dim3A_202 = vector.broadcast %broadcast_in_dim3A_201 : i32 to vector<16xi32>
      tpu.vector_store_idx %arg11[%add3A_174, %broadcast_in_dim3A_202], %exp3A_200 : memref<400x16xf32, #tpu.memory_space<vmem>>[vector<16xi32>, vector<16xi32>], vector<16xf32>,
      %add3A_203 = arith.constant 80 : i32
      %add3A_204 = vector.broadcast %add3A_203 : i32 to vector<16xi32>
      %add3A_205 = arith.addi %add3A_204, %iota3A : vector<16xi32>
      %broadcast_in_dim3A_206 = arith.constant 0 : i32
      %broadcast_in_dim3A_207 = vector.broadcast %broadcast_in_dim3A_206 : i32 to vector<16xi32>
      %gather3A_208 = tpu.vector_load_idx %arg12[%add3A_205, %broadcast_in_dim3A_207] : memref<400x16xf32, #tpu.memory_space<vmem>>[vector<16xi32>, vector<16xi32>], vector<16xf32>,
      %broadcast_in_dim3A_209 = arith.constant 2 : i32
      %broadcast_in_dim3A_210 = vector.broadcast %broadcast_in_dim3A_209 : i32 to vector<16xi32>
      %gather3A_211 = tpu.vector_load_idx %arg13[%add3A_205, %broadcast_in_dim3A_210] : memref<400x16xf32, #tpu.memory_space<vmem>>[vector<16xi32>, vector<16xi32>], vector<16xf32>,
      %add3A_212 = arith.addf %gather3A_208, %gather3A_211 : vector<16xf32>
      %mul3A_213 = arith.constant 2.000000e-01 : f32
      %mul3A_214 = vector.broadcast %mul3A_213 : f32 to vector<16xf32>
      %mul3A_215 = arith.mulf %mul3A_214, %add3A_212 : vector<16xf32>
      %max3A_216 = arith.maximumf %add3A_212, %mul3A_215 : vector<16xf32>
      %exp3A_217 = math.exp %max3A_216 : vector<16xf32>
      %broadcast_in_dim3A_218 = arith.constant 0 : i32
      %broadcast_in_dim3A_219 = vector.broadcast %broadcast_in_dim3A_218 : i32 to vector<16xi32>
      tpu.vector_store_idx %arg11[%add3A_205, %broadcast_in_dim3A_219], %exp3A_217 : memref<400x16xf32, #tpu.memory_space<vmem>>[vector<16xi32>, vector<16xi32>], vector<16xf32>,
      %broadcast_in_dim3A_220 = arith.constant 1 : i32
      %broadcast_in_dim3A_221 = vector.broadcast %broadcast_in_dim3A_220 : i32 to vector<16xi32>
      %gather3A_222 = tpu.vector_load_idx %arg12[%add3A_205, %broadcast_in_dim3A_221] : memref<400x16xf32, #tpu.memory_space<vmem>>[vector<16xi32>, vector<16xi32>], vector<16xf32>,
      %broadcast_in_dim3A_223 = arith.constant 3 : i32
      %broadcast_in_dim3A_224 = vector.broadcast %broadcast_in_dim3A_223 : i32 to vector<16xi32>
      %gather3A_225 = tpu.vector_load_idx %arg13[%add3A_205, %broadcast_in_dim3A_224] : memref<400x16xf32, #tpu.memory_space<vmem>>[vector<16xi32>, vector<16xi32>], vector<16xf32>,
      %add3A_226 = arith.addf %gather3A_222, %gather3A_225 : vector<16xf32>
      %mul3A_227 = arith.constant 2.000000e-01 : f32
      %mul3A_228 = vector.broadcast %mul3A_227 : f32 to vector<16xf32>
      %mul3A_229 = arith.mulf %mul3A_228, %add3A_226 : vector<16xf32>
      %max3A_230 = arith.maximumf %add3A_226, %mul3A_229 : vector<16xf32>
      %exp3A_231 = math.exp %max3A_230 : vector<16xf32>
      %broadcast_in_dim3A_232 = arith.constant 1 : i32
      %broadcast_in_dim3A_233 = vector.broadcast %broadcast_in_dim3A_232 : i32 to vector<16xi32>
      tpu.vector_store_idx %arg11[%add3A_205, %broadcast_in_dim3A_233], %exp3A_231 : memref<400x16xf32, #tpu.memory_space<vmem>>[vector<16xi32>, vector<16xi32>], vector<16xf32>,
      %add3A_234 = arith.constant 96 : i32
      %add3A_235 = vector.broadcast %add3A_234 : i32 to vector<16xi32>
      %add3A_236 = arith.addi %add3A_235, %iota3A : vector<16xi32>
      %broadcast_in_dim3A_237 = arith.constant 0 : i32
      %broadcast_in_dim3A_238 = vector.broadcast %broadcast_in_dim3A_237 : i32 to vector<16xi32>
      %gather3A_239 = tpu.vector_load_idx %arg12[%add3A_236, %broadcast_in_dim3A_238] : memref<400x16xf32, #tpu.memory_space<vmem>>[vector<16xi32>, vector<16xi32>], vector<16xf32>,
      %broadcast_in_dim3A_240 = arith.constant 2 : i32
      %broadcast_in_dim3A_241 = vector.broadcast %broadcast_in_dim3A_240 : i32 to vector<16xi32>
      %gather3A_242 = tpu.vector_load_idx %arg13[%add3A_236, %broadcast_in_dim3A_241] : memref<400x16xf32, #tpu.memory_space<vmem>>[vector<16xi32>, vector<16xi32>], vector<16xf32>,
      %add3A_243 = arith.addf %gather3A_239, %gather3A_242 : vector<16xf32>
      %mul3A_244 = arith.constant 2.000000e-01 : f32
      %mul3A_245 = vector.broadcast %mul3A_244 : f32 to vector<16xf32>
      %mul3A_246 = arith.mulf %mul3A_245, %add3A_243 : vector<16xf32>
      %max3A_247 = arith.maximumf %add3A_243, %mul3A_246 : vector<16xf32>
      %exp3A_248 = math.exp %max3A_247 : vector<16xf32>
      %broadcast_in_dim3A_249 = arith.constant 0 : i32
      %broadcast_in_dim3A_250 = vector.broadcast %broadcast_in_dim3A_249 : i32 to vector<16xi32>
      tpu.vector_store_idx %arg11[%add3A_236, %broadcast_in_dim3A_250], %exp3A_248 : memref<400x16xf32, #tpu.memory_space<vmem>>[vector<16xi32>, vector<16xi32>], vector<16xf32>,
      %broadcast_in_dim3A_251 = arith.constant 1 : i32
      %broadcast_in_dim3A_252 = vector.broadcast %broadcast_in_dim3A_251 : i32 to vector<16xi32>
      %gather3A_253 = tpu.vector_load_idx %arg12[%add3A_236, %broadcast_in_dim3A_252] : memref<400x16xf32, #tpu.memory_space<vmem>>[vector<16xi32>, vector<16xi32>], vector<16xf32>,
      %broadcast_in_dim3A_254 = arith.constant 3 : i32
      %broadcast_in_dim3A_255 = vector.broadcast %broadcast_in_dim3A_254 : i32 to vector<16xi32>
      %gather3A_256 = tpu.vector_load_idx %arg13[%add3A_236, %broadcast_in_dim3A_255] : memref<400x16xf32, #tpu.memory_space<vmem>>[vector<16xi32>, vector<16xi32>], vector<16xf32>,
      %add3A_257 = arith.addf %gather3A_253, %gather3A_256 : vector<16xf32>
      %mul3A_258 = arith.constant 2.000000e-01 : f32
      %mul3A_259 = vector.broadcast %mul3A_258 : f32 to vector<16xf32>
      %mul3A_260 = arith.mulf %mul3A_259, %add3A_257 : vector<16xf32>
      %max3A_261 = arith.maximumf %add3A_257, %mul3A_260 : vector<16xf32>
      %exp3A_262 = math.exp %max3A_261 : vector<16xf32>
      %broadcast_in_dim3A_263 = arith.constant 1 : i32
      %broadcast_in_dim3A_264 = vector.broadcast %broadcast_in_dim3A_263 : i32 to vector<16xi32>
      tpu.vector_store_idx %arg11[%add3A_236, %broadcast_in_dim3A_264], %exp3A_262 : memref<400x16xf32, #tpu.memory_space<vmem>>[vector<16xi32>, vector<16xi32>], vector<16xf32>,
      %add3A_265 = arith.constant 112 : i32
      %add3A_266 = vector.broadcast %add3A_265 : i32 to vector<16xi32>
      %add3A_267 = arith.addi %add3A_266, %iota3A : vector<16xi32>
      %broadcast_in_dim3A_268 = arith.constant 0 : i32
      %broadcast_in_dim3A_269 = vector.broadcast %broadcast_in_dim3A_268 : i32 to vector<16xi32>
      %gather3A_270 = tpu.vector_load_idx %arg12[%add3A_267, %broadcast_in_dim3A_269] : memref<400x16xf32, #tpu.memory_space<vmem>>[vector<16xi32>, vector<16xi32>], vector<16xf32>,
      %broadcast_in_dim3A_271 = arith.constant 2 : i32
      %broadcast_in_dim3A_272 = vector.broadcast %broadcast_in_dim3A_271 : i32 to vector<16xi32>
      %gather3A_273 = tpu.vector_load_idx %arg13[%add3A_267, %broadcast_in_dim3A_272] : memref<400x16xf32, #tpu.memory_space<vmem>>[vector<16xi32>, vector<16xi32>], vector<16xf32>,
      %add3A_274 = arith.addf %gather3A_270, %gather3A_273 : vector<16xf32>
      %mul3A_275 = arith.constant 2.000000e-01 : f32
      %mul3A_276 = vector.broadcast %mul3A_275 : f32 to vector<16xf32>
      %mul3A_277 = arith.mulf %mul3A_276, %add3A_274 : vector<16xf32>
      %max3A_278 = arith.maximumf %add3A_274, %mul3A_277 : vector<16xf32>
      %exp3A_279 = math.exp %max3A_278 : vector<16xf32>
      %broadcast_in_dim3A_280 = arith.constant 0 : i32
      %broadcast_in_dim3A_281 = vector.broadcast %broadcast_in_dim3A_280 : i32 to vector<16xi32>
      tpu.vector_store_idx %arg11[%add3A_267, %broadcast_in_dim3A_281], %exp3A_279 : memref<400x16xf32, #tpu.memory_space<vmem>>[vector<16xi32>, vector<16xi32>], vector<16xf32>,
      %broadcast_in_dim3A_282 = arith.constant 1 : i32
      %broadcast_in_dim3A_283 = vector.broadcast %broadcast_in_dim3A_282 : i32 to vector<16xi32>
      %gather3A_284 = tpu.vector_load_idx %arg12[%add3A_267, %broadcast_in_dim3A_283] : memref<400x16xf32, #tpu.memory_space<vmem>>[vector<16xi32>, vector<16xi32>], vector<16xf32>,
      %broadcast_in_dim3A_285 = arith.constant 3 : i32
      %broadcast_in_dim3A_286 = vector.broadcast %broadcast_in_dim3A_285 : i32 to vector<16xi32>
      %gather3A_287 = tpu.vector_load_idx %arg13[%add3A_267, %broadcast_in_dim3A_286] : memref<400x16xf32, #tpu.memory_space<vmem>>[vector<16xi32>, vector<16xi32>], vector<16xf32>,
      %add3A_288 = arith.addf %gather3A_284, %gather3A_287 : vector<16xf32>
      %mul3A_289 = arith.constant 2.000000e-01 : f32
      %mul3A_290 = vector.broadcast %mul3A_289 : f32 to vector<16xf32>
      %mul3A_291 = arith.mulf %mul3A_290, %add3A_288 : vector<16xf32>
      %max3A_292 = arith.maximumf %add3A_288, %mul3A_291 : vector<16xf32>
      %exp3A_293 = math.exp %max3A_292 : vector<16xf32>
      %broadcast_in_dim3A_294 = arith.constant 1 : i32
      %broadcast_in_dim3A_295 = vector.broadcast %broadcast_in_dim3A_294 : i32 to vector<16xi32>
      tpu.vector_store_idx %arg11[%add3A_267, %broadcast_in_dim3A_295], %exp3A_293 : memref<400x16xf32, #tpu.memory_space<vmem>>[vector<16xi32>, vector<16xi32>], vector<16xf32>,
      %add3A_296 = arith.constant 128 : i32
      %add3A_297 = vector.broadcast %add3A_296 : i32 to vector<16xi32>
      %add3A_298 = arith.addi %add3A_297, %iota3A : vector<16xi32>
      %broadcast_in_dim3A_299 = arith.constant 0 : i32
      %broadcast_in_dim3A_300 = vector.broadcast %broadcast_in_dim3A_299 : i32 to vector<16xi32>
      %gather3A_301 = tpu.vector_load_idx %arg12[%add3A_298, %broadcast_in_dim3A_300] : memref<400x16xf32, #tpu.memory_space<vmem>>[vector<16xi32>, vector<16xi32>], vector<16xf32>,
      %broadcast_in_dim3A_302 = arith.constant 2 : i32
      %broadcast_in_dim3A_303 = vector.broadcast %broadcast_in_dim3A_302 : i32 to vector<16xi32>
      %gather3A_304 = tpu.vector_load_idx %arg13[%add3A_298, %broadcast_in_dim3A_303] : memref<400x16xf32, #tpu.memory_space<vmem>>[vector<16xi32>, vector<16xi32>], vector<16xf32>,
      %add3A_305 = arith.addf %gather3A_301, %gather3A_304 : vector<16xf32>
      %mul3A_306 = arith.constant 2.000000e-01 : f32
      %mul3A_307 = vector.broadcast %mul3A_306 : f32 to vector<16xf32>
      %mul3A_308 = arith.mulf %mul3A_307, %add3A_305 : vector<16xf32>
      %max3A_309 = arith.maximumf %add3A_305, %mul3A_308 : vector<16xf32>
      %exp3A_310 = math.exp %max3A_309 : vector<16xf32>
      %broadcast_in_dim3A_311 = arith.constant 0 : i32
      %broadcast_in_dim3A_312 = vector.broadcast %broadcast_in_dim3A_311 : i32 to vector<16xi32>
      tpu.vector_store_idx %arg11[%add3A_298, %broadcast_in_dim3A_312], %exp3A_310 : memref<400x16xf32, #tpu.memory_space<vmem>>[vector<16xi32>, vector<16xi32>], vector<16xf32>,
      %broadcast_in_dim3A_313 = arith.constant 1 : i32
      %broadcast_in_dim3A_314 = vector.broadcast %broadcast_in_dim3A_313 : i32 to vector<16xi32>
      %gather3A_315 = tpu.vector_load_idx %arg12[%add3A_298, %broadcast_in_dim3A_314] : memref<400x16xf32, #tpu.memory_space<vmem>>[vector<16xi32>, vector<16xi32>], vector<16xf32>,
      %broadcast_in_dim3A_316 = arith.constant 3 : i32
      %broadcast_in_dim3A_317 = vector.broadcast %broadcast_in_dim3A_316 : i32 to vector<16xi32>
      %gather3A_318 = tpu.vector_load_idx %arg13[%add3A_298, %broadcast_in_dim3A_317] : memref<400x16xf32, #tpu.memory_space<vmem>>[vector<16xi32>, vector<16xi32>], vector<16xf32>,
      %add3A_319 = arith.addf %gather3A_315, %gather3A_318 : vector<16xf32>
      %mul3A_320 = arith.constant 2.000000e-01 : f32
      %mul3A_321 = vector.broadcast %mul3A_320 : f32 to vector<16xf32>
      %mul3A_322 = arith.mulf %mul3A_321, %add3A_319 : vector<16xf32>
      %max3A_323 = arith.maximumf %add3A_319, %mul3A_322 : vector<16xf32>
      %exp3A_324 = math.exp %max3A_323 : vector<16xf32>
      %broadcast_in_dim3A_325 = arith.constant 1 : i32
      %broadcast_in_dim3A_326 = vector.broadcast %broadcast_in_dim3A_325 : i32 to vector<16xi32>
      tpu.vector_store_idx %arg11[%add3A_298, %broadcast_in_dim3A_326], %exp3A_324 : memref<400x16xf32, #tpu.memory_space<vmem>>[vector<16xi32>, vector<16xi32>], vector<16xf32>,
      %add3A_327 = arith.constant 144 : i32
      %add3A_328 = vector.broadcast %add3A_327 : i32 to vector<16xi32>
      %add3A_329 = arith.addi %add3A_328, %iota3A : vector<16xi32>
      %broadcast_in_dim3A_330 = arith.constant 0 : i32
      %broadcast_in_dim3A_331 = vector.broadcast %broadcast_in_dim3A_330 : i32 to vector<16xi32>
      %gather3A_332 = tpu.vector_load_idx %arg12[%add3A_329, %broadcast_in_dim3A_331] : memref<400x16xf32, #tpu.memory_space<vmem>>[vector<16xi32>, vector<16xi32>], vector<16xf32>,
      %broadcast_in_dim3A_333 = arith.constant 2 : i32
      %broadcast_in_dim3A_334 = vector.broadcast %broadcast_in_dim3A_333 : i32 to vector<16xi32>
      %gather3A_335 = tpu.vector_load_idx %arg13[%add3A_329, %broadcast_in_dim3A_334] : memref<400x16xf32, #tpu.memory_space<vmem>>[vector<16xi32>, vector<16xi32>], vector<16xf32>,
      %add3A_336 = arith.addf %gather3A_332, %gather3A_335 : vector<16xf32>
      %mul3A_337 = arith.constant 2.000000e-01 : f32
      %mul3A_338 = vector.broadcast %mul3A_337 : f32 to vector<16xf32>
      %mul3A_339 = arith.mulf %mul3A_338, %add3A_336 : vector<16xf32>
      %max3A_340 = arith.maximumf %add3A_336, %mul3A_339 : vector<16xf32>
      %exp3A_341 = math.exp %max3A_340 : vector<16xf32>
      %broadcast_in_dim3A_342 = arith.constant 0 : i32
      %broadcast_in_dim3A_343 = vector.broadcast %broadcast_in_dim3A_342 : i32 to vector<16xi32>
      tpu.vector_store_idx %arg11[%add3A_329, %broadcast_in_dim3A_343], %exp3A_341 : memref<400x16xf32, #tpu.memory_space<vmem>>[vector<16xi32>, vector<16xi32>], vector<16xf32>,
      %broadcast_in_dim3A_344 = arith.constant 1 : i32
      %broadcast_in_dim3A_345 = vector.broadcast %broadcast_in_dim3A_344 : i32 to vector<16xi32>
      %gather3A_346 = tpu.vector_load_idx %arg12[%add3A_329, %broadcast_in_dim3A_345] : memref<400x16xf32, #tpu.memory_space<vmem>>[vector<16xi32>, vector<16xi32>], vector<16xf32>,
      %broadcast_in_dim3A_347 = arith.constant 3 : i32
      %broadcast_in_dim3A_348 = vector.broadcast %broadcast_in_dim3A_347 : i32 to vector<16xi32>
      %gather3A_349 = tpu.vector_load_idx %arg13[%add3A_329, %broadcast_in_dim3A_348] : memref<400x16xf32, #tpu.memory_space<vmem>>[vector<16xi32>, vector<16xi32>], vector<16xf32>,
      %add3A_350 = arith.addf %gather3A_346, %gather3A_349 : vector<16xf32>
      %mul3A_351 = arith.constant 2.000000e-01 : f32
      %mul3A_352 = vector.broadcast %mul3A_351 : f32 to vector<16xf32>
      %mul3A_353 = arith.mulf %mul3A_352, %add3A_350 : vector<16xf32>
      %max3A_354 = arith.maximumf %add3A_350, %mul3A_353 : vector<16xf32>
      %exp3A_355 = math.exp %max3A_354 : vector<16xf32>
      %broadcast_in_dim3A_356 = arith.constant 1 : i32
      %broadcast_in_dim3A_357 = vector.broadcast %broadcast_in_dim3A_356 : i32 to vector<16xi32>
      tpu.vector_store_idx %arg11[%add3A_329, %broadcast_in_dim3A_357], %exp3A_355 : memref<400x16xf32, #tpu.memory_space<vmem>>[vector<16xi32>, vector<16xi32>], vector<16xf32>,
      %add3A_358 = arith.constant 160 : i32
      %add3A_359 = vector.broadcast %add3A_358 : i32 to vector<16xi32>
      %add3A_360 = arith.addi %add3A_359, %iota3A : vector<16xi32>
      %broadcast_in_dim3A_361 = arith.constant 0 : i32
      %broadcast_in_dim3A_362 = vector.broadcast %broadcast_in_dim3A_361 : i32 to vector<16xi32>
      %gather3A_363 = tpu.vector_load_idx %arg12[%add3A_360, %broadcast_in_dim3A_362] : memref<400x16xf32, #tpu.memory_space<vmem>>[vector<16xi32>, vector<16xi32>], vector<16xf32>,
      %broadcast_in_dim3A_364 = arith.constant 2 : i32
      %broadcast_in_dim3A_365 = vector.broadcast %broadcast_in_dim3A_364 : i32 to vector<16xi32>
      %gather3A_366 = tpu.vector_load_idx %arg13[%add3A_360, %broadcast_in_dim3A_365] : memref<400x16xf32, #tpu.memory_space<vmem>>[vector<16xi32>, vector<16xi32>], vector<16xf32>,
      %add3A_367 = arith.addf %gather3A_363, %gather3A_366 : vector<16xf32>
      %mul3A_368 = arith.constant 2.000000e-01 : f32
      %mul3A_369 = vector.broadcast %mul3A_368 : f32 to vector<16xf32>
      %mul3A_370 = arith.mulf %mul3A_369, %add3A_367 : vector<16xf32>
      %max3A_371 = arith.maximumf %add3A_367, %mul3A_370 : vector<16xf32>
      %exp3A_372 = math.exp %max3A_371 : vector<16xf32>
      %broadcast_in_dim3A_373 = arith.constant 0 : i32
      %broadcast_in_dim3A_374 = vector.broadcast %broadcast_in_dim3A_373 : i32 to vector<16xi32>
      tpu.vector_store_idx %arg11[%add3A_360, %broadcast_in_dim3A_374], %exp3A_372 : memref<400x16xf32, #tpu.memory_space<vmem>>[vector<16xi32>, vector<16xi32>], vector<16xf32>,
      %broadcast_in_dim3A_375 = arith.constant 1 : i32
      %broadcast_in_dim3A_376 = vector.broadcast %broadcast_in_dim3A_375 : i32 to vector<16xi32>
      %gather3A_377 = tpu.vector_load_idx %arg12[%add3A_360, %broadcast_in_dim3A_376] : memref<400x16xf32, #tpu.memory_space<vmem>>[vector<16xi32>, vector<16xi32>], vector<16xf32>,
      %broadcast_in_dim3A_378 = arith.constant 3 : i32
      %broadcast_in_dim3A_379 = vector.broadcast %broadcast_in_dim3A_378 : i32 to vector<16xi32>
      %gather3A_380 = tpu.vector_load_idx %arg13[%add3A_360, %broadcast_in_dim3A_379] : memref<400x16xf32, #tpu.memory_space<vmem>>[vector<16xi32>, vector<16xi32>], vector<16xf32>,
      %add3A_381 = arith.addf %gather3A_377, %gather3A_380 : vector<16xf32>
      %mul3A_382 = arith.constant 2.000000e-01 : f32
      %mul3A_383 = vector.broadcast %mul3A_382 : f32 to vector<16xf32>
      %mul3A_384 = arith.mulf %mul3A_383, %add3A_381 : vector<16xf32>
      %max3A_385 = arith.maximumf %add3A_381, %mul3A_384 : vector<16xf32>
      %exp3A_386 = math.exp %max3A_385 : vector<16xf32>
      %broadcast_in_dim3A_387 = arith.constant 1 : i32
      %broadcast_in_dim3A_388 = vector.broadcast %broadcast_in_dim3A_387 : i32 to vector<16xi32>
      tpu.vector_store_idx %arg11[%add3A_360, %broadcast_in_dim3A_388], %exp3A_386 : memref<400x16xf32, #tpu.memory_space<vmem>>[vector<16xi32>, vector<16xi32>], vector<16xf32>,
      %add3A_389 = arith.constant 176 : i32
      %add3A_390 = vector.broadcast %add3A_389 : i32 to vector<16xi32>
      %add3A_391 = arith.addi %add3A_390, %iota3A : vector<16xi32>
      %broadcast_in_dim3A_392 = arith.constant 0 : i32
      %broadcast_in_dim3A_393 = vector.broadcast %broadcast_in_dim3A_392 : i32 to vector<16xi32>
      %gather3A_394 = tpu.vector_load_idx %arg12[%add3A_391, %broadcast_in_dim3A_393] : memref<400x16xf32, #tpu.memory_space<vmem>>[vector<16xi32>, vector<16xi32>], vector<16xf32>,
      %broadcast_in_dim3A_395 = arith.constant 2 : i32
      %broadcast_in_dim3A_396 = vector.broadcast %broadcast_in_dim3A_395 : i32 to vector<16xi32>
      %gather3A_397 = tpu.vector_load_idx %arg13[%add3A_391, %broadcast_in_dim3A_396] : memref<400x16xf32, #tpu.memory_space<vmem>>[vector<16xi32>, vector<16xi32>], vector<16xf32>,
      %add3A_398 = arith.addf %gather3A_394, %gather3A_397 : vector<16xf32>
      %mul3A_399 = arith.constant 2.000000e-01 : f32
      %mul3A_400 = vector.broadcast %mul3A_399 : f32 to vector<16xf32>
      %mul3A_401 = arith.mulf %mul3A_400, %add3A_398 : vector<16xf32>
      %max3A_402 = arith.maximumf %add3A_398, %mul3A_401 : vector<16xf32>
      %exp3A_403 = math.exp %max3A_402 : vector<16xf32>
      %broadcast_in_dim3A_404 = arith.constant 0 : i32
      %broadcast_in_dim3A_405 = vector.broadcast %broadcast_in_dim3A_404 : i32 to vector<16xi32>
      tpu.vector_store_idx %arg11[%add3A_391, %broadcast_in_dim3A_405], %exp3A_403 : memref<400x16xf32, #tpu.memory_space<vmem>>[vector<16xi32>, vector<16xi32>], vector<16xf32>,
      %broadcast_in_dim3A_406 = arith.constant 1 : i32
      %broadcast_in_dim3A_407 = vector.broadcast %broadcast_in_dim3A_406 : i32 to vector<16xi32>
      %gather3A_408 = tpu.vector_load_idx %arg12[%add3A_391, %broadcast_in_dim3A_407] : memref<400x16xf32, #tpu.memory_space<vmem>>[vector<16xi32>, vector<16xi32>], vector<16xf32>,
      %broadcast_in_dim3A_409 = arith.constant 3 : i32
      %broadcast_in_dim3A_410 = vector.broadcast %broadcast_in_dim3A_409 : i32 to vector<16xi32>
      %gather3A_411 = tpu.vector_load_idx %arg13[%add3A_391, %broadcast_in_dim3A_410] : memref<400x16xf32, #tpu.memory_space<vmem>>[vector<16xi32>, vector<16xi32>], vector<16xf32>,
      %add3A_412 = arith.addf %gather3A_408, %gather3A_411 : vector<16xf32>
      %mul3A_413 = arith.constant 2.000000e-01 : f32
      %mul3A_414 = vector.broadcast %mul3A_413 : f32 to vector<16xf32>
      %mul3A_415 = arith.mulf %mul3A_414, %add3A_412 : vector<16xf32>
      %max3A_416 = arith.maximumf %add3A_412, %mul3A_415 : vector<16xf32>
      %exp3A_417 = math.exp %max3A_416 : vector<16xf32>
      %broadcast_in_dim3A_418 = arith.constant 1 : i32
      %broadcast_in_dim3A_419 = vector.broadcast %broadcast_in_dim3A_418 : i32 to vector<16xi32>
      tpu.vector_store_idx %arg11[%add3A_391, %broadcast_in_dim3A_419], %exp3A_417 : memref<400x16xf32, #tpu.memory_space<vmem>>[vector<16xi32>, vector<16xi32>], vector<16xf32>,
      %add3A_420 = arith.constant 192 : i32
      %add3A_421 = vector.broadcast %add3A_420 : i32 to vector<16xi32>
      %add3A_422 = arith.addi %add3A_421, %iota3A : vector<16xi32>
      %broadcast_in_dim3A_423 = arith.constant 0 : i32
      %broadcast_in_dim3A_424 = vector.broadcast %broadcast_in_dim3A_423 : i32 to vector<16xi32>
      %gather3A_425 = tpu.vector_load_idx %arg12[%add3A_422, %broadcast_in_dim3A_424] : memref<400x16xf32, #tpu.memory_space<vmem>>[vector<16xi32>, vector<16xi32>], vector<16xf32>,
      %broadcast_in_dim3A_426 = arith.constant 2 : i32
      %broadcast_in_dim3A_427 = vector.broadcast %broadcast_in_dim3A_426 : i32 to vector<16xi32>
      %gather3A_428 = tpu.vector_load_idx %arg13[%add3A_422, %broadcast_in_dim3A_427] : memref<400x16xf32, #tpu.memory_space<vmem>>[vector<16xi32>, vector<16xi32>], vector<16xf32>,
      %add3A_429 = arith.addf %gather3A_425, %gather3A_428 : vector<16xf32>
      %mul3A_430 = arith.constant 2.000000e-01 : f32
      %mul3A_431 = vector.broadcast %mul3A_430 : f32 to vector<16xf32>
      %mul3A_432 = arith.mulf %mul3A_431, %add3A_429 : vector<16xf32>
      %max3A_433 = arith.maximumf %add3A_429, %mul3A_432 : vector<16xf32>
      %exp3A_434 = math.exp %max3A_433 : vector<16xf32>
      %broadcast_in_dim3A_435 = arith.constant 0 : i32
      %broadcast_in_dim3A_436 = vector.broadcast %broadcast_in_dim3A_435 : i32 to vector<16xi32>
      tpu.vector_store_idx %arg11[%add3A_422, %broadcast_in_dim3A_436], %exp3A_434 : memref<400x16xf32, #tpu.memory_space<vmem>>[vector<16xi32>, vector<16xi32>], vector<16xf32>,
      %broadcast_in_dim3A_437 = arith.constant 1 : i32
      %broadcast_in_dim3A_438 = vector.broadcast %broadcast_in_dim3A_437 : i32 to vector<16xi32>
      %gather3A_439 = tpu.vector_load_idx %arg12[%add3A_422, %broadcast_in_dim3A_438] : memref<400x16xf32, #tpu.memory_space<vmem>>[vector<16xi32>, vector<16xi32>], vector<16xf32>,
      %broadcast_in_dim3A_440 = arith.constant 3 : i32
      %broadcast_in_dim3A_441 = vector.broadcast %broadcast_in_dim3A_440 : i32 to vector<16xi32>
      %gather3A_442 = tpu.vector_load_idx %arg13[%add3A_422, %broadcast_in_dim3A_441] : memref<400x16xf32, #tpu.memory_space<vmem>>[vector<16xi32>, vector<16xi32>], vector<16xf32>,
      %add3A_443 = arith.addf %gather3A_439, %gather3A_442 : vector<16xf32>
      %mul3A_444 = arith.constant 2.000000e-01 : f32
      %mul3A_445 = vector.broadcast %mul3A_444 : f32 to vector<16xf32>
      %mul3A_446 = arith.mulf %mul3A_445, %add3A_443 : vector<16xf32>
      %max3A_447 = arith.maximumf %add3A_443, %mul3A_446 : vector<16xf32>
      %exp3A_448 = math.exp %max3A_447 : vector<16xf32>
      %broadcast_in_dim3A_449 = arith.constant 1 : i32
      %broadcast_in_dim3A_450 = vector.broadcast %broadcast_in_dim3A_449 : i32 to vector<16xi32>
      tpu.vector_store_idx %arg11[%add3A_422, %broadcast_in_dim3A_450], %exp3A_448 : memref<400x16xf32, #tpu.memory_space<vmem>>[vector<16xi32>, vector<16xi32>], vector<16xf32>,
      %add3A_451 = arith.constant 208 : i32
      %add3A_452 = vector.broadcast %add3A_451 : i32 to vector<16xi32>
      %add3A_453 = arith.addi %add3A_452, %iota3A : vector<16xi32>
      %broadcast_in_dim3A_454 = arith.constant 0 : i32
      %broadcast_in_dim3A_455 = vector.broadcast %broadcast_in_dim3A_454 : i32 to vector<16xi32>
      %gather3A_456 = tpu.vector_load_idx %arg12[%add3A_453, %broadcast_in_dim3A_455] : memref<400x16xf32, #tpu.memory_space<vmem>>[vector<16xi32>, vector<16xi32>], vector<16xf32>,
      %broadcast_in_dim3A_457 = arith.constant 2 : i32
      %broadcast_in_dim3A_458 = vector.broadcast %broadcast_in_dim3A_457 : i32 to vector<16xi32>
      %gather3A_459 = tpu.vector_load_idx %arg13[%add3A_453, %broadcast_in_dim3A_458] : memref<400x16xf32, #tpu.memory_space<vmem>>[vector<16xi32>, vector<16xi32>], vector<16xf32>,
      %add3A_460 = arith.addf %gather3A_456, %gather3A_459 : vector<16xf32>
      %mul3A_461 = arith.constant 2.000000e-01 : f32
      %mul3A_462 = vector.broadcast %mul3A_461 : f32 to vector<16xf32>
      %mul3A_463 = arith.mulf %mul3A_462, %add3A_460 : vector<16xf32>
      %max3A_464 = arith.maximumf %add3A_460, %mul3A_463 : vector<16xf32>
      %exp3A_465 = math.exp %max3A_464 : vector<16xf32>
      %broadcast_in_dim3A_466 = arith.constant 0 : i32
      %broadcast_in_dim3A_467 = vector.broadcast %broadcast_in_dim3A_466 : i32 to vector<16xi32>
      tpu.vector_store_idx %arg11[%add3A_453, %broadcast_in_dim3A_467], %exp3A_465 : memref<400x16xf32, #tpu.memory_space<vmem>>[vector<16xi32>, vector<16xi32>], vector<16xf32>,
      %broadcast_in_dim3A_468 = arith.constant 1 : i32
      %broadcast_in_dim3A_469 = vector.broadcast %broadcast_in_dim3A_468 : i32 to vector<16xi32>
      %gather3A_470 = tpu.vector_load_idx %arg12[%add3A_453, %broadcast_in_dim3A_469] : memref<400x16xf32, #tpu.memory_space<vmem>>[vector<16xi32>, vector<16xi32>], vector<16xf32>,
      %broadcast_in_dim3A_471 = arith.constant 3 : i32
      %broadcast_in_dim3A_472 = vector.broadcast %broadcast_in_dim3A_471 : i32 to vector<16xi32>
      %gather3A_473 = tpu.vector_load_idx %arg13[%add3A_453, %broadcast_in_dim3A_472] : memref<400x16xf32, #tpu.memory_space<vmem>>[vector<16xi32>, vector<16xi32>], vector<16xf32>,
      %add3A_474 = arith.addf %gather3A_470, %gather3A_473 : vector<16xf32>
      %mul3A_475 = arith.constant 2.000000e-01 : f32
      %mul3A_476 = vector.broadcast %mul3A_475 : f32 to vector<16xf32>
      %mul3A_477 = arith.mulf %mul3A_476, %add3A_474 : vector<16xf32>
      %max3A_478 = arith.maximumf %add3A_474, %mul3A_477 : vector<16xf32>
      %exp3A_479 = math.exp %max3A_478 : vector<16xf32>
      %broadcast_in_dim3A_480 = arith.constant 1 : i32
      %broadcast_in_dim3A_481 = vector.broadcast %broadcast_in_dim3A_480 : i32 to vector<16xi32>
      tpu.vector_store_idx %arg11[%add3A_453, %broadcast_in_dim3A_481], %exp3A_479 : memref<400x16xf32, #tpu.memory_space<vmem>>[vector<16xi32>, vector<16xi32>], vector<16xf32>,
      %add3A_482 = arith.constant 224 : i32
      %add3A_483 = vector.broadcast %add3A_482 : i32 to vector<16xi32>
      %add3A_484 = arith.addi %add3A_483, %iota3A : vector<16xi32>
      %broadcast_in_dim3A_485 = arith.constant 0 : i32
      %broadcast_in_dim3A_486 = vector.broadcast %broadcast_in_dim3A_485 : i32 to vector<16xi32>
      %gather3A_487 = tpu.vector_load_idx %arg12[%add3A_484, %broadcast_in_dim3A_486] : memref<400x16xf32, #tpu.memory_space<vmem>>[vector<16xi32>, vector<16xi32>], vector<16xf32>,
      %broadcast_in_dim3A_488 = arith.constant 2 : i32
      %broadcast_in_dim3A_489 = vector.broadcast %broadcast_in_dim3A_488 : i32 to vector<16xi32>
      %gather3A_490 = tpu.vector_load_idx %arg13[%add3A_484, %broadcast_in_dim3A_489] : memref<400x16xf32, #tpu.memory_space<vmem>>[vector<16xi32>, vector<16xi32>], vector<16xf32>,
      %add3A_491 = arith.addf %gather3A_487, %gather3A_490 : vector<16xf32>
      %mul3A_492 = arith.constant 2.000000e-01 : f32
      %mul3A_493 = vector.broadcast %mul3A_492 : f32 to vector<16xf32>
      %mul3A_494 = arith.mulf %mul3A_493, %add3A_491 : vector<16xf32>
      %max3A_495 = arith.maximumf %add3A_491, %mul3A_494 : vector<16xf32>
      %exp3A_496 = math.exp %max3A_495 : vector<16xf32>
      %broadcast_in_dim3A_497 = arith.constant 0 : i32
      %broadcast_in_dim3A_498 = vector.broadcast %broadcast_in_dim3A_497 : i32 to vector<16xi32>
      tpu.vector_store_idx %arg11[%add3A_484, %broadcast_in_dim3A_498], %exp3A_496 : memref<400x16xf32, #tpu.memory_space<vmem>>[vector<16xi32>, vector<16xi32>], vector<16xf32>,
      %broadcast_in_dim3A_499 = arith.constant 1 : i32
      %broadcast_in_dim3A_500 = vector.broadcast %broadcast_in_dim3A_499 : i32 to vector<16xi32>
      %gather3A_501 = tpu.vector_load_idx %arg12[%add3A_484, %broadcast_in_dim3A_500] : memref<400x16xf32, #tpu.memory_space<vmem>>[vector<16xi32>, vector<16xi32>], vector<16xf32>,
      %broadcast_in_dim3A_502 = arith.constant 3 : i32
      %broadcast_in_dim3A_503 = vector.broadcast %broadcast_in_dim3A_502 : i32 to vector<16xi32>
      %gather3A_504 = tpu.vector_load_idx %arg13[%add3A_484, %broadcast_in_dim3A_503] : memref<400x16xf32, #tpu.memory_space<vmem>>[vector<16xi32>, vector<16xi32>], vector<16xf32>,
      %add3A_505 = arith.addf %gather3A_501, %gather3A_504 : vector<16xf32>
      %mul3A_506 = arith.constant 2.000000e-01 : f32
      %mul3A_507 = vector.broadcast %mul3A_506 : f32 to vector<16xf32>
      %mul3A_508 = arith.mulf %mul3A_507, %add3A_505 : vector<16xf32>
      %max3A_509 = arith.maximumf %add3A_505, %mul3A_508 : vector<16xf32>
      %exp3A_510 = math.exp %max3A_509 : vector<16xf32>
      %broadcast_in_dim3A_511 = arith.constant 1 : i32
      %broadcast_in_dim3A_512 = vector.broadcast %broadcast_in_dim3A_511 : i32 to vector<16xi32>
      tpu.vector_store_idx %arg11[%add3A_484, %broadcast_in_dim3A_512], %exp3A_510 : memref<400x16xf32, #tpu.memory_space<vmem>>[vector<16xi32>, vector<16xi32>], vector<16xf32>,
      %add3A_513 = arith.constant 240 : i32
      %add3A_514 = vector.broadcast %add3A_513 : i32 to vector<16xi32>
      %add3A_515 = arith.addi %add3A_514, %iota3A : vector<16xi32>
      %broadcast_in_dim3A_516 = arith.constant 0 : i32
      %broadcast_in_dim3A_517 = vector.broadcast %broadcast_in_dim3A_516 : i32 to vector<16xi32>
      %gather3A_518 = tpu.vector_load_idx %arg12[%add3A_515, %broadcast_in_dim3A_517] : memref<400x16xf32, #tpu.memory_space<vmem>>[vector<16xi32>, vector<16xi32>], vector<16xf32>,
      %broadcast_in_dim3A_519 = arith.constant 2 : i32
      %broadcast_in_dim3A_520 = vector.broadcast %broadcast_in_dim3A_519 : i32 to vector<16xi32>
      %gather3A_521 = tpu.vector_load_idx %arg13[%add3A_515, %broadcast_in_dim3A_520] : memref<400x16xf32, #tpu.memory_space<vmem>>[vector<16xi32>, vector<16xi32>], vector<16xf32>,
      %add3A_522 = arith.addf %gather3A_518, %gather3A_521 : vector<16xf32>
      %mul3A_523 = arith.constant 2.000000e-01 : f32
      %mul3A_524 = vector.broadcast %mul3A_523 : f32 to vector<16xf32>
      %mul3A_525 = arith.mulf %mul3A_524, %add3A_522 : vector<16xf32>
      %max3A_526 = arith.maximumf %add3A_522, %mul3A_525 : vector<16xf32>
      %exp3A_527 = math.exp %max3A_526 : vector<16xf32>
      %broadcast_in_dim3A_528 = arith.constant 0 : i32
      %broadcast_in_dim3A_529 = vector.broadcast %broadcast_in_dim3A_528 : i32 to vector<16xi32>
      tpu.vector_store_idx %arg11[%add3A_515, %broadcast_in_dim3A_529], %exp3A_527 : memref<400x16xf32, #tpu.memory_space<vmem>>[vector<16xi32>, vector<16xi32>], vector<16xf32>,
      %broadcast_in_dim3A_530 = arith.constant 1 : i32
      %broadcast_in_dim3A_531 = vector.broadcast %broadcast_in_dim3A_530 : i32 to vector<16xi32>
      %gather3A_532 = tpu.vector_load_idx %arg12[%add3A_515, %broadcast_in_dim3A_531] : memref<400x16xf32, #tpu.memory_space<vmem>>[vector<16xi32>, vector<16xi32>], vector<16xf32>,
      %broadcast_in_dim3A_533 = arith.constant 3 : i32
      %broadcast_in_dim3A_534 = vector.broadcast %broadcast_in_dim3A_533 : i32 to vector<16xi32>
      %gather3A_535 = tpu.vector_load_idx %arg13[%add3A_515, %broadcast_in_dim3A_534] : memref<400x16xf32, #tpu.memory_space<vmem>>[vector<16xi32>, vector<16xi32>], vector<16xf32>,
      %add3A_536 = arith.addf %gather3A_532, %gather3A_535 : vector<16xf32>
      %mul3A_537 = arith.constant 2.000000e-01 : f32
      %mul3A_538 = vector.broadcast %mul3A_537 : f32 to vector<16xf32>
      %mul3A_539 = arith.mulf %mul3A_538, %add3A_536 : vector<16xf32>
      %max3A_540 = arith.maximumf %add3A_536, %mul3A_539 : vector<16xf32>
      %exp3A_541 = math.exp %max3A_540 : vector<16xf32>
      %broadcast_in_dim3A_542 = arith.constant 1 : i32
      %broadcast_in_dim3A_543 = vector.broadcast %broadcast_in_dim3A_542 : i32 to vector<16xi32>
      tpu.vector_store_idx %arg11[%add3A_515, %broadcast_in_dim3A_543], %exp3A_541 : memref<400x16xf32, #tpu.memory_space<vmem>>[vector<16xi32>, vector<16xi32>], vector<16xf32>,
      %add3A_544 = arith.constant 256 : i32
      %add3A_545 = vector.broadcast %add3A_544 : i32 to vector<16xi32>
      %add3A_546 = arith.addi %add3A_545, %iota3A : vector<16xi32>
      %broadcast_in_dim3A_547 = arith.constant 0 : i32
      %broadcast_in_dim3A_548 = vector.broadcast %broadcast_in_dim3A_547 : i32 to vector<16xi32>
      %gather3A_549 = tpu.vector_load_idx %arg12[%add3A_546, %broadcast_in_dim3A_548] : memref<400x16xf32, #tpu.memory_space<vmem>>[vector<16xi32>, vector<16xi32>], vector<16xf32>,
      %broadcast_in_dim3A_550 = arith.constant 2 : i32
      %broadcast_in_dim3A_551 = vector.broadcast %broadcast_in_dim3A_550 : i32 to vector<16xi32>
      %gather3A_552 = tpu.vector_load_idx %arg13[%add3A_546, %broadcast_in_dim3A_551] : memref<400x16xf32, #tpu.memory_space<vmem>>[vector<16xi32>, vector<16xi32>], vector<16xf32>,
      %add3A_553 = arith.addf %gather3A_549, %gather3A_552 : vector<16xf32>
      %mul3A_554 = arith.constant 2.000000e-01 : f32
      %mul3A_555 = vector.broadcast %mul3A_554 : f32 to vector<16xf32>
      %mul3A_556 = arith.mulf %mul3A_555, %add3A_553 : vector<16xf32>
      %max3A_557 = arith.maximumf %add3A_553, %mul3A_556 : vector<16xf32>
      %exp3A_558 = math.exp %max3A_557 : vector<16xf32>
      %broadcast_in_dim3A_559 = arith.constant 0 : i32
      %broadcast_in_dim3A_560 = vector.broadcast %broadcast_in_dim3A_559 : i32 to vector<16xi32>
      tpu.vector_store_idx %arg11[%add3A_546, %broadcast_in_dim3A_560], %exp3A_558 : memref<400x16xf32, #tpu.memory_space<vmem>>[vector<16xi32>, vector<16xi32>], vector<16xf32>,
      %broadcast_in_dim3A_561 = arith.constant 1 : i32
      %broadcast_in_dim3A_562 = vector.broadcast %broadcast_in_dim3A_561 : i32 to vector<16xi32>
      %gather3A_563 = tpu.vector_load_idx %arg12[%add3A_546, %broadcast_in_dim3A_562] : memref<400x16xf32, #tpu.memory_space<vmem>>[vector<16xi32>, vector<16xi32>], vector<16xf32>,
      %broadcast_in_dim3A_564 = arith.constant 3 : i32
      %broadcast_in_dim3A_565 = vector.broadcast %broadcast_in_dim3A_564 : i32 to vector<16xi32>
      %gather3A_566 = tpu.vector_load_idx %arg13[%add3A_546, %broadcast_in_dim3A_565] : memref<400x16xf32, #tpu.memory_space<vmem>>[vector<16xi32>, vector<16xi32>], vector<16xf32>,
      %add3A_567 = arith.addf %gather3A_563, %gather3A_566 : vector<16xf32>
      %mul3A_568 = arith.constant 2.000000e-01 : f32
      %mul3A_569 = vector.broadcast %mul3A_568 : f32 to vector<16xf32>
      %mul3A_570 = arith.mulf %mul3A_569, %add3A_567 : vector<16xf32>
      %max3A_571 = arith.maximumf %add3A_567, %mul3A_570 : vector<16xf32>
      %exp3A_572 = math.exp %max3A_571 : vector<16xf32>
      %broadcast_in_dim3A_573 = arith.constant 1 : i32
      %broadcast_in_dim3A_574 = vector.broadcast %broadcast_in_dim3A_573 : i32 to vector<16xi32>
      tpu.vector_store_idx %arg11[%add3A_546, %broadcast_in_dim3A_574], %exp3A_572 : memref<400x16xf32, #tpu.memory_space<vmem>>[vector<16xi32>, vector<16xi32>], vector<16xf32>,
      %add3A_575 = arith.constant 272 : i32
      %add3A_576 = vector.broadcast %add3A_575 : i32 to vector<16xi32>
      %add3A_577 = arith.addi %add3A_576, %iota3A : vector<16xi32>
      %broadcast_in_dim3A_578 = arith.constant 0 : i32
      %broadcast_in_dim3A_579 = vector.broadcast %broadcast_in_dim3A_578 : i32 to vector<16xi32>
      %gather3A_580 = tpu.vector_load_idx %arg12[%add3A_577, %broadcast_in_dim3A_579] : memref<400x16xf32, #tpu.memory_space<vmem>>[vector<16xi32>, vector<16xi32>], vector<16xf32>,
      %broadcast_in_dim3A_581 = arith.constant 2 : i32
      %broadcast_in_dim3A_582 = vector.broadcast %broadcast_in_dim3A_581 : i32 to vector<16xi32>
      %gather3A_583 = tpu.vector_load_idx %arg13[%add3A_577, %broadcast_in_dim3A_582] : memref<400x16xf32, #tpu.memory_space<vmem>>[vector<16xi32>, vector<16xi32>], vector<16xf32>,
      %add3A_584 = arith.addf %gather3A_580, %gather3A_583 : vector<16xf32>
      %mul3A_585 = arith.constant 2.000000e-01 : f32
      %mul3A_586 = vector.broadcast %mul3A_585 : f32 to vector<16xf32>
      %mul3A_587 = arith.mulf %mul3A_586, %add3A_584 : vector<16xf32>
      %max3A_588 = arith.maximumf %add3A_584, %mul3A_587 : vector<16xf32>
      %exp3A_589 = math.exp %max3A_588 : vector<16xf32>
      %broadcast_in_dim3A_590 = arith.constant 0 : i32
      %broadcast_in_dim3A_591 = vector.broadcast %broadcast_in_dim3A_590 : i32 to vector<16xi32>
      tpu.vector_store_idx %arg11[%add3A_577, %broadcast_in_dim3A_591], %exp3A_589 : memref<400x16xf32, #tpu.memory_space<vmem>>[vector<16xi32>, vector<16xi32>], vector<16xf32>,
      %broadcast_in_dim3A_592 = arith.constant 1 : i32
      %broadcast_in_dim3A_593 = vector.broadcast %broadcast_in_dim3A_592 : i32 to vector<16xi32>
      %gather3A_594 = tpu.vector_load_idx %arg12[%add3A_577, %broadcast_in_dim3A_593] : memref<400x16xf32, #tpu.memory_space<vmem>>[vector<16xi32>, vector<16xi32>], vector<16xf32>,
      %broadcast_in_dim3A_595 = arith.constant 3 : i32
      %broadcast_in_dim3A_596 = vector.broadcast %broadcast_in_dim3A_595 : i32 to vector<16xi32>
      %gather3A_597 = tpu.vector_load_idx %arg13[%add3A_577, %broadcast_in_dim3A_596] : memref<400x16xf32, #tpu.memory_space<vmem>>[vector<16xi32>, vector<16xi32>], vector<16xf32>,
      %add3A_598 = arith.addf %gather3A_594, %gather3A_597 : vector<16xf32>
      %mul3A_599 = arith.constant 2.000000e-01 : f32
      %mul3A_600 = vector.broadcast %mul3A_599 : f32 to vector<16xf32>
      %mul3A_601 = arith.mulf %mul3A_600, %add3A_598 : vector<16xf32>
      %max3A_602 = arith.maximumf %add3A_598, %mul3A_601 : vector<16xf32>
      %exp3A_603 = math.exp %max3A_602 : vector<16xf32>
      %broadcast_in_dim3A_604 = arith.constant 1 : i32
      %broadcast_in_dim3A_605 = vector.broadcast %broadcast_in_dim3A_604 : i32 to vector<16xi32>
      tpu.vector_store_idx %arg11[%add3A_577, %broadcast_in_dim3A_605], %exp3A_603 : memref<400x16xf32, #tpu.memory_space<vmem>>[vector<16xi32>, vector<16xi32>], vector<16xf32>,
      %add3A_606 = arith.constant 288 : i32
      %add3A_607 = vector.broadcast %add3A_606 : i32 to vector<16xi32>
      %add3A_608 = arith.addi %add3A_607, %iota3A : vector<16xi32>
      %broadcast_in_dim3A_609 = arith.constant 0 : i32
      %broadcast_in_dim3A_610 = vector.broadcast %broadcast_in_dim3A_609 : i32 to vector<16xi32>
      %gather3A_611 = tpu.vector_load_idx %arg12[%add3A_608, %broadcast_in_dim3A_610] : memref<400x16xf32, #tpu.memory_space<vmem>>[vector<16xi32>, vector<16xi32>], vector<16xf32>,
      %broadcast_in_dim3A_612 = arith.constant 2 : i32
      %broadcast_in_dim3A_613 = vector.broadcast %broadcast_in_dim3A_612 : i32 to vector<16xi32>
      %gather3A_614 = tpu.vector_load_idx %arg13[%add3A_608, %broadcast_in_dim3A_613] : memref<400x16xf32, #tpu.memory_space<vmem>>[vector<16xi32>, vector<16xi32>], vector<16xf32>,
      %add3A_615 = arith.addf %gather3A_611, %gather3A_614 : vector<16xf32>
      %mul3A_616 = arith.constant 2.000000e-01 : f32
      %mul3A_617 = vector.broadcast %mul3A_616 : f32 to vector<16xf32>
      %mul3A_618 = arith.mulf %mul3A_617, %add3A_615 : vector<16xf32>
      %max3A_619 = arith.maximumf %add3A_615, %mul3A_618 : vector<16xf32>
      %exp3A_620 = math.exp %max3A_619 : vector<16xf32>
      %broadcast_in_dim3A_621 = arith.constant 0 : i32
      %broadcast_in_dim3A_622 = vector.broadcast %broadcast_in_dim3A_621 : i32 to vector<16xi32>
      tpu.vector_store_idx %arg11[%add3A_608, %broadcast_in_dim3A_622], %exp3A_620 : memref<400x16xf32, #tpu.memory_space<vmem>>[vector<16xi32>, vector<16xi32>], vector<16xf32>,
      %broadcast_in_dim3A_623 = arith.constant 1 : i32
      %broadcast_in_dim3A_624 = vector.broadcast %broadcast_in_dim3A_623 : i32 to vector<16xi32>
      %gather3A_625 = tpu.vector_load_idx %arg12[%add3A_608, %broadcast_in_dim3A_624] : memref<400x16xf32, #tpu.memory_space<vmem>>[vector<16xi32>, vector<16xi32>], vector<16xf32>,
      %broadcast_in_dim3A_626 = arith.constant 3 : i32
      %broadcast_in_dim3A_627 = vector.broadcast %broadcast_in_dim3A_626 : i32 to vector<16xi32>
      %gather3A_628 = tpu.vector_load_idx %arg13[%add3A_608, %broadcast_in_dim3A_627] : memref<400x16xf32, #tpu.memory_space<vmem>>[vector<16xi32>, vector<16xi32>], vector<16xf32>,
      %add3A_629 = arith.addf %gather3A_625, %gather3A_628 : vector<16xf32>
      %mul3A_630 = arith.constant 2.000000e-01 : f32
      %mul3A_631 = vector.broadcast %mul3A_630 : f32 to vector<16xf32>
      %mul3A_632 = arith.mulf %mul3A_631, %add3A_629 : vector<16xf32>
      %max3A_633 = arith.maximumf %add3A_629, %mul3A_632 : vector<16xf32>
      %exp3A_634 = math.exp %max3A_633 : vector<16xf32>
      %broadcast_in_dim3A_635 = arith.constant 1 : i32
      %broadcast_in_dim3A_636 = vector.broadcast %broadcast_in_dim3A_635 : i32 to vector<16xi32>
      tpu.vector_store_idx %arg11[%add3A_608, %broadcast_in_dim3A_636], %exp3A_634 : memref<400x16xf32, #tpu.memory_space<vmem>>[vector<16xi32>, vector<16xi32>], vector<16xf32>,
      %add3A_637 = arith.constant 304 : i32
      %add3A_638 = vector.broadcast %add3A_637 : i32 to vector<16xi32>
      %add3A_639 = arith.addi %add3A_638, %iota3A : vector<16xi32>
      %broadcast_in_dim3A_640 = arith.constant 0 : i32
      %broadcast_in_dim3A_641 = vector.broadcast %broadcast_in_dim3A_640 : i32 to vector<16xi32>
      %gather3A_642 = tpu.vector_load_idx %arg12[%add3A_639, %broadcast_in_dim3A_641] : memref<400x16xf32, #tpu.memory_space<vmem>>[vector<16xi32>, vector<16xi32>], vector<16xf32>,
      %broadcast_in_dim3A_643 = arith.constant 2 : i32
      %broadcast_in_dim3A_644 = vector.broadcast %broadcast_in_dim3A_643 : i32 to vector<16xi32>
      %gather3A_645 = tpu.vector_load_idx %arg13[%add3A_639, %broadcast_in_dim3A_644] : memref<400x16xf32, #tpu.memory_space<vmem>>[vector<16xi32>, vector<16xi32>], vector<16xf32>,
      %add3A_646 = arith.addf %gather3A_642, %gather3A_645 : vector<16xf32>
      %mul3A_647 = arith.constant 2.000000e-01 : f32
      %mul3A_648 = vector.broadcast %mul3A_647 : f32 to vector<16xf32>
      %mul3A_649 = arith.mulf %mul3A_648, %add3A_646 : vector<16xf32>
      %max3A_650 = arith.maximumf %add3A_646, %mul3A_649 : vector<16xf32>
      %exp3A_651 = math.exp %max3A_650 : vector<16xf32>
      %broadcast_in_dim3A_652 = arith.constant 0 : i32
      %broadcast_in_dim3A_653 = vector.broadcast %broadcast_in_dim3A_652 : i32 to vector<16xi32>
      tpu.vector_store_idx %arg11[%add3A_639, %broadcast_in_dim3A_653], %exp3A_651 : memref<400x16xf32, #tpu.memory_space<vmem>>[vector<16xi32>, vector<16xi32>], vector<16xf32>,
      %broadcast_in_dim3A_654 = arith.constant 1 : i32
      %broadcast_in_dim3A_655 = vector.broadcast %broadcast_in_dim3A_654 : i32 to vector<16xi32>
      %gather3A_656 = tpu.vector_load_idx %arg12[%add3A_639, %broadcast_in_dim3A_655] : memref<400x16xf32, #tpu.memory_space<vmem>>[vector<16xi32>, vector<16xi32>], vector<16xf32>,
      %broadcast_in_dim3A_657 = arith.constant 3 : i32
      %broadcast_in_dim3A_658 = vector.broadcast %broadcast_in_dim3A_657 : i32 to vector<16xi32>
      %gather3A_659 = tpu.vector_load_idx %arg13[%add3A_639, %broadcast_in_dim3A_658] : memref<400x16xf32, #tpu.memory_space<vmem>>[vector<16xi32>, vector<16xi32>], vector<16xf32>,
      %add3A_660 = arith.addf %gather3A_656, %gather3A_659 : vector<16xf32>
      %mul3A_661 = arith.constant 2.000000e-01 : f32
      %mul3A_662 = vector.broadcast %mul3A_661 : f32 to vector<16xf32>
      %mul3A_663 = arith.mulf %mul3A_662, %add3A_660 : vector<16xf32>
      %max3A_664 = arith.maximumf %add3A_660, %mul3A_663 : vector<16xf32>
      %exp3A_665 = math.exp %max3A_664 : vector<16xf32>
      %broadcast_in_dim3A_666 = arith.constant 1 : i32
      %broadcast_in_dim3A_667 = vector.broadcast %broadcast_in_dim3A_666 : i32 to vector<16xi32>
      tpu.vector_store_idx %arg11[%add3A_639, %broadcast_in_dim3A_667], %exp3A_665 : memref<400x16xf32, #tpu.memory_space<vmem>>[vector<16xi32>, vector<16xi32>], vector<16xf32>,
      %add3A_668 = arith.constant 320 : i32
      %add3A_669 = vector.broadcast %add3A_668 : i32 to vector<16xi32>
      %add3A_670 = arith.addi %add3A_669, %iota3A : vector<16xi32>
      %broadcast_in_dim3A_671 = arith.constant 0 : i32
      %broadcast_in_dim3A_672 = vector.broadcast %broadcast_in_dim3A_671 : i32 to vector<16xi32>
      %gather3A_673 = tpu.vector_load_idx %arg12[%add3A_670, %broadcast_in_dim3A_672] : memref<400x16xf32, #tpu.memory_space<vmem>>[vector<16xi32>, vector<16xi32>], vector<16xf32>,
      %broadcast_in_dim3A_674 = arith.constant 2 : i32
      %broadcast_in_dim3A_675 = vector.broadcast %broadcast_in_dim3A_674 : i32 to vector<16xi32>
      %gather3A_676 = tpu.vector_load_idx %arg13[%add3A_670, %broadcast_in_dim3A_675] : memref<400x16xf32, #tpu.memory_space<vmem>>[vector<16xi32>, vector<16xi32>], vector<16xf32>,
      %add3A_677 = arith.addf %gather3A_673, %gather3A_676 : vector<16xf32>
      %mul3A_678 = arith.constant 2.000000e-01 : f32
      %mul3A_679 = vector.broadcast %mul3A_678 : f32 to vector<16xf32>
      %mul3A_680 = arith.mulf %mul3A_679, %add3A_677 : vector<16xf32>
      %max3A_681 = arith.maximumf %add3A_677, %mul3A_680 : vector<16xf32>
      %exp3A_682 = math.exp %max3A_681 : vector<16xf32>
      %broadcast_in_dim3A_683 = arith.constant 0 : i32
      %broadcast_in_dim3A_684 = vector.broadcast %broadcast_in_dim3A_683 : i32 to vector<16xi32>
      tpu.vector_store_idx %arg11[%add3A_670, %broadcast_in_dim3A_684], %exp3A_682 : memref<400x16xf32, #tpu.memory_space<vmem>>[vector<16xi32>, vector<16xi32>], vector<16xf32>,
      %broadcast_in_dim3A_685 = arith.constant 1 : i32
      %broadcast_in_dim3A_686 = vector.broadcast %broadcast_in_dim3A_685 : i32 to vector<16xi32>
      %gather3A_687 = tpu.vector_load_idx %arg12[%add3A_670, %broadcast_in_dim3A_686] : memref<400x16xf32, #tpu.memory_space<vmem>>[vector<16xi32>, vector<16xi32>], vector<16xf32>,
      %broadcast_in_dim3A_688 = arith.constant 3 : i32
      %broadcast_in_dim3A_689 = vector.broadcast %broadcast_in_dim3A_688 : i32 to vector<16xi32>
      %gather3A_690 = tpu.vector_load_idx %arg13[%add3A_670, %broadcast_in_dim3A_689] : memref<400x16xf32, #tpu.memory_space<vmem>>[vector<16xi32>, vector<16xi32>], vector<16xf32>,
      %add3A_691 = arith.addf %gather3A_687, %gather3A_690 : vector<16xf32>
      %mul3A_692 = arith.constant 2.000000e-01 : f32
      %mul3A_693 = vector.broadcast %mul3A_692 : f32 to vector<16xf32>
      %mul3A_694 = arith.mulf %mul3A_693, %add3A_691 : vector<16xf32>
      %max3A_695 = arith.maximumf %add3A_691, %mul3A_694 : vector<16xf32>
      %exp3A_696 = math.exp %max3A_695 : vector<16xf32>
      %broadcast_in_dim3A_697 = arith.constant 1 : i32
      %broadcast_in_dim3A_698 = vector.broadcast %broadcast_in_dim3A_697 : i32 to vector<16xi32>
      tpu.vector_store_idx %arg11[%add3A_670, %broadcast_in_dim3A_698], %exp3A_696 : memref<400x16xf32, #tpu.memory_space<vmem>>[vector<16xi32>, vector<16xi32>], vector<16xf32>,
      %add3A_699 = arith.constant 336 : i32
      %add3A_700 = vector.broadcast %add3A_699 : i32 to vector<16xi32>
      %add3A_701 = arith.addi %add3A_700, %iota3A : vector<16xi32>
      %broadcast_in_dim3A_702 = arith.constant 0 : i32
      %broadcast_in_dim3A_703 = vector.broadcast %broadcast_in_dim3A_702 : i32 to vector<16xi32>
      %gather3A_704 = tpu.vector_load_idx %arg12[%add3A_701, %broadcast_in_dim3A_703] : memref<400x16xf32, #tpu.memory_space<vmem>>[vector<16xi32>, vector<16xi32>], vector<16xf32>,
      %broadcast_in_dim3A_705 = arith.constant 2 : i32
      %broadcast_in_dim3A_706 = vector.broadcast %broadcast_in_dim3A_705 : i32 to vector<16xi32>
      %gather3A_707 = tpu.vector_load_idx %arg13[%add3A_701, %broadcast_in_dim3A_706] : memref<400x16xf32, #tpu.memory_space<vmem>>[vector<16xi32>, vector<16xi32>], vector<16xf32>,
      %add3A_708 = arith.addf %gather3A_704, %gather3A_707 : vector<16xf32>
      %mul3A_709 = arith.constant 2.000000e-01 : f32
      %mul3A_710 = vector.broadcast %mul3A_709 : f32 to vector<16xf32>
      %mul3A_711 = arith.mulf %mul3A_710, %add3A_708 : vector<16xf32>
      %max3A_712 = arith.maximumf %add3A_708, %mul3A_711 : vector<16xf32>
      %exp3A_713 = math.exp %max3A_712 : vector<16xf32>
      %broadcast_in_dim3A_714 = arith.constant 0 : i32
      %broadcast_in_dim3A_715 = vector.broadcast %broadcast_in_dim3A_714 : i32 to vector<16xi32>
      tpu.vector_store_idx %arg11[%add3A_701, %broadcast_in_dim3A_715], %exp3A_713 : memref<400x16xf32, #tpu.memory_space<vmem>>[vector<16xi32>, vector<16xi32>], vector<16xf32>,
      %broadcast_in_dim3A_716 = arith.constant 1 : i32
      %broadcast_in_dim3A_717 = vector.broadcast %broadcast_in_dim3A_716 : i32 to vector<16xi32>
      %gather3A_718 = tpu.vector_load_idx %arg12[%add3A_701, %broadcast_in_dim3A_717] : memref<400x16xf32, #tpu.memory_space<vmem>>[vector<16xi32>, vector<16xi32>], vector<16xf32>,
      %broadcast_in_dim3A_719 = arith.constant 3 : i32
      %broadcast_in_dim3A_720 = vector.broadcast %broadcast_in_dim3A_719 : i32 to vector<16xi32>
      %gather3A_721 = tpu.vector_load_idx %arg13[%add3A_701, %broadcast_in_dim3A_720] : memref<400x16xf32, #tpu.memory_space<vmem>>[vector<16xi32>, vector<16xi32>], vector<16xf32>,
      %add3A_722 = arith.addf %gather3A_718, %gather3A_721 : vector<16xf32>
      %mul3A_723 = arith.constant 2.000000e-01 : f32
      %mul3A_724 = vector.broadcast %mul3A_723 : f32 to vector<16xf32>
      %mul3A_725 = arith.mulf %mul3A_724, %add3A_722 : vector<16xf32>
      %max3A_726 = arith.maximumf %add3A_722, %mul3A_725 : vector<16xf32>
      %exp3A_727 = math.exp %max3A_726 : vector<16xf32>
      %broadcast_in_dim3A_728 = arith.constant 1 : i32
      %broadcast_in_dim3A_729 = vector.broadcast %broadcast_in_dim3A_728 : i32 to vector<16xi32>
      tpu.vector_store_idx %arg11[%add3A_701, %broadcast_in_dim3A_729], %exp3A_727 : memref<400x16xf32, #tpu.memory_space<vmem>>[vector<16xi32>, vector<16xi32>], vector<16xf32>,
      %add3A_730 = arith.constant 352 : i32
      %add3A_731 = vector.broadcast %add3A_730 : i32 to vector<16xi32>
      %add3A_732 = arith.addi %add3A_731, %iota3A : vector<16xi32>
      %broadcast_in_dim3A_733 = arith.constant 0 : i32
      %broadcast_in_dim3A_734 = vector.broadcast %broadcast_in_dim3A_733 : i32 to vector<16xi32>
      %gather3A_735 = tpu.vector_load_idx %arg12[%add3A_732, %broadcast_in_dim3A_734] : memref<400x16xf32, #tpu.memory_space<vmem>>[vector<16xi32>, vector<16xi32>], vector<16xf32>,
      %broadcast_in_dim3A_736 = arith.constant 2 : i32
      %broadcast_in_dim3A_737 = vector.broadcast %broadcast_in_dim3A_736 : i32 to vector<16xi32>
      %gather3A_738 = tpu.vector_load_idx %arg13[%add3A_732, %broadcast_in_dim3A_737] : memref<400x16xf32, #tpu.memory_space<vmem>>[vector<16xi32>, vector<16xi32>], vector<16xf32>,
      %add3A_739 = arith.addf %gather3A_735, %gather3A_738 : vector<16xf32>
      %mul3A_740 = arith.constant 2.000000e-01 : f32
      %mul3A_741 = vector.broadcast %mul3A_740 : f32 to vector<16xf32>
      %mul3A_742 = arith.mulf %mul3A_741, %add3A_739 : vector<16xf32>
      %max3A_743 = arith.maximumf %add3A_739, %mul3A_742 : vector<16xf32>
      %exp3A_744 = math.exp %max3A_743 : vector<16xf32>
      %broadcast_in_dim3A_745 = arith.constant 0 : i32
      %broadcast_in_dim3A_746 = vector.broadcast %broadcast_in_dim3A_745 : i32 to vector<16xi32>
      tpu.vector_store_idx %arg11[%add3A_732, %broadcast_in_dim3A_746], %exp3A_744 : memref<400x16xf32, #tpu.memory_space<vmem>>[vector<16xi32>, vector<16xi32>], vector<16xf32>,
      %broadcast_in_dim3A_747 = arith.constant 1 : i32
      %broadcast_in_dim3A_748 = vector.broadcast %broadcast_in_dim3A_747 : i32 to vector<16xi32>
      %gather3A_749 = tpu.vector_load_idx %arg12[%add3A_732, %broadcast_in_dim3A_748] : memref<400x16xf32, #tpu.memory_space<vmem>>[vector<16xi32>, vector<16xi32>], vector<16xf32>,
      %broadcast_in_dim3A_750 = arith.constant 3 : i32
      %broadcast_in_dim3A_751 = vector.broadcast %broadcast_in_dim3A_750 : i32 to vector<16xi32>
      %gather3A_752 = tpu.vector_load_idx %arg13[%add3A_732, %broadcast_in_dim3A_751] : memref<400x16xf32, #tpu.memory_space<vmem>>[vector<16xi32>, vector<16xi32>], vector<16xf32>,
      %add3A_753 = arith.addf %gather3A_749, %gather3A_752 : vector<16xf32>
      %mul3A_754 = arith.constant 2.000000e-01 : f32
      %mul3A_755 = vector.broadcast %mul3A_754 : f32 to vector<16xf32>
      %mul3A_756 = arith.mulf %mul3A_755, %add3A_753 : vector<16xf32>
      %max3A_757 = arith.maximumf %add3A_753, %mul3A_756 : vector<16xf32>
      %exp3A_758 = math.exp %max3A_757 : vector<16xf32>
      %broadcast_in_dim3A_759 = arith.constant 1 : i32
      %broadcast_in_dim3A_760 = vector.broadcast %broadcast_in_dim3A_759 : i32 to vector<16xi32>
      tpu.vector_store_idx %arg11[%add3A_732, %broadcast_in_dim3A_760], %exp3A_758 : memref<400x16xf32, #tpu.memory_space<vmem>>[vector<16xi32>, vector<16xi32>], vector<16xf32>,
      %add3A_761 = arith.constant 368 : i32
      %add3A_762 = vector.broadcast %add3A_761 : i32 to vector<16xi32>
      %add3A_763 = arith.addi %add3A_762, %iota3A : vector<16xi32>
      %broadcast_in_dim3A_764 = arith.constant 0 : i32
      %broadcast_in_dim3A_765 = vector.broadcast %broadcast_in_dim3A_764 : i32 to vector<16xi32>
      %gather3A_766 = tpu.vector_load_idx %arg12[%add3A_763, %broadcast_in_dim3A_765] : memref<400x16xf32, #tpu.memory_space<vmem>>[vector<16xi32>, vector<16xi32>], vector<16xf32>,
      %broadcast_in_dim3A_767 = arith.constant 2 : i32
      %broadcast_in_dim3A_768 = vector.broadcast %broadcast_in_dim3A_767 : i32 to vector<16xi32>
      %gather3A_769 = tpu.vector_load_idx %arg13[%add3A_763, %broadcast_in_dim3A_768] : memref<400x16xf32, #tpu.memory_space<vmem>>[vector<16xi32>, vector<16xi32>], vector<16xf32>,
      %add3A_770 = arith.addf %gather3A_766, %gather3A_769 : vector<16xf32>
      %mul3A_771 = arith.constant 2.000000e-01 : f32
      %mul3A_772 = vector.broadcast %mul3A_771 : f32 to vector<16xf32>
      %mul3A_773 = arith.mulf %mul3A_772, %add3A_770 : vector<16xf32>
      %max3A_774 = arith.maximumf %add3A_770, %mul3A_773 : vector<16xf32>
      %exp3A_775 = math.exp %max3A_774 : vector<16xf32>
      %broadcast_in_dim3A_776 = arith.constant 0 : i32
      %broadcast_in_dim3A_777 = vector.broadcast %broadcast_in_dim3A_776 : i32 to vector<16xi32>
      tpu.vector_store_idx %arg11[%add3A_763, %broadcast_in_dim3A_777], %exp3A_775 : memref<400x16xf32, #tpu.memory_space<vmem>>[vector<16xi32>, vector<16xi32>], vector<16xf32>,
      %broadcast_in_dim3A_778 = arith.constant 1 : i32
      %broadcast_in_dim3A_779 = vector.broadcast %broadcast_in_dim3A_778 : i32 to vector<16xi32>
      %gather3A_780 = tpu.vector_load_idx %arg12[%add3A_763, %broadcast_in_dim3A_779] : memref<400x16xf32, #tpu.memory_space<vmem>>[vector<16xi32>, vector<16xi32>], vector<16xf32>,
      %broadcast_in_dim3A_781 = arith.constant 3 : i32
      %broadcast_in_dim3A_782 = vector.broadcast %broadcast_in_dim3A_781 : i32 to vector<16xi32>
      %gather3A_783 = tpu.vector_load_idx %arg13[%add3A_763, %broadcast_in_dim3A_782] : memref<400x16xf32, #tpu.memory_space<vmem>>[vector<16xi32>, vector<16xi32>], vector<16xf32>,
      %add3A_784 = arith.addf %gather3A_780, %gather3A_783 : vector<16xf32>
      %mul3A_785 = arith.constant 2.000000e-01 : f32
      %mul3A_786 = vector.broadcast %mul3A_785 : f32 to vector<16xf32>
      %mul3A_787 = arith.mulf %mul3A_786, %add3A_784 : vector<16xf32>
      %max3A_788 = arith.maximumf %add3A_784, %mul3A_787 : vector<16xf32>
      %exp3A_789 = math.exp %max3A_788 : vector<16xf32>
      %broadcast_in_dim3A_790 = arith.constant 1 : i32
      %broadcast_in_dim3A_791 = vector.broadcast %broadcast_in_dim3A_790 : i32 to vector<16xi32>
      tpu.vector_store_idx %arg11[%add3A_763, %broadcast_in_dim3A_791], %exp3A_789 : memref<400x16xf32, #tpu.memory_space<vmem>>[vector<16xi32>, vector<16xi32>], vector<16xf32>,
      %add3A_792 = arith.constant 384 : i32
      %add3A_793 = vector.broadcast %add3A_792 : i32 to vector<16xi32>
      %add3A_794 = arith.addi %add3A_793, %iota3A : vector<16xi32>
      %broadcast_in_dim3A_795 = arith.constant 0 : i32
      %broadcast_in_dim3A_796 = vector.broadcast %broadcast_in_dim3A_795 : i32 to vector<16xi32>
      %gather3A_797 = tpu.vector_load_idx %arg12[%add3A_794, %broadcast_in_dim3A_796] : memref<400x16xf32, #tpu.memory_space<vmem>>[vector<16xi32>, vector<16xi32>], vector<16xf32>,
      %broadcast_in_dim3A_798 = arith.constant 2 : i32
      %broadcast_in_dim3A_799 = vector.broadcast %broadcast_in_dim3A_798 : i32 to vector<16xi32>
      %gather3A_800 = tpu.vector_load_idx %arg13[%add3A_794, %broadcast_in_dim3A_799] : memref<400x16xf32, #tpu.memory_space<vmem>>[vector<16xi32>, vector<16xi32>], vector<16xf32>,
      %add3A_801 = arith.addf %gather3A_797, %gather3A_800 : vector<16xf32>
      %mul3A_802 = arith.constant 2.000000e-01 : f32
      %mul3A_803 = vector.broadcast %mul3A_802 : f32 to vector<16xf32>
      %mul3A_804 = arith.mulf %mul3A_803, %add3A_801 : vector<16xf32>
      %max3A_805 = arith.maximumf %add3A_801, %mul3A_804 : vector<16xf32>
      %exp3A_806 = math.exp %max3A_805 : vector<16xf32>
      %broadcast_in_dim3A_807 = arith.constant 0 : i32
      %broadcast_in_dim3A_808 = vector.broadcast %broadcast_in_dim3A_807 : i32 to vector<16xi32>
      tpu.vector_store_idx %arg11[%add3A_794, %broadcast_in_dim3A_808], %exp3A_806 : memref<400x16xf32, #tpu.memory_space<vmem>>[vector<16xi32>, vector<16xi32>], vector<16xf32>,
      %broadcast_in_dim3A_809 = arith.constant 1 : i32
      %broadcast_in_dim3A_810 = vector.broadcast %broadcast_in_dim3A_809 : i32 to vector<16xi32>
      %gather3A_811 = tpu.vector_load_idx %arg12[%add3A_794, %broadcast_in_dim3A_810] : memref<400x16xf32, #tpu.memory_space<vmem>>[vector<16xi32>, vector<16xi32>], vector<16xf32>,
      %broadcast_in_dim3A_812 = arith.constant 3 : i32
      %broadcast_in_dim3A_813 = vector.broadcast %broadcast_in_dim3A_812 : i32 to vector<16xi32>
      %gather3A_814 = tpu.vector_load_idx %arg13[%add3A_794, %broadcast_in_dim3A_813] : memref<400x16xf32, #tpu.memory_space<vmem>>[vector<16xi32>, vector<16xi32>], vector<16xf32>,
      %add3A_815 = arith.addf %gather3A_811, %gather3A_814 : vector<16xf32>
      %mul3A_816 = arith.constant 2.000000e-01 : f32
      %mul3A_817 = vector.broadcast %mul3A_816 : f32 to vector<16xf32>
      %mul3A_818 = arith.mulf %mul3A_817, %add3A_815 : vector<16xf32>
      %max3A_819 = arith.maximumf %add3A_815, %mul3A_818 : vector<16xf32>
      %exp3A_820 = math.exp %max3A_819 : vector<16xf32>
      %broadcast_in_dim3A_821 = arith.constant 1 : i32
      %broadcast_in_dim3A_822 = vector.broadcast %broadcast_in_dim3A_821 : i32 to vector<16xi32>
      tpu.vector_store_idx %arg11[%add3A_794, %broadcast_in_dim3A_822], %exp3A_820 : memref<400x16xf32, #tpu.memory_space<vmem>>[vector<16xi32>, vector<16xi32>], vector<16xf32>,
      %dma_wait3A_823 = arith.constant 0 : i32
      %dma_wait3A_824 = arith.constant 0 : i32
      %dma_wait3A_825 = tpu.memref_slice %arg4[%dma_wait3A_823, %dma_wait3A_824] : memref<10000x64xf32, #tpu.memory_space<hbm>> -> memref<10000x64xf32, #tpu.memory_space<hbm>>
      tpu.wait_indirect_dma semaphore(%arg16 : memref<!tpu.dma_semaphore, #tpu.memory_space<semaphore_mem>>) src(%dma_wait3A_825 : memref<10000x64xf32, #tpu.memory_space<hbm>>) dst(%arg10 : memref<400x64xf32, #tpu.memory_space<vmem>>)
      %parallel_loop3A = arith.constant 0 : i32
      %parallel_loop3A_826 = arith.constant 400 : i32
      %parallel_loop3A_827 = arith.constant 1 : i32
      scf.for %parallel_loop3A_828 = %parallel_loop3A to %parallel_loop3A_826 step %parallel_loop3A_827  : i32 {
        %parallel_loop3A_829 = arith.index_cast %parallel_loop3A_828 : i32 to index
        %parallel_loop3A_830 = arith.constant 0 : index
        %parallel_loop3A_831 = tpu.vector_load %arg11[%parallel_loop3A_829, %parallel_loop3A_830] {strides = array<i32>} : memref<400x16xf32, #tpu.memory_space<vmem>>, vector<16xf32>,
        %parallel_loop3A_832 = vector.extract_strided_slice %parallel_loop3A_831 {offsets = [0], sizes = [1], strides = [1]} : vector<16xf32> to vector<1xf32>
        %parallel_loop3A_833 = vector.extract %parallel_loop3A_832[0] : f32 from vector<1xf32>
        %parallel_loop3A_834 = vector.broadcast %parallel_loop3A_833 : f32 to vector<16xf32>
        %parallel_loop3A_835 = arith.index_cast %parallel_loop3A_828 : i32 to index
        %parallel_loop3A_836 = arith.constant 0 : index
        %parallel_loop3A_837 = tpu.vector_load %arg10[%parallel_loop3A_835, %parallel_loop3A_836] {strides = array<i32>} : memref<400x64xf32, #tpu.memory_space<vmem>>, vector<16xf32>,
        %parallel_loop3A_838 = arith.mulf %parallel_loop3A_837, %parallel_loop3A_834 : vector<16xf32>
        %parallel_loop3A_839 = arith.index_cast %parallel_loop3A_828 : i32 to index
        %parallel_loop3A_840 = arith.constant 0 : index
        %parallel_loop3A_841 = tpu.vector_load %arg10[%parallel_loop3A_839, %parallel_loop3A_840] {strides = array<i32>} : memref<400x64xf32, #tpu.memory_space<vmem>>, vector<16xf32>,
        tpu.vector_store %arg10[%parallel_loop3A_839, %parallel_loop3A_840], %parallel_loop3A_838 {strides = array<i32>} : memref<400x64xf32, #tpu.memory_space<vmem>>, vector<16xf32>,
        %parallel_loop3A_842 = arith.index_cast %parallel_loop3A_828 : i32 to index
        %parallel_loop3A_843 = arith.constant 16 : index
        %parallel_loop3A_844 = tpu.vector_load %arg10[%parallel_loop3A_842, %parallel_loop3A_843] {strides = array<i32>} : memref<400x64xf32, #tpu.memory_space<vmem>>, vector<16xf32>,
        %parallel_loop3A_845 = arith.mulf %parallel_loop3A_844, %parallel_loop3A_834 : vector<16xf32>
        %parallel_loop3A_846 = arith.index_cast %parallel_loop3A_828 : i32 to index
        %parallel_loop3A_847 = arith.constant 16 : index
        %parallel_loop3A_848 = tpu.vector_load %arg10[%parallel_loop3A_846, %parallel_loop3A_847] {strides = array<i32>} : memref<400x64xf32, #tpu.memory_space<vmem>>, vector<16xf32>,
        tpu.vector_store %arg10[%parallel_loop3A_846, %parallel_loop3A_847], %parallel_loop3A_845 {strides = array<i32>} : memref<400x64xf32, #tpu.memory_space<vmem>>, vector<16xf32>,
        %parallel_loop3A_849 = vector.extract_strided_slice %parallel_loop3A_831 {offsets = [1], sizes = [1], strides = [1]} : vector<16xf32> to vector<1xf32>
        %parallel_loop3A_850 = vector.extract %parallel_loop3A_849[0] : f32 from vector<1xf32>
        %parallel_loop3A_851 = vector.broadcast %parallel_loop3A_850 : f32 to vector<16xf32>
        %parallel_loop3A_852 = arith.index_cast %parallel_loop3A_828 : i32 to index
        %parallel_loop3A_853 = arith.constant 32 : index
        %parallel_loop3A_854 = tpu.vector_load %arg10[%parallel_loop3A_852, %parallel_loop3A_853] {strides = array<i32>} : memref<400x64xf32, #tpu.memory_space<vmem>>, vector<16xf32>,
        %parallel_loop3A_855 = arith.mulf %parallel_loop3A_854, %parallel_loop3A_851 : vector<16xf32>
        %parallel_loop3A_856 = arith.index_cast %parallel_loop3A_828 : i32 to index
        %parallel_loop3A_857 = arith.constant 32 : index
        %parallel_loop3A_858 = tpu.vector_load %arg10[%parallel_loop3A_856, %parallel_loop3A_857] {strides = array<i32>} : memref<400x64xf32, #tpu.memory_space<vmem>>, vector<16xf32>,
        tpu.vector_store %arg10[%parallel_loop3A_856, %parallel_loop3A_857], %parallel_loop3A_855 {strides = array<i32>} : memref<400x64xf32, #tpu.memory_space<vmem>>, vector<16xf32>,
        %parallel_loop3A_859 = arith.index_cast %parallel_loop3A_828 : i32 to index
        %parallel_loop3A_860 = arith.constant 48 : index
        %parallel_loop3A_861 = tpu.vector_load %arg10[%parallel_loop3A_859, %parallel_loop3A_860] {strides = array<i32>} : memref<400x64xf32, #tpu.memory_space<vmem>>, vector<16xf32>,
        %parallel_loop3A_862 = arith.mulf %parallel_loop3A_861, %parallel_loop3A_851 : vector<16xf32>
        %parallel_loop3A_863 = arith.index_cast %parallel_loop3A_828 : i32 to index
        %parallel_loop3A_864 = arith.constant 48 : index
        %parallel_loop3A_865 = tpu.vector_load %arg10[%parallel_loop3A_863, %parallel_loop3A_864] {strides = array<i32>} : memref<400x64xf32, #tpu.memory_space<vmem>>, vector<16xf32>,
        tpu.vector_store %arg10[%parallel_loop3A_863, %parallel_loop3A_864], %parallel_loop3A_862 {strides = array<i32>} : memref<400x64xf32, #tpu.memory_space<vmem>>, vector<16xf32>,
      } {sc.loop_unroll_factor = 4 : i64, sc.parallel_access}
      "tpu.region"() ({
        %run_scoped3A = tpu.sem_alloc : memref<!tpu.dma_semaphore, #tpu.memory_space<semaphore_mem>>
        %dma_start3A_828 = arith.constant 0 : i32
        %dma_start3A_829 = arith.constant 0 : i32
        %dma_start3A_830 = tpu.memref_slice %arg14[%dma_start3A_828, %dma_start3A_829] : memref<10000x64xf32, #tpu.memory_space<vmem_shared>> -> memref<10000x64xf32, #tpu.memory_space<vmem_shared>>
        tpu.enqueue_indirect_dma source(%arg10 : memref<400x64xf32, #tpu.memory_space<vmem>>) target(%dma_start3A_830 : memref<10000x64xf32, #tpu.memory_space<vmem_shared>>) offsets(%arg9 : memref<400xi32, #tpu.memory_space<vmem>>) semaphore(%run_scoped3A : memref<!tpu.dma_semaphore, #tpu.memory_space<semaphore_mem>>) {add = true}
        %dma_wait3A_831 = arith.constant 0 : i32
        %dma_wait3A_832 = arith.constant 0 : i32
        %dma_wait3A_833 = tpu.memref_slice %arg14[%dma_wait3A_831, %dma_wait3A_832] : memref<10000x64xf32, #tpu.memory_space<vmem_shared>> -> memref<10000x64xf32, #tpu.memory_space<vmem_shared>>
        tpu.wait_indirect_dma semaphore(%run_scoped3A : memref<!tpu.dma_semaphore, #tpu.memory_space<semaphore_mem>>) src(%arg10 : memref<400x64xf32, #tpu.memory_space<vmem>>) dst(%dma_wait3A_833 : memref<10000x64xf32, #tpu.memory_space<vmem_shared>>)
        tpu.yield
      }) : () -> ()
      "tpu.region"() ({
        %run_scoped3A = tpu.sem_alloc : memref<!tpu.dma_semaphore, #tpu.memory_space<semaphore_mem>>
        %dma_start3A_828 = arith.constant 0 : i32
        %dma_start3A_829 = arith.constant 0 : i32
        %dma_start3A_830 = tpu.memref_slice %arg15[%dma_start3A_828, %dma_start3A_829] : memref<10000x16xf32, #tpu.memory_space<vmem_shared>> -> memref<10000x16xf32, #tpu.memory_space<vmem_shared>>
        tpu.enqueue_indirect_dma source(%arg11 : memref<400x16xf32, #tpu.memory_space<vmem>>) target(%dma_start3A_830 : memref<10000x16xf32, #tpu.memory_space<vmem_shared>>) offsets(%arg9 : memref<400xi32, #tpu.memory_space<vmem>>) semaphore(%run_scoped3A : memref<!tpu.dma_semaphore, #tpu.memory_space<semaphore_mem>>) {add = true}
        %dma_wait3A_831 = arith.constant 0 : i32
        %dma_wait3A_832 = arith.constant 0 : i32
        %dma_wait3A_833 = tpu.memref_slice %arg15[%dma_wait3A_831, %dma_wait3A_832] : memref<10000x16xf32, #tpu.memory_space<vmem_shared>> -> memref<10000x16xf32, #tpu.memory_space<vmem_shared>>
        tpu.wait_indirect_dma semaphore(%run_scoped3A : memref<!tpu.dma_semaphore, #tpu.memory_space<semaphore_mem>>) src(%arg11 : memref<400x16xf32, #tpu.memory_space<vmem>>) dst(%dma_wait3A_833 : memref<10000x16xf32, #tpu.memory_space<vmem_shared>>)
        tpu.yield
      }) : () -> ()
    }
    %scan3A_20 = arith.constant 25 : i32
    %barrier3A_21 = arith.constant 0 : index
    tpu.barrier barrier_id(%barrier3A_21)
    %lt3A_22 = arith.constant 15 : i32
    %lt3A_23 = arith.cmpi slt, %arg1, %lt3A_22 : i32
    %convert_element_type3A_24 = arith.extui %lt3A_23 : i1 to i32
    %cond3A_25 = arith.constant 0 : i32
    %cond3A_26 = arith.cmpi ne, %convert_element_type3A_24, %cond3A_25 : i32
    scf.if %cond3A_26 {
      %add3A_32 = arith.constant 0 : i32
      %add3A_33 = arith.addi %mul3A_8, %add3A_32 : i32
      "tpu.region"() ({
        %run_scoped3A = tpu.sem_alloc : memref<!tpu.dma_semaphore, #tpu.memory_space<semaphore_mem>>
        %dma_start3A = arith.constant 0 : i32
        %dma_start3A_48 = arith.constant 0 : i32
        %dma_start3A_49 = tpu.memref_slice %arg10[%dma_start3A, %dma_start3A_48] : memref<400x64xf32, #tpu.memory_space<vmem>> -> memref<400x64xf32, #tpu.memory_space<vmem>>
        %dma_start3A_50 = arith.constant 0 : i32
        %dma_start3A_51 = tpu.memref_slice %arg14[%add3A_33, %dma_start3A_50] : memref<10000x64xf32, #tpu.memory_space<vmem_shared>> -> memref<400x64xf32, #tpu.memory_space<vmem_shared>>
        %dma_start3A_52 = arith.constant 0 : i32
        %dma_start3A_53 = arith.constant 0 : i32
        %dma_start3A_54 = tpu.memref_slice %arg10[%dma_start3A_52, %dma_start3A_53] : memref<400x64xf32, #tpu.memory_space<vmem>> -> memref<400x64xf32, #tpu.memory_space<vmem>>
        %dma_start3A_55 = arith.constant 0 : i32
        %dma_start3A_56 = tpu.memref_slice %arg14[%add3A_33, %dma_start3A_55] : memref<10000x64xf32, #tpu.memory_space<vmem_shared>> -> memref<400x64xf32, #tpu.memory_space<vmem_shared>>
        tpu.enqueue_dma source(%dma_start3A_56 : memref<400x64xf32, #tpu.memory_space<vmem_shared>>) target(%dma_start3A_54 : memref<400x64xf32, #tpu.memory_space<vmem>>) target_semaphore(%run_scoped3A : memref<!tpu.dma_semaphore, #tpu.memory_space<semaphore_mem>>)
        %dma_wait3A = arith.constant 0 : i32
        %dma_wait3A_57 = arith.constant 0 : i32
        %dma_wait3A_58 = tpu.memref_slice %arg10[%dma_wait3A, %dma_wait3A_57] : memref<400x64xf32, #tpu.memory_space<vmem>> -> memref<400x64xf32, #tpu.memory_space<vmem>>
        %dma_wait3A_59 = arith.constant 0 : i32
        %dma_wait3A_60 = tpu.memref_slice %arg14[%add3A_33, %dma_wait3A_59] : memref<10000x64xf32, #tpu.memory_space<vmem_shared>> -> memref<400x64xf32, #tpu.memory_space<vmem_shared>>
        %dma_wait3A_61 = arith.constant 0 : i32
        %dma_wait3A_62 = arith.constant 0 : i32
        %dma_wait3A_63 = tpu.memref_slice %arg10[%dma_wait3A_61, %dma_wait3A_62] : memref<400x64xf32, #tpu.memory_space<vmem>> -> memref<400x64xf32, #tpu.memory_space<vmem>>
        %dma_wait3A_64 = arith.constant 0 : i32
        %dma_wait3A_65 = tpu.memref_slice %arg14[%add3A_33, %dma_wait3A_64] : memref<10000x64xf32, #tpu.memory_space<vmem_shared>> -> memref<400x64xf32, #tpu.memory_space<vmem_shared>>
        tpu.wait_dma2 semaphore(%run_scoped3A : memref<!tpu.dma_semaphore, #tpu.memory_space<semaphore_mem>>) src(%dma_wait3A_65 : memref<400x64xf32, #tpu.memory_space<vmem_shared>>) dst(%dma_wait3A_63 : memref<400x64xf32, #tpu.memory_space<vmem>>)
        tpu.yield
      }) : () -> ()
      %add3A_34 = arith.constant 0 : i32
      %add3A_35 = arith.addi %mul3A_8, %add3A_34 : i32
      "tpu.region"() ({
        %run_scoped3A = tpu.sem_alloc : memref<!tpu.dma_semaphore, #tpu.memory_space<semaphore_mem>>
        %dma_start3A = arith.constant 0 : i32
        %dma_start3A_48 = arith.constant 0 : i32
        %dma_start3A_49 = tpu.memref_slice %arg10[%dma_start3A, %dma_start3A_48] : memref<400x64xf32, #tpu.memory_space<vmem>> -> memref<400x64xf32, #tpu.memory_space<vmem>>
        %dma_start3A_50 = arith.constant 0 : i32
        %dma_start3A_51 = tpu.memref_slice %arg6[%arg0, %add3A_35, %dma_start3A_50] : memref<2x10000x64xf32, #tpu.memory_space<hbm>> -> memref<1x400x64xf32, #tpu.memory_space<hbm>>
        %dma_start3A_52 = tpu.memref_squeeze %dma_start3A_51 : memref<1x400x64xf32, #tpu.memory_space<hbm>> -> memref<400x64xf32, #tpu.memory_space<hbm>>
        %dma_start3A_53 = arith.constant 0 : i32
        %dma_start3A_54 = tpu.memref_slice %arg6[%arg0, %add3A_35, %dma_start3A_53] : memref<2x10000x64xf32, #tpu.memory_space<hbm>> -> memref<1x400x64xf32, #tpu.memory_space<hbm>>
        %dma_start3A_55 = tpu.memref_squeeze %dma_start3A_54 : memref<1x400x64xf32, #tpu.memory_space<hbm>> -> memref<400x64xf32, #tpu.memory_space<hbm>>
        %dma_start3A_56 = arith.constant 0 : i32
        %dma_start3A_57 = arith.constant 0 : i32
        %dma_start3A_58 = tpu.memref_slice %arg10[%dma_start3A_56, %dma_start3A_57] : memref<400x64xf32, #tpu.memory_space<vmem>> -> memref<400x64xf32, #tpu.memory_space<vmem>>
        tpu.enqueue_dma source(%dma_start3A_58 : memref<400x64xf32, #tpu.memory_space<vmem>>) target(%dma_start3A_55 : memref<400x64xf32, #tpu.memory_space<hbm>>) target_semaphore(%run_scoped3A : memref<!tpu.dma_semaphore, #tpu.memory_space<semaphore_mem>>)
        %dma_wait3A = arith.constant 0 : i32
        %dma_wait3A_59 = arith.constant 0 : i32
        %dma_wait3A_60 = tpu.memref_slice %arg10[%dma_wait3A, %dma_wait3A_59] : memref<400x64xf32, #tpu.memory_space<vmem>> -> memref<400x64xf32, #tpu.memory_space<vmem>>
        %dma_wait3A_61 = arith.constant 0 : i32
        %dma_wait3A_62 = tpu.memref_slice %arg6[%arg0, %add3A_35, %dma_wait3A_61] : memref<2x10000x64xf32, #tpu.memory_space<hbm>> -> memref<1x400x64xf32, #tpu.memory_space<hbm>>
        %dma_wait3A_63 = tpu.memref_squeeze %dma_wait3A_62 : memref<1x400x64xf32, #tpu.memory_space<hbm>> -> memref<400x64xf32, #tpu.memory_space<hbm>>
        %dma_wait3A_64 = arith.constant 0 : i32
        %dma_wait3A_65 = tpu.memref_slice %arg6[%arg0, %add3A_35, %dma_wait3A_64] : memref<2x10000x64xf32, #tpu.memory_space<hbm>> -> memref<1x400x64xf32, #tpu.memory_space<hbm>>
        %dma_wait3A_66 = tpu.memref_squeeze %dma_wait3A_65 : memref<1x400x64xf32, #tpu.memory_space<hbm>> -> memref<400x64xf32, #tpu.memory_space<hbm>>
        %dma_wait3A_67 = arith.constant 0 : i32
        %dma_wait3A_68 = arith.constant 0 : i32
        %dma_wait3A_69 = tpu.memref_slice %arg10[%dma_wait3A_67, %dma_wait3A_68] : memref<400x64xf32, #tpu.memory_space<vmem>> -> memref<400x64xf32, #tpu.memory_space<vmem>>
        tpu.wait_dma2 semaphore(%run_scoped3A : memref<!tpu.dma_semaphore, #tpu.memory_space<semaphore_mem>>) src(%dma_wait3A_69 : memref<400x64xf32, #tpu.memory_space<vmem>>) dst(%dma_wait3A_66 : memref<400x64xf32, #tpu.memory_space<hbm>>)
        tpu.yield
      }) : () -> ()
      %add3A_36 = arith.constant 0 : i32
      %add3A_37 = arith.addi %mul3A_8, %add3A_36 : i32
      "tpu.region"() ({
        %run_scoped3A = tpu.sem_alloc : memref<!tpu.dma_semaphore, #tpu.memory_space<semaphore_mem>>
        %dma_start3A = arith.constant 0 : i32
        %dma_start3A_48 = arith.constant 0 : i32
        %dma_start3A_49 = tpu.memref_slice %arg11[%dma_start3A, %dma_start3A_48] : memref<400x16xf32, #tpu.memory_space<vmem>> -> memref<400x16xf32, #tpu.memory_space<vmem>>
        %dma_start3A_50 = arith.constant 0 : i32
        %dma_start3A_51 = tpu.memref_slice %arg15[%add3A_37, %dma_start3A_50] : memref<10000x16xf32, #tpu.memory_space<vmem_shared>> -> memref<400x16xf32, #tpu.memory_space<vmem_shared>>
        %dma_start3A_52 = arith.constant 0 : i32
        %dma_start3A_53 = arith.constant 0 : i32
        %dma_start3A_54 = tpu.memref_slice %arg11[%dma_start3A_52, %dma_start3A_53] : memref<400x16xf32, #tpu.memory_space<vmem>> -> memref<400x16xf32, #tpu.memory_space<vmem>>
        %dma_start3A_55 = arith.constant 0 : i32
        %dma_start3A_56 = tpu.memref_slice %arg15[%add3A_37, %dma_start3A_55] : memref<10000x16xf32, #tpu.memory_space<vmem_shared>> -> memref<400x16xf32, #tpu.memory_space<vmem_shared>>
        tpu.enqueue_dma source(%dma_start3A_56 : memref<400x16xf32, #tpu.memory_space<vmem_shared>>) target(%dma_start3A_54 : memref<400x16xf32, #tpu.memory_space<vmem>>) target_semaphore(%run_scoped3A : memref<!tpu.dma_semaphore, #tpu.memory_space<semaphore_mem>>)
        %dma_wait3A = arith.constant 0 : i32
        %dma_wait3A_57 = arith.constant 0 : i32
        %dma_wait3A_58 = tpu.memref_slice %arg11[%dma_wait3A, %dma_wait3A_57] : memref<400x16xf32, #tpu.memory_space<vmem>> -> memref<400x16xf32, #tpu.memory_space<vmem>>
        %dma_wait3A_59 = arith.constant 0 : i32
        %dma_wait3A_60 = tpu.memref_slice %arg15[%add3A_37, %dma_wait3A_59] : memref<10000x16xf32, #tpu.memory_space<vmem_shared>> -> memref<400x16xf32, #tpu.memory_space<vmem_shared>>
        %dma_wait3A_61 = arith.constant 0 : i32
        %dma_wait3A_62 = arith.constant 0 : i32
        %dma_wait3A_63 = tpu.memref_slice %arg11[%dma_wait3A_61, %dma_wait3A_62] : memref<400x16xf32, #tpu.memory_space<vmem>> -> memref<400x16xf32, #tpu.memory_space<vmem>>
        %dma_wait3A_64 = arith.constant 0 : i32
        %dma_wait3A_65 = tpu.memref_slice %arg15[%add3A_37, %dma_wait3A_64] : memref<10000x16xf32, #tpu.memory_space<vmem_shared>> -> memref<400x16xf32, #tpu.memory_space<vmem_shared>>
        tpu.wait_dma2 semaphore(%run_scoped3A : memref<!tpu.dma_semaphore, #tpu.memory_space<semaphore_mem>>) src(%dma_wait3A_65 : memref<400x16xf32, #tpu.memory_space<vmem_shared>>) dst(%dma_wait3A_63 : memref<400x16xf32, #tpu.memory_space<vmem>>)
        tpu.yield
      }) : () -> ()
      %add3A_38 = arith.constant 0 : i32
      %add3A_39 = arith.addi %mul3A_8, %add3A_38 : i32
      "tpu.region"() ({
        %run_scoped3A = tpu.sem_alloc : memref<!tpu.dma_semaphore, #tpu.memory_space<semaphore_mem>>
        %dma_start3A = arith.constant 0 : i32
        %dma_start3A_48 = arith.constant 0 : i32
        %dma_start3A_49 = tpu.memref_slice %arg11[%dma_start3A, %dma_start3A_48] : memref<400x16xf32, #tpu.memory_space<vmem>> -> memref<400x16xf32, #tpu.memory_space<vmem>>
        %dma_start3A_50 = arith.constant 0 : i32
        %dma_start3A_51 = tpu.memref_slice %arg7[%arg0, %add3A_39, %dma_start3A_50] : memref<2x10000x16xf32, #tpu.memory_space<hbm>> -> memref<1x400x16xf32, #tpu.memory_space<hbm>>
        %dma_start3A_52 = tpu.memref_squeeze %dma_start3A_51 : memref<1x400x16xf32, #tpu.memory_space<hbm>> -> memref<400x16xf32, #tpu.memory_space<hbm>>
        %dma_start3A_53 = arith.constant 0 : i32
        %dma_start3A_54 = tpu.memref_slice %arg7[%arg0, %add3A_39, %dma_start3A_53] : memref<2x10000x16xf32, #tpu.memory_space<hbm>> -> memref<1x400x16xf32, #tpu.memory_space<hbm>>
        %dma_start3A_55 = tpu.memref_squeeze %dma_start3A_54 : memref<1x400x16xf32, #tpu.memory_space<hbm>> -> memref<400x16xf32, #tpu.memory_space<hbm>>
        %dma_start3A_56 = arith.constant 0 : i32
        %dma_start3A_57 = arith.constant 0 : i32
        %dma_start3A_58 = tpu.memref_slice %arg11[%dma_start3A_56, %dma_start3A_57] : memref<400x16xf32, #tpu.memory_space<vmem>> -> memref<400x16xf32, #tpu.memory_space<vmem>>
        tpu.enqueue_dma source(%dma_start3A_58 : memref<400x16xf32, #tpu.memory_space<vmem>>) target(%dma_start3A_55 : memref<400x16xf32, #tpu.memory_space<hbm>>) target_semaphore(%run_scoped3A : memref<!tpu.dma_semaphore, #tpu.memory_space<semaphore_mem>>)
        %dma_wait3A = arith.constant 0 : i32
        %dma_wait3A_59 = arith.constant 0 : i32
        %dma_wait3A_60 = tpu.memref_slice %arg11[%dma_wait3A, %dma_wait3A_59] : memref<400x16xf32, #tpu.memory_space<vmem>> -> memref<400x16xf32, #tpu.memory_space<vmem>>
        %dma_wait3A_61 = arith.constant 0 : i32
        %dma_wait3A_62 = tpu.memref_slice %arg7[%arg0, %add3A_39, %dma_wait3A_61] : memref<2x10000x16xf32, #tpu.memory_space<hbm>> -> memref<1x400x16xf32, #tpu.memory_space<hbm>>
        %dma_wait3A_63 = tpu.memref_squeeze %dma_wait3A_62 : memref<1x400x16xf32, #tpu.memory_space<hbm>> -> memref<400x16xf32, #tpu.memory_space<hbm>>
        %dma_wait3A_64 = arith.constant 0 : i32
        %dma_wait3A_65 = tpu.memref_slice %arg7[%arg0, %add3A_39, %dma_wait3A_64] : memref<2x10000x16xf32, #tpu.memory_space<hbm>> -> memref<1x400x16xf32, #tpu.memory_space<hbm>>
        %dma_wait3A_66 = tpu.memref_squeeze %dma_wait3A_65 : memref<1x400x16xf32, #tpu.memory_space<hbm>> -> memref<400x16xf32, #tpu.memory_space<hbm>>
        %dma_wait3A_67 = arith.constant 0 : i32
        %dma_wait3A_68 = arith.constant 0 : i32
        %dma_wait3A_69 = tpu.memref_slice %arg11[%dma_wait3A_67, %dma_wait3A_68] : memref<400x16xf32, #tpu.memory_space<vmem>> -> memref<400x16xf32, #tpu.memory_space<vmem>>
        tpu.wait_dma2 semaphore(%run_scoped3A : memref<!tpu.dma_semaphore, #tpu.memory_space<semaphore_mem>>) src(%dma_wait3A_69 : memref<400x16xf32, #tpu.memory_space<vmem>>) dst(%dma_wait3A_66 : memref<400x16xf32, #tpu.memory_space<hbm>>)
        tpu.yield
      }) : () -> ()
      %add3A_40 = arith.constant 400 : i32
      %add3A_41 = arith.addi %mul3A_8, %add3A_40 : i32
      "tpu.region"() ({
        %run_scoped3A = tpu.sem_alloc : memref<!tpu.dma_semaphore, #tpu.memory_space<semaphore_mem>>
        %dma_start3A = arith.constant 0 : i32
        %dma_start3A_48 = arith.constant 0 : i32
        %dma_start3A_49 = tpu.memref_slice %arg10[%dma_start3A, %dma_start3A_48] : memref<400x64xf32, #tpu.memory_space<vmem>> -> memref<232x64xf32, #tpu.memory_space<vmem>>
        %dma_start3A_50 = arith.constant 0 : i32
        %dma_start3A_51 = tpu.memref_slice %arg14[%add3A_41, %dma_start3A_50] : memref<10000x64xf32, #tpu.memory_space<vmem_shared>> -> memref<232x64xf32, #tpu.memory_space<vmem_shared>>
        %dma_start3A_52 = arith.constant 0 : i32
        %dma_start3A_53 = arith.constant 0 : i32
        %dma_start3A_54 = tpu.memref_slice %arg10[%dma_start3A_52, %dma_start3A_53] : memref<400x64xf32, #tpu.memory_space<vmem>> -> memref<232x64xf32, #tpu.memory_space<vmem>>
        %dma_start3A_55 = arith.constant 0 : i32
        %dma_start3A_56 = tpu.memref_slice %arg14[%add3A_41, %dma_start3A_55] : memref<10000x64xf32, #tpu.memory_space<vmem_shared>> -> memref<232x64xf32, #tpu.memory_space<vmem_shared>>
        tpu.enqueue_dma source(%dma_start3A_56 : memref<232x64xf32, #tpu.memory_space<vmem_shared>>) target(%dma_start3A_54 : memref<232x64xf32, #tpu.memory_space<vmem>>) target_semaphore(%run_scoped3A : memref<!tpu.dma_semaphore, #tpu.memory_space<semaphore_mem>>)
        %dma_wait3A = arith.constant 0 : i32
        %dma_wait3A_57 = arith.constant 0 : i32
        %dma_wait3A_58 = tpu.memref_slice %arg10[%dma_wait3A, %dma_wait3A_57] : memref<400x64xf32, #tpu.memory_space<vmem>> -> memref<232x64xf32, #tpu.memory_space<vmem>>
        %dma_wait3A_59 = arith.constant 0 : i32
        %dma_wait3A_60 = tpu.memref_slice %arg14[%add3A_41, %dma_wait3A_59] : memref<10000x64xf32, #tpu.memory_space<vmem_shared>> -> memref<232x64xf32, #tpu.memory_space<vmem_shared>>
        %dma_wait3A_61 = arith.constant 0 : i32
        %dma_wait3A_62 = arith.constant 0 : i32
        %dma_wait3A_63 = tpu.memref_slice %arg10[%dma_wait3A_61, %dma_wait3A_62] : memref<400x64xf32, #tpu.memory_space<vmem>> -> memref<232x64xf32, #tpu.memory_space<vmem>>
        %dma_wait3A_64 = arith.constant 0 : i32
        %dma_wait3A_65 = tpu.memref_slice %arg14[%add3A_41, %dma_wait3A_64] : memref<10000x64xf32, #tpu.memory_space<vmem_shared>> -> memref<232x64xf32, #tpu.memory_space<vmem_shared>>
        tpu.wait_dma2 semaphore(%run_scoped3A : memref<!tpu.dma_semaphore, #tpu.memory_space<semaphore_mem>>) src(%dma_wait3A_65 : memref<232x64xf32, #tpu.memory_space<vmem_shared>>) dst(%dma_wait3A_63 : memref<232x64xf32, #tpu.memory_space<vmem>>)
        tpu.yield
      }) : () -> ()
      %add3A_42 = arith.constant 400 : i32
      %add3A_43 = arith.addi %mul3A_8, %add3A_42 : i32
      "tpu.region"() ({
        %run_scoped3A = tpu.sem_alloc : memref<!tpu.dma_semaphore, #tpu.memory_space<semaphore_mem>>
        %dma_start3A = arith.constant 0 : i32
        %dma_start3A_48 = arith.constant 0 : i32
        %dma_start3A_49 = tpu.memref_slice %arg10[%dma_start3A, %dma_start3A_48] : memref<400x64xf32, #tpu.memory_space<vmem>> -> memref<232x64xf32, #tpu.memory_space<vmem>>
        %dma_start3A_50 = arith.constant 0 : i32
        %dma_start3A_51 = tpu.memref_slice %arg6[%arg0, %add3A_43, %dma_start3A_50] : memref<2x10000x64xf32, #tpu.memory_space<hbm>> -> memref<1x232x64xf32, #tpu.memory_space<hbm>>
        %dma_start3A_52 = tpu.memref_squeeze %dma_start3A_51 : memref<1x232x64xf32, #tpu.memory_space<hbm>> -> memref<232x64xf32, #tpu.memory_space<hbm>>
        %dma_start3A_53 = arith.constant 0 : i32
        %dma_start3A_54 = tpu.memref_slice %arg6[%arg0, %add3A_43, %dma_start3A_53] : memref<2x10000x64xf32, #tpu.memory_space<hbm>> -> memref<1x232x64xf32, #tpu.memory_space<hbm>>
        %dma_start3A_55 = tpu.memref_squeeze %dma_start3A_54 : memref<1x232x64xf32, #tpu.memory_space<hbm>> -> memref<232x64xf32, #tpu.memory_space<hbm>>
        %dma_start3A_56 = arith.constant 0 : i32
        %dma_start3A_57 = arith.constant 0 : i32
        %dma_start3A_58 = tpu.memref_slice %arg10[%dma_start3A_56, %dma_start3A_57] : memref<400x64xf32, #tpu.memory_space<vmem>> -> memref<232x64xf32, #tpu.memory_space<vmem>>
        tpu.enqueue_dma source(%dma_start3A_58 : memref<232x64xf32, #tpu.memory_space<vmem>>) target(%dma_start3A_55 : memref<232x64xf32, #tpu.memory_space<hbm>>) target_semaphore(%run_scoped3A : memref<!tpu.dma_semaphore, #tpu.memory_space<semaphore_mem>>)
        %dma_wait3A = arith.constant 0 : i32
        %dma_wait3A_59 = arith.constant 0 : i32
        %dma_wait3A_60 = tpu.memref_slice %arg10[%dma_wait3A, %dma_wait3A_59] : memref<400x64xf32, #tpu.memory_space<vmem>> -> memref<232x64xf32, #tpu.memory_space<vmem>>
        %dma_wait3A_61 = arith.constant 0 : i32
        %dma_wait3A_62 = tpu.memref_slice %arg6[%arg0, %add3A_43, %dma_wait3A_61] : memref<2x10000x64xf32, #tpu.memory_space<hbm>> -> memref<1x232x64xf32, #tpu.memory_space<hbm>>
        %dma_wait3A_63 = tpu.memref_squeeze %dma_wait3A_62 : memref<1x232x64xf32, #tpu.memory_space<hbm>> -> memref<232x64xf32, #tpu.memory_space<hbm>>
        %dma_wait3A_64 = arith.constant 0 : i32
        %dma_wait3A_65 = tpu.memref_slice %arg6[%arg0, %add3A_43, %dma_wait3A_64] : memref<2x10000x64xf32, #tpu.memory_space<hbm>> -> memref<1x232x64xf32, #tpu.memory_space<hbm>>
        %dma_wait3A_66 = tpu.memref_squeeze %dma_wait3A_65 : memref<1x232x64xf32, #tpu.memory_space<hbm>> -> memref<232x64xf32, #tpu.memory_space<hbm>>
        %dma_wait3A_67 = arith.constant 0 : i32
        %dma_wait3A_68 = arith.constant 0 : i32
        %dma_wait3A_69 = tpu.memref_slice %arg10[%dma_wait3A_67, %dma_wait3A_68] : memref<400x64xf32, #tpu.memory_space<vmem>> -> memref<232x64xf32, #tpu.memory_space<vmem>>
        tpu.wait_dma2 semaphore(%run_scoped3A : memref<!tpu.dma_semaphore, #tpu.memory_space<semaphore_mem>>) src(%dma_wait3A_69 : memref<232x64xf32, #tpu.memory_space<vmem>>) dst(%dma_wait3A_66 : memref<232x64xf32, #tpu.memory_space<hbm>>)
        tpu.yield
      }) : () -> ()
      %add3A_44 = arith.constant 400 : i32
      %add3A_45 = arith.addi %mul3A_8, %add3A_44 : i32
      "tpu.region"() ({
        %run_scoped3A = tpu.sem_alloc : memref<!tpu.dma_semaphore, #tpu.memory_space<semaphore_mem>>
        %dma_start3A = arith.constant 0 : i32
        %dma_start3A_48 = arith.constant 0 : i32
        %dma_start3A_49 = tpu.memref_slice %arg11[%dma_start3A, %dma_start3A_48] : memref<400x16xf32, #tpu.memory_space<vmem>> -> memref<232x16xf32, #tpu.memory_space<vmem>>
        %dma_start3A_50 = arith.constant 0 : i32
        %dma_start3A_51 = tpu.memref_slice %arg15[%add3A_45, %dma_start3A_50] : memref<10000x16xf32, #tpu.memory_space<vmem_shared>> -> memref<232x16xf32, #tpu.memory_space<vmem_shared>>
        %dma_start3A_52 = arith.constant 0 : i32
        %dma_start3A_53 = arith.constant 0 : i32
        %dma_start3A_54 = tpu.memref_slice %arg11[%dma_start3A_52, %dma_start3A_53] : memref<400x16xf32, #tpu.memory_space<vmem>> -> memref<232x16xf32, #tpu.memory_space<vmem>>
        %dma_start3A_55 = arith.constant 0 : i32
        %dma_start3A_56 = tpu.memref_slice %arg15[%add3A_45, %dma_start3A_55] : memref<10000x16xf32, #tpu.memory_space<vmem_shared>> -> memref<232x16xf32, #tpu.memory_space<vmem_shared>>
        tpu.enqueue_dma source(%dma_start3A_56 : memref<232x16xf32, #tpu.memory_space<vmem_shared>>) target(%dma_start3A_54 : memref<232x16xf32, #tpu.memory_space<vmem>>) target_semaphore(%run_scoped3A : memref<!tpu.dma_semaphore, #tpu.memory_space<semaphore_mem>>)
        %dma_wait3A = arith.constant 0 : i32
        %dma_wait3A_57 = arith.constant 0 : i32
        %dma_wait3A_58 = tpu.memref_slice %arg11[%dma_wait3A, %dma_wait3A_57] : memref<400x16xf32, #tpu.memory_space<vmem>> -> memref<232x16xf32, #tpu.memory_space<vmem>>
        %dma_wait3A_59 = arith.constant 0 : i32
        %dma_wait3A_60 = tpu.memref_slice %arg15[%add3A_45, %dma_wait3A_59] : memref<10000x16xf32, #tpu.memory_space<vmem_shared>> -> memref<232x16xf32, #tpu.memory_space<vmem_shared>>
        %dma_wait3A_61 = arith.constant 0 : i32
        %dma_wait3A_62 = arith.constant 0 : i32
        %dma_wait3A_63 = tpu.memref_slice %arg11[%dma_wait3A_61, %dma_wait3A_62] : memref<400x16xf32, #tpu.memory_space<vmem>> -> memref<232x16xf32, #tpu.memory_space<vmem>>
        %dma_wait3A_64 = arith.constant 0 : i32
        %dma_wait3A_65 = tpu.memref_slice %arg15[%add3A_45, %dma_wait3A_64] : memref<10000x16xf32, #tpu.memory_space<vmem_shared>> -> memref<232x16xf32, #tpu.memory_space<vmem_shared>>
        tpu.wait_dma2 semaphore(%run_scoped3A : memref<!tpu.dma_semaphore, #tpu.memory_space<semaphore_mem>>) src(%dma_wait3A_65 : memref<232x16xf32, #tpu.memory_space<vmem_shared>>) dst(%dma_wait3A_63 : memref<232x16xf32, #tpu.memory_space<vmem>>)
        tpu.yield
      }) : () -> ()
      %add3A_46 = arith.constant 400 : i32
      %add3A_47 = arith.addi %mul3A_8, %add3A_46 : i32
      "tpu.region"() ({
        %run_scoped3A = tpu.sem_alloc : memref<!tpu.dma_semaphore, #tpu.memory_space<semaphore_mem>>
        %dma_start3A = arith.constant 0 : i32
        %dma_start3A_48 = arith.constant 0 : i32
        %dma_start3A_49 = tpu.memref_slice %arg11[%dma_start3A, %dma_start3A_48] : memref<400x16xf32, #tpu.memory_space<vmem>> -> memref<232x16xf32, #tpu.memory_space<vmem>>
        %dma_start3A_50 = arith.constant 0 : i32
        %dma_start3A_51 = tpu.memref_slice %arg7[%arg0, %add3A_47, %dma_start3A_50] : memref<2x10000x16xf32, #tpu.memory_space<hbm>> -> memref<1x232x16xf32, #tpu.memory_space<hbm>>
        %dma_start3A_52 = tpu.memref_squeeze %dma_start3A_51 : memref<1x232x16xf32, #tpu.memory_space<hbm>> -> memref<232x16xf32, #tpu.memory_space<hbm>>
        %dma_start3A_53 = arith.constant 0 : i32
        %dma_start3A_54 = tpu.memref_slice %arg7[%arg0, %add3A_47, %dma_start3A_53] : memref<2x10000x16xf32, #tpu.memory_space<hbm>> -> memref<1x232x16xf32, #tpu.memory_space<hbm>>
        %dma_start3A_55 = tpu.memref_squeeze %dma_start3A_54 : memref<1x232x16xf32, #tpu.memory_space<hbm>> -> memref<232x16xf32, #tpu.memory_space<hbm>>
        %dma_start3A_56 = arith.constant 0 : i32
        %dma_start3A_57 = arith.constant 0 : i32
        %dma_start3A_58 = tpu.memref_slice %arg11[%dma_start3A_56, %dma_start3A_57] : memref<400x16xf32, #tpu.memory_space<vmem>> -> memref<232x16xf32, #tpu.memory_space<vmem>>
        tpu.enqueue_dma source(%dma_start3A_58 : memref<232x16xf32, #tpu.memory_space<vmem>>) target(%dma_start3A_55 : memref<232x16xf32, #tpu.memory_space<hbm>>) target_semaphore(%run_scoped3A : memref<!tpu.dma_semaphore, #tpu.memory_space<semaphore_mem>>)
        %dma_wait3A = arith.constant 0 : i32
        %dma_wait3A_59 = arith.constant 0 : i32
        %dma_wait3A_60 = tpu.memref_slice %arg11[%dma_wait3A, %dma_wait3A_59] : memref<400x16xf32, #tpu.memory_space<vmem>> -> memref<232x16xf32, #tpu.memory_space<vmem>>
        %dma_wait3A_61 = arith.constant 0 : i32
        %dma_wait3A_62 = tpu.memref_slice %arg7[%arg0, %add3A_47, %dma_wait3A_61] : memref<2x10000x16xf32, #tpu.memory_space<hbm>> -> memref<1x232x16xf32, #tpu.memory_space<hbm>>
        %dma_wait3A_63 = tpu.memref_squeeze %dma_wait3A_62 : memref<1x232x16xf32, #tpu.memory_space<hbm>> -> memref<232x16xf32, #tpu.memory_space<hbm>>
        %dma_wait3A_64 = arith.constant 0 : i32
        %dma_wait3A_65 = tpu.memref_slice %arg7[%arg0, %add3A_47, %dma_wait3A_64] : memref<2x10000x16xf32, #tpu.memory_space<hbm>> -> memref<1x232x16xf32, #tpu.memory_space<hbm>>
        %dma_wait3A_66 = tpu.memref_squeeze %dma_wait3A_65 : memref<1x232x16xf32, #tpu.memory_space<hbm>> -> memref<232x16xf32, #tpu.memory_space<hbm>>
        %dma_wait3A_67 = arith.constant 0 : i32
        %dma_wait3A_68 = arith.constant 0 : i32
        %dma_wait3A_69 = tpu.memref_slice %arg11[%dma_wait3A_67, %dma_wait3A_68] : memref<400x16xf32, #tpu.memory_space<vmem>> -> memref<232x16xf32, #tpu.memory_space<vmem>>
        tpu.wait_dma2 semaphore(%run_scoped3A : memref<!tpu.dma_semaphore, #tpu.memory_space<semaphore_mem>>) src(%dma_wait3A_69 : memref<232x16xf32, #tpu.memory_space<vmem>>) dst(%dma_wait3A_66 : memref<232x16xf32, #tpu.memory_space<hbm>>)
        tpu.yield
      }) : () -> ()
    } else {
    }
    %eq3A_27 = arith.constant 15 : i32
    %eq3A_28 = arith.cmpi eq, %arg1, %eq3A_27 : i32
    %convert_element_type3A_29 = arith.extui %eq3A_28 : i1 to i32
    %cond3A_30 = arith.constant 0 : i32
    %cond3A_31 = arith.cmpi ne, %convert_element_type3A_29, %cond3A_30 : i32
    scf.if %cond3A_31 {
      %add3A_32 = arith.constant 0 : i32
      %add3A_33 = arith.addi %mul3A_8, %add3A_32 : i32
      "tpu.region"() ({
        %run_scoped3A = tpu.sem_alloc : memref<!tpu.dma_semaphore, #tpu.memory_space<semaphore_mem>>
        %dma_start3A = arith.constant 0 : i32
        %dma_start3A_48 = arith.constant 0 : i32
        %dma_start3A_49 = tpu.memref_slice %arg10[%dma_start3A, %dma_start3A_48] : memref<400x64xf32, #tpu.memory_space<vmem>> -> memref<400x64xf32, #tpu.memory_space<vmem>>
        %dma_start3A_50 = arith.constant 0 : i32
        %dma_start3A_51 = tpu.memref_slice %arg14[%add3A_33, %dma_start3A_50] : memref<10000x64xf32, #tpu.memory_space<vmem_shared>> -> memref<400x64xf32, #tpu.memory_space<vmem_shared>>
        %dma_start3A_52 = arith.constant 0 : i32
        %dma_start3A_53 = arith.constant 0 : i32
        %dma_start3A_54 = tpu.memref_slice %arg10[%dma_start3A_52, %dma_start3A_53] : memref<400x64xf32, #tpu.memory_space<vmem>> -> memref<400x64xf32, #tpu.memory_space<vmem>>
        %dma_start3A_55 = arith.constant 0 : i32
        %dma_start3A_56 = tpu.memref_slice %arg14[%add3A_33, %dma_start3A_55] : memref<10000x64xf32, #tpu.memory_space<vmem_shared>> -> memref<400x64xf32, #tpu.memory_space<vmem_shared>>
        tpu.enqueue_dma source(%dma_start3A_56 : memref<400x64xf32, #tpu.memory_space<vmem_shared>>) target(%dma_start3A_54 : memref<400x64xf32, #tpu.memory_space<vmem>>) target_semaphore(%run_scoped3A : memref<!tpu.dma_semaphore, #tpu.memory_space<semaphore_mem>>)
        %dma_wait3A = arith.constant 0 : i32
        %dma_wait3A_57 = arith.constant 0 : i32
        %dma_wait3A_58 = tpu.memref_slice %arg10[%dma_wait3A, %dma_wait3A_57] : memref<400x64xf32, #tpu.memory_space<vmem>> -> memref<400x64xf32, #tpu.memory_space<vmem>>
        %dma_wait3A_59 = arith.constant 0 : i32
        %dma_wait3A_60 = tpu.memref_slice %arg14[%add3A_33, %dma_wait3A_59] : memref<10000x64xf32, #tpu.memory_space<vmem_shared>> -> memref<400x64xf32, #tpu.memory_space<vmem_shared>>
        %dma_wait3A_61 = arith.constant 0 : i32
        %dma_wait3A_62 = arith.constant 0 : i32
        %dma_wait3A_63 = tpu.memref_slice %arg10[%dma_wait3A_61, %dma_wait3A_62] : memref<400x64xf32, #tpu.memory_space<vmem>> -> memref<400x64xf32, #tpu.memory_space<vmem>>
        %dma_wait3A_64 = arith.constant 0 : i32
        %dma_wait3A_65 = tpu.memref_slice %arg14[%add3A_33, %dma_wait3A_64] : memref<10000x64xf32, #tpu.memory_space<vmem_shared>> -> memref<400x64xf32, #tpu.memory_space<vmem_shared>>
        tpu.wait_dma2 semaphore(%run_scoped3A : memref<!tpu.dma_semaphore, #tpu.memory_space<semaphore_mem>>) src(%dma_wait3A_65 : memref<400x64xf32, #tpu.memory_space<vmem_shared>>) dst(%dma_wait3A_63 : memref<400x64xf32, #tpu.memory_space<vmem>>)
        tpu.yield
      }) : () -> ()
      %add3A_34 = arith.constant 0 : i32
      %add3A_35 = arith.addi %mul3A_8, %add3A_34 : i32
      "tpu.region"() ({
        %run_scoped3A = tpu.sem_alloc : memref<!tpu.dma_semaphore, #tpu.memory_space<semaphore_mem>>
        %dma_start3A = arith.constant 0 : i32
        %dma_start3A_48 = arith.constant 0 : i32
        %dma_start3A_49 = tpu.memref_slice %arg10[%dma_start3A, %dma_start3A_48] : memref<400x64xf32, #tpu.memory_space<vmem>> -> memref<400x64xf32, #tpu.memory_space<vmem>>
        %dma_start3A_50 = arith.constant 0 : i32
        %dma_start3A_51 = tpu.memref_slice %arg6[%arg0, %add3A_35, %dma_start3A_50] : memref<2x10000x64xf32, #tpu.memory_space<hbm>> -> memref<1x400x64xf32, #tpu.memory_space<hbm>>
        %dma_start3A_52 = tpu.memref_squeeze %dma_start3A_51 : memref<1x400x64xf32, #tpu.memory_space<hbm>> -> memref<400x64xf32, #tpu.memory_space<hbm>>
        %dma_start3A_53 = arith.constant 0 : i32
        %dma_start3A_54 = tpu.memref_slice %arg6[%arg0, %add3A_35, %dma_start3A_53] : memref<2x10000x64xf32, #tpu.memory_space<hbm>> -> memref<1x400x64xf32, #tpu.memory_space<hbm>>
        %dma_start3A_55 = tpu.memref_squeeze %dma_start3A_54 : memref<1x400x64xf32, #tpu.memory_space<hbm>> -> memref<400x64xf32, #tpu.memory_space<hbm>>
        %dma_start3A_56 = arith.constant 0 : i32
        %dma_start3A_57 = arith.constant 0 : i32
        %dma_start3A_58 = tpu.memref_slice %arg10[%dma_start3A_56, %dma_start3A_57] : memref<400x64xf32, #tpu.memory_space<vmem>> -> memref<400x64xf32, #tpu.memory_space<vmem>>
        tpu.enqueue_dma source(%dma_start3A_58 : memref<400x64xf32, #tpu.memory_space<vmem>>) target(%dma_start3A_55 : memref<400x64xf32, #tpu.memory_space<hbm>>) target_semaphore(%run_scoped3A : memref<!tpu.dma_semaphore, #tpu.memory_space<semaphore_mem>>)
        %dma_wait3A = arith.constant 0 : i32
        %dma_wait3A_59 = arith.constant 0 : i32
        %dma_wait3A_60 = tpu.memref_slice %arg10[%dma_wait3A, %dma_wait3A_59] : memref<400x64xf32, #tpu.memory_space<vmem>> -> memref<400x64xf32, #tpu.memory_space<vmem>>
        %dma_wait3A_61 = arith.constant 0 : i32
        %dma_wait3A_62 = tpu.memref_slice %arg6[%arg0, %add3A_35, %dma_wait3A_61] : memref<2x10000x64xf32, #tpu.memory_space<hbm>> -> memref<1x400x64xf32, #tpu.memory_space<hbm>>
        %dma_wait3A_63 = tpu.memref_squeeze %dma_wait3A_62 : memref<1x400x64xf32, #tpu.memory_space<hbm>> -> memref<400x64xf32, #tpu.memory_space<hbm>>
        %dma_wait3A_64 = arith.constant 0 : i32
        %dma_wait3A_65 = tpu.memref_slice %arg6[%arg0, %add3A_35, %dma_wait3A_64] : memref<2x10000x64xf32, #tpu.memory_space<hbm>> -> memref<1x400x64xf32, #tpu.memory_space<hbm>>
        %dma_wait3A_66 = tpu.memref_squeeze %dma_wait3A_65 : memref<1x400x64xf32, #tpu.memory_space<hbm>> -> memref<400x64xf32, #tpu.memory_space<hbm>>
        %dma_wait3A_67 = arith.constant 0 : i32
        %dma_wait3A_68 = arith.constant 0 : i32
        %dma_wait3A_69 = tpu.memref_slice %arg10[%dma_wait3A_67, %dma_wait3A_68] : memref<400x64xf32, #tpu.memory_space<vmem>> -> memref<400x64xf32, #tpu.memory_space<vmem>>
        tpu.wait_dma2 semaphore(%run_scoped3A : memref<!tpu.dma_semaphore, #tpu.memory_space<semaphore_mem>>) src(%dma_wait3A_69 : memref<400x64xf32, #tpu.memory_space<vmem>>) dst(%dma_wait3A_66 : memref<400x64xf32, #tpu.memory_space<hbm>>)
        tpu.yield
      }) : () -> ()
      %add3A_36 = arith.constant 0 : i32
      %add3A_37 = arith.addi %mul3A_8, %add3A_36 : i32
      "tpu.region"() ({
        %run_scoped3A = tpu.sem_alloc : memref<!tpu.dma_semaphore, #tpu.memory_space<semaphore_mem>>
        %dma_start3A = arith.constant 0 : i32
        %dma_start3A_48 = arith.constant 0 : i32
        %dma_start3A_49 = tpu.memref_slice %arg11[%dma_start3A, %dma_start3A_48] : memref<400x16xf32, #tpu.memory_space<vmem>> -> memref<400x16xf32, #tpu.memory_space<vmem>>
        %dma_start3A_50 = arith.constant 0 : i32
        %dma_start3A_51 = tpu.memref_slice %arg15[%add3A_37, %dma_start3A_50] : memref<10000x16xf32, #tpu.memory_space<vmem_shared>> -> memref<400x16xf32, #tpu.memory_space<vmem_shared>>
        %dma_start3A_52 = arith.constant 0 : i32
        %dma_start3A_53 = arith.constant 0 : i32
        %dma_start3A_54 = tpu.memref_slice %arg11[%dma_start3A_52, %dma_start3A_53] : memref<400x16xf32, #tpu.memory_space<vmem>> -> memref<400x16xf32, #tpu.memory_space<vmem>>
        %dma_start3A_55 = arith.constant 0 : i32
        %dma_start3A_56 = tpu.memref_slice %arg15[%add3A_37, %dma_start3A_55] : memref<10000x16xf32, #tpu.memory_space<vmem_shared>> -> memref<400x16xf32, #tpu.memory_space<vmem_shared>>
        tpu.enqueue_dma source(%dma_start3A_56 : memref<400x16xf32, #tpu.memory_space<vmem_shared>>) target(%dma_start3A_54 : memref<400x16xf32, #tpu.memory_space<vmem>>) target_semaphore(%run_scoped3A : memref<!tpu.dma_semaphore, #tpu.memory_space<semaphore_mem>>)
        %dma_wait3A = arith.constant 0 : i32
        %dma_wait3A_57 = arith.constant 0 : i32
        %dma_wait3A_58 = tpu.memref_slice %arg11[%dma_wait3A, %dma_wait3A_57] : memref<400x16xf32, #tpu.memory_space<vmem>> -> memref<400x16xf32, #tpu.memory_space<vmem>>
        %dma_wait3A_59 = arith.constant 0 : i32
        %dma_wait3A_60 = tpu.memref_slice %arg15[%add3A_37, %dma_wait3A_59] : memref<10000x16xf32, #tpu.memory_space<vmem_shared>> -> memref<400x16xf32, #tpu.memory_space<vmem_shared>>
        %dma_wait3A_61 = arith.constant 0 : i32
        %dma_wait3A_62 = arith.constant 0 : i32
        %dma_wait3A_63 = tpu.memref_slice %arg11[%dma_wait3A_61, %dma_wait3A_62] : memref<400x16xf32, #tpu.memory_space<vmem>> -> memref<400x16xf32, #tpu.memory_space<vmem>>
        %dma_wait3A_64 = arith.constant 0 : i32
        %dma_wait3A_65 = tpu.memref_slice %arg15[%add3A_37, %dma_wait3A_64] : memref<10000x16xf32, #tpu.memory_space<vmem_shared>> -> memref<400x16xf32, #tpu.memory_space<vmem_shared>>
        tpu.wait_dma2 semaphore(%run_scoped3A : memref<!tpu.dma_semaphore, #tpu.memory_space<semaphore_mem>>) src(%dma_wait3A_65 : memref<400x16xf32, #tpu.memory_space<vmem_shared>>) dst(%dma_wait3A_63 : memref<400x16xf32, #tpu.memory_space<vmem>>)
        tpu.yield
      }) : () -> ()
      %add3A_38 = arith.constant 0 : i32
      %add3A_39 = arith.addi %mul3A_8, %add3A_38 : i32
      "tpu.region"() ({
        %run_scoped3A = tpu.sem_alloc : memref<!tpu.dma_semaphore, #tpu.memory_space<semaphore_mem>>
        %dma_start3A = arith.constant 0 : i32
        %dma_start3A_48 = arith.constant 0 : i32
        %dma_start3A_49 = tpu.memref_slice %arg11[%dma_start3A, %dma_start3A_48] : memref<400x16xf32, #tpu.memory_space<vmem>> -> memref<400x16xf32, #tpu.memory_space<vmem>>
        %dma_start3A_50 = arith.constant 0 : i32
        %dma_start3A_51 = tpu.memref_slice %arg7[%arg0, %add3A_39, %dma_start3A_50] : memref<2x10000x16xf32, #tpu.memory_space<hbm>> -> memref<1x400x16xf32, #tpu.memory_space<hbm>>
        %dma_start3A_52 = tpu.memref_squeeze %dma_start3A_51 : memref<1x400x16xf32, #tpu.memory_space<hbm>> -> memref<400x16xf32, #tpu.memory_space<hbm>>
        %dma_start3A_53 = arith.constant 0 : i32
        %dma_start3A_54 = tpu.memref_slice %arg7[%arg0, %add3A_39, %dma_start3A_53] : memref<2x10000x16xf32, #tpu.memory_space<hbm>> -> memref<1x400x16xf32, #tpu.memory_space<hbm>>
        %dma_start3A_55 = tpu.memref_squeeze %dma_start3A_54 : memref<1x400x16xf32, #tpu.memory_space<hbm>> -> memref<400x16xf32, #tpu.memory_space<hbm>>
        %dma_start3A_56 = arith.constant 0 : i32
        %dma_start3A_57 = arith.constant 0 : i32
        %dma_start3A_58 = tpu.memref_slice %arg11[%dma_start3A_56, %dma_start3A_57] : memref<400x16xf32, #tpu.memory_space<vmem>> -> memref<400x16xf32, #tpu.memory_space<vmem>>
        tpu.enqueue_dma source(%dma_start3A_58 : memref<400x16xf32, #tpu.memory_space<vmem>>) target(%dma_start3A_55 : memref<400x16xf32, #tpu.memory_space<hbm>>) target_semaphore(%run_scoped3A : memref<!tpu.dma_semaphore, #tpu.memory_space<semaphore_mem>>)
        %dma_wait3A = arith.constant 0 : i32
        %dma_wait3A_59 = arith.constant 0 : i32
        %dma_wait3A_60 = tpu.memref_slice %arg11[%dma_wait3A, %dma_wait3A_59] : memref<400x16xf32, #tpu.memory_space<vmem>> -> memref<400x16xf32, #tpu.memory_space<vmem>>
        %dma_wait3A_61 = arith.constant 0 : i32
        %dma_wait3A_62 = tpu.memref_slice %arg7[%arg0, %add3A_39, %dma_wait3A_61] : memref<2x10000x16xf32, #tpu.memory_space<hbm>> -> memref<1x400x16xf32, #tpu.memory_space<hbm>>
        %dma_wait3A_63 = tpu.memref_squeeze %dma_wait3A_62 : memref<1x400x16xf32, #tpu.memory_space<hbm>> -> memref<400x16xf32, #tpu.memory_space<hbm>>
        %dma_wait3A_64 = arith.constant 0 : i32
        %dma_wait3A_65 = tpu.memref_slice %arg7[%arg0, %add3A_39, %dma_wait3A_64] : memref<2x10000x16xf32, #tpu.memory_space<hbm>> -> memref<1x400x16xf32, #tpu.memory_space<hbm>>
        %dma_wait3A_66 = tpu.memref_squeeze %dma_wait3A_65 : memref<1x400x16xf32, #tpu.memory_space<hbm>> -> memref<400x16xf32, #tpu.memory_space<hbm>>
        %dma_wait3A_67 = arith.constant 0 : i32
        %dma_wait3A_68 = arith.constant 0 : i32
        %dma_wait3A_69 = tpu.memref_slice %arg11[%dma_wait3A_67, %dma_wait3A_68] : memref<400x16xf32, #tpu.memory_space<vmem>> -> memref<400x16xf32, #tpu.memory_space<vmem>>
        tpu.wait_dma2 semaphore(%run_scoped3A : memref<!tpu.dma_semaphore, #tpu.memory_space<semaphore_mem>>) src(%dma_wait3A_69 : memref<400x16xf32, #tpu.memory_space<vmem>>) dst(%dma_wait3A_66 : memref<400x16xf32, #tpu.memory_space<hbm>>)
        tpu.yield
      }) : () -> ()
      %add3A_40 = arith.constant 400 : i32
      %add3A_41 = arith.addi %mul3A_8, %add3A_40 : i32
      "tpu.region"() ({
        %run_scoped3A = tpu.sem_alloc : memref<!tpu.dma_semaphore, #tpu.memory_space<semaphore_mem>>
        %dma_start3A = arith.constant 0 : i32
        %dma_start3A_48 = arith.constant 0 : i32
        %dma_start3A_49 = tpu.memref_slice %arg10[%dma_start3A, %dma_start3A_48] : memref<400x64xf32, #tpu.memory_space<vmem>> -> memref<120x64xf32, #tpu.memory_space<vmem>>
        %dma_start3A_50 = arith.constant 0 : i32
        %dma_start3A_51 = tpu.memref_slice %arg14[%add3A_41, %dma_start3A_50] : memref<10000x64xf32, #tpu.memory_space<vmem_shared>> -> memref<120x64xf32, #tpu.memory_space<vmem_shared>>
        %dma_start3A_52 = arith.constant 0 : i32
        %dma_start3A_53 = arith.constant 0 : i32
        %dma_start3A_54 = tpu.memref_slice %arg10[%dma_start3A_52, %dma_start3A_53] : memref<400x64xf32, #tpu.memory_space<vmem>> -> memref<120x64xf32, #tpu.memory_space<vmem>>
        %dma_start3A_55 = arith.constant 0 : i32
        %dma_start3A_56 = tpu.memref_slice %arg14[%add3A_41, %dma_start3A_55] : memref<10000x64xf32, #tpu.memory_space<vmem_shared>> -> memref<120x64xf32, #tpu.memory_space<vmem_shared>>
        tpu.enqueue_dma source(%dma_start3A_56 : memref<120x64xf32, #tpu.memory_space<vmem_shared>>) target(%dma_start3A_54 : memref<120x64xf32, #tpu.memory_space<vmem>>) target_semaphore(%run_scoped3A : memref<!tpu.dma_semaphore, #tpu.memory_space<semaphore_mem>>)
        %dma_wait3A = arith.constant 0 : i32
        %dma_wait3A_57 = arith.constant 0 : i32
        %dma_wait3A_58 = tpu.memref_slice %arg10[%dma_wait3A, %dma_wait3A_57] : memref<400x64xf32, #tpu.memory_space<vmem>> -> memref<120x64xf32, #tpu.memory_space<vmem>>
        %dma_wait3A_59 = arith.constant 0 : i32
        %dma_wait3A_60 = tpu.memref_slice %arg14[%add3A_41, %dma_wait3A_59] : memref<10000x64xf32, #tpu.memory_space<vmem_shared>> -> memref<120x64xf32, #tpu.memory_space<vmem_shared>>
        %dma_wait3A_61 = arith.constant 0 : i32
        %dma_wait3A_62 = arith.constant 0 : i32
        %dma_wait3A_63 = tpu.memref_slice %arg10[%dma_wait3A_61, %dma_wait3A_62] : memref<400x64xf32, #tpu.memory_space<vmem>> -> memref<120x64xf32, #tpu.memory_space<vmem>>
        %dma_wait3A_64 = arith.constant 0 : i32
        %dma_wait3A_65 = tpu.memref_slice %arg14[%add3A_41, %dma_wait3A_64] : memref<10000x64xf32, #tpu.memory_space<vmem_shared>> -> memref<120x64xf32, #tpu.memory_space<vmem_shared>>
        tpu.wait_dma2 semaphore(%run_scoped3A : memref<!tpu.dma_semaphore, #tpu.memory_space<semaphore_mem>>) src(%dma_wait3A_65 : memref<120x64xf32, #tpu.memory_space<vmem_shared>>) dst(%dma_wait3A_63 : memref<120x64xf32, #tpu.memory_space<vmem>>)
        tpu.yield
      }) : () -> ()
      %add3A_42 = arith.constant 400 : i32
      %add3A_43 = arith.addi %mul3A_8, %add3A_42 : i32
      "tpu.region"() ({
        %run_scoped3A = tpu.sem_alloc : memref<!tpu.dma_semaphore, #tpu.memory_space<semaphore_mem>>
        %dma_start3A = arith.constant 0 : i32
        %dma_start3A_48 = arith.constant 0 : i32
        %dma_start3A_49 = tpu.memref_slice %arg10[%dma_start3A, %dma_start3A_48] : memref<400x64xf32, #tpu.memory_space<vmem>> -> memref<120x64xf32, #tpu.memory_space<vmem>>
        %dma_start3A_50 = arith.constant 0 : i32
        %dma_start3A_51 = tpu.memref_slice %arg6[%arg0, %add3A_43, %dma_start3A_50] : memref<2x10000x64xf32, #tpu.memory_space<hbm>> -> memref<1x120x64xf32, #tpu.memory_space<hbm>>
        %dma_start3A_52 = tpu.memref_squeeze %dma_start3A_51 : memref<1x120x64xf32, #tpu.memory_space<hbm>> -> memref<120x64xf32, #tpu.memory_space<hbm>>
        %dma_start3A_53 = arith.constant 0 : i32
        %dma_start3A_54 = tpu.memref_slice %arg6[%arg0, %add3A_43, %dma_start3A_53] : memref<2x10000x64xf32, #tpu.memory_space<hbm>> -> memref<1x120x64xf32, #tpu.memory_space<hbm>>
        %dma_start3A_55 = tpu.memref_squeeze %dma_start3A_54 : memref<1x120x64xf32, #tpu.memory_space<hbm>> -> memref<120x64xf32, #tpu.memory_space<hbm>>
        %dma_start3A_56 = arith.constant 0 : i32
        %dma_start3A_57 = arith.constant 0 : i32
        %dma_start3A_58 = tpu.memref_slice %arg10[%dma_start3A_56, %dma_start3A_57] : memref<400x64xf32, #tpu.memory_space<vmem>> -> memref<120x64xf32, #tpu.memory_space<vmem>>
        tpu.enqueue_dma source(%dma_start3A_58 : memref<120x64xf32, #tpu.memory_space<vmem>>) target(%dma_start3A_55 : memref<120x64xf32, #tpu.memory_space<hbm>>) target_semaphore(%run_scoped3A : memref<!tpu.dma_semaphore, #tpu.memory_space<semaphore_mem>>)
        %dma_wait3A = arith.constant 0 : i32
        %dma_wait3A_59 = arith.constant 0 : i32
        %dma_wait3A_60 = tpu.memref_slice %arg10[%dma_wait3A, %dma_wait3A_59] : memref<400x64xf32, #tpu.memory_space<vmem>> -> memref<120x64xf32, #tpu.memory_space<vmem>>
        %dma_wait3A_61 = arith.constant 0 : i32
        %dma_wait3A_62 = tpu.memref_slice %arg6[%arg0, %add3A_43, %dma_wait3A_61] : memref<2x10000x64xf32, #tpu.memory_space<hbm>> -> memref<1x120x64xf32, #tpu.memory_space<hbm>>
        %dma_wait3A_63 = tpu.memref_squeeze %dma_wait3A_62 : memref<1x120x64xf32, #tpu.memory_space<hbm>> -> memref<120x64xf32, #tpu.memory_space<hbm>>
        %dma_wait3A_64 = arith.constant 0 : i32
        %dma_wait3A_65 = tpu.memref_slice %arg6[%arg0, %add3A_43, %dma_wait3A_64] : memref<2x10000x64xf32, #tpu.memory_space<hbm>> -> memref<1x120x64xf32, #tpu.memory_space<hbm>>
        %dma_wait3A_66 = tpu.memref_squeeze %dma_wait3A_65 : memref<1x120x64xf32, #tpu.memory_space<hbm>> -> memref<120x64xf32, #tpu.memory_space<hbm>>
        %dma_wait3A_67 = arith.constant 0 : i32
        %dma_wait3A_68 = arith.constant 0 : i32
        %dma_wait3A_69 = tpu.memref_slice %arg10[%dma_wait3A_67, %dma_wait3A_68] : memref<400x64xf32, #tpu.memory_space<vmem>> -> memref<120x64xf32, #tpu.memory_space<vmem>>
        tpu.wait_dma2 semaphore(%run_scoped3A : memref<!tpu.dma_semaphore, #tpu.memory_space<semaphore_mem>>) src(%dma_wait3A_69 : memref<120x64xf32, #tpu.memory_space<vmem>>) dst(%dma_wait3A_66 : memref<120x64xf32, #tpu.memory_space<hbm>>)
        tpu.yield
      }) : () -> ()
      %add3A_44 = arith.constant 400 : i32
      %add3A_45 = arith.addi %mul3A_8, %add3A_44 : i32
      "tpu.region"() ({
        %run_scoped3A = tpu.sem_alloc : memref<!tpu.dma_semaphore, #tpu.memory_space<semaphore_mem>>
        %dma_start3A = arith.constant 0 : i32
        %dma_start3A_48 = arith.constant 0 : i32
        %dma_start3A_49 = tpu.memref_slice %arg11[%dma_start3A, %dma_start3A_48] : memref<400x16xf32, #tpu.memory_space<vmem>> -> memref<120x16xf32, #tpu.memory_space<vmem>>
        %dma_start3A_50 = arith.constant 0 : i32
        %dma_start3A_51 = tpu.memref_slice %arg15[%add3A_45, %dma_start3A_50] : memref<10000x16xf32, #tpu.memory_space<vmem_shared>> -> memref<120x16xf32, #tpu.memory_space<vmem_shared>>
        %dma_start3A_52 = arith.constant 0 : i32
        %dma_start3A_53 = arith.constant 0 : i32
        %dma_start3A_54 = tpu.memref_slice %arg11[%dma_start3A_52, %dma_start3A_53] : memref<400x16xf32, #tpu.memory_space<vmem>> -> memref<120x16xf32, #tpu.memory_space<vmem>>
        %dma_start3A_55 = arith.constant 0 : i32
        %dma_start3A_56 = tpu.memref_slice %arg15[%add3A_45, %dma_start3A_55] : memref<10000x16xf32, #tpu.memory_space<vmem_shared>> -> memref<120x16xf32, #tpu.memory_space<vmem_shared>>
        tpu.enqueue_dma source(%dma_start3A_56 : memref<120x16xf32, #tpu.memory_space<vmem_shared>>) target(%dma_start3A_54 : memref<120x16xf32, #tpu.memory_space<vmem>>) target_semaphore(%run_scoped3A : memref<!tpu.dma_semaphore, #tpu.memory_space<semaphore_mem>>)
        %dma_wait3A = arith.constant 0 : i32
        %dma_wait3A_57 = arith.constant 0 : i32
        %dma_wait3A_58 = tpu.memref_slice %arg11[%dma_wait3A, %dma_wait3A_57] : memref<400x16xf32, #tpu.memory_space<vmem>> -> memref<120x16xf32, #tpu.memory_space<vmem>>
        %dma_wait3A_59 = arith.constant 0 : i32
        %dma_wait3A_60 = tpu.memref_slice %arg15[%add3A_45, %dma_wait3A_59] : memref<10000x16xf32, #tpu.memory_space<vmem_shared>> -> memref<120x16xf32, #tpu.memory_space<vmem_shared>>
        %dma_wait3A_61 = arith.constant 0 : i32
        %dma_wait3A_62 = arith.constant 0 : i32
        %dma_wait3A_63 = tpu.memref_slice %arg11[%dma_wait3A_61, %dma_wait3A_62] : memref<400x16xf32, #tpu.memory_space<vmem>> -> memref<120x16xf32, #tpu.memory_space<vmem>>
        %dma_wait3A_64 = arith.constant 0 : i32
        %dma_wait3A_65 = tpu.memref_slice %arg15[%add3A_45, %dma_wait3A_64] : memref<10000x16xf32, #tpu.memory_space<vmem_shared>> -> memref<120x16xf32, #tpu.memory_space<vmem_shared>>
        tpu.wait_dma2 semaphore(%run_scoped3A : memref<!tpu.dma_semaphore, #tpu.memory_space<semaphore_mem>>) src(%dma_wait3A_65 : memref<120x16xf32, #tpu.memory_space<vmem_shared>>) dst(%dma_wait3A_63 : memref<120x16xf32, #tpu.memory_space<vmem>>)
        tpu.yield
      }) : () -> ()
      %add3A_46 = arith.constant 400 : i32
      %add3A_47 = arith.addi %mul3A_8, %add3A_46 : i32
      "tpu.region"() ({
        %run_scoped3A = tpu.sem_alloc : memref<!tpu.dma_semaphore, #tpu.memory_space<semaphore_mem>>
        %dma_start3A = arith.constant 0 : i32
        %dma_start3A_48 = arith.constant 0 : i32
        %dma_start3A_49 = tpu.memref_slice %arg11[%dma_start3A, %dma_start3A_48] : memref<400x16xf32, #tpu.memory_space<vmem>> -> memref<120x16xf32, #tpu.memory_space<vmem>>
        %dma_start3A_50 = arith.constant 0 : i32
        %dma_start3A_51 = tpu.memref_slice %arg7[%arg0, %add3A_47, %dma_start3A_50] : memref<2x10000x16xf32, #tpu.memory_space<hbm>> -> memref<1x120x16xf32, #tpu.memory_space<hbm>>
        %dma_start3A_52 = tpu.memref_squeeze %dma_start3A_51 : memref<1x120x16xf32, #tpu.memory_space<hbm>> -> memref<120x16xf32, #tpu.memory_space<hbm>>
        %dma_start3A_53 = arith.constant 0 : i32
        %dma_start3A_54 = tpu.memref_slice %arg7[%arg0, %add3A_47, %dma_start3A_53] : memref<2x10000x16xf32, #tpu.memory_space<hbm>> -> memref<1x120x16xf32, #tpu.memory_space<hbm>>
        %dma_start3A_55 = tpu.memref_squeeze %dma_start3A_54 : memref<1x120x16xf32, #tpu.memory_space<hbm>> -> memref<120x16xf32, #tpu.memory_space<hbm>>
        %dma_start3A_56 = arith.constant 0 : i32
        %dma_start3A_57 = arith.constant 0 : i32
        %dma_start3A_58 = tpu.memref_slice %arg11[%dma_start3A_56, %dma_start3A_57] : memref<400x16xf32, #tpu.memory_space<vmem>> -> memref<120x16xf32, #tpu.memory_space<vmem>>
        tpu.enqueue_dma source(%dma_start3A_58 : memref<120x16xf32, #tpu.memory_space<vmem>>) target(%dma_start3A_55 : memref<120x16xf32, #tpu.memory_space<hbm>>) target_semaphore(%run_scoped3A : memref<!tpu.dma_semaphore, #tpu.memory_space<semaphore_mem>>)
        %dma_wait3A = arith.constant 0 : i32
        %dma_wait3A_59 = arith.constant 0 : i32
        %dma_wait3A_60 = tpu.memref_slice %arg11[%dma_wait3A, %dma_wait3A_59] : memref<400x16xf32, #tpu.memory_space<vmem>> -> memref<120x16xf32, #tpu.memory_space<vmem>>
        %dma_wait3A_61 = arith.constant 0 : i32
        %dma_wait3A_62 = tpu.memref_slice %arg7[%arg0, %add3A_47, %dma_wait3A_61] : memref<2x10000x16xf32, #tpu.memory_space<hbm>> -> memref<1x120x16xf32, #tpu.memory_space<hbm>>
        %dma_wait3A_63 = tpu.memref_squeeze %dma_wait3A_62 : memref<1x120x16xf32, #tpu.memory_space<hbm>> -> memref<120x16xf32, #tpu.memory_space<hbm>>
        %dma_wait3A_64 = arith.constant 0 : i32
        %dma_wait3A_65 = tpu.memref_slice %arg7[%arg0, %add3A_47, %dma_wait3A_64] : memref<2x10000x16xf32, #tpu.memory_space<hbm>> -> memref<1x120x16xf32, #tpu.memory_space<hbm>>
        %dma_wait3A_66 = tpu.memref_squeeze %dma_wait3A_65 : memref<1x120x16xf32, #tpu.memory_space<hbm>> -> memref<120x16xf32, #tpu.memory_space<hbm>>
        %dma_wait3A_67 = arith.constant 0 : i32
        %dma_wait3A_68 = arith.constant 0 : i32
        %dma_wait3A_69 = tpu.memref_slice %arg11[%dma_wait3A_67, %dma_wait3A_68] : memref<400x16xf32, #tpu.memory_space<vmem>> -> memref<120x16xf32, #tpu.memory_space<vmem>>
        tpu.wait_dma2 semaphore(%run_scoped3A : memref<!tpu.dma_semaphore, #tpu.memory_space<semaphore_mem>>) src(%dma_wait3A_69 : memref<120x16xf32, #tpu.memory_space<vmem>>) dst(%dma_wait3A_66 : memref<120x16xf32, #tpu.memory_space<hbm>>)
        tpu.yield
      }) : () -> ()
    } else {
    }
    return
  }
}

#map = affine_map<(d0, d1) -> (0)>
#map1 = affine_map<(d0, d1) -> (0, 0)>
#map2 = affine_map<(d0, d1) -> (0, 0, 0)>
module attributes {stable_mosaic.version = 14 : i64} {
  func.func @body(%arg0: i32, %arg1: i32, %arg2: memref<320000xi32, #tpu.memory_space<hbm>>, %arg3: memref<320000xi32, #tpu.memory_space<hbm>>, %arg4: memref<10000x32xf32, #tpu.memory_space<hbm>>, %arg5: memref<10000x16xf32, #tpu.memory_space<hbm>>, %arg6: memref<2x10000x32xf32, #tpu.memory_space<hbm>>, %arg7: memref<2x10000x16xf32, #tpu.memory_space<hbm>>, %arg8: memref<400xi32, #tpu.memory_space<vmem>>, %arg9: memref<400xi32, #tpu.memory_space<vmem>>, %arg10: memref<400x32xf32, #tpu.memory_space<vmem>>, %arg11: memref<400x16xf32, #tpu.memory_space<vmem>>, %arg12: memref<400x16xf32, #tpu.memory_space<vmem>>, %arg13: memref<400x16xf32, #tpu.memory_space<vmem>>, %arg14: memref<10000x32xf32, #tpu.memory_space<vmem_shared>>, %arg15: memref<10000x16xf32, #tpu.memory_space<vmem_shared>>, %arg16: memref<!tpu.dma_semaphore, #tpu.memory_space<semaphore_mem>>, %arg17: memref<!tpu.dma_semaphore, #tpu.memory_space<semaphore_mem>>) attributes {dimension_semantics = [#tpu.dimension_semantics<core_parallel>, #tpu.dimension_semantics<subcore_parallel>], iteration_bounds = array<i64: 2, 16>, scalar_prefetch = 0 : i64, scratch_operands = 10 : i64, tpu.core_type = #tpu.core_type<sc_vector_subcore>, window_params = [{transform_indices = #map}, {transform_indices = #map}, {transform_indices = #map1}, {transform_indices = #map1}, {transform_indices = #map2}, {transform_indices = #map2}]} {
    %mul3A = arith.constant 16 : i32
    %mul3A_0 = arith.muli %arg0, %mul3A : i32
    %add3A = arith.addi %mul3A_0, %arg1 : i32
    %broadcast_in_dim3A = arith.constant 0.000000e+00 : f32
    %broadcast_in_dim3A_1 = vector.broadcast %broadcast_in_dim3A : f32 to vector<16xf32>
    %scan3A = arith.constant 0 : i32
    %scan3A_2 = arith.constant 0 : i32
    %scan3A_3 = arith.constant 400 : i32
    %scan3A_4 = arith.addi %scan3A_2, %scan3A_3 : i32
    %scan3A_5 = arith.constant 1 : i32
    scf.for %scan3A_32 = %scan3A_2 to %scan3A_4 step %scan3A_5  : i32 {
      %swap3A = arith.index_cast %scan3A_32 : i32 to index
      %swap3A_33 = arith.constant 0 : index
      %swap3A_34 = tpu.vector_load %arg11[%swap3A, %swap3A_33] {strides = array<i32>} : memref<400x16xf32, #tpu.memory_space<vmem>>, vector<16xf32>,
      tpu.vector_store %arg11[%swap3A, %swap3A_33], %broadcast_in_dim3A_1 {strides = array<i32>} : memref<400x16xf32, #tpu.memory_space<vmem>>, vector<16xf32>,
      %swap3A_35 = arith.index_cast %scan3A_32 : i32 to index
      %swap3A_36 = arith.constant 0 : index
      %swap3A_37 = tpu.vector_load %arg10[%swap3A_35, %swap3A_36] {strides = array<i32>} : memref<400x32xf32, #tpu.memory_space<vmem>>, vector<16xf32>,
      tpu.vector_store %arg10[%swap3A_35, %swap3A_36], %broadcast_in_dim3A_1 {strides = array<i32>} : memref<400x32xf32, #tpu.memory_space<vmem>>, vector<16xf32>,
      %swap3A_38 = arith.index_cast %scan3A_32 : i32 to index
      %swap3A_39 = arith.constant 16 : index
      %swap3A_40 = tpu.vector_load %arg10[%swap3A_38, %swap3A_39] {strides = array<i32>} : memref<400x32xf32, #tpu.memory_space<vmem>>, vector<16xf32>,
      tpu.vector_store %arg10[%swap3A_38, %swap3A_39], %broadcast_in_dim3A_1 {strides = array<i32>} : memref<400x32xf32, #tpu.memory_space<vmem>>, vector<16xf32>,
    }
    %scan3A_6 = arith.constant 400 : i32
    %mul3A_7 = arith.constant 632 : i32
    %mul3A_8 = arith.muli %arg1, %mul3A_7 : i32
    %lt3A = arith.constant 15 : i32
    %lt3A_9 = arith.cmpi slt, %arg1, %lt3A : i32
    %convert_element_type3A = arith.extui %lt3A_9 : i1 to i32
    %cond3A = arith.constant 0 : i32
    %cond3A_10 = arith.cmpi ne, %convert_element_type3A, %cond3A : i32
    scf.if %cond3A_10 {
      %add3A_32 = arith.constant 0 : i32
      %add3A_33 = arith.addi %mul3A_8, %add3A_32 : i32
      "tpu.region"() ({
        %run_scoped3A = tpu.sem_alloc : memref<!tpu.dma_semaphore, #tpu.memory_space<semaphore_mem>>
        %dma_start3A = arith.constant 0 : i32
        %dma_start3A_40 = arith.constant 0 : i32
        %dma_start3A_41 = tpu.memref_slice %arg10[%dma_start3A, %dma_start3A_40] : memref<400x32xf32, #tpu.memory_space<vmem>> -> memref<400x32xf32, #tpu.memory_space<vmem>>
        %dma_start3A_42 = arith.constant 0 : i32
        %dma_start3A_43 = tpu.memref_slice %arg14[%add3A_33, %dma_start3A_42] : memref<10000x32xf32, #tpu.memory_space<vmem_shared>> -> memref<400x32xf32, #tpu.memory_space<vmem_shared>>
        %dma_start3A_44 = arith.constant 0 : i32
        %dma_start3A_45 = tpu.memref_slice %arg14[%add3A_33, %dma_start3A_44] : memref<10000x32xf32, #tpu.memory_space<vmem_shared>> -> memref<400x32xf32, #tpu.memory_space<vmem_shared>>
        %dma_start3A_46 = arith.constant 0 : i32
        %dma_start3A_47 = arith.constant 0 : i32
        %dma_start3A_48 = tpu.memref_slice %arg10[%dma_start3A_46, %dma_start3A_47] : memref<400x32xf32, #tpu.memory_space<vmem>> -> memref<400x32xf32, #tpu.memory_space<vmem>>
        tpu.enqueue_dma source(%dma_start3A_48 : memref<400x32xf32, #tpu.memory_space<vmem>>) target(%dma_start3A_45 : memref<400x32xf32, #tpu.memory_space<vmem_shared>>) target_semaphore(%run_scoped3A : memref<!tpu.dma_semaphore, #tpu.memory_space<semaphore_mem>>)
        %dma_wait3A = arith.constant 0 : i32
        %dma_wait3A_49 = arith.constant 0 : i32
        %dma_wait3A_50 = tpu.memref_slice %arg10[%dma_wait3A, %dma_wait3A_49] : memref<400x32xf32, #tpu.memory_space<vmem>> -> memref<400x32xf32, #tpu.memory_space<vmem>>
        %dma_wait3A_51 = arith.constant 0 : i32
        %dma_wait3A_52 = tpu.memref_slice %arg14[%add3A_33, %dma_wait3A_51] : memref<10000x32xf32, #tpu.memory_space<vmem_shared>> -> memref<400x32xf32, #tpu.memory_space<vmem_shared>>
        %dma_wait3A_53 = arith.constant 0 : i32
        %dma_wait3A_54 = tpu.memref_slice %arg14[%add3A_33, %dma_wait3A_53] : memref<10000x32xf32, #tpu.memory_space<vmem_shared>> -> memref<400x32xf32, #tpu.memory_space<vmem_shared>>
        %dma_wait3A_55 = arith.constant 0 : i32
        %dma_wait3A_56 = arith.constant 0 : i32
        %dma_wait3A_57 = tpu.memref_slice %arg10[%dma_wait3A_55, %dma_wait3A_56] : memref<400x32xf32, #tpu.memory_space<vmem>> -> memref<400x32xf32, #tpu.memory_space<vmem>>
        tpu.wait_dma2 semaphore(%run_scoped3A : memref<!tpu.dma_semaphore, #tpu.memory_space<semaphore_mem>>) src(%dma_wait3A_57 : memref<400x32xf32, #tpu.memory_space<vmem>>) dst(%dma_wait3A_54 : memref<400x32xf32, #tpu.memory_space<vmem_shared>>)
        tpu.yield
      }) : () -> ()
      %add3A_34 = arith.constant 0 : i32
      %add3A_35 = arith.addi %mul3A_8, %add3A_34 : i32
      "tpu.region"() ({
        %run_scoped3A = tpu.sem_alloc : memref<!tpu.dma_semaphore, #tpu.memory_space<semaphore_mem>>
        %dma_start3A = arith.constant 0 : i32
        %dma_start3A_40 = arith.constant 0 : i32
        %dma_start3A_41 = tpu.memref_slice %arg11[%dma_start3A, %dma_start3A_40] : memref<400x16xf32, #tpu.memory_space<vmem>> -> memref<400x16xf32, #tpu.memory_space<vmem>>
        %dma_start3A_42 = arith.constant 0 : i32
        %dma_start3A_43 = tpu.memref_slice %arg15[%add3A_35, %dma_start3A_42] : memref<10000x16xf32, #tpu.memory_space<vmem_shared>> -> memref<400x16xf32, #tpu.memory_space<vmem_shared>>
        %dma_start3A_44 = arith.constant 0 : i32
        %dma_start3A_45 = tpu.memref_slice %arg15[%add3A_35, %dma_start3A_44] : memref<10000x16xf32, #tpu.memory_space<vmem_shared>> -> memref<400x16xf32, #tpu.memory_space<vmem_shared>>
        %dma_start3A_46 = arith.constant 0 : i32
        %dma_start3A_47 = arith.constant 0 : i32
        %dma_start3A_48 = tpu.memref_slice %arg11[%dma_start3A_46, %dma_start3A_47] : memref<400x16xf32, #tpu.memory_space<vmem>> -> memref<400x16xf32, #tpu.memory_space<vmem>>
        tpu.enqueue_dma source(%dma_start3A_48 : memref<400x16xf32, #tpu.memory_space<vmem>>) target(%dma_start3A_45 : memref<400x16xf32, #tpu.memory_space<vmem_shared>>) target_semaphore(%run_scoped3A : memref<!tpu.dma_semaphore, #tpu.memory_space<semaphore_mem>>)
        %dma_wait3A = arith.constant 0 : i32
        %dma_wait3A_49 = arith.constant 0 : i32
        %dma_wait3A_50 = tpu.memref_slice %arg11[%dma_wait3A, %dma_wait3A_49] : memref<400x16xf32, #tpu.memory_space<vmem>> -> memref<400x16xf32, #tpu.memory_space<vmem>>
        %dma_wait3A_51 = arith.constant 0 : i32
        %dma_wait3A_52 = tpu.memref_slice %arg15[%add3A_35, %dma_wait3A_51] : memref<10000x16xf32, #tpu.memory_space<vmem_shared>> -> memref<400x16xf32, #tpu.memory_space<vmem_shared>>
        %dma_wait3A_53 = arith.constant 0 : i32
        %dma_wait3A_54 = tpu.memref_slice %arg15[%add3A_35, %dma_wait3A_53] : memref<10000x16xf32, #tpu.memory_space<vmem_shared>> -> memref<400x16xf32, #tpu.memory_space<vmem_shared>>
        %dma_wait3A_55 = arith.constant 0 : i32
        %dma_wait3A_56 = arith.constant 0 : i32
        %dma_wait3A_57 = tpu.memref_slice %arg11[%dma_wait3A_55, %dma_wait3A_56] : memref<400x16xf32, #tpu.memory_space<vmem>> -> memref<400x16xf32, #tpu.memory_space<vmem>>
        tpu.wait_dma2 semaphore(%run_scoped3A : memref<!tpu.dma_semaphore, #tpu.memory_space<semaphore_mem>>) src(%dma_wait3A_57 : memref<400x16xf32, #tpu.memory_space<vmem>>) dst(%dma_wait3A_54 : memref<400x16xf32, #tpu.memory_space<vmem_shared>>)
        tpu.yield
      }) : () -> ()
      %add3A_36 = arith.constant 400 : i32
      %add3A_37 = arith.addi %mul3A_8, %add3A_36 : i32
      "tpu.region"() ({
        %run_scoped3A = tpu.sem_alloc : memref<!tpu.dma_semaphore, #tpu.memory_space<semaphore_mem>>
        %dma_start3A = arith.constant 0 : i32
        %dma_start3A_40 = arith.constant 0 : i32
        %dma_start3A_41 = tpu.memref_slice %arg10[%dma_start3A, %dma_start3A_40] : memref<400x32xf32, #tpu.memory_space<vmem>> -> memref<232x32xf32, #tpu.memory_space<vmem>>
        %dma_start3A_42 = arith.constant 0 : i32
        %dma_start3A_43 = tpu.memref_slice %arg14[%add3A_37, %dma_start3A_42] : memref<10000x32xf32, #tpu.memory_space<vmem_shared>> -> memref<232x32xf32, #tpu.memory_space<vmem_shared>>
        %dma_start3A_44 = arith.constant 0 : i32
        %dma_start3A_45 = tpu.memref_slice %arg14[%add3A_37, %dma_start3A_44] : memref<10000x32xf32, #tpu.memory_space<vmem_shared>> -> memref<232x32xf32, #tpu.memory_space<vmem_shared>>
        %dma_start3A_46 = arith.constant 0 : i32
        %dma_start3A_47 = arith.constant 0 : i32
        %dma_start3A_48 = tpu.memref_slice %arg10[%dma_start3A_46, %dma_start3A_47] : memref<400x32xf32, #tpu.memory_space<vmem>> -> memref<232x32xf32, #tpu.memory_space<vmem>>
        tpu.enqueue_dma source(%dma_start3A_48 : memref<232x32xf32, #tpu.memory_space<vmem>>) target(%dma_start3A_45 : memref<232x32xf32, #tpu.memory_space<vmem_shared>>) target_semaphore(%run_scoped3A : memref<!tpu.dma_semaphore, #tpu.memory_space<semaphore_mem>>)
        %dma_wait3A = arith.constant 0 : i32
        %dma_wait3A_49 = arith.constant 0 : i32
        %dma_wait3A_50 = tpu.memref_slice %arg10[%dma_wait3A, %dma_wait3A_49] : memref<400x32xf32, #tpu.memory_space<vmem>> -> memref<232x32xf32, #tpu.memory_space<vmem>>
        %dma_wait3A_51 = arith.constant 0 : i32
        %dma_wait3A_52 = tpu.memref_slice %arg14[%add3A_37, %dma_wait3A_51] : memref<10000x32xf32, #tpu.memory_space<vmem_shared>> -> memref<232x32xf32, #tpu.memory_space<vmem_shared>>
        %dma_wait3A_53 = arith.constant 0 : i32
        %dma_wait3A_54 = tpu.memref_slice %arg14[%add3A_37, %dma_wait3A_53] : memref<10000x32xf32, #tpu.memory_space<vmem_shared>> -> memref<232x32xf32, #tpu.memory_space<vmem_shared>>
        %dma_wait3A_55 = arith.constant 0 : i32
        %dma_wait3A_56 = arith.constant 0 : i32
        %dma_wait3A_57 = tpu.memref_slice %arg10[%dma_wait3A_55, %dma_wait3A_56] : memref<400x32xf32, #tpu.memory_space<vmem>> -> memref<232x32xf32, #tpu.memory_space<vmem>>
        tpu.wait_dma2 semaphore(%run_scoped3A : memref<!tpu.dma_semaphore, #tpu.memory_space<semaphore_mem>>) src(%dma_wait3A_57 : memref<232x32xf32, #tpu.memory_space<vmem>>) dst(%dma_wait3A_54 : memref<232x32xf32, #tpu.memory_space<vmem_shared>>)
        tpu.yield
      }) : () -> ()
      %add3A_38 = arith.constant 400 : i32
      %add3A_39 = arith.addi %mul3A_8, %add3A_38 : i32
      "tpu.region"() ({
        %run_scoped3A = tpu.sem_alloc : memref<!tpu.dma_semaphore, #tpu.memory_space<semaphore_mem>>
        %dma_start3A = arith.constant 0 : i32
        %dma_start3A_40 = arith.constant 0 : i32
        %dma_start3A_41 = tpu.memref_slice %arg11[%dma_start3A, %dma_start3A_40] : memref<400x16xf32, #tpu.memory_space<vmem>> -> memref<232x16xf32, #tpu.memory_space<vmem>>
        %dma_start3A_42 = arith.constant 0 : i32
        %dma_start3A_43 = tpu.memref_slice %arg15[%add3A_39, %dma_start3A_42] : memref<10000x16xf32, #tpu.memory_space<vmem_shared>> -> memref<232x16xf32, #tpu.memory_space<vmem_shared>>
        %dma_start3A_44 = arith.constant 0 : i32
        %dma_start3A_45 = tpu.memref_slice %arg15[%add3A_39, %dma_start3A_44] : memref<10000x16xf32, #tpu.memory_space<vmem_shared>> -> memref<232x16xf32, #tpu.memory_space<vmem_shared>>
        %dma_start3A_46 = arith.constant 0 : i32
        %dma_start3A_47 = arith.constant 0 : i32
        %dma_start3A_48 = tpu.memref_slice %arg11[%dma_start3A_46, %dma_start3A_47] : memref<400x16xf32, #tpu.memory_space<vmem>> -> memref<232x16xf32, #tpu.memory_space<vmem>>
        tpu.enqueue_dma source(%dma_start3A_48 : memref<232x16xf32, #tpu.memory_space<vmem>>) target(%dma_start3A_45 : memref<232x16xf32, #tpu.memory_space<vmem_shared>>) target_semaphore(%run_scoped3A : memref<!tpu.dma_semaphore, #tpu.memory_space<semaphore_mem>>)
        %dma_wait3A = arith.constant 0 : i32
        %dma_wait3A_49 = arith.constant 0 : i32
        %dma_wait3A_50 = tpu.memref_slice %arg11[%dma_wait3A, %dma_wait3A_49] : memref<400x16xf32, #tpu.memory_space<vmem>> -> memref<232x16xf32, #tpu.memory_space<vmem>>
        %dma_wait3A_51 = arith.constant 0 : i32
        %dma_wait3A_52 = tpu.memref_slice %arg15[%add3A_39, %dma_wait3A_51] : memref<10000x16xf32, #tpu.memory_space<vmem_shared>> -> memref<232x16xf32, #tpu.memory_space<vmem_shared>>
        %dma_wait3A_53 = arith.constant 0 : i32
        %dma_wait3A_54 = tpu.memref_slice %arg15[%add3A_39, %dma_wait3A_53] : memref<10000x16xf32, #tpu.memory_space<vmem_shared>> -> memref<232x16xf32, #tpu.memory_space<vmem_shared>>
        %dma_wait3A_55 = arith.constant 0 : i32
        %dma_wait3A_56 = arith.constant 0 : i32
        %dma_wait3A_57 = tpu.memref_slice %arg11[%dma_wait3A_55, %dma_wait3A_56] : memref<400x16xf32, #tpu.memory_space<vmem>> -> memref<232x16xf32, #tpu.memory_space<vmem>>
        tpu.wait_dma2 semaphore(%run_scoped3A : memref<!tpu.dma_semaphore, #tpu.memory_space<semaphore_mem>>) src(%dma_wait3A_57 : memref<232x16xf32, #tpu.memory_space<vmem>>) dst(%dma_wait3A_54 : memref<232x16xf32, #tpu.memory_space<vmem_shared>>)
        tpu.yield
      }) : () -> ()
    } else {
    }
    %eq3A = arith.constant 15 : i32
    %eq3A_11 = arith.cmpi eq, %arg1, %eq3A : i32
    %convert_element_type3A_12 = arith.extui %eq3A_11 : i1 to i32
    %cond3A_13 = arith.constant 0 : i32
    %cond3A_14 = arith.cmpi ne, %convert_element_type3A_12, %cond3A_13 : i32
    scf.if %cond3A_14 {
      %add3A_32 = arith.constant 0 : i32
      %add3A_33 = arith.addi %mul3A_8, %add3A_32 : i32
      "tpu.region"() ({
        %run_scoped3A = tpu.sem_alloc : memref<!tpu.dma_semaphore, #tpu.memory_space<semaphore_mem>>
        %dma_start3A = arith.constant 0 : i32
        %dma_start3A_40 = arith.constant 0 : i32
        %dma_start3A_41 = tpu.memref_slice %arg10[%dma_start3A, %dma_start3A_40] : memref<400x32xf32, #tpu.memory_space<vmem>> -> memref<400x32xf32, #tpu.memory_space<vmem>>
        %dma_start3A_42 = arith.constant 0 : i32
        %dma_start3A_43 = tpu.memref_slice %arg14[%add3A_33, %dma_start3A_42] : memref<10000x32xf32, #tpu.memory_space<vmem_shared>> -> memref<400x32xf32, #tpu.memory_space<vmem_shared>>
        %dma_start3A_44 = arith.constant 0 : i32
        %dma_start3A_45 = tpu.memref_slice %arg14[%add3A_33, %dma_start3A_44] : memref<10000x32xf32, #tpu.memory_space<vmem_shared>> -> memref<400x32xf32, #tpu.memory_space<vmem_shared>>
        %dma_start3A_46 = arith.constant 0 : i32
        %dma_start3A_47 = arith.constant 0 : i32
        %dma_start3A_48 = tpu.memref_slice %arg10[%dma_start3A_46, %dma_start3A_47] : memref<400x32xf32, #tpu.memory_space<vmem>> -> memref<400x32xf32, #tpu.memory_space<vmem>>
        tpu.enqueue_dma source(%dma_start3A_48 : memref<400x32xf32, #tpu.memory_space<vmem>>) target(%dma_start3A_45 : memref<400x32xf32, #tpu.memory_space<vmem_shared>>) target_semaphore(%run_scoped3A : memref<!tpu.dma_semaphore, #tpu.memory_space<semaphore_mem>>)
        %dma_wait3A = arith.constant 0 : i32
        %dma_wait3A_49 = arith.constant 0 : i32
        %dma_wait3A_50 = tpu.memref_slice %arg10[%dma_wait3A, %dma_wait3A_49] : memref<400x32xf32, #tpu.memory_space<vmem>> -> memref<400x32xf32, #tpu.memory_space<vmem>>
        %dma_wait3A_51 = arith.constant 0 : i32
        %dma_wait3A_52 = tpu.memref_slice %arg14[%add3A_33, %dma_wait3A_51] : memref<10000x32xf32, #tpu.memory_space<vmem_shared>> -> memref<400x32xf32, #tpu.memory_space<vmem_shared>>
        %dma_wait3A_53 = arith.constant 0 : i32
        %dma_wait3A_54 = tpu.memref_slice %arg14[%add3A_33, %dma_wait3A_53] : memref<10000x32xf32, #tpu.memory_space<vmem_shared>> -> memref<400x32xf32, #tpu.memory_space<vmem_shared>>
        %dma_wait3A_55 = arith.constant 0 : i32
        %dma_wait3A_56 = arith.constant 0 : i32
        %dma_wait3A_57 = tpu.memref_slice %arg10[%dma_wait3A_55, %dma_wait3A_56] : memref<400x32xf32, #tpu.memory_space<vmem>> -> memref<400x32xf32, #tpu.memory_space<vmem>>
        tpu.wait_dma2 semaphore(%run_scoped3A : memref<!tpu.dma_semaphore, #tpu.memory_space<semaphore_mem>>) src(%dma_wait3A_57 : memref<400x32xf32, #tpu.memory_space<vmem>>) dst(%dma_wait3A_54 : memref<400x32xf32, #tpu.memory_space<vmem_shared>>)
        tpu.yield
      }) : () -> ()
      %add3A_34 = arith.constant 0 : i32
      %add3A_35 = arith.addi %mul3A_8, %add3A_34 : i32
      "tpu.region"() ({
        %run_scoped3A = tpu.sem_alloc : memref<!tpu.dma_semaphore, #tpu.memory_space<semaphore_mem>>
        %dma_start3A = arith.constant 0 : i32
        %dma_start3A_40 = arith.constant 0 : i32
        %dma_start3A_41 = tpu.memref_slice %arg11[%dma_start3A, %dma_start3A_40] : memref<400x16xf32, #tpu.memory_space<vmem>> -> memref<400x16xf32, #tpu.memory_space<vmem>>
        %dma_start3A_42 = arith.constant 0 : i32
        %dma_start3A_43 = tpu.memref_slice %arg15[%add3A_35, %dma_start3A_42] : memref<10000x16xf32, #tpu.memory_space<vmem_shared>> -> memref<400x16xf32, #tpu.memory_space<vmem_shared>>
        %dma_start3A_44 = arith.constant 0 : i32
        %dma_start3A_45 = tpu.memref_slice %arg15[%add3A_35, %dma_start3A_44] : memref<10000x16xf32, #tpu.memory_space<vmem_shared>> -> memref<400x16xf32, #tpu.memory_space<vmem_shared>>
        %dma_start3A_46 = arith.constant 0 : i32
        %dma_start3A_47 = arith.constant 0 : i32
        %dma_start3A_48 = tpu.memref_slice %arg11[%dma_start3A_46, %dma_start3A_47] : memref<400x16xf32, #tpu.memory_space<vmem>> -> memref<400x16xf32, #tpu.memory_space<vmem>>
        tpu.enqueue_dma source(%dma_start3A_48 : memref<400x16xf32, #tpu.memory_space<vmem>>) target(%dma_start3A_45 : memref<400x16xf32, #tpu.memory_space<vmem_shared>>) target_semaphore(%run_scoped3A : memref<!tpu.dma_semaphore, #tpu.memory_space<semaphore_mem>>)
        %dma_wait3A = arith.constant 0 : i32
        %dma_wait3A_49 = arith.constant 0 : i32
        %dma_wait3A_50 = tpu.memref_slice %arg11[%dma_wait3A, %dma_wait3A_49] : memref<400x16xf32, #tpu.memory_space<vmem>> -> memref<400x16xf32, #tpu.memory_space<vmem>>
        %dma_wait3A_51 = arith.constant 0 : i32
        %dma_wait3A_52 = tpu.memref_slice %arg15[%add3A_35, %dma_wait3A_51] : memref<10000x16xf32, #tpu.memory_space<vmem_shared>> -> memref<400x16xf32, #tpu.memory_space<vmem_shared>>
        %dma_wait3A_53 = arith.constant 0 : i32
        %dma_wait3A_54 = tpu.memref_slice %arg15[%add3A_35, %dma_wait3A_53] : memref<10000x16xf32, #tpu.memory_space<vmem_shared>> -> memref<400x16xf32, #tpu.memory_space<vmem_shared>>
        %dma_wait3A_55 = arith.constant 0 : i32
        %dma_wait3A_56 = arith.constant 0 : i32
        %dma_wait3A_57 = tpu.memref_slice %arg11[%dma_wait3A_55, %dma_wait3A_56] : memref<400x16xf32, #tpu.memory_space<vmem>> -> memref<400x16xf32, #tpu.memory_space<vmem>>
        tpu.wait_dma2 semaphore(%run_scoped3A : memref<!tpu.dma_semaphore, #tpu.memory_space<semaphore_mem>>) src(%dma_wait3A_57 : memref<400x16xf32, #tpu.memory_space<vmem>>) dst(%dma_wait3A_54 : memref<400x16xf32, #tpu.memory_space<vmem_shared>>)
        tpu.yield
      }) : () -> ()
      %add3A_36 = arith.constant 400 : i32
      %add3A_37 = arith.addi %mul3A_8, %add3A_36 : i32
      "tpu.region"() ({
        %run_scoped3A = tpu.sem_alloc : memref<!tpu.dma_semaphore, #tpu.memory_space<semaphore_mem>>
        %dma_start3A = arith.constant 0 : i32
        %dma_start3A_40 = arith.constant 0 : i32
        %dma_start3A_41 = tpu.memref_slice %arg10[%dma_start3A, %dma_start3A_40] : memref<400x32xf32, #tpu.memory_space<vmem>> -> memref<120x32xf32, #tpu.memory_space<vmem>>
        %dma_start3A_42 = arith.constant 0 : i32
        %dma_start3A_43 = tpu.memref_slice %arg14[%add3A_37, %dma_start3A_42] : memref<10000x32xf32, #tpu.memory_space<vmem_shared>> -> memref<120x32xf32, #tpu.memory_space<vmem_shared>>
        %dma_start3A_44 = arith.constant 0 : i32
        %dma_start3A_45 = tpu.memref_slice %arg14[%add3A_37, %dma_start3A_44] : memref<10000x32xf32, #tpu.memory_space<vmem_shared>> -> memref<120x32xf32, #tpu.memory_space<vmem_shared>>
        %dma_start3A_46 = arith.constant 0 : i32
        %dma_start3A_47 = arith.constant 0 : i32
        %dma_start3A_48 = tpu.memref_slice %arg10[%dma_start3A_46, %dma_start3A_47] : memref<400x32xf32, #tpu.memory_space<vmem>> -> memref<120x32xf32, #tpu.memory_space<vmem>>
        tpu.enqueue_dma source(%dma_start3A_48 : memref<120x32xf32, #tpu.memory_space<vmem>>) target(%dma_start3A_45 : memref<120x32xf32, #tpu.memory_space<vmem_shared>>) target_semaphore(%run_scoped3A : memref<!tpu.dma_semaphore, #tpu.memory_space<semaphore_mem>>)
        %dma_wait3A = arith.constant 0 : i32
        %dma_wait3A_49 = arith.constant 0 : i32
        %dma_wait3A_50 = tpu.memref_slice %arg10[%dma_wait3A, %dma_wait3A_49] : memref<400x32xf32, #tpu.memory_space<vmem>> -> memref<120x32xf32, #tpu.memory_space<vmem>>
        %dma_wait3A_51 = arith.constant 0 : i32
        %dma_wait3A_52 = tpu.memref_slice %arg14[%add3A_37, %dma_wait3A_51] : memref<10000x32xf32, #tpu.memory_space<vmem_shared>> -> memref<120x32xf32, #tpu.memory_space<vmem_shared>>
        %dma_wait3A_53 = arith.constant 0 : i32
        %dma_wait3A_54 = tpu.memref_slice %arg14[%add3A_37, %dma_wait3A_53] : memref<10000x32xf32, #tpu.memory_space<vmem_shared>> -> memref<120x32xf32, #tpu.memory_space<vmem_shared>>
        %dma_wait3A_55 = arith.constant 0 : i32
        %dma_wait3A_56 = arith.constant 0 : i32
        %dma_wait3A_57 = tpu.memref_slice %arg10[%dma_wait3A_55, %dma_wait3A_56] : memref<400x32xf32, #tpu.memory_space<vmem>> -> memref<120x32xf32, #tpu.memory_space<vmem>>
        tpu.wait_dma2 semaphore(%run_scoped3A : memref<!tpu.dma_semaphore, #tpu.memory_space<semaphore_mem>>) src(%dma_wait3A_57 : memref<120x32xf32, #tpu.memory_space<vmem>>) dst(%dma_wait3A_54 : memref<120x32xf32, #tpu.memory_space<vmem_shared>>)
        tpu.yield
      }) : () -> ()
      %add3A_38 = arith.constant 400 : i32
      %add3A_39 = arith.addi %mul3A_8, %add3A_38 : i32
      "tpu.region"() ({
        %run_scoped3A = tpu.sem_alloc : memref<!tpu.dma_semaphore, #tpu.memory_space<semaphore_mem>>
        %dma_start3A = arith.constant 0 : i32
        %dma_start3A_40 = arith.constant 0 : i32
        %dma_start3A_41 = tpu.memref_slice %arg11[%dma_start3A, %dma_start3A_40] : memref<400x16xf32, #tpu.memory_space<vmem>> -> memref<120x16xf32, #tpu.memory_space<vmem>>
        %dma_start3A_42 = arith.constant 0 : i32
        %dma_start3A_43 = tpu.memref_slice %arg15[%add3A_39, %dma_start3A_42] : memref<10000x16xf32, #tpu.memory_space<vmem_shared>> -> memref<120x16xf32, #tpu.memory_space<vmem_shared>>
        %dma_start3A_44 = arith.constant 0 : i32
        %dma_start3A_45 = tpu.memref_slice %arg15[%add3A_39, %dma_start3A_44] : memref<10000x16xf32, #tpu.memory_space<vmem_shared>> -> memref<120x16xf32, #tpu.memory_space<vmem_shared>>
        %dma_start3A_46 = arith.constant 0 : i32
        %dma_start3A_47 = arith.constant 0 : i32
        %dma_start3A_48 = tpu.memref_slice %arg11[%dma_start3A_46, %dma_start3A_47] : memref<400x16xf32, #tpu.memory_space<vmem>> -> memref<120x16xf32, #tpu.memory_space<vmem>>
        tpu.enqueue_dma source(%dma_start3A_48 : memref<120x16xf32, #tpu.memory_space<vmem>>) target(%dma_start3A_45 : memref<120x16xf32, #tpu.memory_space<vmem_shared>>) target_semaphore(%run_scoped3A : memref<!tpu.dma_semaphore, #tpu.memory_space<semaphore_mem>>)
        %dma_wait3A = arith.constant 0 : i32
        %dma_wait3A_49 = arith.constant 0 : i32
        %dma_wait3A_50 = tpu.memref_slice %arg11[%dma_wait3A, %dma_wait3A_49] : memref<400x16xf32, #tpu.memory_space<vmem>> -> memref<120x16xf32, #tpu.memory_space<vmem>>
        %dma_wait3A_51 = arith.constant 0 : i32
        %dma_wait3A_52 = tpu.memref_slice %arg15[%add3A_39, %dma_wait3A_51] : memref<10000x16xf32, #tpu.memory_space<vmem_shared>> -> memref<120x16xf32, #tpu.memory_space<vmem_shared>>
        %dma_wait3A_53 = arith.constant 0 : i32
        %dma_wait3A_54 = tpu.memref_slice %arg15[%add3A_39, %dma_wait3A_53] : memref<10000x16xf32, #tpu.memory_space<vmem_shared>> -> memref<120x16xf32, #tpu.memory_space<vmem_shared>>
        %dma_wait3A_55 = arith.constant 0 : i32
        %dma_wait3A_56 = arith.constant 0 : i32
        %dma_wait3A_57 = tpu.memref_slice %arg11[%dma_wait3A_55, %dma_wait3A_56] : memref<400x16xf32, #tpu.memory_space<vmem>> -> memref<120x16xf32, #tpu.memory_space<vmem>>
        tpu.wait_dma2 semaphore(%run_scoped3A : memref<!tpu.dma_semaphore, #tpu.memory_space<semaphore_mem>>) src(%dma_wait3A_57 : memref<120x16xf32, #tpu.memory_space<vmem>>) dst(%dma_wait3A_54 : memref<120x16xf32, #tpu.memory_space<vmem_shared>>)
        tpu.yield
      }) : () -> ()
    } else {
    }
    %barrier3A = arith.constant 0 : index
    tpu.barrier barrier_id(%barrier3A)
    %iota3A = tpu.iota {dimensions = array<i32: 0>} : vector<16xi32>
    %scan3A_15 = arith.constant 0 : i32
    %scan3A_16 = arith.constant 0 : i32
    %scan3A_17 = arith.constant 25 : i32
    %scan3A_18 = arith.addi %scan3A_16, %scan3A_17 : i32
    %scan3A_19 = arith.constant 1 : i32
    scf.for %scan3A_32 = %scan3A_16 to %scan3A_18 step %scan3A_19  : i32 {
      %mul3A_33 = arith.constant 10000 : i32
      %mul3A_34 = arith.muli %add3A, %mul3A_33 : i32
      %mul3A_35 = arith.constant 400 : i32
      %mul3A_36 = arith.muli %scan3A_32, %mul3A_35 : i32
      %add3A_37 = arith.addi %mul3A_34, %mul3A_36 : i32
      "tpu.region"() ({
        %run_scoped3A = tpu.sem_alloc : memref<!tpu.dma_semaphore, #tpu.memory_space<semaphore_mem>>
        %dma_start3A_478 = tpu.memref_slice %arg2[%add3A_37] : memref<320000xi32, #tpu.memory_space<hbm>> -> memref<400xi32, #tpu.memory_space<hbm>>
        %dma_start3A_479 = tpu.memref_slice %arg2[%add3A_37] : memref<320000xi32, #tpu.memory_space<hbm>> -> memref<400xi32, #tpu.memory_space<hbm>>
        tpu.enqueue_dma source(%dma_start3A_479 : memref<400xi32, #tpu.memory_space<hbm>>) target(%arg8 : memref<400xi32, #tpu.memory_space<vmem>>) target_semaphore(%run_scoped3A : memref<!tpu.dma_semaphore, #tpu.memory_space<semaphore_mem>>)
        %dma_wait3A_480 = tpu.memref_slice %arg2[%add3A_37] : memref<320000xi32, #tpu.memory_space<hbm>> -> memref<400xi32, #tpu.memory_space<hbm>>
        %dma_wait3A_481 = tpu.memref_slice %arg2[%add3A_37] : memref<320000xi32, #tpu.memory_space<hbm>> -> memref<400xi32, #tpu.memory_space<hbm>>
        tpu.wait_dma2 semaphore(%run_scoped3A : memref<!tpu.dma_semaphore, #tpu.memory_space<semaphore_mem>>) src(%dma_wait3A_481 : memref<400xi32, #tpu.memory_space<hbm>>) dst(%arg8 : memref<400xi32, #tpu.memory_space<vmem>>)
        tpu.yield
      }) : () -> ()
      "tpu.region"() ({
        %run_scoped3A = tpu.sem_alloc : memref<!tpu.dma_semaphore, #tpu.memory_space<semaphore_mem>>
        %dma_start3A_478 = tpu.memref_slice %arg3[%add3A_37] : memref<320000xi32, #tpu.memory_space<hbm>> -> memref<400xi32, #tpu.memory_space<hbm>>
        %dma_start3A_479 = tpu.memref_slice %arg3[%add3A_37] : memref<320000xi32, #tpu.memory_space<hbm>> -> memref<400xi32, #tpu.memory_space<hbm>>
        tpu.enqueue_dma source(%dma_start3A_479 : memref<400xi32, #tpu.memory_space<hbm>>) target(%arg9 : memref<400xi32, #tpu.memory_space<vmem>>) target_semaphore(%run_scoped3A : memref<!tpu.dma_semaphore, #tpu.memory_space<semaphore_mem>>)
        %dma_wait3A_480 = tpu.memref_slice %arg3[%add3A_37] : memref<320000xi32, #tpu.memory_space<hbm>> -> memref<400xi32, #tpu.memory_space<hbm>>
        %dma_wait3A_481 = tpu.memref_slice %arg3[%add3A_37] : memref<320000xi32, #tpu.memory_space<hbm>> -> memref<400xi32, #tpu.memory_space<hbm>>
        tpu.wait_dma2 semaphore(%run_scoped3A : memref<!tpu.dma_semaphore, #tpu.memory_space<semaphore_mem>>) src(%dma_wait3A_481 : memref<400xi32, #tpu.memory_space<hbm>>) dst(%arg9 : memref<400xi32, #tpu.memory_space<vmem>>)
        tpu.yield
      }) : () -> ()
      %dma_start3A = arith.constant 0 : i32
      %dma_start3A_38 = arith.constant 0 : i32
      %dma_start3A_39 = tpu.memref_slice %arg4[%dma_start3A, %dma_start3A_38] : memref<10000x32xf32, #tpu.memory_space<hbm>> -> memref<10000x32xf32, #tpu.memory_space<hbm>>
      tpu.enqueue_indirect_dma source(%dma_start3A_39 : memref<10000x32xf32, #tpu.memory_space<hbm>>) target(%arg10 : memref<400x32xf32, #tpu.memory_space<vmem>>) offsets(%arg8 : memref<400xi32, #tpu.memory_space<vmem>>) semaphore(%arg16 : memref<!tpu.dma_semaphore, #tpu.memory_space<semaphore_mem>>)
      %dma_start3A_40 = arith.constant 0 : i32
      %dma_start3A_41 = arith.constant 0 : i32
      %dma_start3A_42 = tpu.memref_slice %arg5[%dma_start3A_40, %dma_start3A_41] : memref<10000x16xf32, #tpu.memory_space<hbm>> -> memref<10000x16xf32, #tpu.memory_space<hbm>>
      tpu.enqueue_indirect_dma source(%dma_start3A_42 : memref<10000x16xf32, #tpu.memory_space<hbm>>) target(%arg12 : memref<400x16xf32, #tpu.memory_space<vmem>>) offsets(%arg8 : memref<400xi32, #tpu.memory_space<vmem>>) semaphore(%arg17 : memref<!tpu.dma_semaphore, #tpu.memory_space<semaphore_mem>>)
      %dma_start3A_43 = arith.constant 0 : i32
      %dma_start3A_44 = arith.constant 0 : i32
      %dma_start3A_45 = tpu.memref_slice %arg5[%dma_start3A_43, %dma_start3A_44] : memref<10000x16xf32, #tpu.memory_space<hbm>> -> memref<10000x16xf32, #tpu.memory_space<hbm>>
      tpu.enqueue_indirect_dma source(%dma_start3A_45 : memref<10000x16xf32, #tpu.memory_space<hbm>>) target(%arg13 : memref<400x16xf32, #tpu.memory_space<vmem>>) offsets(%arg9 : memref<400xi32, #tpu.memory_space<vmem>>) semaphore(%arg17 : memref<!tpu.dma_semaphore, #tpu.memory_space<semaphore_mem>>)
      %dma_wait3A = arith.constant 0 : i32
      %dma_wait3A_46 = arith.constant 0 : i32
      %dma_wait3A_47 = tpu.memref_slice %arg5[%dma_wait3A, %dma_wait3A_46] : memref<10000x16xf32, #tpu.memory_space<hbm>> -> memref<10000x16xf32, #tpu.memory_space<hbm>>
      tpu.wait_indirect_dma semaphore(%arg17 : memref<!tpu.dma_semaphore, #tpu.memory_space<semaphore_mem>>) src(%dma_wait3A_47 : memref<10000x16xf32, #tpu.memory_space<hbm>>) dst(%arg12 : memref<400x16xf32, #tpu.memory_space<vmem>>)
      %dma_wait3A_48 = arith.constant 0 : i32
      %dma_wait3A_49 = arith.constant 0 : i32
      %dma_wait3A_50 = tpu.memref_slice %arg5[%dma_wait3A_48, %dma_wait3A_49] : memref<10000x16xf32, #tpu.memory_space<hbm>> -> memref<10000x16xf32, #tpu.memory_space<hbm>>
      tpu.wait_indirect_dma semaphore(%arg17 : memref<!tpu.dma_semaphore, #tpu.memory_space<semaphore_mem>>) src(%dma_wait3A_50 : memref<10000x16xf32, #tpu.memory_space<hbm>>) dst(%arg13 : memref<400x16xf32, #tpu.memory_space<vmem>>)
      %add3A_51 = arith.constant 0 : i32
      %add3A_52 = vector.broadcast %add3A_51 : i32 to vector<16xi32>
      %add3A_53 = arith.addi %add3A_52, %iota3A : vector<16xi32>
      %broadcast_in_dim3A_54 = arith.constant 0 : i32
      %broadcast_in_dim3A_55 = vector.broadcast %broadcast_in_dim3A_54 : i32 to vector<16xi32>
      %gather3A = tpu.vector_load_idx %arg12[%add3A_53, %broadcast_in_dim3A_55] : memref<400x16xf32, #tpu.memory_space<vmem>>[vector<16xi32>, vector<16xi32>], vector<16xf32>,
      %broadcast_in_dim3A_56 = arith.constant 1 : i32
      %broadcast_in_dim3A_57 = vector.broadcast %broadcast_in_dim3A_56 : i32 to vector<16xi32>
      %gather3A_58 = tpu.vector_load_idx %arg13[%add3A_53, %broadcast_in_dim3A_57] : memref<400x16xf32, #tpu.memory_space<vmem>>[vector<16xi32>, vector<16xi32>], vector<16xf32>,
      %add3A_59 = arith.addf %gather3A, %gather3A_58 : vector<16xf32>
      %mul3A_60 = arith.constant 2.000000e-01 : f32
      %mul3A_61 = vector.broadcast %mul3A_60 : f32 to vector<16xf32>
      %mul3A_62 = arith.mulf %mul3A_61, %add3A_59 : vector<16xf32>
      %max3A = arith.maximumf %add3A_59, %mul3A_62 : vector<16xf32>
      %exp3A = math.exp %max3A : vector<16xf32>
      %broadcast_in_dim3A_63 = arith.constant 0 : i32
      %broadcast_in_dim3A_64 = vector.broadcast %broadcast_in_dim3A_63 : i32 to vector<16xi32>
      tpu.vector_store_idx %arg11[%add3A_53, %broadcast_in_dim3A_64], %exp3A : memref<400x16xf32, #tpu.memory_space<vmem>>[vector<16xi32>, vector<16xi32>], vector<16xf32>,
      %add3A_65 = arith.constant 16 : i32
      %add3A_66 = vector.broadcast %add3A_65 : i32 to vector<16xi32>
      %add3A_67 = arith.addi %add3A_66, %iota3A : vector<16xi32>
      %broadcast_in_dim3A_68 = arith.constant 0 : i32
      %broadcast_in_dim3A_69 = vector.broadcast %broadcast_in_dim3A_68 : i32 to vector<16xi32>
      %gather3A_70 = tpu.vector_load_idx %arg12[%add3A_67, %broadcast_in_dim3A_69] : memref<400x16xf32, #tpu.memory_space<vmem>>[vector<16xi32>, vector<16xi32>], vector<16xf32>,
      %broadcast_in_dim3A_71 = arith.constant 1 : i32
      %broadcast_in_dim3A_72 = vector.broadcast %broadcast_in_dim3A_71 : i32 to vector<16xi32>
      %gather3A_73 = tpu.vector_load_idx %arg13[%add3A_67, %broadcast_in_dim3A_72] : memref<400x16xf32, #tpu.memory_space<vmem>>[vector<16xi32>, vector<16xi32>], vector<16xf32>,
      %add3A_74 = arith.addf %gather3A_70, %gather3A_73 : vector<16xf32>
      %mul3A_75 = arith.constant 2.000000e-01 : f32
      %mul3A_76 = vector.broadcast %mul3A_75 : f32 to vector<16xf32>
      %mul3A_77 = arith.mulf %mul3A_76, %add3A_74 : vector<16xf32>
      %max3A_78 = arith.maximumf %add3A_74, %mul3A_77 : vector<16xf32>
      %exp3A_79 = math.exp %max3A_78 : vector<16xf32>
      %broadcast_in_dim3A_80 = arith.constant 0 : i32
      %broadcast_in_dim3A_81 = vector.broadcast %broadcast_in_dim3A_80 : i32 to vector<16xi32>
      tpu.vector_store_idx %arg11[%add3A_67, %broadcast_in_dim3A_81], %exp3A_79 : memref<400x16xf32, #tpu.memory_space<vmem>>[vector<16xi32>, vector<16xi32>], vector<16xf32>,
      %add3A_82 = arith.constant 32 : i32
      %add3A_83 = vector.broadcast %add3A_82 : i32 to vector<16xi32>
      %add3A_84 = arith.addi %add3A_83, %iota3A : vector<16xi32>
      %broadcast_in_dim3A_85 = arith.constant 0 : i32
      %broadcast_in_dim3A_86 = vector.broadcast %broadcast_in_dim3A_85 : i32 to vector<16xi32>
      %gather3A_87 = tpu.vector_load_idx %arg12[%add3A_84, %broadcast_in_dim3A_86] : memref<400x16xf32, #tpu.memory_space<vmem>>[vector<16xi32>, vector<16xi32>], vector<16xf32>,
      %broadcast_in_dim3A_88 = arith.constant 1 : i32
      %broadcast_in_dim3A_89 = vector.broadcast %broadcast_in_dim3A_88 : i32 to vector<16xi32>
      %gather3A_90 = tpu.vector_load_idx %arg13[%add3A_84, %broadcast_in_dim3A_89] : memref<400x16xf32, #tpu.memory_space<vmem>>[vector<16xi32>, vector<16xi32>], vector<16xf32>,
      %add3A_91 = arith.addf %gather3A_87, %gather3A_90 : vector<16xf32>
      %mul3A_92 = arith.constant 2.000000e-01 : f32
      %mul3A_93 = vector.broadcast %mul3A_92 : f32 to vector<16xf32>
      %mul3A_94 = arith.mulf %mul3A_93, %add3A_91 : vector<16xf32>
      %max3A_95 = arith.maximumf %add3A_91, %mul3A_94 : vector<16xf32>
      %exp3A_96 = math.exp %max3A_95 : vector<16xf32>
      %broadcast_in_dim3A_97 = arith.constant 0 : i32
      %broadcast_in_dim3A_98 = vector.broadcast %broadcast_in_dim3A_97 : i32 to vector<16xi32>
      tpu.vector_store_idx %arg11[%add3A_84, %broadcast_in_dim3A_98], %exp3A_96 : memref<400x16xf32, #tpu.memory_space<vmem>>[vector<16xi32>, vector<16xi32>], vector<16xf32>,
      %add3A_99 = arith.constant 48 : i32
      %add3A_100 = vector.broadcast %add3A_99 : i32 to vector<16xi32>
      %add3A_101 = arith.addi %add3A_100, %iota3A : vector<16xi32>
      %broadcast_in_dim3A_102 = arith.constant 0 : i32
      %broadcast_in_dim3A_103 = vector.broadcast %broadcast_in_dim3A_102 : i32 to vector<16xi32>
      %gather3A_104 = tpu.vector_load_idx %arg12[%add3A_101, %broadcast_in_dim3A_103] : memref<400x16xf32, #tpu.memory_space<vmem>>[vector<16xi32>, vector<16xi32>], vector<16xf32>,
      %broadcast_in_dim3A_105 = arith.constant 1 : i32
      %broadcast_in_dim3A_106 = vector.broadcast %broadcast_in_dim3A_105 : i32 to vector<16xi32>
      %gather3A_107 = tpu.vector_load_idx %arg13[%add3A_101, %broadcast_in_dim3A_106] : memref<400x16xf32, #tpu.memory_space<vmem>>[vector<16xi32>, vector<16xi32>], vector<16xf32>,
      %add3A_108 = arith.addf %gather3A_104, %gather3A_107 : vector<16xf32>
      %mul3A_109 = arith.constant 2.000000e-01 : f32
      %mul3A_110 = vector.broadcast %mul3A_109 : f32 to vector<16xf32>
      %mul3A_111 = arith.mulf %mul3A_110, %add3A_108 : vector<16xf32>
      %max3A_112 = arith.maximumf %add3A_108, %mul3A_111 : vector<16xf32>
      %exp3A_113 = math.exp %max3A_112 : vector<16xf32>
      %broadcast_in_dim3A_114 = arith.constant 0 : i32
      %broadcast_in_dim3A_115 = vector.broadcast %broadcast_in_dim3A_114 : i32 to vector<16xi32>
      tpu.vector_store_idx %arg11[%add3A_101, %broadcast_in_dim3A_115], %exp3A_113 : memref<400x16xf32, #tpu.memory_space<vmem>>[vector<16xi32>, vector<16xi32>], vector<16xf32>,
      %add3A_116 = arith.constant 64 : i32
      %add3A_117 = vector.broadcast %add3A_116 : i32 to vector<16xi32>
      %add3A_118 = arith.addi %add3A_117, %iota3A : vector<16xi32>
      %broadcast_in_dim3A_119 = arith.constant 0 : i32
      %broadcast_in_dim3A_120 = vector.broadcast %broadcast_in_dim3A_119 : i32 to vector<16xi32>
      %gather3A_121 = tpu.vector_load_idx %arg12[%add3A_118, %broadcast_in_dim3A_120] : memref<400x16xf32, #tpu.memory_space<vmem>>[vector<16xi32>, vector<16xi32>], vector<16xf32>,
      %broadcast_in_dim3A_122 = arith.constant 1 : i32
      %broadcast_in_dim3A_123 = vector.broadcast %broadcast_in_dim3A_122 : i32 to vector<16xi32>
      %gather3A_124 = tpu.vector_load_idx %arg13[%add3A_118, %broadcast_in_dim3A_123] : memref<400x16xf32, #tpu.memory_space<vmem>>[vector<16xi32>, vector<16xi32>], vector<16xf32>,
      %add3A_125 = arith.addf %gather3A_121, %gather3A_124 : vector<16xf32>
      %mul3A_126 = arith.constant 2.000000e-01 : f32
      %mul3A_127 = vector.broadcast %mul3A_126 : f32 to vector<16xf32>
      %mul3A_128 = arith.mulf %mul3A_127, %add3A_125 : vector<16xf32>
      %max3A_129 = arith.maximumf %add3A_125, %mul3A_128 : vector<16xf32>
      %exp3A_130 = math.exp %max3A_129 : vector<16xf32>
      %broadcast_in_dim3A_131 = arith.constant 0 : i32
      %broadcast_in_dim3A_132 = vector.broadcast %broadcast_in_dim3A_131 : i32 to vector<16xi32>
      tpu.vector_store_idx %arg11[%add3A_118, %broadcast_in_dim3A_132], %exp3A_130 : memref<400x16xf32, #tpu.memory_space<vmem>>[vector<16xi32>, vector<16xi32>], vector<16xf32>,
      %add3A_133 = arith.constant 80 : i32
      %add3A_134 = vector.broadcast %add3A_133 : i32 to vector<16xi32>
      %add3A_135 = arith.addi %add3A_134, %iota3A : vector<16xi32>
      %broadcast_in_dim3A_136 = arith.constant 0 : i32
      %broadcast_in_dim3A_137 = vector.broadcast %broadcast_in_dim3A_136 : i32 to vector<16xi32>
      %gather3A_138 = tpu.vector_load_idx %arg12[%add3A_135, %broadcast_in_dim3A_137] : memref<400x16xf32, #tpu.memory_space<vmem>>[vector<16xi32>, vector<16xi32>], vector<16xf32>,
      %broadcast_in_dim3A_139 = arith.constant 1 : i32
      %broadcast_in_dim3A_140 = vector.broadcast %broadcast_in_dim3A_139 : i32 to vector<16xi32>
      %gather3A_141 = tpu.vector_load_idx %arg13[%add3A_135, %broadcast_in_dim3A_140] : memref<400x16xf32, #tpu.memory_space<vmem>>[vector<16xi32>, vector<16xi32>], vector<16xf32>,
      %add3A_142 = arith.addf %gather3A_138, %gather3A_141 : vector<16xf32>
      %mul3A_143 = arith.constant 2.000000e-01 : f32
      %mul3A_144 = vector.broadcast %mul3A_143 : f32 to vector<16xf32>
      %mul3A_145 = arith.mulf %mul3A_144, %add3A_142 : vector<16xf32>
      %max3A_146 = arith.maximumf %add3A_142, %mul3A_145 : vector<16xf32>
      %exp3A_147 = math.exp %max3A_146 : vector<16xf32>
      %broadcast_in_dim3A_148 = arith.constant 0 : i32
      %broadcast_in_dim3A_149 = vector.broadcast %broadcast_in_dim3A_148 : i32 to vector<16xi32>
      tpu.vector_store_idx %arg11[%add3A_135, %broadcast_in_dim3A_149], %exp3A_147 : memref<400x16xf32, #tpu.memory_space<vmem>>[vector<16xi32>, vector<16xi32>], vector<16xf32>,
      %add3A_150 = arith.constant 96 : i32
      %add3A_151 = vector.broadcast %add3A_150 : i32 to vector<16xi32>
      %add3A_152 = arith.addi %add3A_151, %iota3A : vector<16xi32>
      %broadcast_in_dim3A_153 = arith.constant 0 : i32
      %broadcast_in_dim3A_154 = vector.broadcast %broadcast_in_dim3A_153 : i32 to vector<16xi32>
      %gather3A_155 = tpu.vector_load_idx %arg12[%add3A_152, %broadcast_in_dim3A_154] : memref<400x16xf32, #tpu.memory_space<vmem>>[vector<16xi32>, vector<16xi32>], vector<16xf32>,
      %broadcast_in_dim3A_156 = arith.constant 1 : i32
      %broadcast_in_dim3A_157 = vector.broadcast %broadcast_in_dim3A_156 : i32 to vector<16xi32>
      %gather3A_158 = tpu.vector_load_idx %arg13[%add3A_152, %broadcast_in_dim3A_157] : memref<400x16xf32, #tpu.memory_space<vmem>>[vector<16xi32>, vector<16xi32>], vector<16xf32>,
      %add3A_159 = arith.addf %gather3A_155, %gather3A_158 : vector<16xf32>
      %mul3A_160 = arith.constant 2.000000e-01 : f32
      %mul3A_161 = vector.broadcast %mul3A_160 : f32 to vector<16xf32>
      %mul3A_162 = arith.mulf %mul3A_161, %add3A_159 : vector<16xf32>
      %max3A_163 = arith.maximumf %add3A_159, %mul3A_162 : vector<16xf32>
      %exp3A_164 = math.exp %max3A_163 : vector<16xf32>
      %broadcast_in_dim3A_165 = arith.constant 0 : i32
      %broadcast_in_dim3A_166 = vector.broadcast %broadcast_in_dim3A_165 : i32 to vector<16xi32>
      tpu.vector_store_idx %arg11[%add3A_152, %broadcast_in_dim3A_166], %exp3A_164 : memref<400x16xf32, #tpu.memory_space<vmem>>[vector<16xi32>, vector<16xi32>], vector<16xf32>,
      %add3A_167 = arith.constant 112 : i32
      %add3A_168 = vector.broadcast %add3A_167 : i32 to vector<16xi32>
      %add3A_169 = arith.addi %add3A_168, %iota3A : vector<16xi32>
      %broadcast_in_dim3A_170 = arith.constant 0 : i32
      %broadcast_in_dim3A_171 = vector.broadcast %broadcast_in_dim3A_170 : i32 to vector<16xi32>
      %gather3A_172 = tpu.vector_load_idx %arg12[%add3A_169, %broadcast_in_dim3A_171] : memref<400x16xf32, #tpu.memory_space<vmem>>[vector<16xi32>, vector<16xi32>], vector<16xf32>,
      %broadcast_in_dim3A_173 = arith.constant 1 : i32
      %broadcast_in_dim3A_174 = vector.broadcast %broadcast_in_dim3A_173 : i32 to vector<16xi32>
      %gather3A_175 = tpu.vector_load_idx %arg13[%add3A_169, %broadcast_in_dim3A_174] : memref<400x16xf32, #tpu.memory_space<vmem>>[vector<16xi32>, vector<16xi32>], vector<16xf32>,
      %add3A_176 = arith.addf %gather3A_172, %gather3A_175 : vector<16xf32>
      %mul3A_177 = arith.constant 2.000000e-01 : f32
      %mul3A_178 = vector.broadcast %mul3A_177 : f32 to vector<16xf32>
      %mul3A_179 = arith.mulf %mul3A_178, %add3A_176 : vector<16xf32>
      %max3A_180 = arith.maximumf %add3A_176, %mul3A_179 : vector<16xf32>
      %exp3A_181 = math.exp %max3A_180 : vector<16xf32>
      %broadcast_in_dim3A_182 = arith.constant 0 : i32
      %broadcast_in_dim3A_183 = vector.broadcast %broadcast_in_dim3A_182 : i32 to vector<16xi32>
      tpu.vector_store_idx %arg11[%add3A_169, %broadcast_in_dim3A_183], %exp3A_181 : memref<400x16xf32, #tpu.memory_space<vmem>>[vector<16xi32>, vector<16xi32>], vector<16xf32>,
      %add3A_184 = arith.constant 128 : i32
      %add3A_185 = vector.broadcast %add3A_184 : i32 to vector<16xi32>
      %add3A_186 = arith.addi %add3A_185, %iota3A : vector<16xi32>
      %broadcast_in_dim3A_187 = arith.constant 0 : i32
      %broadcast_in_dim3A_188 = vector.broadcast %broadcast_in_dim3A_187 : i32 to vector<16xi32>
      %gather3A_189 = tpu.vector_load_idx %arg12[%add3A_186, %broadcast_in_dim3A_188] : memref<400x16xf32, #tpu.memory_space<vmem>>[vector<16xi32>, vector<16xi32>], vector<16xf32>,
      %broadcast_in_dim3A_190 = arith.constant 1 : i32
      %broadcast_in_dim3A_191 = vector.broadcast %broadcast_in_dim3A_190 : i32 to vector<16xi32>
      %gather3A_192 = tpu.vector_load_idx %arg13[%add3A_186, %broadcast_in_dim3A_191] : memref<400x16xf32, #tpu.memory_space<vmem>>[vector<16xi32>, vector<16xi32>], vector<16xf32>,
      %add3A_193 = arith.addf %gather3A_189, %gather3A_192 : vector<16xf32>
      %mul3A_194 = arith.constant 2.000000e-01 : f32
      %mul3A_195 = vector.broadcast %mul3A_194 : f32 to vector<16xf32>
      %mul3A_196 = arith.mulf %mul3A_195, %add3A_193 : vector<16xf32>
      %max3A_197 = arith.maximumf %add3A_193, %mul3A_196 : vector<16xf32>
      %exp3A_198 = math.exp %max3A_197 : vector<16xf32>
      %broadcast_in_dim3A_199 = arith.constant 0 : i32
      %broadcast_in_dim3A_200 = vector.broadcast %broadcast_in_dim3A_199 : i32 to vector<16xi32>
      tpu.vector_store_idx %arg11[%add3A_186, %broadcast_in_dim3A_200], %exp3A_198 : memref<400x16xf32, #tpu.memory_space<vmem>>[vector<16xi32>, vector<16xi32>], vector<16xf32>,
      %add3A_201 = arith.constant 144 : i32
      %add3A_202 = vector.broadcast %add3A_201 : i32 to vector<16xi32>
      %add3A_203 = arith.addi %add3A_202, %iota3A : vector<16xi32>
      %broadcast_in_dim3A_204 = arith.constant 0 : i32
      %broadcast_in_dim3A_205 = vector.broadcast %broadcast_in_dim3A_204 : i32 to vector<16xi32>
      %gather3A_206 = tpu.vector_load_idx %arg12[%add3A_203, %broadcast_in_dim3A_205] : memref<400x16xf32, #tpu.memory_space<vmem>>[vector<16xi32>, vector<16xi32>], vector<16xf32>,
      %broadcast_in_dim3A_207 = arith.constant 1 : i32
      %broadcast_in_dim3A_208 = vector.broadcast %broadcast_in_dim3A_207 : i32 to vector<16xi32>
      %gather3A_209 = tpu.vector_load_idx %arg13[%add3A_203, %broadcast_in_dim3A_208] : memref<400x16xf32, #tpu.memory_space<vmem>>[vector<16xi32>, vector<16xi32>], vector<16xf32>,
      %add3A_210 = arith.addf %gather3A_206, %gather3A_209 : vector<16xf32>
      %mul3A_211 = arith.constant 2.000000e-01 : f32
      %mul3A_212 = vector.broadcast %mul3A_211 : f32 to vector<16xf32>
      %mul3A_213 = arith.mulf %mul3A_212, %add3A_210 : vector<16xf32>
      %max3A_214 = arith.maximumf %add3A_210, %mul3A_213 : vector<16xf32>
      %exp3A_215 = math.exp %max3A_214 : vector<16xf32>
      %broadcast_in_dim3A_216 = arith.constant 0 : i32
      %broadcast_in_dim3A_217 = vector.broadcast %broadcast_in_dim3A_216 : i32 to vector<16xi32>
      tpu.vector_store_idx %arg11[%add3A_203, %broadcast_in_dim3A_217], %exp3A_215 : memref<400x16xf32, #tpu.memory_space<vmem>>[vector<16xi32>, vector<16xi32>], vector<16xf32>,
      %add3A_218 = arith.constant 160 : i32
      %add3A_219 = vector.broadcast %add3A_218 : i32 to vector<16xi32>
      %add3A_220 = arith.addi %add3A_219, %iota3A : vector<16xi32>
      %broadcast_in_dim3A_221 = arith.constant 0 : i32
      %broadcast_in_dim3A_222 = vector.broadcast %broadcast_in_dim3A_221 : i32 to vector<16xi32>
      %gather3A_223 = tpu.vector_load_idx %arg12[%add3A_220, %broadcast_in_dim3A_222] : memref<400x16xf32, #tpu.memory_space<vmem>>[vector<16xi32>, vector<16xi32>], vector<16xf32>,
      %broadcast_in_dim3A_224 = arith.constant 1 : i32
      %broadcast_in_dim3A_225 = vector.broadcast %broadcast_in_dim3A_224 : i32 to vector<16xi32>
      %gather3A_226 = tpu.vector_load_idx %arg13[%add3A_220, %broadcast_in_dim3A_225] : memref<400x16xf32, #tpu.memory_space<vmem>>[vector<16xi32>, vector<16xi32>], vector<16xf32>,
      %add3A_227 = arith.addf %gather3A_223, %gather3A_226 : vector<16xf32>
      %mul3A_228 = arith.constant 2.000000e-01 : f32
      %mul3A_229 = vector.broadcast %mul3A_228 : f32 to vector<16xf32>
      %mul3A_230 = arith.mulf %mul3A_229, %add3A_227 : vector<16xf32>
      %max3A_231 = arith.maximumf %add3A_227, %mul3A_230 : vector<16xf32>
      %exp3A_232 = math.exp %max3A_231 : vector<16xf32>
      %broadcast_in_dim3A_233 = arith.constant 0 : i32
      %broadcast_in_dim3A_234 = vector.broadcast %broadcast_in_dim3A_233 : i32 to vector<16xi32>
      tpu.vector_store_idx %arg11[%add3A_220, %broadcast_in_dim3A_234], %exp3A_232 : memref<400x16xf32, #tpu.memory_space<vmem>>[vector<16xi32>, vector<16xi32>], vector<16xf32>,
      %add3A_235 = arith.constant 176 : i32
      %add3A_236 = vector.broadcast %add3A_235 : i32 to vector<16xi32>
      %add3A_237 = arith.addi %add3A_236, %iota3A : vector<16xi32>
      %broadcast_in_dim3A_238 = arith.constant 0 : i32
      %broadcast_in_dim3A_239 = vector.broadcast %broadcast_in_dim3A_238 : i32 to vector<16xi32>
      %gather3A_240 = tpu.vector_load_idx %arg12[%add3A_237, %broadcast_in_dim3A_239] : memref<400x16xf32, #tpu.memory_space<vmem>>[vector<16xi32>, vector<16xi32>], vector<16xf32>,
      %broadcast_in_dim3A_241 = arith.constant 1 : i32
      %broadcast_in_dim3A_242 = vector.broadcast %broadcast_in_dim3A_241 : i32 to vector<16xi32>
      %gather3A_243 = tpu.vector_load_idx %arg13[%add3A_237, %broadcast_in_dim3A_242] : memref<400x16xf32, #tpu.memory_space<vmem>>[vector<16xi32>, vector<16xi32>], vector<16xf32>,
      %add3A_244 = arith.addf %gather3A_240, %gather3A_243 : vector<16xf32>
      %mul3A_245 = arith.constant 2.000000e-01 : f32
      %mul3A_246 = vector.broadcast %mul3A_245 : f32 to vector<16xf32>
      %mul3A_247 = arith.mulf %mul3A_246, %add3A_244 : vector<16xf32>
      %max3A_248 = arith.maximumf %add3A_244, %mul3A_247 : vector<16xf32>
      %exp3A_249 = math.exp %max3A_248 : vector<16xf32>
      %broadcast_in_dim3A_250 = arith.constant 0 : i32
      %broadcast_in_dim3A_251 = vector.broadcast %broadcast_in_dim3A_250 : i32 to vector<16xi32>
      tpu.vector_store_idx %arg11[%add3A_237, %broadcast_in_dim3A_251], %exp3A_249 : memref<400x16xf32, #tpu.memory_space<vmem>>[vector<16xi32>, vector<16xi32>], vector<16xf32>,
      %add3A_252 = arith.constant 192 : i32
      %add3A_253 = vector.broadcast %add3A_252 : i32 to vector<16xi32>
      %add3A_254 = arith.addi %add3A_253, %iota3A : vector<16xi32>
      %broadcast_in_dim3A_255 = arith.constant 0 : i32
      %broadcast_in_dim3A_256 = vector.broadcast %broadcast_in_dim3A_255 : i32 to vector<16xi32>
      %gather3A_257 = tpu.vector_load_idx %arg12[%add3A_254, %broadcast_in_dim3A_256] : memref<400x16xf32, #tpu.memory_space<vmem>>[vector<16xi32>, vector<16xi32>], vector<16xf32>,
      %broadcast_in_dim3A_258 = arith.constant 1 : i32
      %broadcast_in_dim3A_259 = vector.broadcast %broadcast_in_dim3A_258 : i32 to vector<16xi32>
      %gather3A_260 = tpu.vector_load_idx %arg13[%add3A_254, %broadcast_in_dim3A_259] : memref<400x16xf32, #tpu.memory_space<vmem>>[vector<16xi32>, vector<16xi32>], vector<16xf32>,
      %add3A_261 = arith.addf %gather3A_257, %gather3A_260 : vector<16xf32>
      %mul3A_262 = arith.constant 2.000000e-01 : f32
      %mul3A_263 = vector.broadcast %mul3A_262 : f32 to vector<16xf32>
      %mul3A_264 = arith.mulf %mul3A_263, %add3A_261 : vector<16xf32>
      %max3A_265 = arith.maximumf %add3A_261, %mul3A_264 : vector<16xf32>
      %exp3A_266 = math.exp %max3A_265 : vector<16xf32>
      %broadcast_in_dim3A_267 = arith.constant 0 : i32
      %broadcast_in_dim3A_268 = vector.broadcast %broadcast_in_dim3A_267 : i32 to vector<16xi32>
      tpu.vector_store_idx %arg11[%add3A_254, %broadcast_in_dim3A_268], %exp3A_266 : memref<400x16xf32, #tpu.memory_space<vmem>>[vector<16xi32>, vector<16xi32>], vector<16xf32>,
      %add3A_269 = arith.constant 208 : i32
      %add3A_270 = vector.broadcast %add3A_269 : i32 to vector<16xi32>
      %add3A_271 = arith.addi %add3A_270, %iota3A : vector<16xi32>
      %broadcast_in_dim3A_272 = arith.constant 0 : i32
      %broadcast_in_dim3A_273 = vector.broadcast %broadcast_in_dim3A_272 : i32 to vector<16xi32>
      %gather3A_274 = tpu.vector_load_idx %arg12[%add3A_271, %broadcast_in_dim3A_273] : memref<400x16xf32, #tpu.memory_space<vmem>>[vector<16xi32>, vector<16xi32>], vector<16xf32>,
      %broadcast_in_dim3A_275 = arith.constant 1 : i32
      %broadcast_in_dim3A_276 = vector.broadcast %broadcast_in_dim3A_275 : i32 to vector<16xi32>
      %gather3A_277 = tpu.vector_load_idx %arg13[%add3A_271, %broadcast_in_dim3A_276] : memref<400x16xf32, #tpu.memory_space<vmem>>[vector<16xi32>, vector<16xi32>], vector<16xf32>,
      %add3A_278 = arith.addf %gather3A_274, %gather3A_277 : vector<16xf32>
      %mul3A_279 = arith.constant 2.000000e-01 : f32
      %mul3A_280 = vector.broadcast %mul3A_279 : f32 to vector<16xf32>
      %mul3A_281 = arith.mulf %mul3A_280, %add3A_278 : vector<16xf32>
      %max3A_282 = arith.maximumf %add3A_278, %mul3A_281 : vector<16xf32>
      %exp3A_283 = math.exp %max3A_282 : vector<16xf32>
      %broadcast_in_dim3A_284 = arith.constant 0 : i32
      %broadcast_in_dim3A_285 = vector.broadcast %broadcast_in_dim3A_284 : i32 to vector<16xi32>
      tpu.vector_store_idx %arg11[%add3A_271, %broadcast_in_dim3A_285], %exp3A_283 : memref<400x16xf32, #tpu.memory_space<vmem>>[vector<16xi32>, vector<16xi32>], vector<16xf32>,
      %add3A_286 = arith.constant 224 : i32
      %add3A_287 = vector.broadcast %add3A_286 : i32 to vector<16xi32>
      %add3A_288 = arith.addi %add3A_287, %iota3A : vector<16xi32>
      %broadcast_in_dim3A_289 = arith.constant 0 : i32
      %broadcast_in_dim3A_290 = vector.broadcast %broadcast_in_dim3A_289 : i32 to vector<16xi32>
      %gather3A_291 = tpu.vector_load_idx %arg12[%add3A_288, %broadcast_in_dim3A_290] : memref<400x16xf32, #tpu.memory_space<vmem>>[vector<16xi32>, vector<16xi32>], vector<16xf32>,
      %broadcast_in_dim3A_292 = arith.constant 1 : i32
      %broadcast_in_dim3A_293 = vector.broadcast %broadcast_in_dim3A_292 : i32 to vector<16xi32>
      %gather3A_294 = tpu.vector_load_idx %arg13[%add3A_288, %broadcast_in_dim3A_293] : memref<400x16xf32, #tpu.memory_space<vmem>>[vector<16xi32>, vector<16xi32>], vector<16xf32>,
      %add3A_295 = arith.addf %gather3A_291, %gather3A_294 : vector<16xf32>
      %mul3A_296 = arith.constant 2.000000e-01 : f32
      %mul3A_297 = vector.broadcast %mul3A_296 : f32 to vector<16xf32>
      %mul3A_298 = arith.mulf %mul3A_297, %add3A_295 : vector<16xf32>
      %max3A_299 = arith.maximumf %add3A_295, %mul3A_298 : vector<16xf32>
      %exp3A_300 = math.exp %max3A_299 : vector<16xf32>
      %broadcast_in_dim3A_301 = arith.constant 0 : i32
      %broadcast_in_dim3A_302 = vector.broadcast %broadcast_in_dim3A_301 : i32 to vector<16xi32>
      tpu.vector_store_idx %arg11[%add3A_288, %broadcast_in_dim3A_302], %exp3A_300 : memref<400x16xf32, #tpu.memory_space<vmem>>[vector<16xi32>, vector<16xi32>], vector<16xf32>,
      %add3A_303 = arith.constant 240 : i32
      %add3A_304 = vector.broadcast %add3A_303 : i32 to vector<16xi32>
      %add3A_305 = arith.addi %add3A_304, %iota3A : vector<16xi32>
      %broadcast_in_dim3A_306 = arith.constant 0 : i32
      %broadcast_in_dim3A_307 = vector.broadcast %broadcast_in_dim3A_306 : i32 to vector<16xi32>
      %gather3A_308 = tpu.vector_load_idx %arg12[%add3A_305, %broadcast_in_dim3A_307] : memref<400x16xf32, #tpu.memory_space<vmem>>[vector<16xi32>, vector<16xi32>], vector<16xf32>,
      %broadcast_in_dim3A_309 = arith.constant 1 : i32
      %broadcast_in_dim3A_310 = vector.broadcast %broadcast_in_dim3A_309 : i32 to vector<16xi32>
      %gather3A_311 = tpu.vector_load_idx %arg13[%add3A_305, %broadcast_in_dim3A_310] : memref<400x16xf32, #tpu.memory_space<vmem>>[vector<16xi32>, vector<16xi32>], vector<16xf32>,
      %add3A_312 = arith.addf %gather3A_308, %gather3A_311 : vector<16xf32>
      %mul3A_313 = arith.constant 2.000000e-01 : f32
      %mul3A_314 = vector.broadcast %mul3A_313 : f32 to vector<16xf32>
      %mul3A_315 = arith.mulf %mul3A_314, %add3A_312 : vector<16xf32>
      %max3A_316 = arith.maximumf %add3A_312, %mul3A_315 : vector<16xf32>
      %exp3A_317 = math.exp %max3A_316 : vector<16xf32>
      %broadcast_in_dim3A_318 = arith.constant 0 : i32
      %broadcast_in_dim3A_319 = vector.broadcast %broadcast_in_dim3A_318 : i32 to vector<16xi32>
      tpu.vector_store_idx %arg11[%add3A_305, %broadcast_in_dim3A_319], %exp3A_317 : memref<400x16xf32, #tpu.memory_space<vmem>>[vector<16xi32>, vector<16xi32>], vector<16xf32>,
      %add3A_320 = arith.constant 256 : i32
      %add3A_321 = vector.broadcast %add3A_320 : i32 to vector<16xi32>
      %add3A_322 = arith.addi %add3A_321, %iota3A : vector<16xi32>
      %broadcast_in_dim3A_323 = arith.constant 0 : i32
      %broadcast_in_dim3A_324 = vector.broadcast %broadcast_in_dim3A_323 : i32 to vector<16xi32>
      %gather3A_325 = tpu.vector_load_idx %arg12[%add3A_322, %broadcast_in_dim3A_324] : memref<400x16xf32, #tpu.memory_space<vmem>>[vector<16xi32>, vector<16xi32>], vector<16xf32>,
      %broadcast_in_dim3A_326 = arith.constant 1 : i32
      %broadcast_in_dim3A_327 = vector.broadcast %broadcast_in_dim3A_326 : i32 to vector<16xi32>
      %gather3A_328 = tpu.vector_load_idx %arg13[%add3A_322, %broadcast_in_dim3A_327] : memref<400x16xf32, #tpu.memory_space<vmem>>[vector<16xi32>, vector<16xi32>], vector<16xf32>,
      %add3A_329 = arith.addf %gather3A_325, %gather3A_328 : vector<16xf32>
      %mul3A_330 = arith.constant 2.000000e-01 : f32
      %mul3A_331 = vector.broadcast %mul3A_330 : f32 to vector<16xf32>
      %mul3A_332 = arith.mulf %mul3A_331, %add3A_329 : vector<16xf32>
      %max3A_333 = arith.maximumf %add3A_329, %mul3A_332 : vector<16xf32>
      %exp3A_334 = math.exp %max3A_333 : vector<16xf32>
      %broadcast_in_dim3A_335 = arith.constant 0 : i32
      %broadcast_in_dim3A_336 = vector.broadcast %broadcast_in_dim3A_335 : i32 to vector<16xi32>
      tpu.vector_store_idx %arg11[%add3A_322, %broadcast_in_dim3A_336], %exp3A_334 : memref<400x16xf32, #tpu.memory_space<vmem>>[vector<16xi32>, vector<16xi32>], vector<16xf32>,
      %add3A_337 = arith.constant 272 : i32
      %add3A_338 = vector.broadcast %add3A_337 : i32 to vector<16xi32>
      %add3A_339 = arith.addi %add3A_338, %iota3A : vector<16xi32>
      %broadcast_in_dim3A_340 = arith.constant 0 : i32
      %broadcast_in_dim3A_341 = vector.broadcast %broadcast_in_dim3A_340 : i32 to vector<16xi32>
      %gather3A_342 = tpu.vector_load_idx %arg12[%add3A_339, %broadcast_in_dim3A_341] : memref<400x16xf32, #tpu.memory_space<vmem>>[vector<16xi32>, vector<16xi32>], vector<16xf32>,
      %broadcast_in_dim3A_343 = arith.constant 1 : i32
      %broadcast_in_dim3A_344 = vector.broadcast %broadcast_in_dim3A_343 : i32 to vector<16xi32>
      %gather3A_345 = tpu.vector_load_idx %arg13[%add3A_339, %broadcast_in_dim3A_344] : memref<400x16xf32, #tpu.memory_space<vmem>>[vector<16xi32>, vector<16xi32>], vector<16xf32>,
      %add3A_346 = arith.addf %gather3A_342, %gather3A_345 : vector<16xf32>
      %mul3A_347 = arith.constant 2.000000e-01 : f32
      %mul3A_348 = vector.broadcast %mul3A_347 : f32 to vector<16xf32>
      %mul3A_349 = arith.mulf %mul3A_348, %add3A_346 : vector<16xf32>
      %max3A_350 = arith.maximumf %add3A_346, %mul3A_349 : vector<16xf32>
      %exp3A_351 = math.exp %max3A_350 : vector<16xf32>
      %broadcast_in_dim3A_352 = arith.constant 0 : i32
      %broadcast_in_dim3A_353 = vector.broadcast %broadcast_in_dim3A_352 : i32 to vector<16xi32>
      tpu.vector_store_idx %arg11[%add3A_339, %broadcast_in_dim3A_353], %exp3A_351 : memref<400x16xf32, #tpu.memory_space<vmem>>[vector<16xi32>, vector<16xi32>], vector<16xf32>,
      %add3A_354 = arith.constant 288 : i32
      %add3A_355 = vector.broadcast %add3A_354 : i32 to vector<16xi32>
      %add3A_356 = arith.addi %add3A_355, %iota3A : vector<16xi32>
      %broadcast_in_dim3A_357 = arith.constant 0 : i32
      %broadcast_in_dim3A_358 = vector.broadcast %broadcast_in_dim3A_357 : i32 to vector<16xi32>
      %gather3A_359 = tpu.vector_load_idx %arg12[%add3A_356, %broadcast_in_dim3A_358] : memref<400x16xf32, #tpu.memory_space<vmem>>[vector<16xi32>, vector<16xi32>], vector<16xf32>,
      %broadcast_in_dim3A_360 = arith.constant 1 : i32
      %broadcast_in_dim3A_361 = vector.broadcast %broadcast_in_dim3A_360 : i32 to vector<16xi32>
      %gather3A_362 = tpu.vector_load_idx %arg13[%add3A_356, %broadcast_in_dim3A_361] : memref<400x16xf32, #tpu.memory_space<vmem>>[vector<16xi32>, vector<16xi32>], vector<16xf32>,
      %add3A_363 = arith.addf %gather3A_359, %gather3A_362 : vector<16xf32>
      %mul3A_364 = arith.constant 2.000000e-01 : f32
      %mul3A_365 = vector.broadcast %mul3A_364 : f32 to vector<16xf32>
      %mul3A_366 = arith.mulf %mul3A_365, %add3A_363 : vector<16xf32>
      %max3A_367 = arith.maximumf %add3A_363, %mul3A_366 : vector<16xf32>
      %exp3A_368 = math.exp %max3A_367 : vector<16xf32>
      %broadcast_in_dim3A_369 = arith.constant 0 : i32
      %broadcast_in_dim3A_370 = vector.broadcast %broadcast_in_dim3A_369 : i32 to vector<16xi32>
      tpu.vector_store_idx %arg11[%add3A_356, %broadcast_in_dim3A_370], %exp3A_368 : memref<400x16xf32, #tpu.memory_space<vmem>>[vector<16xi32>, vector<16xi32>], vector<16xf32>,
      %add3A_371 = arith.constant 304 : i32
      %add3A_372 = vector.broadcast %add3A_371 : i32 to vector<16xi32>
      %add3A_373 = arith.addi %add3A_372, %iota3A : vector<16xi32>
      %broadcast_in_dim3A_374 = arith.constant 0 : i32
      %broadcast_in_dim3A_375 = vector.broadcast %broadcast_in_dim3A_374 : i32 to vector<16xi32>
      %gather3A_376 = tpu.vector_load_idx %arg12[%add3A_373, %broadcast_in_dim3A_375] : memref<400x16xf32, #tpu.memory_space<vmem>>[vector<16xi32>, vector<16xi32>], vector<16xf32>,
      %broadcast_in_dim3A_377 = arith.constant 1 : i32
      %broadcast_in_dim3A_378 = vector.broadcast %broadcast_in_dim3A_377 : i32 to vector<16xi32>
      %gather3A_379 = tpu.vector_load_idx %arg13[%add3A_373, %broadcast_in_dim3A_378] : memref<400x16xf32, #tpu.memory_space<vmem>>[vector<16xi32>, vector<16xi32>], vector<16xf32>,
      %add3A_380 = arith.addf %gather3A_376, %gather3A_379 : vector<16xf32>
      %mul3A_381 = arith.constant 2.000000e-01 : f32
      %mul3A_382 = vector.broadcast %mul3A_381 : f32 to vector<16xf32>
      %mul3A_383 = arith.mulf %mul3A_382, %add3A_380 : vector<16xf32>
      %max3A_384 = arith.maximumf %add3A_380, %mul3A_383 : vector<16xf32>
      %exp3A_385 = math.exp %max3A_384 : vector<16xf32>
      %broadcast_in_dim3A_386 = arith.constant 0 : i32
      %broadcast_in_dim3A_387 = vector.broadcast %broadcast_in_dim3A_386 : i32 to vector<16xi32>
      tpu.vector_store_idx %arg11[%add3A_373, %broadcast_in_dim3A_387], %exp3A_385 : memref<400x16xf32, #tpu.memory_space<vmem>>[vector<16xi32>, vector<16xi32>], vector<16xf32>,
      %add3A_388 = arith.constant 320 : i32
      %add3A_389 = vector.broadcast %add3A_388 : i32 to vector<16xi32>
      %add3A_390 = arith.addi %add3A_389, %iota3A : vector<16xi32>
      %broadcast_in_dim3A_391 = arith.constant 0 : i32
      %broadcast_in_dim3A_392 = vector.broadcast %broadcast_in_dim3A_391 : i32 to vector<16xi32>
      %gather3A_393 = tpu.vector_load_idx %arg12[%add3A_390, %broadcast_in_dim3A_392] : memref<400x16xf32, #tpu.memory_space<vmem>>[vector<16xi32>, vector<16xi32>], vector<16xf32>,
      %broadcast_in_dim3A_394 = arith.constant 1 : i32
      %broadcast_in_dim3A_395 = vector.broadcast %broadcast_in_dim3A_394 : i32 to vector<16xi32>
      %gather3A_396 = tpu.vector_load_idx %arg13[%add3A_390, %broadcast_in_dim3A_395] : memref<400x16xf32, #tpu.memory_space<vmem>>[vector<16xi32>, vector<16xi32>], vector<16xf32>,
      %add3A_397 = arith.addf %gather3A_393, %gather3A_396 : vector<16xf32>
      %mul3A_398 = arith.constant 2.000000e-01 : f32
      %mul3A_399 = vector.broadcast %mul3A_398 : f32 to vector<16xf32>
      %mul3A_400 = arith.mulf %mul3A_399, %add3A_397 : vector<16xf32>
      %max3A_401 = arith.maximumf %add3A_397, %mul3A_400 : vector<16xf32>
      %exp3A_402 = math.exp %max3A_401 : vector<16xf32>
      %broadcast_in_dim3A_403 = arith.constant 0 : i32
      %broadcast_in_dim3A_404 = vector.broadcast %broadcast_in_dim3A_403 : i32 to vector<16xi32>
      tpu.vector_store_idx %arg11[%add3A_390, %broadcast_in_dim3A_404], %exp3A_402 : memref<400x16xf32, #tpu.memory_space<vmem>>[vector<16xi32>, vector<16xi32>], vector<16xf32>,
      %add3A_405 = arith.constant 336 : i32
      %add3A_406 = vector.broadcast %add3A_405 : i32 to vector<16xi32>
      %add3A_407 = arith.addi %add3A_406, %iota3A : vector<16xi32>
      %broadcast_in_dim3A_408 = arith.constant 0 : i32
      %broadcast_in_dim3A_409 = vector.broadcast %broadcast_in_dim3A_408 : i32 to vector<16xi32>
      %gather3A_410 = tpu.vector_load_idx %arg12[%add3A_407, %broadcast_in_dim3A_409] : memref<400x16xf32, #tpu.memory_space<vmem>>[vector<16xi32>, vector<16xi32>], vector<16xf32>,
      %broadcast_in_dim3A_411 = arith.constant 1 : i32
      %broadcast_in_dim3A_412 = vector.broadcast %broadcast_in_dim3A_411 : i32 to vector<16xi32>
      %gather3A_413 = tpu.vector_load_idx %arg13[%add3A_407, %broadcast_in_dim3A_412] : memref<400x16xf32, #tpu.memory_space<vmem>>[vector<16xi32>, vector<16xi32>], vector<16xf32>,
      %add3A_414 = arith.addf %gather3A_410, %gather3A_413 : vector<16xf32>
      %mul3A_415 = arith.constant 2.000000e-01 : f32
      %mul3A_416 = vector.broadcast %mul3A_415 : f32 to vector<16xf32>
      %mul3A_417 = arith.mulf %mul3A_416, %add3A_414 : vector<16xf32>
      %max3A_418 = arith.maximumf %add3A_414, %mul3A_417 : vector<16xf32>
      %exp3A_419 = math.exp %max3A_418 : vector<16xf32>
      %broadcast_in_dim3A_420 = arith.constant 0 : i32
      %broadcast_in_dim3A_421 = vector.broadcast %broadcast_in_dim3A_420 : i32 to vector<16xi32>
      tpu.vector_store_idx %arg11[%add3A_407, %broadcast_in_dim3A_421], %exp3A_419 : memref<400x16xf32, #tpu.memory_space<vmem>>[vector<16xi32>, vector<16xi32>], vector<16xf32>,
      %add3A_422 = arith.constant 352 : i32
      %add3A_423 = vector.broadcast %add3A_422 : i32 to vector<16xi32>
      %add3A_424 = arith.addi %add3A_423, %iota3A : vector<16xi32>
      %broadcast_in_dim3A_425 = arith.constant 0 : i32
      %broadcast_in_dim3A_426 = vector.broadcast %broadcast_in_dim3A_425 : i32 to vector<16xi32>
      %gather3A_427 = tpu.vector_load_idx %arg12[%add3A_424, %broadcast_in_dim3A_426] : memref<400x16xf32, #tpu.memory_space<vmem>>[vector<16xi32>, vector<16xi32>], vector<16xf32>,
      %broadcast_in_dim3A_428 = arith.constant 1 : i32
      %broadcast_in_dim3A_429 = vector.broadcast %broadcast_in_dim3A_428 : i32 to vector<16xi32>
      %gather3A_430 = tpu.vector_load_idx %arg13[%add3A_424, %broadcast_in_dim3A_429] : memref<400x16xf32, #tpu.memory_space<vmem>>[vector<16xi32>, vector<16xi32>], vector<16xf32>,
      %add3A_431 = arith.addf %gather3A_427, %gather3A_430 : vector<16xf32>
      %mul3A_432 = arith.constant 2.000000e-01 : f32
      %mul3A_433 = vector.broadcast %mul3A_432 : f32 to vector<16xf32>
      %mul3A_434 = arith.mulf %mul3A_433, %add3A_431 : vector<16xf32>
      %max3A_435 = arith.maximumf %add3A_431, %mul3A_434 : vector<16xf32>
      %exp3A_436 = math.exp %max3A_435 : vector<16xf32>
      %broadcast_in_dim3A_437 = arith.constant 0 : i32
      %broadcast_in_dim3A_438 = vector.broadcast %broadcast_in_dim3A_437 : i32 to vector<16xi32>
      tpu.vector_store_idx %arg11[%add3A_424, %broadcast_in_dim3A_438], %exp3A_436 : memref<400x16xf32, #tpu.memory_space<vmem>>[vector<16xi32>, vector<16xi32>], vector<16xf32>,
      %add3A_439 = arith.constant 368 : i32
      %add3A_440 = vector.broadcast %add3A_439 : i32 to vector<16xi32>
      %add3A_441 = arith.addi %add3A_440, %iota3A : vector<16xi32>
      %broadcast_in_dim3A_442 = arith.constant 0 : i32
      %broadcast_in_dim3A_443 = vector.broadcast %broadcast_in_dim3A_442 : i32 to vector<16xi32>
      %gather3A_444 = tpu.vector_load_idx %arg12[%add3A_441, %broadcast_in_dim3A_443] : memref<400x16xf32, #tpu.memory_space<vmem>>[vector<16xi32>, vector<16xi32>], vector<16xf32>,
      %broadcast_in_dim3A_445 = arith.constant 1 : i32
      %broadcast_in_dim3A_446 = vector.broadcast %broadcast_in_dim3A_445 : i32 to vector<16xi32>
      %gather3A_447 = tpu.vector_load_idx %arg13[%add3A_441, %broadcast_in_dim3A_446] : memref<400x16xf32, #tpu.memory_space<vmem>>[vector<16xi32>, vector<16xi32>], vector<16xf32>,
      %add3A_448 = arith.addf %gather3A_444, %gather3A_447 : vector<16xf32>
      %mul3A_449 = arith.constant 2.000000e-01 : f32
      %mul3A_450 = vector.broadcast %mul3A_449 : f32 to vector<16xf32>
      %mul3A_451 = arith.mulf %mul3A_450, %add3A_448 : vector<16xf32>
      %max3A_452 = arith.maximumf %add3A_448, %mul3A_451 : vector<16xf32>
      %exp3A_453 = math.exp %max3A_452 : vector<16xf32>
      %broadcast_in_dim3A_454 = arith.constant 0 : i32
      %broadcast_in_dim3A_455 = vector.broadcast %broadcast_in_dim3A_454 : i32 to vector<16xi32>
      tpu.vector_store_idx %arg11[%add3A_441, %broadcast_in_dim3A_455], %exp3A_453 : memref<400x16xf32, #tpu.memory_space<vmem>>[vector<16xi32>, vector<16xi32>], vector<16xf32>,
      %add3A_456 = arith.constant 384 : i32
      %add3A_457 = vector.broadcast %add3A_456 : i32 to vector<16xi32>
      %add3A_458 = arith.addi %add3A_457, %iota3A : vector<16xi32>
      %broadcast_in_dim3A_459 = arith.constant 0 : i32
      %broadcast_in_dim3A_460 = vector.broadcast %broadcast_in_dim3A_459 : i32 to vector<16xi32>
      %gather3A_461 = tpu.vector_load_idx %arg12[%add3A_458, %broadcast_in_dim3A_460] : memref<400x16xf32, #tpu.memory_space<vmem>>[vector<16xi32>, vector<16xi32>], vector<16xf32>,
      %broadcast_in_dim3A_462 = arith.constant 1 : i32
      %broadcast_in_dim3A_463 = vector.broadcast %broadcast_in_dim3A_462 : i32 to vector<16xi32>
      %gather3A_464 = tpu.vector_load_idx %arg13[%add3A_458, %broadcast_in_dim3A_463] : memref<400x16xf32, #tpu.memory_space<vmem>>[vector<16xi32>, vector<16xi32>], vector<16xf32>,
      %add3A_465 = arith.addf %gather3A_461, %gather3A_464 : vector<16xf32>
      %mul3A_466 = arith.constant 2.000000e-01 : f32
      %mul3A_467 = vector.broadcast %mul3A_466 : f32 to vector<16xf32>
      %mul3A_468 = arith.mulf %mul3A_467, %add3A_465 : vector<16xf32>
      %max3A_469 = arith.maximumf %add3A_465, %mul3A_468 : vector<16xf32>
      %exp3A_470 = math.exp %max3A_469 : vector<16xf32>
      %broadcast_in_dim3A_471 = arith.constant 0 : i32
      %broadcast_in_dim3A_472 = vector.broadcast %broadcast_in_dim3A_471 : i32 to vector<16xi32>
      tpu.vector_store_idx %arg11[%add3A_458, %broadcast_in_dim3A_472], %exp3A_470 : memref<400x16xf32, #tpu.memory_space<vmem>>[vector<16xi32>, vector<16xi32>], vector<16xf32>,
      %dma_wait3A_473 = arith.constant 0 : i32
      %dma_wait3A_474 = arith.constant 0 : i32
      %dma_wait3A_475 = tpu.memref_slice %arg4[%dma_wait3A_473, %dma_wait3A_474] : memref<10000x32xf32, #tpu.memory_space<hbm>> -> memref<10000x32xf32, #tpu.memory_space<hbm>>
      tpu.wait_indirect_dma semaphore(%arg16 : memref<!tpu.dma_semaphore, #tpu.memory_space<semaphore_mem>>) src(%dma_wait3A_475 : memref<10000x32xf32, #tpu.memory_space<hbm>>) dst(%arg10 : memref<400x32xf32, #tpu.memory_space<vmem>>)
      %parallel_loop3A = arith.constant 0 : i32
      %parallel_loop3A_476 = arith.constant 400 : i32
      %parallel_loop3A_477 = arith.constant 1 : i32
      scf.for %parallel_loop3A_478 = %parallel_loop3A to %parallel_loop3A_476 step %parallel_loop3A_477  : i32 {
        %parallel_loop3A_479 = arith.index_cast %parallel_loop3A_478 : i32 to index
        %parallel_loop3A_480 = arith.constant 0 : index
        %parallel_loop3A_481 = tpu.vector_load %arg11[%parallel_loop3A_479, %parallel_loop3A_480] {strides = array<i32>} : memref<400x16xf32, #tpu.memory_space<vmem>>, vector<16xf32>,
        %parallel_loop3A_482 = vector.extract_strided_slice %parallel_loop3A_481 {offsets = [0], sizes = [1], strides = [1]} : vector<16xf32> to vector<1xf32>
        %parallel_loop3A_483 = vector.extract %parallel_loop3A_482[0] : f32 from vector<1xf32>
        %parallel_loop3A_484 = vector.broadcast %parallel_loop3A_483 : f32 to vector<16xf32>
        %parallel_loop3A_485 = arith.index_cast %parallel_loop3A_478 : i32 to index
        %parallel_loop3A_486 = arith.constant 0 : index
        %parallel_loop3A_487 = tpu.vector_load %arg10[%parallel_loop3A_485, %parallel_loop3A_486] {strides = array<i32>} : memref<400x32xf32, #tpu.memory_space<vmem>>, vector<16xf32>,
        %parallel_loop3A_488 = arith.mulf %parallel_loop3A_487, %parallel_loop3A_484 : vector<16xf32>
        %parallel_loop3A_489 = arith.index_cast %parallel_loop3A_478 : i32 to index
        %parallel_loop3A_490 = arith.constant 0 : index
        %parallel_loop3A_491 = tpu.vector_load %arg10[%parallel_loop3A_489, %parallel_loop3A_490] {strides = array<i32>} : memref<400x32xf32, #tpu.memory_space<vmem>>, vector<16xf32>,
        tpu.vector_store %arg10[%parallel_loop3A_489, %parallel_loop3A_490], %parallel_loop3A_488 {strides = array<i32>} : memref<400x32xf32, #tpu.memory_space<vmem>>, vector<16xf32>,
        %parallel_loop3A_492 = arith.index_cast %parallel_loop3A_478 : i32 to index
        %parallel_loop3A_493 = arith.constant 16 : index
        %parallel_loop3A_494 = tpu.vector_load %arg10[%parallel_loop3A_492, %parallel_loop3A_493] {strides = array<i32>} : memref<400x32xf32, #tpu.memory_space<vmem>>, vector<16xf32>,
        %parallel_loop3A_495 = arith.mulf %parallel_loop3A_494, %parallel_loop3A_484 : vector<16xf32>
        %parallel_loop3A_496 = arith.index_cast %parallel_loop3A_478 : i32 to index
        %parallel_loop3A_497 = arith.constant 16 : index
        %parallel_loop3A_498 = tpu.vector_load %arg10[%parallel_loop3A_496, %parallel_loop3A_497] {strides = array<i32>} : memref<400x32xf32, #tpu.memory_space<vmem>>, vector<16xf32>,
        tpu.vector_store %arg10[%parallel_loop3A_496, %parallel_loop3A_497], %parallel_loop3A_495 {strides = array<i32>} : memref<400x32xf32, #tpu.memory_space<vmem>>, vector<16xf32>,
      } {sc.loop_unroll_factor = 4 : i64, sc.parallel_access}
      "tpu.region"() ({
        %run_scoped3A = tpu.sem_alloc : memref<!tpu.dma_semaphore, #tpu.memory_space<semaphore_mem>>
        %dma_start3A_478 = arith.constant 0 : i32
        %dma_start3A_479 = arith.constant 0 : i32
        %dma_start3A_480 = tpu.memref_slice %arg14[%dma_start3A_478, %dma_start3A_479] : memref<10000x32xf32, #tpu.memory_space<vmem_shared>> -> memref<10000x32xf32, #tpu.memory_space<vmem_shared>>
        tpu.enqueue_indirect_dma source(%arg10 : memref<400x32xf32, #tpu.memory_space<vmem>>) target(%dma_start3A_480 : memref<10000x32xf32, #tpu.memory_space<vmem_shared>>) offsets(%arg9 : memref<400xi32, #tpu.memory_space<vmem>>) semaphore(%run_scoped3A : memref<!tpu.dma_semaphore, #tpu.memory_space<semaphore_mem>>) {add = true}
        %dma_wait3A_481 = arith.constant 0 : i32
        %dma_wait3A_482 = arith.constant 0 : i32
        %dma_wait3A_483 = tpu.memref_slice %arg14[%dma_wait3A_481, %dma_wait3A_482] : memref<10000x32xf32, #tpu.memory_space<vmem_shared>> -> memref<10000x32xf32, #tpu.memory_space<vmem_shared>>
        tpu.wait_indirect_dma semaphore(%run_scoped3A : memref<!tpu.dma_semaphore, #tpu.memory_space<semaphore_mem>>) src(%arg10 : memref<400x32xf32, #tpu.memory_space<vmem>>) dst(%dma_wait3A_483 : memref<10000x32xf32, #tpu.memory_space<vmem_shared>>)
        tpu.yield
      }) : () -> ()
      "tpu.region"() ({
        %run_scoped3A = tpu.sem_alloc : memref<!tpu.dma_semaphore, #tpu.memory_space<semaphore_mem>>
        %dma_start3A_478 = arith.constant 0 : i32
        %dma_start3A_479 = arith.constant 0 : i32
        %dma_start3A_480 = tpu.memref_slice %arg15[%dma_start3A_478, %dma_start3A_479] : memref<10000x16xf32, #tpu.memory_space<vmem_shared>> -> memref<10000x16xf32, #tpu.memory_space<vmem_shared>>
        tpu.enqueue_indirect_dma source(%arg11 : memref<400x16xf32, #tpu.memory_space<vmem>>) target(%dma_start3A_480 : memref<10000x16xf32, #tpu.memory_space<vmem_shared>>) offsets(%arg9 : memref<400xi32, #tpu.memory_space<vmem>>) semaphore(%run_scoped3A : memref<!tpu.dma_semaphore, #tpu.memory_space<semaphore_mem>>) {add = true}
        %dma_wait3A_481 = arith.constant 0 : i32
        %dma_wait3A_482 = arith.constant 0 : i32
        %dma_wait3A_483 = tpu.memref_slice %arg15[%dma_wait3A_481, %dma_wait3A_482] : memref<10000x16xf32, #tpu.memory_space<vmem_shared>> -> memref<10000x16xf32, #tpu.memory_space<vmem_shared>>
        tpu.wait_indirect_dma semaphore(%run_scoped3A : memref<!tpu.dma_semaphore, #tpu.memory_space<semaphore_mem>>) src(%arg11 : memref<400x16xf32, #tpu.memory_space<vmem>>) dst(%dma_wait3A_483 : memref<10000x16xf32, #tpu.memory_space<vmem_shared>>)
        tpu.yield
      }) : () -> ()
    }
    %scan3A_20 = arith.constant 25 : i32
    %barrier3A_21 = arith.constant 0 : index
    tpu.barrier barrier_id(%barrier3A_21)
    %lt3A_22 = arith.constant 15 : i32
    %lt3A_23 = arith.cmpi slt, %arg1, %lt3A_22 : i32
    %convert_element_type3A_24 = arith.extui %lt3A_23 : i1 to i32
    %cond3A_25 = arith.constant 0 : i32
    %cond3A_26 = arith.cmpi ne, %convert_element_type3A_24, %cond3A_25 : i32
    scf.if %cond3A_26 {
      %add3A_32 = arith.constant 0 : i32
      %add3A_33 = arith.addi %mul3A_8, %add3A_32 : i32
      "tpu.region"() ({
        %run_scoped3A = tpu.sem_alloc : memref<!tpu.dma_semaphore, #tpu.memory_space<semaphore_mem>>
        %dma_start3A = arith.constant 0 : i32
        %dma_start3A_48 = arith.constant 0 : i32
        %dma_start3A_49 = tpu.memref_slice %arg10[%dma_start3A, %dma_start3A_48] : memref<400x32xf32, #tpu.memory_space<vmem>> -> memref<400x32xf32, #tpu.memory_space<vmem>>
        %dma_start3A_50 = arith.constant 0 : i32
        %dma_start3A_51 = tpu.memref_slice %arg14[%add3A_33, %dma_start3A_50] : memref<10000x32xf32, #tpu.memory_space<vmem_shared>> -> memref<400x32xf32, #tpu.memory_space<vmem_shared>>
        %dma_start3A_52 = arith.constant 0 : i32
        %dma_start3A_53 = arith.constant 0 : i32
        %dma_start3A_54 = tpu.memref_slice %arg10[%dma_start3A_52, %dma_start3A_53] : memref<400x32xf32, #tpu.memory_space<vmem>> -> memref<400x32xf32, #tpu.memory_space<vmem>>
        %dma_start3A_55 = arith.constant 0 : i32
        %dma_start3A_56 = tpu.memref_slice %arg14[%add3A_33, %dma_start3A_55] : memref<10000x32xf32, #tpu.memory_space<vmem_shared>> -> memref<400x32xf32, #tpu.memory_space<vmem_shared>>
        tpu.enqueue_dma source(%dma_start3A_56 : memref<400x32xf32, #tpu.memory_space<vmem_shared>>) target(%dma_start3A_54 : memref<400x32xf32, #tpu.memory_space<vmem>>) target_semaphore(%run_scoped3A : memref<!tpu.dma_semaphore, #tpu.memory_space<semaphore_mem>>)
        %dma_wait3A = arith.constant 0 : i32
        %dma_wait3A_57 = arith.constant 0 : i32
        %dma_wait3A_58 = tpu.memref_slice %arg10[%dma_wait3A, %dma_wait3A_57] : memref<400x32xf32, #tpu.memory_space<vmem>> -> memref<400x32xf32, #tpu.memory_space<vmem>>
        %dma_wait3A_59 = arith.constant 0 : i32
        %dma_wait3A_60 = tpu.memref_slice %arg14[%add3A_33, %dma_wait3A_59] : memref<10000x32xf32, #tpu.memory_space<vmem_shared>> -> memref<400x32xf32, #tpu.memory_space<vmem_shared>>
        %dma_wait3A_61 = arith.constant 0 : i32
        %dma_wait3A_62 = arith.constant 0 : i32
        %dma_wait3A_63 = tpu.memref_slice %arg10[%dma_wait3A_61, %dma_wait3A_62] : memref<400x32xf32, #tpu.memory_space<vmem>> -> memref<400x32xf32, #tpu.memory_space<vmem>>
        %dma_wait3A_64 = arith.constant 0 : i32
        %dma_wait3A_65 = tpu.memref_slice %arg14[%add3A_33, %dma_wait3A_64] : memref<10000x32xf32, #tpu.memory_space<vmem_shared>> -> memref<400x32xf32, #tpu.memory_space<vmem_shared>>
        tpu.wait_dma2 semaphore(%run_scoped3A : memref<!tpu.dma_semaphore, #tpu.memory_space<semaphore_mem>>) src(%dma_wait3A_65 : memref<400x32xf32, #tpu.memory_space<vmem_shared>>) dst(%dma_wait3A_63 : memref<400x32xf32, #tpu.memory_space<vmem>>)
        tpu.yield
      }) : () -> ()
      %add3A_34 = arith.constant 0 : i32
      %add3A_35 = arith.addi %mul3A_8, %add3A_34 : i32
      "tpu.region"() ({
        %run_scoped3A = tpu.sem_alloc : memref<!tpu.dma_semaphore, #tpu.memory_space<semaphore_mem>>
        %dma_start3A = arith.constant 0 : i32
        %dma_start3A_48 = arith.constant 0 : i32
        %dma_start3A_49 = tpu.memref_slice %arg10[%dma_start3A, %dma_start3A_48] : memref<400x32xf32, #tpu.memory_space<vmem>> -> memref<400x32xf32, #tpu.memory_space<vmem>>
        %dma_start3A_50 = arith.constant 0 : i32
        %dma_start3A_51 = tpu.memref_slice %arg6[%arg0, %add3A_35, %dma_start3A_50] : memref<2x10000x32xf32, #tpu.memory_space<hbm>> -> memref<1x400x32xf32, #tpu.memory_space<hbm>>
        %dma_start3A_52 = tpu.memref_squeeze %dma_start3A_51 : memref<1x400x32xf32, #tpu.memory_space<hbm>> -> memref<400x32xf32, #tpu.memory_space<hbm>>
        %dma_start3A_53 = arith.constant 0 : i32
        %dma_start3A_54 = tpu.memref_slice %arg6[%arg0, %add3A_35, %dma_start3A_53] : memref<2x10000x32xf32, #tpu.memory_space<hbm>> -> memref<1x400x32xf32, #tpu.memory_space<hbm>>
        %dma_start3A_55 = tpu.memref_squeeze %dma_start3A_54 : memref<1x400x32xf32, #tpu.memory_space<hbm>> -> memref<400x32xf32, #tpu.memory_space<hbm>>
        %dma_start3A_56 = arith.constant 0 : i32
        %dma_start3A_57 = arith.constant 0 : i32
        %dma_start3A_58 = tpu.memref_slice %arg10[%dma_start3A_56, %dma_start3A_57] : memref<400x32xf32, #tpu.memory_space<vmem>> -> memref<400x32xf32, #tpu.memory_space<vmem>>
        tpu.enqueue_dma source(%dma_start3A_58 : memref<400x32xf32, #tpu.memory_space<vmem>>) target(%dma_start3A_55 : memref<400x32xf32, #tpu.memory_space<hbm>>) target_semaphore(%run_scoped3A : memref<!tpu.dma_semaphore, #tpu.memory_space<semaphore_mem>>)
        %dma_wait3A = arith.constant 0 : i32
        %dma_wait3A_59 = arith.constant 0 : i32
        %dma_wait3A_60 = tpu.memref_slice %arg10[%dma_wait3A, %dma_wait3A_59] : memref<400x32xf32, #tpu.memory_space<vmem>> -> memref<400x32xf32, #tpu.memory_space<vmem>>
        %dma_wait3A_61 = arith.constant 0 : i32
        %dma_wait3A_62 = tpu.memref_slice %arg6[%arg0, %add3A_35, %dma_wait3A_61] : memref<2x10000x32xf32, #tpu.memory_space<hbm>> -> memref<1x400x32xf32, #tpu.memory_space<hbm>>
        %dma_wait3A_63 = tpu.memref_squeeze %dma_wait3A_62 : memref<1x400x32xf32, #tpu.memory_space<hbm>> -> memref<400x32xf32, #tpu.memory_space<hbm>>
        %dma_wait3A_64 = arith.constant 0 : i32
        %dma_wait3A_65 = tpu.memref_slice %arg6[%arg0, %add3A_35, %dma_wait3A_64] : memref<2x10000x32xf32, #tpu.memory_space<hbm>> -> memref<1x400x32xf32, #tpu.memory_space<hbm>>
        %dma_wait3A_66 = tpu.memref_squeeze %dma_wait3A_65 : memref<1x400x32xf32, #tpu.memory_space<hbm>> -> memref<400x32xf32, #tpu.memory_space<hbm>>
        %dma_wait3A_67 = arith.constant 0 : i32
        %dma_wait3A_68 = arith.constant 0 : i32
        %dma_wait3A_69 = tpu.memref_slice %arg10[%dma_wait3A_67, %dma_wait3A_68] : memref<400x32xf32, #tpu.memory_space<vmem>> -> memref<400x32xf32, #tpu.memory_space<vmem>>
        tpu.wait_dma2 semaphore(%run_scoped3A : memref<!tpu.dma_semaphore, #tpu.memory_space<semaphore_mem>>) src(%dma_wait3A_69 : memref<400x32xf32, #tpu.memory_space<vmem>>) dst(%dma_wait3A_66 : memref<400x32xf32, #tpu.memory_space<hbm>>)
        tpu.yield
      }) : () -> ()
      %add3A_36 = arith.constant 0 : i32
      %add3A_37 = arith.addi %mul3A_8, %add3A_36 : i32
      "tpu.region"() ({
        %run_scoped3A = tpu.sem_alloc : memref<!tpu.dma_semaphore, #tpu.memory_space<semaphore_mem>>
        %dma_start3A = arith.constant 0 : i32
        %dma_start3A_48 = arith.constant 0 : i32
        %dma_start3A_49 = tpu.memref_slice %arg11[%dma_start3A, %dma_start3A_48] : memref<400x16xf32, #tpu.memory_space<vmem>> -> memref<400x16xf32, #tpu.memory_space<vmem>>
        %dma_start3A_50 = arith.constant 0 : i32
        %dma_start3A_51 = tpu.memref_slice %arg15[%add3A_37, %dma_start3A_50] : memref<10000x16xf32, #tpu.memory_space<vmem_shared>> -> memref<400x16xf32, #tpu.memory_space<vmem_shared>>
        %dma_start3A_52 = arith.constant 0 : i32
        %dma_start3A_53 = arith.constant 0 : i32
        %dma_start3A_54 = tpu.memref_slice %arg11[%dma_start3A_52, %dma_start3A_53] : memref<400x16xf32, #tpu.memory_space<vmem>> -> memref<400x16xf32, #tpu.memory_space<vmem>>
        %dma_start3A_55 = arith.constant 0 : i32
        %dma_start3A_56 = tpu.memref_slice %arg15[%add3A_37, %dma_start3A_55] : memref<10000x16xf32, #tpu.memory_space<vmem_shared>> -> memref<400x16xf32, #tpu.memory_space<vmem_shared>>
        tpu.enqueue_dma source(%dma_start3A_56 : memref<400x16xf32, #tpu.memory_space<vmem_shared>>) target(%dma_start3A_54 : memref<400x16xf32, #tpu.memory_space<vmem>>) target_semaphore(%run_scoped3A : memref<!tpu.dma_semaphore, #tpu.memory_space<semaphore_mem>>)
        %dma_wait3A = arith.constant 0 : i32
        %dma_wait3A_57 = arith.constant 0 : i32
        %dma_wait3A_58 = tpu.memref_slice %arg11[%dma_wait3A, %dma_wait3A_57] : memref<400x16xf32, #tpu.memory_space<vmem>> -> memref<400x16xf32, #tpu.memory_space<vmem>>
        %dma_wait3A_59 = arith.constant 0 : i32
        %dma_wait3A_60 = tpu.memref_slice %arg15[%add3A_37, %dma_wait3A_59] : memref<10000x16xf32, #tpu.memory_space<vmem_shared>> -> memref<400x16xf32, #tpu.memory_space<vmem_shared>>
        %dma_wait3A_61 = arith.constant 0 : i32
        %dma_wait3A_62 = arith.constant 0 : i32
        %dma_wait3A_63 = tpu.memref_slice %arg11[%dma_wait3A_61, %dma_wait3A_62] : memref<400x16xf32, #tpu.memory_space<vmem>> -> memref<400x16xf32, #tpu.memory_space<vmem>>
        %dma_wait3A_64 = arith.constant 0 : i32
        %dma_wait3A_65 = tpu.memref_slice %arg15[%add3A_37, %dma_wait3A_64] : memref<10000x16xf32, #tpu.memory_space<vmem_shared>> -> memref<400x16xf32, #tpu.memory_space<vmem_shared>>
        tpu.wait_dma2 semaphore(%run_scoped3A : memref<!tpu.dma_semaphore, #tpu.memory_space<semaphore_mem>>) src(%dma_wait3A_65 : memref<400x16xf32, #tpu.memory_space<vmem_shared>>) dst(%dma_wait3A_63 : memref<400x16xf32, #tpu.memory_space<vmem>>)
        tpu.yield
      }) : () -> ()
      %add3A_38 = arith.constant 0 : i32
      %add3A_39 = arith.addi %mul3A_8, %add3A_38 : i32
      "tpu.region"() ({
        %run_scoped3A = tpu.sem_alloc : memref<!tpu.dma_semaphore, #tpu.memory_space<semaphore_mem>>
        %dma_start3A = arith.constant 0 : i32
        %dma_start3A_48 = arith.constant 0 : i32
        %dma_start3A_49 = tpu.memref_slice %arg11[%dma_start3A, %dma_start3A_48] : memref<400x16xf32, #tpu.memory_space<vmem>> -> memref<400x16xf32, #tpu.memory_space<vmem>>
        %dma_start3A_50 = arith.constant 0 : i32
        %dma_start3A_51 = tpu.memref_slice %arg7[%arg0, %add3A_39, %dma_start3A_50] : memref<2x10000x16xf32, #tpu.memory_space<hbm>> -> memref<1x400x16xf32, #tpu.memory_space<hbm>>
        %dma_start3A_52 = tpu.memref_squeeze %dma_start3A_51 : memref<1x400x16xf32, #tpu.memory_space<hbm>> -> memref<400x16xf32, #tpu.memory_space<hbm>>
        %dma_start3A_53 = arith.constant 0 : i32
        %dma_start3A_54 = tpu.memref_slice %arg7[%arg0, %add3A_39, %dma_start3A_53] : memref<2x10000x16xf32, #tpu.memory_space<hbm>> -> memref<1x400x16xf32, #tpu.memory_space<hbm>>
        %dma_start3A_55 = tpu.memref_squeeze %dma_start3A_54 : memref<1x400x16xf32, #tpu.memory_space<hbm>> -> memref<400x16xf32, #tpu.memory_space<hbm>>
        %dma_start3A_56 = arith.constant 0 : i32
        %dma_start3A_57 = arith.constant 0 : i32
        %dma_start3A_58 = tpu.memref_slice %arg11[%dma_start3A_56, %dma_start3A_57] : memref<400x16xf32, #tpu.memory_space<vmem>> -> memref<400x16xf32, #tpu.memory_space<vmem>>
        tpu.enqueue_dma source(%dma_start3A_58 : memref<400x16xf32, #tpu.memory_space<vmem>>) target(%dma_start3A_55 : memref<400x16xf32, #tpu.memory_space<hbm>>) target_semaphore(%run_scoped3A : memref<!tpu.dma_semaphore, #tpu.memory_space<semaphore_mem>>)
        %dma_wait3A = arith.constant 0 : i32
        %dma_wait3A_59 = arith.constant 0 : i32
        %dma_wait3A_60 = tpu.memref_slice %arg11[%dma_wait3A, %dma_wait3A_59] : memref<400x16xf32, #tpu.memory_space<vmem>> -> memref<400x16xf32, #tpu.memory_space<vmem>>
        %dma_wait3A_61 = arith.constant 0 : i32
        %dma_wait3A_62 = tpu.memref_slice %arg7[%arg0, %add3A_39, %dma_wait3A_61] : memref<2x10000x16xf32, #tpu.memory_space<hbm>> -> memref<1x400x16xf32, #tpu.memory_space<hbm>>
        %dma_wait3A_63 = tpu.memref_squeeze %dma_wait3A_62 : memref<1x400x16xf32, #tpu.memory_space<hbm>> -> memref<400x16xf32, #tpu.memory_space<hbm>>
        %dma_wait3A_64 = arith.constant 0 : i32
        %dma_wait3A_65 = tpu.memref_slice %arg7[%arg0, %add3A_39, %dma_wait3A_64] : memref<2x10000x16xf32, #tpu.memory_space<hbm>> -> memref<1x400x16xf32, #tpu.memory_space<hbm>>
        %dma_wait3A_66 = tpu.memref_squeeze %dma_wait3A_65 : memref<1x400x16xf32, #tpu.memory_space<hbm>> -> memref<400x16xf32, #tpu.memory_space<hbm>>
        %dma_wait3A_67 = arith.constant 0 : i32
        %dma_wait3A_68 = arith.constant 0 : i32
        %dma_wait3A_69 = tpu.memref_slice %arg11[%dma_wait3A_67, %dma_wait3A_68] : memref<400x16xf32, #tpu.memory_space<vmem>> -> memref<400x16xf32, #tpu.memory_space<vmem>>
        tpu.wait_dma2 semaphore(%run_scoped3A : memref<!tpu.dma_semaphore, #tpu.memory_space<semaphore_mem>>) src(%dma_wait3A_69 : memref<400x16xf32, #tpu.memory_space<vmem>>) dst(%dma_wait3A_66 : memref<400x16xf32, #tpu.memory_space<hbm>>)
        tpu.yield
      }) : () -> ()
      %add3A_40 = arith.constant 400 : i32
      %add3A_41 = arith.addi %mul3A_8, %add3A_40 : i32
      "tpu.region"() ({
        %run_scoped3A = tpu.sem_alloc : memref<!tpu.dma_semaphore, #tpu.memory_space<semaphore_mem>>
        %dma_start3A = arith.constant 0 : i32
        %dma_start3A_48 = arith.constant 0 : i32
        %dma_start3A_49 = tpu.memref_slice %arg10[%dma_start3A, %dma_start3A_48] : memref<400x32xf32, #tpu.memory_space<vmem>> -> memref<232x32xf32, #tpu.memory_space<vmem>>
        %dma_start3A_50 = arith.constant 0 : i32
        %dma_start3A_51 = tpu.memref_slice %arg14[%add3A_41, %dma_start3A_50] : memref<10000x32xf32, #tpu.memory_space<vmem_shared>> -> memref<232x32xf32, #tpu.memory_space<vmem_shared>>
        %dma_start3A_52 = arith.constant 0 : i32
        %dma_start3A_53 = arith.constant 0 : i32
        %dma_start3A_54 = tpu.memref_slice %arg10[%dma_start3A_52, %dma_start3A_53] : memref<400x32xf32, #tpu.memory_space<vmem>> -> memref<232x32xf32, #tpu.memory_space<vmem>>
        %dma_start3A_55 = arith.constant 0 : i32
        %dma_start3A_56 = tpu.memref_slice %arg14[%add3A_41, %dma_start3A_55] : memref<10000x32xf32, #tpu.memory_space<vmem_shared>> -> memref<232x32xf32, #tpu.memory_space<vmem_shared>>
        tpu.enqueue_dma source(%dma_start3A_56 : memref<232x32xf32, #tpu.memory_space<vmem_shared>>) target(%dma_start3A_54 : memref<232x32xf32, #tpu.memory_space<vmem>>) target_semaphore(%run_scoped3A : memref<!tpu.dma_semaphore, #tpu.memory_space<semaphore_mem>>)
        %dma_wait3A = arith.constant 0 : i32
        %dma_wait3A_57 = arith.constant 0 : i32
        %dma_wait3A_58 = tpu.memref_slice %arg10[%dma_wait3A, %dma_wait3A_57] : memref<400x32xf32, #tpu.memory_space<vmem>> -> memref<232x32xf32, #tpu.memory_space<vmem>>
        %dma_wait3A_59 = arith.constant 0 : i32
        %dma_wait3A_60 = tpu.memref_slice %arg14[%add3A_41, %dma_wait3A_59] : memref<10000x32xf32, #tpu.memory_space<vmem_shared>> -> memref<232x32xf32, #tpu.memory_space<vmem_shared>>
        %dma_wait3A_61 = arith.constant 0 : i32
        %dma_wait3A_62 = arith.constant 0 : i32
        %dma_wait3A_63 = tpu.memref_slice %arg10[%dma_wait3A_61, %dma_wait3A_62] : memref<400x32xf32, #tpu.memory_space<vmem>> -> memref<232x32xf32, #tpu.memory_space<vmem>>
        %dma_wait3A_64 = arith.constant 0 : i32
        %dma_wait3A_65 = tpu.memref_slice %arg14[%add3A_41, %dma_wait3A_64] : memref<10000x32xf32, #tpu.memory_space<vmem_shared>> -> memref<232x32xf32, #tpu.memory_space<vmem_shared>>
        tpu.wait_dma2 semaphore(%run_scoped3A : memref<!tpu.dma_semaphore, #tpu.memory_space<semaphore_mem>>) src(%dma_wait3A_65 : memref<232x32xf32, #tpu.memory_space<vmem_shared>>) dst(%dma_wait3A_63 : memref<232x32xf32, #tpu.memory_space<vmem>>)
        tpu.yield
      }) : () -> ()
      %add3A_42 = arith.constant 400 : i32
      %add3A_43 = arith.addi %mul3A_8, %add3A_42 : i32
      "tpu.region"() ({
        %run_scoped3A = tpu.sem_alloc : memref<!tpu.dma_semaphore, #tpu.memory_space<semaphore_mem>>
        %dma_start3A = arith.constant 0 : i32
        %dma_start3A_48 = arith.constant 0 : i32
        %dma_start3A_49 = tpu.memref_slice %arg10[%dma_start3A, %dma_start3A_48] : memref<400x32xf32, #tpu.memory_space<vmem>> -> memref<232x32xf32, #tpu.memory_space<vmem>>
        %dma_start3A_50 = arith.constant 0 : i32
        %dma_start3A_51 = tpu.memref_slice %arg6[%arg0, %add3A_43, %dma_start3A_50] : memref<2x10000x32xf32, #tpu.memory_space<hbm>> -> memref<1x232x32xf32, #tpu.memory_space<hbm>>
        %dma_start3A_52 = tpu.memref_squeeze %dma_start3A_51 : memref<1x232x32xf32, #tpu.memory_space<hbm>> -> memref<232x32xf32, #tpu.memory_space<hbm>>
        %dma_start3A_53 = arith.constant 0 : i32
        %dma_start3A_54 = tpu.memref_slice %arg6[%arg0, %add3A_43, %dma_start3A_53] : memref<2x10000x32xf32, #tpu.memory_space<hbm>> -> memref<1x232x32xf32, #tpu.memory_space<hbm>>
        %dma_start3A_55 = tpu.memref_squeeze %dma_start3A_54 : memref<1x232x32xf32, #tpu.memory_space<hbm>> -> memref<232x32xf32, #tpu.memory_space<hbm>>
        %dma_start3A_56 = arith.constant 0 : i32
        %dma_start3A_57 = arith.constant 0 : i32
        %dma_start3A_58 = tpu.memref_slice %arg10[%dma_start3A_56, %dma_start3A_57] : memref<400x32xf32, #tpu.memory_space<vmem>> -> memref<232x32xf32, #tpu.memory_space<vmem>>
        tpu.enqueue_dma source(%dma_start3A_58 : memref<232x32xf32, #tpu.memory_space<vmem>>) target(%dma_start3A_55 : memref<232x32xf32, #tpu.memory_space<hbm>>) target_semaphore(%run_scoped3A : memref<!tpu.dma_semaphore, #tpu.memory_space<semaphore_mem>>)
        %dma_wait3A = arith.constant 0 : i32
        %dma_wait3A_59 = arith.constant 0 : i32
        %dma_wait3A_60 = tpu.memref_slice %arg10[%dma_wait3A, %dma_wait3A_59] : memref<400x32xf32, #tpu.memory_space<vmem>> -> memref<232x32xf32, #tpu.memory_space<vmem>>
        %dma_wait3A_61 = arith.constant 0 : i32
        %dma_wait3A_62 = tpu.memref_slice %arg6[%arg0, %add3A_43, %dma_wait3A_61] : memref<2x10000x32xf32, #tpu.memory_space<hbm>> -> memref<1x232x32xf32, #tpu.memory_space<hbm>>
        %dma_wait3A_63 = tpu.memref_squeeze %dma_wait3A_62 : memref<1x232x32xf32, #tpu.memory_space<hbm>> -> memref<232x32xf32, #tpu.memory_space<hbm>>
        %dma_wait3A_64 = arith.constant 0 : i32
        %dma_wait3A_65 = tpu.memref_slice %arg6[%arg0, %add3A_43, %dma_wait3A_64] : memref<2x10000x32xf32, #tpu.memory_space<hbm>> -> memref<1x232x32xf32, #tpu.memory_space<hbm>>
        %dma_wait3A_66 = tpu.memref_squeeze %dma_wait3A_65 : memref<1x232x32xf32, #tpu.memory_space<hbm>> -> memref<232x32xf32, #tpu.memory_space<hbm>>
        %dma_wait3A_67 = arith.constant 0 : i32
        %dma_wait3A_68 = arith.constant 0 : i32
        %dma_wait3A_69 = tpu.memref_slice %arg10[%dma_wait3A_67, %dma_wait3A_68] : memref<400x32xf32, #tpu.memory_space<vmem>> -> memref<232x32xf32, #tpu.memory_space<vmem>>
        tpu.wait_dma2 semaphore(%run_scoped3A : memref<!tpu.dma_semaphore, #tpu.memory_space<semaphore_mem>>) src(%dma_wait3A_69 : memref<232x32xf32, #tpu.memory_space<vmem>>) dst(%dma_wait3A_66 : memref<232x32xf32, #tpu.memory_space<hbm>>)
        tpu.yield
      }) : () -> ()
      %add3A_44 = arith.constant 400 : i32
      %add3A_45 = arith.addi %mul3A_8, %add3A_44 : i32
      "tpu.region"() ({
        %run_scoped3A = tpu.sem_alloc : memref<!tpu.dma_semaphore, #tpu.memory_space<semaphore_mem>>
        %dma_start3A = arith.constant 0 : i32
        %dma_start3A_48 = arith.constant 0 : i32
        %dma_start3A_49 = tpu.memref_slice %arg11[%dma_start3A, %dma_start3A_48] : memref<400x16xf32, #tpu.memory_space<vmem>> -> memref<232x16xf32, #tpu.memory_space<vmem>>
        %dma_start3A_50 = arith.constant 0 : i32
        %dma_start3A_51 = tpu.memref_slice %arg15[%add3A_45, %dma_start3A_50] : memref<10000x16xf32, #tpu.memory_space<vmem_shared>> -> memref<232x16xf32, #tpu.memory_space<vmem_shared>>
        %dma_start3A_52 = arith.constant 0 : i32
        %dma_start3A_53 = arith.constant 0 : i32
        %dma_start3A_54 = tpu.memref_slice %arg11[%dma_start3A_52, %dma_start3A_53] : memref<400x16xf32, #tpu.memory_space<vmem>> -> memref<232x16xf32, #tpu.memory_space<vmem>>
        %dma_start3A_55 = arith.constant 0 : i32
        %dma_start3A_56 = tpu.memref_slice %arg15[%add3A_45, %dma_start3A_55] : memref<10000x16xf32, #tpu.memory_space<vmem_shared>> -> memref<232x16xf32, #tpu.memory_space<vmem_shared>>
        tpu.enqueue_dma source(%dma_start3A_56 : memref<232x16xf32, #tpu.memory_space<vmem_shared>>) target(%dma_start3A_54 : memref<232x16xf32, #tpu.memory_space<vmem>>) target_semaphore(%run_scoped3A : memref<!tpu.dma_semaphore, #tpu.memory_space<semaphore_mem>>)
        %dma_wait3A = arith.constant 0 : i32
        %dma_wait3A_57 = arith.constant 0 : i32
        %dma_wait3A_58 = tpu.memref_slice %arg11[%dma_wait3A, %dma_wait3A_57] : memref<400x16xf32, #tpu.memory_space<vmem>> -> memref<232x16xf32, #tpu.memory_space<vmem>>
        %dma_wait3A_59 = arith.constant 0 : i32
        %dma_wait3A_60 = tpu.memref_slice %arg15[%add3A_45, %dma_wait3A_59] : memref<10000x16xf32, #tpu.memory_space<vmem_shared>> -> memref<232x16xf32, #tpu.memory_space<vmem_shared>>
        %dma_wait3A_61 = arith.constant 0 : i32
        %dma_wait3A_62 = arith.constant 0 : i32
        %dma_wait3A_63 = tpu.memref_slice %arg11[%dma_wait3A_61, %dma_wait3A_62] : memref<400x16xf32, #tpu.memory_space<vmem>> -> memref<232x16xf32, #tpu.memory_space<vmem>>
        %dma_wait3A_64 = arith.constant 0 : i32
        %dma_wait3A_65 = tpu.memref_slice %arg15[%add3A_45, %dma_wait3A_64] : memref<10000x16xf32, #tpu.memory_space<vmem_shared>> -> memref<232x16xf32, #tpu.memory_space<vmem_shared>>
        tpu.wait_dma2 semaphore(%run_scoped3A : memref<!tpu.dma_semaphore, #tpu.memory_space<semaphore_mem>>) src(%dma_wait3A_65 : memref<232x16xf32, #tpu.memory_space<vmem_shared>>) dst(%dma_wait3A_63 : memref<232x16xf32, #tpu.memory_space<vmem>>)
        tpu.yield
      }) : () -> ()
      %add3A_46 = arith.constant 400 : i32
      %add3A_47 = arith.addi %mul3A_8, %add3A_46 : i32
      "tpu.region"() ({
        %run_scoped3A = tpu.sem_alloc : memref<!tpu.dma_semaphore, #tpu.memory_space<semaphore_mem>>
        %dma_start3A = arith.constant 0 : i32
        %dma_start3A_48 = arith.constant 0 : i32
        %dma_start3A_49 = tpu.memref_slice %arg11[%dma_start3A, %dma_start3A_48] : memref<400x16xf32, #tpu.memory_space<vmem>> -> memref<232x16xf32, #tpu.memory_space<vmem>>
        %dma_start3A_50 = arith.constant 0 : i32
        %dma_start3A_51 = tpu.memref_slice %arg7[%arg0, %add3A_47, %dma_start3A_50] : memref<2x10000x16xf32, #tpu.memory_space<hbm>> -> memref<1x232x16xf32, #tpu.memory_space<hbm>>
        %dma_start3A_52 = tpu.memref_squeeze %dma_start3A_51 : memref<1x232x16xf32, #tpu.memory_space<hbm>> -> memref<232x16xf32, #tpu.memory_space<hbm>>
        %dma_start3A_53 = arith.constant 0 : i32
        %dma_start3A_54 = tpu.memref_slice %arg7[%arg0, %add3A_47, %dma_start3A_53] : memref<2x10000x16xf32, #tpu.memory_space<hbm>> -> memref<1x232x16xf32, #tpu.memory_space<hbm>>
        %dma_start3A_55 = tpu.memref_squeeze %dma_start3A_54 : memref<1x232x16xf32, #tpu.memory_space<hbm>> -> memref<232x16xf32, #tpu.memory_space<hbm>>
        %dma_start3A_56 = arith.constant 0 : i32
        %dma_start3A_57 = arith.constant 0 : i32
        %dma_start3A_58 = tpu.memref_slice %arg11[%dma_start3A_56, %dma_start3A_57] : memref<400x16xf32, #tpu.memory_space<vmem>> -> memref<232x16xf32, #tpu.memory_space<vmem>>
        tpu.enqueue_dma source(%dma_start3A_58 : memref<232x16xf32, #tpu.memory_space<vmem>>) target(%dma_start3A_55 : memref<232x16xf32, #tpu.memory_space<hbm>>) target_semaphore(%run_scoped3A : memref<!tpu.dma_semaphore, #tpu.memory_space<semaphore_mem>>)
        %dma_wait3A = arith.constant 0 : i32
        %dma_wait3A_59 = arith.constant 0 : i32
        %dma_wait3A_60 = tpu.memref_slice %arg11[%dma_wait3A, %dma_wait3A_59] : memref<400x16xf32, #tpu.memory_space<vmem>> -> memref<232x16xf32, #tpu.memory_space<vmem>>
        %dma_wait3A_61 = arith.constant 0 : i32
        %dma_wait3A_62 = tpu.memref_slice %arg7[%arg0, %add3A_47, %dma_wait3A_61] : memref<2x10000x16xf32, #tpu.memory_space<hbm>> -> memref<1x232x16xf32, #tpu.memory_space<hbm>>
        %dma_wait3A_63 = tpu.memref_squeeze %dma_wait3A_62 : memref<1x232x16xf32, #tpu.memory_space<hbm>> -> memref<232x16xf32, #tpu.memory_space<hbm>>
        %dma_wait3A_64 = arith.constant 0 : i32
        %dma_wait3A_65 = tpu.memref_slice %arg7[%arg0, %add3A_47, %dma_wait3A_64] : memref<2x10000x16xf32, #tpu.memory_space<hbm>> -> memref<1x232x16xf32, #tpu.memory_space<hbm>>
        %dma_wait3A_66 = tpu.memref_squeeze %dma_wait3A_65 : memref<1x232x16xf32, #tpu.memory_space<hbm>> -> memref<232x16xf32, #tpu.memory_space<hbm>>
        %dma_wait3A_67 = arith.constant 0 : i32
        %dma_wait3A_68 = arith.constant 0 : i32
        %dma_wait3A_69 = tpu.memref_slice %arg11[%dma_wait3A_67, %dma_wait3A_68] : memref<400x16xf32, #tpu.memory_space<vmem>> -> memref<232x16xf32, #tpu.memory_space<vmem>>
        tpu.wait_dma2 semaphore(%run_scoped3A : memref<!tpu.dma_semaphore, #tpu.memory_space<semaphore_mem>>) src(%dma_wait3A_69 : memref<232x16xf32, #tpu.memory_space<vmem>>) dst(%dma_wait3A_66 : memref<232x16xf32, #tpu.memory_space<hbm>>)
        tpu.yield
      }) : () -> ()
    } else {
    }
    %eq3A_27 = arith.constant 15 : i32
    %eq3A_28 = arith.cmpi eq, %arg1, %eq3A_27 : i32
    %convert_element_type3A_29 = arith.extui %eq3A_28 : i1 to i32
    %cond3A_30 = arith.constant 0 : i32
    %cond3A_31 = arith.cmpi ne, %convert_element_type3A_29, %cond3A_30 : i32
    scf.if %cond3A_31 {
      %add3A_32 = arith.constant 0 : i32
      %add3A_33 = arith.addi %mul3A_8, %add3A_32 : i32
      "tpu.region"() ({
        %run_scoped3A = tpu.sem_alloc : memref<!tpu.dma_semaphore, #tpu.memory_space<semaphore_mem>>
        %dma_start3A = arith.constant 0 : i32
        %dma_start3A_48 = arith.constant 0 : i32
        %dma_start3A_49 = tpu.memref_slice %arg10[%dma_start3A, %dma_start3A_48] : memref<400x32xf32, #tpu.memory_space<vmem>> -> memref<400x32xf32, #tpu.memory_space<vmem>>
        %dma_start3A_50 = arith.constant 0 : i32
        %dma_start3A_51 = tpu.memref_slice %arg14[%add3A_33, %dma_start3A_50] : memref<10000x32xf32, #tpu.memory_space<vmem_shared>> -> memref<400x32xf32, #tpu.memory_space<vmem_shared>>
        %dma_start3A_52 = arith.constant 0 : i32
        %dma_start3A_53 = arith.constant 0 : i32
        %dma_start3A_54 = tpu.memref_slice %arg10[%dma_start3A_52, %dma_start3A_53] : memref<400x32xf32, #tpu.memory_space<vmem>> -> memref<400x32xf32, #tpu.memory_space<vmem>>
        %dma_start3A_55 = arith.constant 0 : i32
        %dma_start3A_56 = tpu.memref_slice %arg14[%add3A_33, %dma_start3A_55] : memref<10000x32xf32, #tpu.memory_space<vmem_shared>> -> memref<400x32xf32, #tpu.memory_space<vmem_shared>>
        tpu.enqueue_dma source(%dma_start3A_56 : memref<400x32xf32, #tpu.memory_space<vmem_shared>>) target(%dma_start3A_54 : memref<400x32xf32, #tpu.memory_space<vmem>>) target_semaphore(%run_scoped3A : memref<!tpu.dma_semaphore, #tpu.memory_space<semaphore_mem>>)
        %dma_wait3A = arith.constant 0 : i32
        %dma_wait3A_57 = arith.constant 0 : i32
        %dma_wait3A_58 = tpu.memref_slice %arg10[%dma_wait3A, %dma_wait3A_57] : memref<400x32xf32, #tpu.memory_space<vmem>> -> memref<400x32xf32, #tpu.memory_space<vmem>>
        %dma_wait3A_59 = arith.constant 0 : i32
        %dma_wait3A_60 = tpu.memref_slice %arg14[%add3A_33, %dma_wait3A_59] : memref<10000x32xf32, #tpu.memory_space<vmem_shared>> -> memref<400x32xf32, #tpu.memory_space<vmem_shared>>
        %dma_wait3A_61 = arith.constant 0 : i32
        %dma_wait3A_62 = arith.constant 0 : i32
        %dma_wait3A_63 = tpu.memref_slice %arg10[%dma_wait3A_61, %dma_wait3A_62] : memref<400x32xf32, #tpu.memory_space<vmem>> -> memref<400x32xf32, #tpu.memory_space<vmem>>
        %dma_wait3A_64 = arith.constant 0 : i32
        %dma_wait3A_65 = tpu.memref_slice %arg14[%add3A_33, %dma_wait3A_64] : memref<10000x32xf32, #tpu.memory_space<vmem_shared>> -> memref<400x32xf32, #tpu.memory_space<vmem_shared>>
        tpu.wait_dma2 semaphore(%run_scoped3A : memref<!tpu.dma_semaphore, #tpu.memory_space<semaphore_mem>>) src(%dma_wait3A_65 : memref<400x32xf32, #tpu.memory_space<vmem_shared>>) dst(%dma_wait3A_63 : memref<400x32xf32, #tpu.memory_space<vmem>>)
        tpu.yield
      }) : () -> ()
      %add3A_34 = arith.constant 0 : i32
      %add3A_35 = arith.addi %mul3A_8, %add3A_34 : i32
      "tpu.region"() ({
        %run_scoped3A = tpu.sem_alloc : memref<!tpu.dma_semaphore, #tpu.memory_space<semaphore_mem>>
        %dma_start3A = arith.constant 0 : i32
        %dma_start3A_48 = arith.constant 0 : i32
        %dma_start3A_49 = tpu.memref_slice %arg10[%dma_start3A, %dma_start3A_48] : memref<400x32xf32, #tpu.memory_space<vmem>> -> memref<400x32xf32, #tpu.memory_space<vmem>>
        %dma_start3A_50 = arith.constant 0 : i32
        %dma_start3A_51 = tpu.memref_slice %arg6[%arg0, %add3A_35, %dma_start3A_50] : memref<2x10000x32xf32, #tpu.memory_space<hbm>> -> memref<1x400x32xf32, #tpu.memory_space<hbm>>
        %dma_start3A_52 = tpu.memref_squeeze %dma_start3A_51 : memref<1x400x32xf32, #tpu.memory_space<hbm>> -> memref<400x32xf32, #tpu.memory_space<hbm>>
        %dma_start3A_53 = arith.constant 0 : i32
        %dma_start3A_54 = tpu.memref_slice %arg6[%arg0, %add3A_35, %dma_start3A_53] : memref<2x10000x32xf32, #tpu.memory_space<hbm>> -> memref<1x400x32xf32, #tpu.memory_space<hbm>>
        %dma_start3A_55 = tpu.memref_squeeze %dma_start3A_54 : memref<1x400x32xf32, #tpu.memory_space<hbm>> -> memref<400x32xf32, #tpu.memory_space<hbm>>
        %dma_start3A_56 = arith.constant 0 : i32
        %dma_start3A_57 = arith.constant 0 : i32
        %dma_start3A_58 = tpu.memref_slice %arg10[%dma_start3A_56, %dma_start3A_57] : memref<400x32xf32, #tpu.memory_space<vmem>> -> memref<400x32xf32, #tpu.memory_space<vmem>>
        tpu.enqueue_dma source(%dma_start3A_58 : memref<400x32xf32, #tpu.memory_space<vmem>>) target(%dma_start3A_55 : memref<400x32xf32, #tpu.memory_space<hbm>>) target_semaphore(%run_scoped3A : memref<!tpu.dma_semaphore, #tpu.memory_space<semaphore_mem>>)
        %dma_wait3A = arith.constant 0 : i32
        %dma_wait3A_59 = arith.constant 0 : i32
        %dma_wait3A_60 = tpu.memref_slice %arg10[%dma_wait3A, %dma_wait3A_59] : memref<400x32xf32, #tpu.memory_space<vmem>> -> memref<400x32xf32, #tpu.memory_space<vmem>>
        %dma_wait3A_61 = arith.constant 0 : i32
        %dma_wait3A_62 = tpu.memref_slice %arg6[%arg0, %add3A_35, %dma_wait3A_61] : memref<2x10000x32xf32, #tpu.memory_space<hbm>> -> memref<1x400x32xf32, #tpu.memory_space<hbm>>
        %dma_wait3A_63 = tpu.memref_squeeze %dma_wait3A_62 : memref<1x400x32xf32, #tpu.memory_space<hbm>> -> memref<400x32xf32, #tpu.memory_space<hbm>>
        %dma_wait3A_64 = arith.constant 0 : i32
        %dma_wait3A_65 = tpu.memref_slice %arg6[%arg0, %add3A_35, %dma_wait3A_64] : memref<2x10000x32xf32, #tpu.memory_space<hbm>> -> memref<1x400x32xf32, #tpu.memory_space<hbm>>
        %dma_wait3A_66 = tpu.memref_squeeze %dma_wait3A_65 : memref<1x400x32xf32, #tpu.memory_space<hbm>> -> memref<400x32xf32, #tpu.memory_space<hbm>>
        %dma_wait3A_67 = arith.constant 0 : i32
        %dma_wait3A_68 = arith.constant 0 : i32
        %dma_wait3A_69 = tpu.memref_slice %arg10[%dma_wait3A_67, %dma_wait3A_68] : memref<400x32xf32, #tpu.memory_space<vmem>> -> memref<400x32xf32, #tpu.memory_space<vmem>>
        tpu.wait_dma2 semaphore(%run_scoped3A : memref<!tpu.dma_semaphore, #tpu.memory_space<semaphore_mem>>) src(%dma_wait3A_69 : memref<400x32xf32, #tpu.memory_space<vmem>>) dst(%dma_wait3A_66 : memref<400x32xf32, #tpu.memory_space<hbm>>)
        tpu.yield
      }) : () -> ()
      %add3A_36 = arith.constant 0 : i32
      %add3A_37 = arith.addi %mul3A_8, %add3A_36 : i32
      "tpu.region"() ({
        %run_scoped3A = tpu.sem_alloc : memref<!tpu.dma_semaphore, #tpu.memory_space<semaphore_mem>>
        %dma_start3A = arith.constant 0 : i32
        %dma_start3A_48 = arith.constant 0 : i32
        %dma_start3A_49 = tpu.memref_slice %arg11[%dma_start3A, %dma_start3A_48] : memref<400x16xf32, #tpu.memory_space<vmem>> -> memref<400x16xf32, #tpu.memory_space<vmem>>
        %dma_start3A_50 = arith.constant 0 : i32
        %dma_start3A_51 = tpu.memref_slice %arg15[%add3A_37, %dma_start3A_50] : memref<10000x16xf32, #tpu.memory_space<vmem_shared>> -> memref<400x16xf32, #tpu.memory_space<vmem_shared>>
        %dma_start3A_52 = arith.constant 0 : i32
        %dma_start3A_53 = arith.constant 0 : i32
        %dma_start3A_54 = tpu.memref_slice %arg11[%dma_start3A_52, %dma_start3A_53] : memref<400x16xf32, #tpu.memory_space<vmem>> -> memref<400x16xf32, #tpu.memory_space<vmem>>
        %dma_start3A_55 = arith.constant 0 : i32
        %dma_start3A_56 = tpu.memref_slice %arg15[%add3A_37, %dma_start3A_55] : memref<10000x16xf32, #tpu.memory_space<vmem_shared>> -> memref<400x16xf32, #tpu.memory_space<vmem_shared>>
        tpu.enqueue_dma source(%dma_start3A_56 : memref<400x16xf32, #tpu.memory_space<vmem_shared>>) target(%dma_start3A_54 : memref<400x16xf32, #tpu.memory_space<vmem>>) target_semaphore(%run_scoped3A : memref<!tpu.dma_semaphore, #tpu.memory_space<semaphore_mem>>)
        %dma_wait3A = arith.constant 0 : i32
        %dma_wait3A_57 = arith.constant 0 : i32
        %dma_wait3A_58 = tpu.memref_slice %arg11[%dma_wait3A, %dma_wait3A_57] : memref<400x16xf32, #tpu.memory_space<vmem>> -> memref<400x16xf32, #tpu.memory_space<vmem>>
        %dma_wait3A_59 = arith.constant 0 : i32
        %dma_wait3A_60 = tpu.memref_slice %arg15[%add3A_37, %dma_wait3A_59] : memref<10000x16xf32, #tpu.memory_space<vmem_shared>> -> memref<400x16xf32, #tpu.memory_space<vmem_shared>>
        %dma_wait3A_61 = arith.constant 0 : i32
        %dma_wait3A_62 = arith.constant 0 : i32
        %dma_wait3A_63 = tpu.memref_slice %arg11[%dma_wait3A_61, %dma_wait3A_62] : memref<400x16xf32, #tpu.memory_space<vmem>> -> memref<400x16xf32, #tpu.memory_space<vmem>>
        %dma_wait3A_64 = arith.constant 0 : i32
        %dma_wait3A_65 = tpu.memref_slice %arg15[%add3A_37, %dma_wait3A_64] : memref<10000x16xf32, #tpu.memory_space<vmem_shared>> -> memref<400x16xf32, #tpu.memory_space<vmem_shared>>
        tpu.wait_dma2 semaphore(%run_scoped3A : memref<!tpu.dma_semaphore, #tpu.memory_space<semaphore_mem>>) src(%dma_wait3A_65 : memref<400x16xf32, #tpu.memory_space<vmem_shared>>) dst(%dma_wait3A_63 : memref<400x16xf32, #tpu.memory_space<vmem>>)
        tpu.yield
      }) : () -> ()
      %add3A_38 = arith.constant 0 : i32
      %add3A_39 = arith.addi %mul3A_8, %add3A_38 : i32
      "tpu.region"() ({
        %run_scoped3A = tpu.sem_alloc : memref<!tpu.dma_semaphore, #tpu.memory_space<semaphore_mem>>
        %dma_start3A = arith.constant 0 : i32
        %dma_start3A_48 = arith.constant 0 : i32
        %dma_start3A_49 = tpu.memref_slice %arg11[%dma_start3A, %dma_start3A_48] : memref<400x16xf32, #tpu.memory_space<vmem>> -> memref<400x16xf32, #tpu.memory_space<vmem>>
        %dma_start3A_50 = arith.constant 0 : i32
        %dma_start3A_51 = tpu.memref_slice %arg7[%arg0, %add3A_39, %dma_start3A_50] : memref<2x10000x16xf32, #tpu.memory_space<hbm>> -> memref<1x400x16xf32, #tpu.memory_space<hbm>>
        %dma_start3A_52 = tpu.memref_squeeze %dma_start3A_51 : memref<1x400x16xf32, #tpu.memory_space<hbm>> -> memref<400x16xf32, #tpu.memory_space<hbm>>
        %dma_start3A_53 = arith.constant 0 : i32
        %dma_start3A_54 = tpu.memref_slice %arg7[%arg0, %add3A_39, %dma_start3A_53] : memref<2x10000x16xf32, #tpu.memory_space<hbm>> -> memref<1x400x16xf32, #tpu.memory_space<hbm>>
        %dma_start3A_55 = tpu.memref_squeeze %dma_start3A_54 : memref<1x400x16xf32, #tpu.memory_space<hbm>> -> memref<400x16xf32, #tpu.memory_space<hbm>>
        %dma_start3A_56 = arith.constant 0 : i32
        %dma_start3A_57 = arith.constant 0 : i32
        %dma_start3A_58 = tpu.memref_slice %arg11[%dma_start3A_56, %dma_start3A_57] : memref<400x16xf32, #tpu.memory_space<vmem>> -> memref<400x16xf32, #tpu.memory_space<vmem>>
        tpu.enqueue_dma source(%dma_start3A_58 : memref<400x16xf32, #tpu.memory_space<vmem>>) target(%dma_start3A_55 : memref<400x16xf32, #tpu.memory_space<hbm>>) target_semaphore(%run_scoped3A : memref<!tpu.dma_semaphore, #tpu.memory_space<semaphore_mem>>)
        %dma_wait3A = arith.constant 0 : i32
        %dma_wait3A_59 = arith.constant 0 : i32
        %dma_wait3A_60 = tpu.memref_slice %arg11[%dma_wait3A, %dma_wait3A_59] : memref<400x16xf32, #tpu.memory_space<vmem>> -> memref<400x16xf32, #tpu.memory_space<vmem>>
        %dma_wait3A_61 = arith.constant 0 : i32
        %dma_wait3A_62 = tpu.memref_slice %arg7[%arg0, %add3A_39, %dma_wait3A_61] : memref<2x10000x16xf32, #tpu.memory_space<hbm>> -> memref<1x400x16xf32, #tpu.memory_space<hbm>>
        %dma_wait3A_63 = tpu.memref_squeeze %dma_wait3A_62 : memref<1x400x16xf32, #tpu.memory_space<hbm>> -> memref<400x16xf32, #tpu.memory_space<hbm>>
        %dma_wait3A_64 = arith.constant 0 : i32
        %dma_wait3A_65 = tpu.memref_slice %arg7[%arg0, %add3A_39, %dma_wait3A_64] : memref<2x10000x16xf32, #tpu.memory_space<hbm>> -> memref<1x400x16xf32, #tpu.memory_space<hbm>>
        %dma_wait3A_66 = tpu.memref_squeeze %dma_wait3A_65 : memref<1x400x16xf32, #tpu.memory_space<hbm>> -> memref<400x16xf32, #tpu.memory_space<hbm>>
        %dma_wait3A_67 = arith.constant 0 : i32
        %dma_wait3A_68 = arith.constant 0 : i32
        %dma_wait3A_69 = tpu.memref_slice %arg11[%dma_wait3A_67, %dma_wait3A_68] : memref<400x16xf32, #tpu.memory_space<vmem>> -> memref<400x16xf32, #tpu.memory_space<vmem>>
        tpu.wait_dma2 semaphore(%run_scoped3A : memref<!tpu.dma_semaphore, #tpu.memory_space<semaphore_mem>>) src(%dma_wait3A_69 : memref<400x16xf32, #tpu.memory_space<vmem>>) dst(%dma_wait3A_66 : memref<400x16xf32, #tpu.memory_space<hbm>>)
        tpu.yield
      }) : () -> ()
      %add3A_40 = arith.constant 400 : i32
      %add3A_41 = arith.addi %mul3A_8, %add3A_40 : i32
      "tpu.region"() ({
        %run_scoped3A = tpu.sem_alloc : memref<!tpu.dma_semaphore, #tpu.memory_space<semaphore_mem>>
        %dma_start3A = arith.constant 0 : i32
        %dma_start3A_48 = arith.constant 0 : i32
        %dma_start3A_49 = tpu.memref_slice %arg10[%dma_start3A, %dma_start3A_48] : memref<400x32xf32, #tpu.memory_space<vmem>> -> memref<120x32xf32, #tpu.memory_space<vmem>>
        %dma_start3A_50 = arith.constant 0 : i32
        %dma_start3A_51 = tpu.memref_slice %arg14[%add3A_41, %dma_start3A_50] : memref<10000x32xf32, #tpu.memory_space<vmem_shared>> -> memref<120x32xf32, #tpu.memory_space<vmem_shared>>
        %dma_start3A_52 = arith.constant 0 : i32
        %dma_start3A_53 = arith.constant 0 : i32
        %dma_start3A_54 = tpu.memref_slice %arg10[%dma_start3A_52, %dma_start3A_53] : memref<400x32xf32, #tpu.memory_space<vmem>> -> memref<120x32xf32, #tpu.memory_space<vmem>>
        %dma_start3A_55 = arith.constant 0 : i32
        %dma_start3A_56 = tpu.memref_slice %arg14[%add3A_41, %dma_start3A_55] : memref<10000x32xf32, #tpu.memory_space<vmem_shared>> -> memref<120x32xf32, #tpu.memory_space<vmem_shared>>
        tpu.enqueue_dma source(%dma_start3A_56 : memref<120x32xf32, #tpu.memory_space<vmem_shared>>) target(%dma_start3A_54 : memref<120x32xf32, #tpu.memory_space<vmem>>) target_semaphore(%run_scoped3A : memref<!tpu.dma_semaphore, #tpu.memory_space<semaphore_mem>>)
        %dma_wait3A = arith.constant 0 : i32
        %dma_wait3A_57 = arith.constant 0 : i32
        %dma_wait3A_58 = tpu.memref_slice %arg10[%dma_wait3A, %dma_wait3A_57] : memref<400x32xf32, #tpu.memory_space<vmem>> -> memref<120x32xf32, #tpu.memory_space<vmem>>
        %dma_wait3A_59 = arith.constant 0 : i32
        %dma_wait3A_60 = tpu.memref_slice %arg14[%add3A_41, %dma_wait3A_59] : memref<10000x32xf32, #tpu.memory_space<vmem_shared>> -> memref<120x32xf32, #tpu.memory_space<vmem_shared>>
        %dma_wait3A_61 = arith.constant 0 : i32
        %dma_wait3A_62 = arith.constant 0 : i32
        %dma_wait3A_63 = tpu.memref_slice %arg10[%dma_wait3A_61, %dma_wait3A_62] : memref<400x32xf32, #tpu.memory_space<vmem>> -> memref<120x32xf32, #tpu.memory_space<vmem>>
        %dma_wait3A_64 = arith.constant 0 : i32
        %dma_wait3A_65 = tpu.memref_slice %arg14[%add3A_41, %dma_wait3A_64] : memref<10000x32xf32, #tpu.memory_space<vmem_shared>> -> memref<120x32xf32, #tpu.memory_space<vmem_shared>>
        tpu.wait_dma2 semaphore(%run_scoped3A : memref<!tpu.dma_semaphore, #tpu.memory_space<semaphore_mem>>) src(%dma_wait3A_65 : memref<120x32xf32, #tpu.memory_space<vmem_shared>>) dst(%dma_wait3A_63 : memref<120x32xf32, #tpu.memory_space<vmem>>)
        tpu.yield
      }) : () -> ()
      %add3A_42 = arith.constant 400 : i32
      %add3A_43 = arith.addi %mul3A_8, %add3A_42 : i32
      "tpu.region"() ({
        %run_scoped3A = tpu.sem_alloc : memref<!tpu.dma_semaphore, #tpu.memory_space<semaphore_mem>>
        %dma_start3A = arith.constant 0 : i32
        %dma_start3A_48 = arith.constant 0 : i32
        %dma_start3A_49 = tpu.memref_slice %arg10[%dma_start3A, %dma_start3A_48] : memref<400x32xf32, #tpu.memory_space<vmem>> -> memref<120x32xf32, #tpu.memory_space<vmem>>
        %dma_start3A_50 = arith.constant 0 : i32
        %dma_start3A_51 = tpu.memref_slice %arg6[%arg0, %add3A_43, %dma_start3A_50] : memref<2x10000x32xf32, #tpu.memory_space<hbm>> -> memref<1x120x32xf32, #tpu.memory_space<hbm>>
        %dma_start3A_52 = tpu.memref_squeeze %dma_start3A_51 : memref<1x120x32xf32, #tpu.memory_space<hbm>> -> memref<120x32xf32, #tpu.memory_space<hbm>>
        %dma_start3A_53 = arith.constant 0 : i32
        %dma_start3A_54 = tpu.memref_slice %arg6[%arg0, %add3A_43, %dma_start3A_53] : memref<2x10000x32xf32, #tpu.memory_space<hbm>> -> memref<1x120x32xf32, #tpu.memory_space<hbm>>
        %dma_start3A_55 = tpu.memref_squeeze %dma_start3A_54 : memref<1x120x32xf32, #tpu.memory_space<hbm>> -> memref<120x32xf32, #tpu.memory_space<hbm>>
        %dma_start3A_56 = arith.constant 0 : i32
        %dma_start3A_57 = arith.constant 0 : i32
        %dma_start3A_58 = tpu.memref_slice %arg10[%dma_start3A_56, %dma_start3A_57] : memref<400x32xf32, #tpu.memory_space<vmem>> -> memref<120x32xf32, #tpu.memory_space<vmem>>
        tpu.enqueue_dma source(%dma_start3A_58 : memref<120x32xf32, #tpu.memory_space<vmem>>) target(%dma_start3A_55 : memref<120x32xf32, #tpu.memory_space<hbm>>) target_semaphore(%run_scoped3A : memref<!tpu.dma_semaphore, #tpu.memory_space<semaphore_mem>>)
        %dma_wait3A = arith.constant 0 : i32
        %dma_wait3A_59 = arith.constant 0 : i32
        %dma_wait3A_60 = tpu.memref_slice %arg10[%dma_wait3A, %dma_wait3A_59] : memref<400x32xf32, #tpu.memory_space<vmem>> -> memref<120x32xf32, #tpu.memory_space<vmem>>
        %dma_wait3A_61 = arith.constant 0 : i32
        %dma_wait3A_62 = tpu.memref_slice %arg6[%arg0, %add3A_43, %dma_wait3A_61] : memref<2x10000x32xf32, #tpu.memory_space<hbm>> -> memref<1x120x32xf32, #tpu.memory_space<hbm>>
        %dma_wait3A_63 = tpu.memref_squeeze %dma_wait3A_62 : memref<1x120x32xf32, #tpu.memory_space<hbm>> -> memref<120x32xf32, #tpu.memory_space<hbm>>
        %dma_wait3A_64 = arith.constant 0 : i32
        %dma_wait3A_65 = tpu.memref_slice %arg6[%arg0, %add3A_43, %dma_wait3A_64] : memref<2x10000x32xf32, #tpu.memory_space<hbm>> -> memref<1x120x32xf32, #tpu.memory_space<hbm>>
        %dma_wait3A_66 = tpu.memref_squeeze %dma_wait3A_65 : memref<1x120x32xf32, #tpu.memory_space<hbm>> -> memref<120x32xf32, #tpu.memory_space<hbm>>
        %dma_wait3A_67 = arith.constant 0 : i32
        %dma_wait3A_68 = arith.constant 0 : i32
        %dma_wait3A_69 = tpu.memref_slice %arg10[%dma_wait3A_67, %dma_wait3A_68] : memref<400x32xf32, #tpu.memory_space<vmem>> -> memref<120x32xf32, #tpu.memory_space<vmem>>
        tpu.wait_dma2 semaphore(%run_scoped3A : memref<!tpu.dma_semaphore, #tpu.memory_space<semaphore_mem>>) src(%dma_wait3A_69 : memref<120x32xf32, #tpu.memory_space<vmem>>) dst(%dma_wait3A_66 : memref<120x32xf32, #tpu.memory_space<hbm>>)
        tpu.yield
      }) : () -> ()
      %add3A_44 = arith.constant 400 : i32
      %add3A_45 = arith.addi %mul3A_8, %add3A_44 : i32
      "tpu.region"() ({
        %run_scoped3A = tpu.sem_alloc : memref<!tpu.dma_semaphore, #tpu.memory_space<semaphore_mem>>
        %dma_start3A = arith.constant 0 : i32
        %dma_start3A_48 = arith.constant 0 : i32
        %dma_start3A_49 = tpu.memref_slice %arg11[%dma_start3A, %dma_start3A_48] : memref<400x16xf32, #tpu.memory_space<vmem>> -> memref<120x16xf32, #tpu.memory_space<vmem>>
        %dma_start3A_50 = arith.constant 0 : i32
        %dma_start3A_51 = tpu.memref_slice %arg15[%add3A_45, %dma_start3A_50] : memref<10000x16xf32, #tpu.memory_space<vmem_shared>> -> memref<120x16xf32, #tpu.memory_space<vmem_shared>>
        %dma_start3A_52 = arith.constant 0 : i32
        %dma_start3A_53 = arith.constant 0 : i32
        %dma_start3A_54 = tpu.memref_slice %arg11[%dma_start3A_52, %dma_start3A_53] : memref<400x16xf32, #tpu.memory_space<vmem>> -> memref<120x16xf32, #tpu.memory_space<vmem>>
        %dma_start3A_55 = arith.constant 0 : i32
        %dma_start3A_56 = tpu.memref_slice %arg15[%add3A_45, %dma_start3A_55] : memref<10000x16xf32, #tpu.memory_space<vmem_shared>> -> memref<120x16xf32, #tpu.memory_space<vmem_shared>>
        tpu.enqueue_dma source(%dma_start3A_56 : memref<120x16xf32, #tpu.memory_space<vmem_shared>>) target(%dma_start3A_54 : memref<120x16xf32, #tpu.memory_space<vmem>>) target_semaphore(%run_scoped3A : memref<!tpu.dma_semaphore, #tpu.memory_space<semaphore_mem>>)
        %dma_wait3A = arith.constant 0 : i32
        %dma_wait3A_57 = arith.constant 0 : i32
        %dma_wait3A_58 = tpu.memref_slice %arg11[%dma_wait3A, %dma_wait3A_57] : memref<400x16xf32, #tpu.memory_space<vmem>> -> memref<120x16xf32, #tpu.memory_space<vmem>>
        %dma_wait3A_59 = arith.constant 0 : i32
        %dma_wait3A_60 = tpu.memref_slice %arg15[%add3A_45, %dma_wait3A_59] : memref<10000x16xf32, #tpu.memory_space<vmem_shared>> -> memref<120x16xf32, #tpu.memory_space<vmem_shared>>
        %dma_wait3A_61 = arith.constant 0 : i32
        %dma_wait3A_62 = arith.constant 0 : i32
        %dma_wait3A_63 = tpu.memref_slice %arg11[%dma_wait3A_61, %dma_wait3A_62] : memref<400x16xf32, #tpu.memory_space<vmem>> -> memref<120x16xf32, #tpu.memory_space<vmem>>
        %dma_wait3A_64 = arith.constant 0 : i32
        %dma_wait3A_65 = tpu.memref_slice %arg15[%add3A_45, %dma_wait3A_64] : memref<10000x16xf32, #tpu.memory_space<vmem_shared>> -> memref<120x16xf32, #tpu.memory_space<vmem_shared>>
        tpu.wait_dma2 semaphore(%run_scoped3A : memref<!tpu.dma_semaphore, #tpu.memory_space<semaphore_mem>>) src(%dma_wait3A_65 : memref<120x16xf32, #tpu.memory_space<vmem_shared>>) dst(%dma_wait3A_63 : memref<120x16xf32, #tpu.memory_space<vmem>>)
        tpu.yield
      }) : () -> ()
      %add3A_46 = arith.constant 400 : i32
      %add3A_47 = arith.addi %mul3A_8, %add3A_46 : i32
      "tpu.region"() ({
        %run_scoped3A = tpu.sem_alloc : memref<!tpu.dma_semaphore, #tpu.memory_space<semaphore_mem>>
        %dma_start3A = arith.constant 0 : i32
        %dma_start3A_48 = arith.constant 0 : i32
        %dma_start3A_49 = tpu.memref_slice %arg11[%dma_start3A, %dma_start3A_48] : memref<400x16xf32, #tpu.memory_space<vmem>> -> memref<120x16xf32, #tpu.memory_space<vmem>>
        %dma_start3A_50 = arith.constant 0 : i32
        %dma_start3A_51 = tpu.memref_slice %arg7[%arg0, %add3A_47, %dma_start3A_50] : memref<2x10000x16xf32, #tpu.memory_space<hbm>> -> memref<1x120x16xf32, #tpu.memory_space<hbm>>
        %dma_start3A_52 = tpu.memref_squeeze %dma_start3A_51 : memref<1x120x16xf32, #tpu.memory_space<hbm>> -> memref<120x16xf32, #tpu.memory_space<hbm>>
        %dma_start3A_53 = arith.constant 0 : i32
        %dma_start3A_54 = tpu.memref_slice %arg7[%arg0, %add3A_47, %dma_start3A_53] : memref<2x10000x16xf32, #tpu.memory_space<hbm>> -> memref<1x120x16xf32, #tpu.memory_space<hbm>>
        %dma_start3A_55 = tpu.memref_squeeze %dma_start3A_54 : memref<1x120x16xf32, #tpu.memory_space<hbm>> -> memref<120x16xf32, #tpu.memory_space<hbm>>
        %dma_start3A_56 = arith.constant 0 : i32
        %dma_start3A_57 = arith.constant 0 : i32
        %dma_start3A_58 = tpu.memref_slice %arg11[%dma_start3A_56, %dma_start3A_57] : memref<400x16xf32, #tpu.memory_space<vmem>> -> memref<120x16xf32, #tpu.memory_space<vmem>>
        tpu.enqueue_dma source(%dma_start3A_58 : memref<120x16xf32, #tpu.memory_space<vmem>>) target(%dma_start3A_55 : memref<120x16xf32, #tpu.memory_space<hbm>>) target_semaphore(%run_scoped3A : memref<!tpu.dma_semaphore, #tpu.memory_space<semaphore_mem>>)
        %dma_wait3A = arith.constant 0 : i32
        %dma_wait3A_59 = arith.constant 0 : i32
        %dma_wait3A_60 = tpu.memref_slice %arg11[%dma_wait3A, %dma_wait3A_59] : memref<400x16xf32, #tpu.memory_space<vmem>> -> memref<120x16xf32, #tpu.memory_space<vmem>>
        %dma_wait3A_61 = arith.constant 0 : i32
        %dma_wait3A_62 = tpu.memref_slice %arg7[%arg0, %add3A_47, %dma_wait3A_61] : memref<2x10000x16xf32, #tpu.memory_space<hbm>> -> memref<1x120x16xf32, #tpu.memory_space<hbm>>
        %dma_wait3A_63 = tpu.memref_squeeze %dma_wait3A_62 : memref<1x120x16xf32, #tpu.memory_space<hbm>> -> memref<120x16xf32, #tpu.memory_space<hbm>>
        %dma_wait3A_64 = arith.constant 0 : i32
        %dma_wait3A_65 = tpu.memref_slice %arg7[%arg0, %add3A_47, %dma_wait3A_64] : memref<2x10000x16xf32, #tpu.memory_space<hbm>> -> memref<1x120x16xf32, #tpu.memory_space<hbm>>
        %dma_wait3A_66 = tpu.memref_squeeze %dma_wait3A_65 : memref<1x120x16xf32, #tpu.memory_space<hbm>> -> memref<120x16xf32, #tpu.memory_space<hbm>>
        %dma_wait3A_67 = arith.constant 0 : i32
        %dma_wait3A_68 = arith.constant 0 : i32
        %dma_wait3A_69 = tpu.memref_slice %arg11[%dma_wait3A_67, %dma_wait3A_68] : memref<400x16xf32, #tpu.memory_space<vmem>> -> memref<120x16xf32, #tpu.memory_space<vmem>>
        tpu.wait_dma2 semaphore(%run_scoped3A : memref<!tpu.dma_semaphore, #tpu.memory_space<semaphore_mem>>) src(%dma_wait3A_69 : memref<120x16xf32, #tpu.memory_space<vmem>>) dst(%dma_wait3A_66 : memref<120x16xf32, #tpu.memory_space<hbm>>)
        tpu.yield
      }) : () -> ()
    } else {
    }
    return
  }
}

module attributes {stable_mosaic.version = 14 : i64} {
  func.func @_stage_in(%arg0: memref<10000x128xf32, #tpu.memory_space<vmem>>, %arg1: memref<128x64xf32, #tpu.memory_space<vmem>>, %arg2: memref<64x16xf32, #tpu.memory_space<vmem>>, %arg3: memref<10000x64xf32, #tpu.memory_space<vmem>>, %arg4: memref<10000x16xf32, #tpu.memory_space<vmem>>) attributes {dimension_semantics = [], scalar_prefetch = 0 : i64, scratch_operands = 0 : i64, tpu.core_type = #tpu.core_type<tc>} {
    %get3A = arith.constant 0 : index
    %get3A_0 = arith.constant 0 : index
    %get3A_1 = vector.load %arg0[%get3A, %get3A_0] : memref<10000x128xf32, #tpu.memory_space<vmem>>, vector<10000x128xf32>
    %get3A_2 = arith.constant 0 : index
    %get3A_3 = arith.constant 0 : index
    %get3A_4 = vector.load %arg1[%get3A_2, %get3A_3] : memref<128x64xf32, #tpu.memory_space<vmem>>, vector<128x64xf32>
    %dot_general3A = arith.constant dense<0.000000e+00> : vector<10000x64xf32>
    %dot_general3A_5 = tpu.matmul %get3A_1, %get3A_4, %dot_general3A {dimension_numbers = #tpu.dot_dimension_numbers<[1], [0], [0], [1], [0, 0, 1, 1], [], []>, transpose_lhs_hint = false} : vector<10000x128xf32>, vector<128x64xf32>, vector<10000x64xf32> -> vector<10000x64xf32>
    %swap3A = arith.constant 0 : index
    %swap3A_6 = arith.constant 0 : index
    %swap3A_7 = vector.load %arg3[%swap3A, %swap3A_6] : memref<10000x64xf32, #tpu.memory_space<vmem>>, vector<10000x64xf32>
    tpu.vector_store %arg3[%swap3A, %swap3A_6], %dot_general3A_5 {strides = array<i32>} : memref<10000x64xf32, #tpu.memory_space<vmem>>, vector<10000x64xf32>,
    %get3A_8 = arith.constant 0 : index
    %get3A_9 = arith.constant 0 : index
    %get3A_10 = vector.load %arg2[%get3A_8, %get3A_9] : memref<64x16xf32, #tpu.memory_space<vmem>>, vector<64x16xf32>
    %dot_general3A_11 = arith.constant dense<0.000000e+00> : vector<10000x16xf32>
    %dot_general3A_12 = tpu.matmul %dot_general3A_5, %get3A_10, %dot_general3A_11 {dimension_numbers = #tpu.dot_dimension_numbers<[1], [0], [0], [1], [0, 0, 1, 1], [], []>, transpose_lhs_hint = false} : vector<10000x64xf32>, vector<64x16xf32>, vector<10000x16xf32> -> vector<10000x16xf32>
    %swap3A_13 = arith.constant 0 : index
    %swap3A_14 = arith.constant 0 : index
    %swap3A_15 = vector.load %arg4[%swap3A_13, %swap3A_14] : memref<10000x16xf32, #tpu.memory_space<vmem>>, vector<10000x16xf32>
    tpu.vector_store %arg4[%swap3A_13, %swap3A_14], %dot_general3A_12 {strides = array<i32>} : memref<10000x16xf32, #tpu.memory_space<vmem>>, vector<10000x16xf32>,
    return
  }
}

module attributes {stable_mosaic.version = 14 : i64} {
  func.func @_stage_combine1(%arg0: memref<2x10000x64xf32, #tpu.memory_space<vmem>>, %arg1: memref<2x10000x16xf32, #tpu.memory_space<vmem>>, %arg2: memref<10000x16xf32, #tpu.memory_space<vmem>>, %arg3: memref<10000x64xf32, #tpu.memory_space<vmem>>, %arg4: memref<1x64xf32, #tpu.memory_space<vmem>>, %arg5: memref<64x32xf32, #tpu.memory_space<vmem>>, %arg6: memref<32x16xf32, #tpu.memory_space<vmem>>, %arg7: memref<10000x32xf32, #tpu.memory_space<vmem>>, %arg8: memref<10000x16xf32, #tpu.memory_space<vmem>>) attributes {dimension_semantics = [], scalar_prefetch = 0 : i64, scratch_operands = 0 : i64, tpu.core_type = #tpu.core_type<tc>} {
    %get3A = arith.constant 0 : index
    %get3A_0 = arith.constant 0 : index
    %get3A_1 = vector.load %arg2[%get3A, %get3A_0] : memref<10000x16xf32, #tpu.memory_space<vmem>>, vector<10000x16xf32>
    %get3A_2 = arith.constant 0 : index
    %get3A_3 = arith.constant 0 : index
    %get3A_4 = arith.constant 0 : index
    %get3A_5 = vector.load %arg0[%get3A_2, %get3A_3, %get3A_4] : memref<2x10000x64xf32, #tpu.memory_space<vmem>>, vector<1x10000x64xf32>
    %get3A_6 = vector.shape_cast %get3A_5 : vector<1x10000x64xf32> to vector<10000x64xf32>
    %get3A_7 = arith.constant 1 : index
    %get3A_8 = arith.constant 0 : index
    %get3A_9 = arith.constant 0 : index
    %get3A_10 = vector.load %arg0[%get3A_7, %get3A_8, %get3A_9] : memref<2x10000x64xf32, #tpu.memory_space<vmem>>, vector<1x10000x64xf32>
    %get3A_11 = vector.shape_cast %get3A_10 : vector<1x10000x64xf32> to vector<10000x64xf32>
    %add3A = arith.addf %get3A_6, %get3A_11 : vector<10000x64xf32>
    %get3A_12 = arith.constant 0 : index
    %get3A_13 = arith.constant 0 : index
    %get3A_14 = vector.load %arg3[%get3A_12, %get3A_13] : memref<10000x64xf32, #tpu.memory_space<vmem>>, vector<10000x64xf32>
    %slice3A = vector.extract_strided_slice %get3A_1 {offsets = [0, 0], sizes = [10000, 1], strides = [1, 1]} : vector<10000x16xf32> to vector<10000x1xf32>
    %slice3A_15 = vector.extract_strided_slice %get3A_1 {offsets = [0, 2], sizes = [10000, 1], strides = [1, 1]} : vector<10000x16xf32> to vector<10000x1xf32>
    %add3A_16 = arith.addf %slice3A, %slice3A_15 : vector<10000x1xf32>
    %mul3A = arith.constant 2.000000e-01 : f32
    %mul3A_17 = vector.broadcast %mul3A : f32 to vector<10000x1xf32>
    %mul3A_18 = arith.mulf %mul3A_17, %add3A_16 : vector<10000x1xf32>
    %max3A = arith.maximumf %add3A_16, %mul3A_18 : vector<10000x1xf32>
    %exp3A = math.exp %max3A : vector<10000x1xf32>
    %slice3A_19 = vector.extract_strided_slice %add3A {offsets = [0, 0], sizes = [10000, 32], strides = [1, 1]} : vector<10000x64xf32> to vector<10000x32xf32>
    %slice3A_20 = vector.extract_strided_slice %get3A_14 {offsets = [0, 0], sizes = [10000, 32], strides = [1, 1]} : vector<10000x64xf32> to vector<10000x32xf32>
    %mul3A_21 = vector.broadcast %exp3A : vector<10000x1xf32> to vector<10000x32xf32>
    %mul3A_22 = arith.mulf %mul3A_21, %slice3A_20 : vector<10000x32xf32>
    %add3A_23 = arith.addf %slice3A_19, %mul3A_22 : vector<10000x32xf32>
    %get3A_24 = arith.constant 0 : index
    %get3A_25 = arith.constant 0 : index
    %get3A_26 = arith.constant 0 : index
    %get3A_27 = vector.load %arg1[%get3A_24, %get3A_25, %get3A_26] : memref<2x10000x16xf32, #tpu.memory_space<vmem>>, vector<1x10000x1xf32>
    %get3A_28 = vector.shape_cast %get3A_27 : vector<1x10000x1xf32> to vector<10000x1xf32>
    %get3A_29 = arith.constant 1 : index
    %get3A_30 = arith.constant 0 : index
    %get3A_31 = arith.constant 0 : index
    %get3A_32 = vector.load %arg1[%get3A_29, %get3A_30, %get3A_31] : memref<2x10000x16xf32, #tpu.memory_space<vmem>>, vector<1x10000x1xf32>
    %get3A_33 = vector.shape_cast %get3A_32 : vector<1x10000x1xf32> to vector<10000x1xf32>
    %add3A_34 = arith.addf %get3A_28, %get3A_33 : vector<10000x1xf32>
    %add3A_35 = arith.addf %add3A_34, %exp3A : vector<10000x1xf32>
    %add3A_36 = arith.constant 1.000000e-16 : f32
    %add3A_37 = vector.broadcast %add3A_36 : f32 to vector<10000x1xf32>
    %add3A_38 = arith.addf %add3A_35, %add3A_37 : vector<10000x1xf32>
    %broadcast_in_dim3A = vector.shape_cast %add3A_38 : vector<10000x1xf32> to vector<10000x1xf32>
    %broadcast_in_dim3A_39 = vector.broadcast %broadcast_in_dim3A : vector<10000x1xf32> to vector<10000x32xf32>
    %slice3A_40 = vector.extract_strided_slice %get3A_1 {offsets = [0, 1], sizes = [10000, 1], strides = [1, 1]} : vector<10000x16xf32> to vector<10000x1xf32>
    %slice3A_41 = vector.extract_strided_slice %get3A_1 {offsets = [0, 3], sizes = [10000, 1], strides = [1, 1]} : vector<10000x16xf32> to vector<10000x1xf32>
    %add3A_42 = arith.addf %slice3A_40, %slice3A_41 : vector<10000x1xf32>
    %mul3A_43 = arith.constant 2.000000e-01 : f32
    %mul3A_44 = vector.broadcast %mul3A_43 : f32 to vector<10000x1xf32>
    %mul3A_45 = arith.mulf %mul3A_44, %add3A_42 : vector<10000x1xf32>
    %max3A_46 = arith.maximumf %add3A_42, %mul3A_45 : vector<10000x1xf32>
    %exp3A_47 = math.exp %max3A_46 : vector<10000x1xf32>
    %slice3A_48 = vector.extract_strided_slice %add3A {offsets = [0, 32], sizes = [10000, 32], strides = [1, 1]} : vector<10000x64xf32> to vector<10000x32xf32>
    %slice3A_49 = vector.extract_strided_slice %get3A_14 {offsets = [0, 32], sizes = [10000, 32], strides = [1, 1]} : vector<10000x64xf32> to vector<10000x32xf32>
    %mul3A_50 = vector.broadcast %exp3A_47 : vector<10000x1xf32> to vector<10000x32xf32>
    %mul3A_51 = arith.mulf %mul3A_50, %slice3A_49 : vector<10000x32xf32>
    %add3A_52 = arith.addf %slice3A_48, %mul3A_51 : vector<10000x32xf32>
    %get3A_53 = arith.constant 0 : index
    %get3A_54 = arith.constant 0 : index
    %get3A_55 = arith.constant 1 : index
    %get3A_56 = vector.load %arg1[%get3A_53, %get3A_54, %get3A_55] : memref<2x10000x16xf32, #tpu.memory_space<vmem>>, vector<1x10000x1xf32>
    %get3A_57 = vector.shape_cast %get3A_56 : vector<1x10000x1xf32> to vector<10000x1xf32>
    %get3A_58 = arith.constant 1 : index
    %get3A_59 = arith.constant 0 : index
    %get3A_60 = arith.constant 1 : index
    %get3A_61 = vector.load %arg1[%get3A_58, %get3A_59, %get3A_60] : memref<2x10000x16xf32, #tpu.memory_space<vmem>>, vector<1x10000x1xf32>
    %get3A_62 = vector.shape_cast %get3A_61 : vector<1x10000x1xf32> to vector<10000x1xf32>
    %add3A_63 = arith.addf %get3A_57, %get3A_62 : vector<10000x1xf32>
    %add3A_64 = arith.addf %add3A_63, %exp3A_47 : vector<10000x1xf32>
    %add3A_65 = arith.constant 1.000000e-16 : f32
    %add3A_66 = vector.broadcast %add3A_65 : f32 to vector<10000x1xf32>
    %add3A_67 = arith.addf %add3A_64, %add3A_66 : vector<10000x1xf32>
    %broadcast_in_dim3A_68 = vector.shape_cast %add3A_67 : vector<10000x1xf32> to vector<10000x1xf32>
    %broadcast_in_dim3A_69 = vector.broadcast %broadcast_in_dim3A_68 : vector<10000x1xf32> to vector<10000x32xf32>
    %concatenate3A = tpu.concatenate %add3A_23, %add3A_52 in 1 : vector<10000x32xf32>, vector<10000x32xf32> -> vector<10000x64xf32>
    %concatenate3A_70 = tpu.concatenate %broadcast_in_dim3A_39, %broadcast_in_dim3A_69 in 1 : vector<10000x32xf32>, vector<10000x32xf32> -> vector<10000x64xf32>
    %div3A = arith.divf %concatenate3A, %concatenate3A_70 : vector<10000x64xf32>
    %get3A_71 = arith.constant 0 : index
    %get3A_72 = arith.constant 0 : index
    %get3A_73 = vector.load %arg4[%get3A_71, %get3A_72] : memref<1x64xf32, #tpu.memory_space<vmem>>, vector<1x64xf32>
    %add3A_74 = vector.broadcast %get3A_73 : vector<1x64xf32> to vector<10000x64xf32>
    %add3A_75 = arith.addf %div3A, %add3A_74 : vector<10000x64xf32>
    %max3A_76 = arith.constant 0.000000e+00 : f32
    %max3A_77 = vector.broadcast %max3A_76 : f32 to vector<10000x64xf32>
    %max3A_78 = arith.maximumf %add3A_75, %max3A_77 : vector<10000x64xf32>
    %get3A_79 = arith.constant 0 : index
    %get3A_80 = arith.constant 0 : index
    %get3A_81 = vector.load %arg5[%get3A_79, %get3A_80] : memref<64x32xf32, #tpu.memory_space<vmem>>, vector<64x32xf32>
    %dot_general3A = arith.constant dense<0.000000e+00> : vector<10000x32xf32>
    %dot_general3A_82 = tpu.matmul %max3A_78, %get3A_81, %dot_general3A {dimension_numbers = #tpu.dot_dimension_numbers<[1], [0], [0], [1], [0, 0, 1, 1], [], []>, transpose_lhs_hint = false} : vector<10000x64xf32>, vector<64x32xf32>, vector<10000x32xf32> -> vector<10000x32xf32>
    %swap3A = arith.constant 0 : index
    %swap3A_83 = arith.constant 0 : index
    %swap3A_84 = vector.load %arg7[%swap3A, %swap3A_83] : memref<10000x32xf32, #tpu.memory_space<vmem>>, vector<10000x32xf32>
    tpu.vector_store %arg7[%swap3A, %swap3A_83], %dot_general3A_82 {strides = array<i32>} : memref<10000x32xf32, #tpu.memory_space<vmem>>, vector<10000x32xf32>,
    %get3A_85 = arith.constant 0 : index
    %get3A_86 = arith.constant 0 : index
    %get3A_87 = vector.load %arg6[%get3A_85, %get3A_86] : memref<32x16xf32, #tpu.memory_space<vmem>>, vector<32x16xf32>
    %dot_general3A_88 = arith.constant dense<0.000000e+00> : vector<10000x16xf32>
    %dot_general3A_89 = tpu.matmul %dot_general3A_82, %get3A_87, %dot_general3A_88 {dimension_numbers = #tpu.dot_dimension_numbers<[1], [0], [0], [1], [0, 0, 1, 1], [], []>, transpose_lhs_hint = false} : vector<10000x32xf32>, vector<32x16xf32>, vector<10000x16xf32> -> vector<10000x16xf32>
    %swap3A_90 = arith.constant 0 : index
    %swap3A_91 = arith.constant 0 : index
    %swap3A_92 = vector.load %arg8[%swap3A_90, %swap3A_91] : memref<10000x16xf32, #tpu.memory_space<vmem>>, vector<10000x16xf32>
    tpu.vector_store %arg8[%swap3A_90, %swap3A_91], %dot_general3A_89 {strides = array<i32>} : memref<10000x16xf32, #tpu.memory_space<vmem>>, vector<10000x16xf32>,
    return
  }
}

module attributes {stable_mosaic.version = 14 : i64} {
  func.func @_stage_combine2(%arg0: memref<2x10000x32xf32, #tpu.memory_space<vmem>>, %arg1: memref<2x10000x16xf32, #tpu.memory_space<vmem>>, %arg2: memref<10000x16xf32, #tpu.memory_space<vmem>>, %arg3: memref<10000x32xf32, #tpu.memory_space<vmem>>, %arg4: memref<1x32xf32, #tpu.memory_space<vmem>>, %arg5: memref<32x32xf32, #tpu.memory_space<vmem>>, %arg6: memref<32x32xf32, #tpu.memory_space<vmem>>, %arg7: memref<10000x32xf32, #tpu.memory_space<vmem>>, %arg8: memref<10000x32xf32, #tpu.memory_space<vmem>>) attributes {dimension_semantics = [], scalar_prefetch = 0 : i64, scratch_operands = 0 : i64, tpu.core_type = #tpu.core_type<tc>} {
    %get3A = arith.constant 0 : index
    %get3A_0 = arith.constant 0 : index
    %get3A_1 = vector.load %arg2[%get3A, %get3A_0] : memref<10000x16xf32, #tpu.memory_space<vmem>>, vector<10000x16xf32>
    %slice3A = vector.extract_strided_slice %get3A_1 {offsets = [0, 0], sizes = [10000, 1], strides = [1, 1]} : vector<10000x16xf32> to vector<10000x1xf32>
    %slice3A_2 = vector.extract_strided_slice %get3A_1 {offsets = [0, 1], sizes = [10000, 1], strides = [1, 1]} : vector<10000x16xf32> to vector<10000x1xf32>
    %add3A = arith.addf %slice3A, %slice3A_2 : vector<10000x1xf32>
    %mul3A = arith.constant 2.000000e-01 : f32
    %mul3A_3 = vector.broadcast %mul3A : f32 to vector<10000x1xf32>
    %mul3A_4 = arith.mulf %mul3A_3, %add3A : vector<10000x1xf32>
    %max3A = arith.maximumf %add3A, %mul3A_4 : vector<10000x1xf32>
    %exp3A = math.exp %max3A : vector<10000x1xf32>
    %get3A_5 = arith.constant 0 : index
    %get3A_6 = arith.constant 0 : index
    %get3A_7 = arith.constant 0 : index
    %get3A_8 = vector.load %arg0[%get3A_5, %get3A_6, %get3A_7] : memref<2x10000x32xf32, #tpu.memory_space<vmem>>, vector<1x10000x32xf32>
    %get3A_9 = vector.shape_cast %get3A_8 : vector<1x10000x32xf32> to vector<10000x32xf32>
    %get3A_10 = arith.constant 1 : index
    %get3A_11 = arith.constant 0 : index
    %get3A_12 = arith.constant 0 : index
    %get3A_13 = vector.load %arg0[%get3A_10, %get3A_11, %get3A_12] : memref<2x10000x32xf32, #tpu.memory_space<vmem>>, vector<1x10000x32xf32>
    %get3A_14 = vector.shape_cast %get3A_13 : vector<1x10000x32xf32> to vector<10000x32xf32>
    %add3A_15 = arith.addf %get3A_9, %get3A_14 : vector<10000x32xf32>
    %get3A_16 = arith.constant 0 : index
    %get3A_17 = arith.constant 0 : index
    %get3A_18 = vector.load %arg3[%get3A_16, %get3A_17] : memref<10000x32xf32, #tpu.memory_space<vmem>>, vector<10000x32xf32>
    %mul3A_19 = vector.broadcast %exp3A : vector<10000x1xf32> to vector<10000x32xf32>
    %mul3A_20 = arith.mulf %mul3A_19, %get3A_18 : vector<10000x32xf32>
    %add3A_21 = arith.addf %add3A_15, %mul3A_20 : vector<10000x32xf32>
    %get3A_22 = arith.constant 0 : index
    %get3A_23 = arith.constant 0 : index
    %get3A_24 = arith.constant 0 : index
    %get3A_25 = vector.load %arg1[%get3A_22, %get3A_23, %get3A_24] : memref<2x10000x16xf32, #tpu.memory_space<vmem>>, vector<1x10000x1xf32>
    %get3A_26 = vector.shape_cast %get3A_25 : vector<1x10000x1xf32> to vector<10000x1xf32>
    %get3A_27 = arith.constant 1 : index
    %get3A_28 = arith.constant 0 : index
    %get3A_29 = arith.constant 0 : index
    %get3A_30 = vector.load %arg1[%get3A_27, %get3A_28, %get3A_29] : memref<2x10000x16xf32, #tpu.memory_space<vmem>>, vector<1x10000x1xf32>
    %get3A_31 = vector.shape_cast %get3A_30 : vector<1x10000x1xf32> to vector<10000x1xf32>
    %add3A_32 = arith.addf %get3A_26, %get3A_31 : vector<10000x1xf32>
    %add3A_33 = arith.addf %add3A_32, %exp3A : vector<10000x1xf32>
    %add3A_34 = arith.constant 1.000000e-16 : f32
    %add3A_35 = vector.broadcast %add3A_34 : f32 to vector<10000x1xf32>
    %add3A_36 = arith.addf %add3A_33, %add3A_35 : vector<10000x1xf32>
    %div3A = vector.broadcast %add3A_36 : vector<10000x1xf32> to vector<10000x32xf32>
    %div3A_37 = arith.divf %add3A_21, %div3A : vector<10000x32xf32>
    %get3A_38 = arith.constant 0 : index
    %get3A_39 = arith.constant 0 : index
    %get3A_40 = vector.load %arg4[%get3A_38, %get3A_39] : memref<1x32xf32, #tpu.memory_space<vmem>>, vector<1x32xf32>
    %add3A_41 = vector.broadcast %get3A_40 : vector<1x32xf32> to vector<10000x32xf32>
    %add3A_42 = arith.addf %div3A_37, %add3A_41 : vector<10000x32xf32>
    %get3A_43 = arith.constant 0 : index
    %get3A_44 = arith.constant 0 : index
    %get3A_45 = vector.load %arg5[%get3A_43, %get3A_44] : memref<32x32xf32, #tpu.memory_space<vmem>>, vector<32x32xf32>
    %dot_general3A = arith.constant dense<0.000000e+00> : vector<10000x32xf32>
    %dot_general3A_46 = tpu.matmul %add3A_42, %get3A_45, %dot_general3A {dimension_numbers = #tpu.dot_dimension_numbers<[1], [0], [0], [1], [0, 0, 1, 1], [], []>, transpose_lhs_hint = false} : vector<10000x32xf32>, vector<32x32xf32>, vector<10000x32xf32> -> vector<10000x32xf32>
    %swap3A = arith.constant 0 : index
    %swap3A_47 = arith.constant 0 : index
    %swap3A_48 = vector.load %arg7[%swap3A, %swap3A_47] : memref<10000x32xf32, #tpu.memory_space<vmem>>, vector<10000x32xf32>
    tpu.vector_store %arg7[%swap3A, %swap3A_47], %dot_general3A_46 {strides = array<i32>} : memref<10000x32xf32, #tpu.memory_space<vmem>>, vector<10000x32xf32>,
    %get3A_49 = arith.constant 0 : index
    %get3A_50 = arith.constant 0 : index
    %get3A_51 = vector.load %arg6[%get3A_49, %get3A_50] : memref<32x32xf32, #tpu.memory_space<vmem>>, vector<32x32xf32>
    %dot_general3A_52 = arith.constant dense<0.000000e+00> : vector<10000x32xf32>
    %dot_general3A_53 = tpu.matmul %add3A_42, %get3A_51, %dot_general3A_52 {dimension_numbers = #tpu.dot_dimension_numbers<[1], [0], [0], [1], [0, 0, 1, 1], [], []>, transpose_lhs_hint = false} : vector<10000x32xf32>, vector<32x32xf32>, vector<10000x32xf32> -> vector<10000x32xf32>
    %swap3A_54 = arith.constant 0 : index
    %swap3A_55 = arith.constant 0 : index
    %swap3A_56 = vector.load %arg8[%swap3A_54, %swap3A_55] : memref<10000x32xf32, #tpu.memory_space<vmem>>, vector<10000x32xf32>
    tpu.vector_store %arg8[%swap3A_54, %swap3A_55], %dot_general3A_53 {strides = array<i32>} : memref<10000x32xf32, #tpu.memory_space<vmem>>, vector<10000x32xf32>,
    return
  }
}

module attributes {stable_mosaic.version = 14 : i64} {
  func.func @_stage_mlp(%arg0: i32, %arg1: memref<1600x128xf32, #tpu.memory_space<vmem>>, %arg2: memref<1600x16xf32, #tpu.memory_space<vmem>>, %arg3: memref<16x128xf32, #tpu.memory_space<vmem>>, %arg4: memref<1x128xf32, #tpu.memory_space<vmem>>, %arg5: memref<128x64xf32, #tpu.memory_space<vmem>>, %arg6: memref<1x64xf32, #tpu.memory_space<vmem>>, %arg7: memref<64x4xf32, #tpu.memory_space<vmem>>, %arg8: memref<1x4xf32, #tpu.memory_space<vmem>>, %arg9: memref<1600x4xf32, #tpu.memory_space<vmem>>) attributes {dimension_semantics = [#tpu.dimension_semantics<arbitrary>], iteration_bounds = array<i64: 50>, scalar_prefetch = 0 : i64, scratch_operands = 0 : i64, tpu.core_type = #tpu.core_type<tc>, window_params = [{transform_indices = @transform_0, window_bounds = array<i64: 1600, 128>}, {transform_indices = @transform_1, window_bounds = array<i64: 1600, 16>}, {pipeline_mode = #tpu.pipeline_mode<synchronous>, transform_indices = @transform_2, window_bounds = array<i64: 16, 128>}, {pipeline_mode = #tpu.pipeline_mode<synchronous>, transform_indices = @transform_3, window_bounds = array<i64: 1, 128>}, {pipeline_mode = #tpu.pipeline_mode<synchronous>, transform_indices = @transform_4, window_bounds = array<i64: 128, 64>}, {pipeline_mode = #tpu.pipeline_mode<synchronous>, transform_indices = @transform_5, window_bounds = array<i64: 1, 64>}, {pipeline_mode = #tpu.pipeline_mode<synchronous>, transform_indices = @transform_6, window_bounds = array<i64: 64, 4>}, {pipeline_mode = #tpu.pipeline_mode<synchronous>, transform_indices = @transform_7, window_bounds = array<i64: 1, 4>}, {transform_indices = @transform_8, window_bounds = array<i64: 1600, 4>}]} {
    %get3A = arith.constant 0 : index
    %get3A_0 = arith.constant 0 : index
    %get3A_1 = vector.load %arg1[%get3A, %get3A_0] : memref<1600x128xf32, #tpu.memory_space<vmem>>, vector<1600x128xf32>
    %get3A_2 = arith.constant 0 : index
    %get3A_3 = arith.constant 0 : index
    %get3A_4 = vector.load %arg2[%get3A_2, %get3A_3] : memref<1600x16xf32, #tpu.memory_space<vmem>>, vector<1600x16xf32>
    %get3A_5 = arith.constant 0 : index
    %get3A_6 = arith.constant 0 : index
    %get3A_7 = vector.load %arg3[%get3A_5, %get3A_6] : memref<16x128xf32, #tpu.memory_space<vmem>>, vector<16x128xf32>
    %dot_general3A = arith.constant dense<0.000000e+00> : vector<1600x128xf32>
    %dot_general3A_8 = tpu.matmul %get3A_4, %get3A_7, %dot_general3A {dimension_numbers = #tpu.dot_dimension_numbers<[1], [0], [0], [1], [0, 0, 1, 1], [], []>, transpose_lhs_hint = false} : vector<1600x16xf32>, vector<16x128xf32>, vector<1600x128xf32> -> vector<1600x128xf32>
    %add3A = arith.addf %get3A_1, %dot_general3A_8 : vector<1600x128xf32>
    %get3A_9 = arith.constant 0 : index
    %get3A_10 = arith.constant 0 : index
    %get3A_11 = vector.load %arg4[%get3A_9, %get3A_10] : memref<1x128xf32, #tpu.memory_space<vmem>>, vector<1x128xf32>
    %add3A_12 = vector.broadcast %get3A_11 : vector<1x128xf32> to vector<1600x128xf32>
    %add3A_13 = arith.addf %add3A, %add3A_12 : vector<1600x128xf32>
    %max3A = arith.constant 0.000000e+00 : f32
    %max3A_14 = vector.broadcast %max3A : f32 to vector<1600x128xf32>
    %max3A_15 = arith.maximumf %add3A_13, %max3A_14 : vector<1600x128xf32>
    %get3A_16 = arith.constant 0 : index
    %get3A_17 = arith.constant 0 : index
    %get3A_18 = vector.load %arg5[%get3A_16, %get3A_17] : memref<128x64xf32, #tpu.memory_space<vmem>>, vector<128x64xf32>
    %dot_general3A_19 = arith.constant dense<0.000000e+00> : vector<1600x64xf32>
    %dot_general3A_20 = tpu.matmul %max3A_15, %get3A_18, %dot_general3A_19 {dimension_numbers = #tpu.dot_dimension_numbers<[1], [0], [0], [1], [0, 0, 1, 1], [], []>, transpose_lhs_hint = false} : vector<1600x128xf32>, vector<128x64xf32>, vector<1600x64xf32> -> vector<1600x64xf32>
    %get3A_21 = arith.constant 0 : index
    %get3A_22 = arith.constant 0 : index
    %get3A_23 = vector.load %arg6[%get3A_21, %get3A_22] : memref<1x64xf32, #tpu.memory_space<vmem>>, vector<1x64xf32>
    %add3A_24 = vector.broadcast %get3A_23 : vector<1x64xf32> to vector<1600x64xf32>
    %add3A_25 = arith.addf %dot_general3A_20, %add3A_24 : vector<1600x64xf32>
    %max3A_26 = arith.constant 0.000000e+00 : f32
    %max3A_27 = vector.broadcast %max3A_26 : f32 to vector<1600x64xf32>
    %max3A_28 = arith.maximumf %add3A_25, %max3A_27 : vector<1600x64xf32>
    %get3A_29 = arith.constant 0 : index
    %get3A_30 = arith.constant 0 : index
    %get3A_31 = vector.load %arg7[%get3A_29, %get3A_30] : memref<64x4xf32, #tpu.memory_space<vmem>>, vector<64x4xf32>
    %dot_general3A_32 = arith.constant dense<0.000000e+00> : vector<1600x4xf32>
    %dot_general3A_33 = tpu.matmul %max3A_28, %get3A_31, %dot_general3A_32 {dimension_numbers = #tpu.dot_dimension_numbers<[1], [0], [0], [1], [0, 0, 1, 1], [], []>, transpose_lhs_hint = false} : vector<1600x64xf32>, vector<64x4xf32>, vector<1600x4xf32> -> vector<1600x4xf32>
    %get3A_34 = arith.constant 0 : index
    %get3A_35 = arith.constant 0 : index
    %get3A_36 = vector.load %arg8[%get3A_34, %get3A_35] : memref<1x4xf32, #tpu.memory_space<vmem>>, vector<1x4xf32>
    %add3A_37 = vector.broadcast %get3A_36 : vector<1x4xf32> to vector<1600x4xf32>
    %add3A_38 = arith.addf %dot_general3A_33, %add3A_37 : vector<1600x4xf32>
    %neg3A = arith.constant 0.000000e+00 : f32
    %neg3A_39 = vector.broadcast %neg3A : f32 to vector<1600x4xf32>
    %neg3A_40 = arith.subf %neg3A_39, %add3A_38 : vector<1600x4xf32>
    %exp3A = math.exp %neg3A_40 : vector<1600x4xf32>
    %add3A_41 = arith.constant 1.000000e+00 : f32
    %add3A_42 = vector.broadcast %add3A_41 : f32 to vector<1600x4xf32>
    %add3A_43 = arith.addf %add3A_42, %exp3A : vector<1600x4xf32>
    %div3A = arith.constant 1.000000e+00 : f32
    %div3A_44 = vector.broadcast %div3A : f32 to vector<1600x4xf32>
    %div3A_45 = arith.divf %div3A_44, %add3A_43 : vector<1600x4xf32>
    %swap3A = arith.constant 0 : index
    %swap3A_46 = arith.constant 0 : index
    %swap3A_47 = vector.load %arg9[%swap3A, %swap3A_46] : memref<1600x4xf32, #tpu.memory_space<vmem>>, vector<1600x4xf32>
    tpu.vector_store %arg9[%swap3A, %swap3A_46], %div3A_45 {strides = array<i32>} : memref<1600x4xf32, #tpu.memory_space<vmem>>, vector<1600x4xf32>,
    return
  }
  func.func @transform_0(%arg0: i32) -> (i32, i32) {
    %c0_i32 = arith.constant 0 : i32
    %c0_i32_0 = arith.constant 0 : i32
    return %arg0, %c0_i32 : i32, i32
  }
  func.func @transform_1(%arg0: i32) -> (i32, i32) {
    %c0_i32 = arith.constant 0 : i32
    %c0_i32_0 = arith.constant 0 : i32
    return %arg0, %c0_i32 : i32, i32
  }
  func.func @transform_2(%arg0: i32) -> (i32, i32) {
    %c0_i32 = arith.constant 0 : i32
    %c0_i32_0 = arith.constant 0 : i32
    %c0_i32_1 = arith.constant 0 : i32
    return %c0_i32, %c0_i32_0 : i32, i32
  }
  func.func @transform_3(%arg0: i32) -> (i32, i32) {
    %c0_i32 = arith.constant 0 : i32
    %c0_i32_0 = arith.constant 0 : i32
    %c0_i32_1 = arith.constant 0 : i32
    return %c0_i32, %c0_i32_0 : i32, i32
  }
  func.func @transform_4(%arg0: i32) -> (i32, i32) {
    %c0_i32 = arith.constant 0 : i32
    %c0_i32_0 = arith.constant 0 : i32
    %c0_i32_1 = arith.constant 0 : i32
    return %c0_i32, %c0_i32_0 : i32, i32
  }
  func.func @transform_5(%arg0: i32) -> (i32, i32) {
    %c0_i32 = arith.constant 0 : i32
    %c0_i32_0 = arith.constant 0 : i32
    %c0_i32_1 = arith.constant 0 : i32
    return %c0_i32, %c0_i32_0 : i32, i32
  }
  func.func @transform_6(%arg0: i32) -> (i32, i32) {
    %c0_i32 = arith.constant 0 : i32
    %c0_i32_0 = arith.constant 0 : i32
    %c0_i32_1 = arith.constant 0 : i32
    return %c0_i32, %c0_i32_0 : i32, i32
  }
  func.func @transform_7(%arg0: i32) -> (i32, i32) {
    %c0_i32 = arith.constant 0 : i32
    %c0_i32_0 = arith.constant 0 : i32
    %c0_i32_1 = arith.constant 0 : i32
    return %c0_i32, %c0_i32_0 : i32, i32
  }
  func.func @transform_8(%arg0: i32) -> (i32, i32) {
    %c0_i32 = arith.constant 0 : i32
    %c0_i32_0 = arith.constant 0 : i32
    return %arg0, %c0_i32 : i32, i32
  }
}

</mosaic_0001>

<sc_bundles>
// kernel: kernel.12.cloned.1.call-start
scs
__scs_entry_jumppad:
0x0: {  	(pc) =	sbr.rel $0x88, $3  }
0x1: {  	(tag) =	ssettag $0x0;
	lr =	simm.s32 $0x1  }
0x2: {  	[smem:$0x3F90] =	sst lr;
	_ =	strace $0xD0000000  }
0x3: {  	_ = 	snop  }
0x4: {  	_ = 	snop  }
0x5: {  	_ = 	snop  }
0x6: {  	_ = 	snop  }
0x7: {  	_ = 	snop  }
__scs_overlays_trampoline_lowered:
0x8: {  	[smem:$0x3F9F] =	sst s0  }
0x9: {  	[smem:$0x3FA0] =	sst s1  }
0xa: {  	[smem:$0x3FA1] =	sst s2  }
0xb: {  	[smem:$0x3FA2] =	sst s3  }
0xc: {  	[smem:$0x3FA3] =	sst s4  }
0xd: {  	[smem:$0x3FA4] =	sst s5  }
0xe: {  	[smem:$0x3FA5] =	sst s6  }
0xf: {  	[smem:$0x3FA6] =	sst s7  }
0x10: {  	[smem:$0x3FA7] =	sst s8  }
0x11: {  	[smem:$0x3FA8] =	sst s9;
	s0 =	simm.s32 @!p0 $0x0  }
0x12: {  	s1 =	sld [smem:$0x3F8E];
	s0 =	simm.s32 @p0 $0x1  }
0x13: {  	[smem:$0x3FA9] =	sst s0;
	s0 =	simm.s32 @!p1 $0x0  }
0x14: {  	s2 =	sld [smem:$0x3F8D];
	s0 =	simm.s32 @p1 $0x1  }
0x15: {  	[smem:$0x3FAA] =	sst s0;
	s0 =	simm.s32 @!p2 $0x0  }
0x16: {  	s3 =	sld [smem:$0x3FDB];
	s0 =	simm.s32 @p2 $0x1  }
0x17: {  	s4 =	simm.s32 $0x1BF5;
	[smem:$0x3FAC] =	sst s0  }
0x18: {  	s0 =	sld [smem:$0x3F8F];
	_ =	swait.ge [sflag:s4], $0x0  }
0x19: {  	s7 =	sld [smem:$0x3F90]  }
0x1a: {  	s8 =	sadd.s32 $0xFFFFE003, lr  }
0x1b: {  	s9 =	sadd.s32 $0xFFFFFEF7, lr;
	s5 =	simm.s32 $0xFFFFFFFF;
	p2 =	slt.u32 s8, $0xFFFFF086  }
0x1c: {  	p1 =	slt.u32 s9, $0xF7A;
	s5 =	simm.s32 @!p2 $0x0  }
0x1d: {  	s5 =	simm.s32 @p1 $0x1;
	p0 =	seq.s32 s7, s2  }
0x1e: {  	s7 =	smul.u32 @!p0 $0xF7A, s2;
	p2 =	seq.s32 @!p0 s5, $0x0  }
0x1f: {  	s9 =	smul.u32 $0xF7A, s1;
	s8 =	simm.s32 @!p0 $0x1BF5;
	p2 =	por !p2, p0  }
0x20: {  	[sflag:s8] =	ssyncset.s32 @!p0 $0xFFFFF086;
	s6 =	sadd.s32 @!p0 s3, s7;
	s7 =	simm.s32 @!p0 $0x108  }
0x21: {  	s3 =	sadd.s32 s3, s9;
	s6 =	sadd.s32 @!p0 $0x88, s6;
	s7 =	simm.s32 @p2 $0x1082  }
0x22: {  	[simem:s7], [sflag:s8] =	dma.local @!p0 [hbm:s6], $0xF7A  }
0x23: {  	s9 =	sor.u32 $0xD0000000, s2;
	s6 =	simm.s32 $0x108;
	_ =	swait.ge @!p0 [sflag:s8], $0x0  }
0x24: {  	s3 =	sadd.s32 $0x88, s3;
	s6 =	simm.s32 @!p1 $0x1082;
	[sflag:s4] =	ssyncset.s32 $0xFFFFF086  }
0x25: {  	[simem:s6], [sflag:s4] =	dma.local [hbm:s3], $0xF7A  }
0x26: {  	[smem:$0x3F90] =	sst s1;
	(tag) =	ssettag s2;
	_ =	strace s9  }
0x27: {  	s1 =	sld [smem:$0x3FA0]  }
0x28: {  	s2 =	sld [smem:$0x3FA1]  }
0x29: {  	s4 =	sld [smem:$0x3FA3]  }
0x2a: {  	p0 =	seq.s32 s5, $0x0;
	s5 =	sld [smem:$0x3FA4]  }
0x2b: {  	s6 =	sld [smem:$0x3FA5]  }
0x2c: {  	s7 =	sld [smem:$0x3FA6]  }
0x2d: {  	s3 =	simm.s32 $0x108;
	s8 =	sld [smem:$0x3FA7]  }
0x2e: {  	s3 =	simm.s32 @!p0 $0x1082;
	s9 =	sld [smem:$0x3FA8]  }
0x2f: {  	lr =	sadd.s32 s0, s3;
	s0 =	sld [smem:$0x3F9F]  }
0x30: {  	s3 =	sld [smem:$0x3FA2]  }
0x31: {  	[smem:$0x3FAB] =	sst s10  }
0x32: {  	s10 =	sld [smem:$0x3FA9];
	_ =	sdelay $0x3  }
0x33: {  	p0 =	seq.s32 s10, $0x1;
	s10 =	sld [smem:$0x3FAB];
	_ =	sdelay $0x3  }
0x34: {  	[smem:$0x3FAB] =	sst s10  }
0x35: {  	s10 =	sld [smem:$0x3FAA];
	_ =	sdelay $0x3  }
0x36: {  	p1 =	seq.s32 s10, $0x1;
	s10 =	sld [smem:$0x3FAB];
	_ =	sdelay $0x3  }
0x37: {  	[smem:$0x3FAB] =	sst s10  }
0x38: {  	s10 =	sld [smem:$0x3FAC]  }
0x39: {  	_ = 	snop;
	(pc) =	sbr.ind lr, $3  }
0x3a: {  	_ = 	snop  }
0x3b: {  	_ = 	snop  }
0x3c: {  	p2 =	seq.s32 s10, $0x1;
	s10 =	sld [smem:$0x3FAB]  }
0x3d: {  	_ =	shalt  }
0x3e: {  	_ =	shalt  }
0x3f: {  	_ =	shalt  }
0x40: {  	_ =	shalt  }
0x41: {  	_ =	shalt  }
0x42: {  	_ =	shalt  }
0x43: {  	_ =	shalt  }
0x44: {  	_ =	shalt  }
0x45: {  	_ =	shalt  }
0x46: {  	_ =	shalt  }
0x47: {  	_ =	shalt  }
0x48: {  	_ =	shalt  }
0x49: {  	_ =	shalt  }
0x4a: {  	_ =	shalt  }
0x4b: {  	_ =	shalt  }
0x4c: {  	_ =	shalt  }
0x4d: {  	_ =	shalt  }
0x4e: {  	_ =	shalt  }
0x4f: {  	_ =	shalt  }
0x50: {  	_ =	shalt  }
0x51: {  	_ =	shalt  }
0x52: {  	_ =	shalt  }
0x53: {  	_ =	shalt  }
0x54: {  	_ =	shalt  }
0x55: {  	_ =	shalt  }
0x56: {  	_ =	shalt  }
0x57: {  	_ =	shalt  }
0x58: {  	_ =	shalt  }
0x59: {  	_ =	shalt  }
0x5a: {  	_ =	shalt  }
0x5b: {  	_ =	shalt  }
0x5c: {  	_ =	shalt  }
0x5d: {  	_ =	shalt  }
0x5e: {  	_ =	shalt  }
0x5f: {  	_ =	shalt  }
0x60: {  	_ =	shalt  }
0x61: {  	_ =	shalt  }
0x62: {  	_ =	shalt  }
0x63: {  	_ =	shalt  }
0x64: {  	_ =	shalt  }
0x65: {  	_ =	shalt  }
0x66: {  	_ =	shalt  }
0x67: {  	_ =	shalt  }
0x68: {  	_ =	shalt  }
0x69: {  	_ =	shalt  }
0x6a: {  	_ =	shalt  }
0x6b: {  	_ =	shalt  }
0x6c: {  	_ =	shalt  }
0x6d: {  	_ =	shalt  }
0x6e: {  	_ =	shalt  }
0x6f: {  	_ =	shalt  }
0x70: {  	_ =	shalt  }
0x71: {  	_ =	shalt  }
0x72: {  	_ =	shalt  }
0x73: {  	_ =	shalt  }
0x74: {  	_ =	shalt  }
0x75: {  	_ =	shalt  }
0x76: {  	_ =	shalt  }
0x77: {  	_ =	shalt  }
0x78: {  	_ =	shalt  }
0x79: {  	_ =	shalt  }
0x7a: {  	_ =	shalt  }
0x7b: {  	_ =	shalt  }
0x7c: {  	_ =	shalt  }
0x7d: {  	_ =	shalt  }
0x7e: {  	_ =	shalt  }
0x7f: {  	_ =	shalt  }
0x80: {  	_ =	shalt  }
0x81: {  	_ =	shalt  }
0x82: {  	_ =	shalt  }
0x83: {  	_ =	shalt  }
0x84: {  	_ =	shalt  }
0x85: {  	_ =	shalt  }
0x86: {  	_ =	shalt  }
0x87: {  	_ =	shalt  }
.Lfunc_end0:
.L_simem_size_0:
called_computation.1_lowered:
.L_overlay_start_0:
0x88: {  	s2 =	sld [smem:$0x3FD9]  }
0x89: {  	s3 =	sld [smem:$0x3FFE];
	_ =	sdelay $0x1  }
0x8a: {  	s1 =	srdreg.scid  }
0x8b: {  	s0 =	sand.u32 $0x1, s1  }
0x8c: {  	s17 =	sshll.u32 s0, $0xA;
	s2 =	sadd.s32 s3, s2  }
0x8d: {  	s2 =	sadd.s32 s2, s17  }
0x8e: {  	[smem:$0x3FB7] =	sst s2  }
0x8f: {  	_ = 	snop  }
0x90: {  	s2 =	sld [smem:$0x3FD0];
	(tm) =	ssettm $0x1  }
0x91: {  	s18 =	sld [smem:$0x3FFB];
	_ =	sdelay $0x3  }
0x92: {  	_ =	strace s18  }
0x93: {  	s3 =	sld [smem:$0x3FFC];
	_ =	sdelay $0x3  }
0x94: {  	_ =	strace s3  }
0x95: {  	s3 =	sld [smem:$0x3FFD];
	_ =	sdelay $0x3  }
0x96: {  	_ =	strace s3  }
0x97: {  	_ =	strace $0x8FFFFFFF  }
0x98: {  	s19 =	sld [smem:$0x3FDB];
	_ =	sdelay $0x1  }
0x99: {  	s4 =	simm.s32 $_scs_section_size  }
0x9a: {  	s5 =	simm.s32 $_size__tile_overlayer_lowered;
	s6 =	simm.s32 $_tile_overlayer_lowered  }
0x9b: {  	s22 =	simm.s32 $0x1BFF;
	s21 =	sshll.u32 s6, $0x1;
	s3 =	sadd.s32 s4, s19  }
0x9c: {  	s7 =	simm.s32 $0x0;
	s20 =	sshll.u32 s5, $0x1;
	s5 =	sadd.s32 s21, s3  }
0x9d: {  	[timem:s7], [sflag:s22] =	dma.local [hbm:s5], s20  }
0x9e: {  	_ =	swait.ge [sflag:s22], s20  }
0x9f: {  	s4 =	ssub.s32 $0x0, s20;
	[sflag:s22] =	ssyncset.done $0x0  }
0xa0: {  	[sflag:s22] =	ssyncadd.s32 s4;
	_ =	sdelay $0x1  }
0xa1: {  	s23 =	simm.s32 $0x1B8B  }
0xa2: {  	_ =	swait.ge [sflag:s23], $0x1  }
0xa3: {  	[sflag:s23] =	ssyncset.done $0x0  }
0xa4: {  	s25 =	simm.s32 $0x1B8E;
	s24 =	sld [smem:$0x3FFE];
	[sflag:s23] =	ssyncadd.s32 $0xFFFFFFFF  }
0xa5: {  	s26 =	simm.s32 $execute0_lowered;
	[smem:$0x3FD2] =	sst s25  }
0xa6: {  	s5 =	sshll.u32 s26, $0x1;
	_ =	strace $0x80000049;
	[dreg:$0x1] =	wrdreg $0xFFFFFFFF  }
0xa7: {  	s28 =	simm.s32 $_size_execute0_lowered;
	s3 =	sadd.s32 s3, s5;
	[dreg:$0x0] =	wrdreg $0x0  }
0xa8: {  	s5 =	sshll.u32 s28, $0x1;
	[dreg:$0x2] =	wrdreg s3  }
0xa9: {  	[dreg:$0x3] =	wrdreg s5  }
0xaa: {  	[dreg:$0x4] =	wrdreg $0xC0  }
0xab: {  	_ =	task [dreg:s7], $0x5FFFF  }
0xac: {  	[dreg:$0x1] =	wrdreg $0xFFFFFFFF  }
0xad: {  	[dreg:$0x0] =	wrdreg $0x60  }
0xae: {  	[dreg:$0x2] =	wrdreg s24  }
0xaf: {  	[dreg:$0x3] =	wrdreg s2  }
0xb0: {  	[dreg:$0x4] =	wrdreg $0x80200  }
0xb1: {  	[dreg:$0x5] =	wrdreg $0xCE400  }
0xb2: {  	[dreg:$0x6] =	wrdreg $0x9  }
0xb3: {  	_ =	task.clear_ibuf [dreg:s7], $0x7FFFF;
	_ =	strace $0x90000049  }
0xb4: {  	s29 =	simm.s32 $0x9;
	_ =	strace $0x8000004B  }
0xb5: {  	_ =	swait.ge [sflag:s29], $0x1  }
0xb6: {  	[sflag:s29] =	ssyncadd.s32 $0xFFFFFFFF  }
0xb7: {  	_ =	strace $0x9000004B  }
0xb8: {  	_ =	sfence  }
0xb9: {  	s30 =	sld [smem:$0x0];
	_ =	sdelay $0x2  }
0xba: {  	s31 =	sshll.u32 s1, $0xD;
	s1 =	sshrl.u32 s1, $0x2  }
0xbb: {  	s3 =	sand.u32 $0x4000, s31;
	s1 =	sadd.s32 s1, s30  }
0xbc: {  	s0 =	sor.u32 s3, s0;
	s1 =	sshll.u32 s1, $0x11  }
0xbd: {  	s0 =	sor.u32 s1, s0  }
0xbe: {  	s0 =	sadd.s32 $0x8F2B, s0  }
0xbf: {  	[sflag:s0] =	ssyncadd.remote.s32 $0x1  }
0xc0: {  	_ =	sfence.sel $0xFFFF  }
0xc1: {  	[dreg:$0x0] =	wrdreg $0xFFFFFFFF;
	(pc) =	sbr.abs _section_cstart, $3  }
0xc2: {  	[dreg:$0x1] =	wrdreg $0xFFFFFFFF  }
0xc3: {  	_ =	task.clear_ibuf [dreg:s7], $0x2FFFF;
	_ =	strace $0x9FFFFFFF  }
0xc4: {  	(tm) =	ssettm $0x7FFFFFFF  }
0xc5: {  	_ =	shalt  }
tec
execute0_lowered:
.L_overlay_start_1:
0x0: {  	(tag) =	ssettag $0x1  }
0x1: {  	s0 =	rddreg [dreg:$0x0]  }
0x2: {  	s1 =	rddreg [dreg:$0x1]  }
0x3: {  	s2 =	rddreg [dreg:$0x2]  }
0x4: {  	s3 =	rddreg [dreg:$0x3];
	s4 =	simm.s32 $0x0;
	s5 =	srdreg.scid  }
0x5: {  	s22 =	stileid.u32;
	s30 =	simm.s32 $0x3;
	s31 =	simm.s32 $0x190  }
0x6: {  	[smem:$0x7FF] =	sst s4;
	s6 =	sadd.s32 $0x6B000, s0;
	s13 =	smul.u32 $0x13C00, s22  }
0x7: {  	s7 =	sadd.s32 $0x3E00, s0;
	s10 =	sand.u32 $0x1, s5;
	s18 =	smul.u32 $0x9E00, s22  }
0x8: {  	s8 =	sadd.s32 $0xDC00, s0;
	s5 =	sadd.s32 $0x1CA00, s0;
	s14 =	smul.u32 $0x278, s22  }
0x9: {  	s9 =	sadd.s32 $0x12C00, s0;
	s16 =	smul.u32 $0x4F00, s22;
	p0 =	seq.s32 s22, $0xF  }
0xa: {  	s28 =	sadd.s32 $0x4D300, s2;
	s29 =	sadd.s32 $0x26980, s3;
	s11 =	ssub.s32 $0x2, s10  }
0xb: {  	v0 =	vlaneseq.u32;
	_ =	strace $0x8000004A;
	s19 =	sshll.u32 s10, $0x4;
	s12 =	sshrl.u32 s11, $0x1  }
0xc: {  	v0 =	vmul.u32 $0x10, v0;
	s13 =	sshrl.u32 s13, $0x2;
	s15 =	sor.u32 s22, s19;
	s19 =	smul.u32 $0x4E200, s10  }
0xd: {  	s21 =	sadd.s32 $0x190, s14;
	s10 =	smul.u32 $0x27100, s10;
	s23 =	sadd.s32 s16, s2  }
0xe: {  	v1 =	vimm.f32 $0.0e+00;
	v2 =	vor.u32 $0x1, v0;
	s0 =	ssub.s32 s11, s12;
	s20 =	sadd.s32 s13, s2;
	s11 =	sshrl.u32 s18, $0x2  }
0xf: {  	v3 =	vor.u32 $0x100, v0;
	v4 =	vor.u32 $0x101, v0;
	v5 =	vor.u32 $0x200, v0;
	s17 =	sshll.u32 s21, $0x5;
	s18 =	sshll.u32 s21, $0x4;
	[dreg:$0x7] =	wrdreg s23  }
0x10: {  	v6 =	vor.u32 $0x201, v0;
	v7 =	vor.u32 $0x300, v0;
	v8 =	vor.u32 $0x301, v0;
	s13 =	sadd.s32 $0x4A100, s2;
	s14 =	smul.u32 $0x2710, s15;
	[dreg:$0x5] =	wrdreg s20  }
0x11: {  	v9 =	vor.u32 $0x400, v0;
	v10 =	vor.u32 $0x401, v0;
	v11 =	vor.u32 $0x500, v0;
	s11 =	sadd.s32 s11, s3;
	s12 =	sadd.s32 s18, s3;
	s20 =	smul.u32 $0x2780, s22  }
0x12: {  	v12 =	vor.u32 $0x501, v0;
	v13 =	vor.u32 $0x600, v0;
	v14 =	vor.u32 $0x601, v0;
	s21 =	sadd.s32 s16, s19;
	s26 =	sadd.s32 s19, s17;
	s23 =	sadd.s32 s10, s18  }
0x13: {  	v15 =	vor.u32 $0x700, v0;
	v16 =	vor.u32 $0x701, v0;
	v17 =	vor.u32 $0x800, v0;
	[dreg:$0x6] =	wrdreg s11;
	s11 =	sadd.s32 s17, s2;
	s24 =	sshrl.u32 s21, $0x3  }
0x14: {  	v18 =	vor.u32 $0x801, v0;
	v19 =	vor.u32 $0x900, v0;
	v20 =	vor.u32 $0x901, v0;
	s16 =	sshrl.u32 s26, $0x3;
	s17 =	simm.s32 $0x0;
	s15 =	sadd.s32 s5, s24  }
0x15: {  	v21 =	vor.u32 $0xA00, v0;
	v22 =	vor.u32 $0xA01, v0;
	v23 =	vor.u32 $0xB00, v0;
	s25 =	sadd.s32 s20, s10;
	s20 =	sadd.s32 s20, s3;
	s21 =	sadd.s32 s5, s16  }
0x16: {  	v24 =	vor.u32 $0xB01, v0;
	v25 =	vor.u32 $0xC00, v0;
	v26 =	vor.u32 $0xC01, v0;
	s24 =	sshrl.u32 s19, $0x3;
	s10 =	sshrl.u32 s10, $0x3;
	[dreg:$0x8] =	wrdreg s15  }
0x17: {  	v27 =	vor.u32 $0xD00, v0;
	v28 =	vor.u32 $0xD01, v0;
	v29 =	vor.u32 $0xE00, v0;
	s16 =	simm.s32 $0x1;
	[dreg:$0x9] =	wrdreg s20;
	s15 =	sshrl.u32 s25, $0x3  }
0x18: {  	v30 =	vor.u32 $0xE01, v0;
	v31 =	vor.u32 $0xF00, v0;
	v32 =	vor.u32 $0xF01, v0;
	[dreg:$0xb] =	wrdreg s21;
	s5 =	sadd.s32 s5, s24;
	s15 =	sadd.s32 s9, s15  }
0x19: {  	v33 =	vor.u32 $0x1000, v0;
	v34 =	vor.u32 $0x1001, v0;
	v35 =	vor.u32 $0x1100, v0;
	s25 =	sadd.s32 $0x9420, s5;
	[dreg:$0xa] =	wrdreg s15;
	s15 =	sshrl.u32 s23, $0x3  }
0x1a: {  	v36 =	vor.u32 $0x1101, v0;
	v37 =	vor.u32 $0x1200, v0;
	v38 =	vor.u32 $0x1201, v0;
	[dreg:$0xd] =	wrdreg s25;
	s23 =	sadd.s32 $0x9A60, s5;
	s25 =	smax.u32 s0, $0x1  }
0x1b: {  	v39 =	vor.u32 $0x1300, v0;
	v40 =	vor.u32 $0x1301, v0;
	v41 =	vor.u32 $0x1400, v0;
	s0 =	simm.s32 $0x320;
	s5 =	simm.s32 $0x4E20;
	s15 =	sadd.s32 s9, s15  }
0x1c: {  	v42 =	vor.u32 $0x1401, v0;
	v43 =	vor.u32 $0x1500, v0;
	v44 =	vor.u32 $0x1501, v0;
	s9 =	sadd.s32 s9, s10;
	s10 =	simm.s32 $0x2;
	[dreg:$0xc] =	wrdreg s15  }
0x1d: {  	v45 =	vor.u32 $0x1600, v0;
	v46 =	vor.u32 $0x1601, v0;
	v47 =	vor.u32 $0x1700, v0;
	s26 =	sadd.s32 $0x4A10, s9;
	s24 =	sadd.s32 $0x4D30, s9;
	s9 =	simm.s32 $0x6720  }
0x1e: {  	v48 =	vor.u32 $0x1701, v0;
	v49 =	vor.u32 $0x1800, v0;
	v50 =	vor.u32 $0x1801, v0;
	s15 =	simm.s32 $0x3520;
	[dreg:$0xe] =	wrdreg s26;
	s26 =	sadd.s32 $0x25080, s3  }
.LBB2_1:
0x1f: {  	s19 =	simm.s32 $0x0  }
0x20: {  	s18 =	simm.s32 $0x330;
	[tilespmem:s19+$0x3520] =	vst v1  }
0x21: {  	[tilespmem:s18+$0xFFFFFFF0] =	vst v1  }
0x22: {  	s19 =	simm.s32 $0x40;
	[tilespmem:s18+$0x0] =	vst v1  }
.LBB2_2:
0x23: {  	p1 =	sne.s32 s19, $0x63C0  }
.Ltmp0:
0x24: {  	_ = 	snop;
	(pc) =	sbr.rel @p1 .LBB2_2-.Ltmp0, $4  }
0x25: {  	s20 =	sshra.s32 s19, $0x2  }
0x26: {  	s18 =	sadd.s32 $0x20, s18;
	[tilespmem:s20+$0x3520] =	vst v1  }
0x27: {  	[tilespmem:s18+$0xFFFFFFF0] =	vst v1  }
0x28: {  	s19 =	sadd.s32 $0x40, s19;
	[tilespmem:s18+$0x0] =	vst v1  }
0x29: {  	s18 =	simm.s32 @p0 $0x320;
	s19 =	simm.s32 @p0 $0x3  }
0x2a: {  	[spmem:s13] =	stream.linear.scatter @p0 [tilespmem:s18], [sflag:$0x3], $0x3200, $0x38;
	[tilespmem:$0xF550] =	vst v63  }
0x2b: {  	_ =	swait.ge @p0 [sflag:s19], $0x3200  }
0x2c: {  	[sflag:s19] =	ssyncset.done @p0 $0x0  }
0x2d: {  	s20 =	simm.s32 @p0 $0x3520;
	[sflag:s19] =	ssyncadd.s32 @p0 $0xFFFFCE00  }
0x2e: {  	[spmem:s26] =	stream.linear.scatter @p0 [tilespmem:s20], [sflag:$0x3], $0x1900, $0x38;
	[tilespmem:$0xF550] =	vst v63  }
0x2f: {  	_ =	swait.ge @p0 [sflag:s19], $0x1900  }
0x30: {  	[sflag:s19] =	ssyncset.done @p0 $0x0  }
0x31: {  	[sflag:s19] =	ssyncadd.s32 @p0 $0xFFFFE700  }
0x32: {  	[spmem:s28] =	stream.linear.scatter @p0 [tilespmem:s18], [sflag:$0x3], $0xF00, $0x38;
	[tilespmem:$0xF550] =	vst v63  }
0x33: {  	_ =	swait.ge @p0 [sflag:s19], $0xF00  }
0x34: {  	[sflag:s19] =	ssyncset.done @p0 $0x0  }
0x35: {  	[sflag:s19] =	ssyncadd.s32 @p0 $0xFFFFF100  }
0x36: {  	[spmem:s29] =	stream.linear.scatter @p0 [tilespmem:s20], [sflag:$0x3], $0x780, $0x38;
	[tilespmem:$0xF550] =	vst v63  }
0x37: {  	_ =	swait.ge @p0 [sflag:s19], $0x780  }
0x38: {  	[sflag:s19] =	ssyncset.done @p0 $0x0  }
0x39: {  	s18 =	simm.s32 @!p0 $0x320;
	[sflag:s19] =	ssyncadd.s32 @p0 $0xFFFFF880;
	s19 =	rddreg [dreg:$0x5]  }
0x3a: {  	[spmem:s19] =	stream.linear.scatter @!p0 [tilespmem:s18], [sflag:$0x3], $0x3200, $0x38;
	[tilespmem:$0xF550] =	vst v63  }
0x3b: {  	s19 =	simm.s32 @!p0 $0x3  }
0x3c: {  	_ =	swait.ge @!p0 [sflag:s19], $0x3200  }
0x3d: {  	[sflag:s19] =	ssyncset.done @!p0 $0x0  }
0x3e: {  	s20 =	simm.s32 @!p0 $0x3520;
	s21 =	rddreg [dreg:$0x6];
	[sflag:s19] =	ssyncadd.s32 @!p0 $0xFFFFCE00  }
0x3f: {  	[spmem:s21] =	stream.linear.scatter @!p0 [tilespmem:s20], [sflag:$0x3], $0x1900, $0x38;
	[tilespmem:$0xF550] =	vst v63  }
0x40: {  	_ =	swait.ge @!p0 [sflag:s19], $0x1900  }
0x41: {  	[sflag:s19] =	ssyncset.done @!p0 $0x0  }
0x42: {  	[sflag:s19] =	ssyncadd.s32 @!p0 $0xFFFFE700  }
0x43: {  	[spmem:s11] =	stream.linear.scatter @!p0 [tilespmem:s18], [sflag:$0x3], $0x1D00, $0x38;
	[tilespmem:$0xF550] =	vst v63  }
0x44: {  	_ =	swait.ge @!p0 [sflag:s19], $0x1D00  }
0x45: {  	[sflag:s19] =	ssyncset.done @!p0 $0x0  }
0x46: {  	[sflag:s19] =	ssyncadd.s32 @!p0 $0xFFFFE300  }
0x47: {  	[spmem:s12] =	stream.linear.scatter @!p0 [tilespmem:s20], [sflag:$0x3], $0xE80, $0x38;
	[tilespmem:$0xF550] =	vst v63  }
0x48: {  	_ =	swait.ge @!p0 [sflag:s19], $0xE80  }
0x49: {  	[sflag:s19] =	ssyncset.done @!p0 $0x0  }
0x4a: {  	[sflag:s19] =	ssyncadd.s32 @!p0 $0xFFFFF180  }
0x4b: {  	s18 =	simm.s32 $0x0;
	[bflag:$0x0] =	sbarrier.arrive $0xFFFF  }
.LBB2_4:
0x4c: {  	s19 =	smul.u32 $0x190, s18;
	_ =	sdelay $0x1  }
0x4d: {  	s19 =	sadd.s32 s14, s19  }
0x4e: {  	s19 =	sshrl.u32 s19, $0x3  }
0x4f: {  	s20 =	sadd.s32 s6, s19  }
0x50: {  	[tilespmem:s4], [sflag:$0x3] =	stream.linear.gather [hbm4b:s20+s4], $0x190, $0x38;
	[tilespmem:$0xF550] =	vst v63  }
0x51: {  	_ =	swait.ge [sflag:s30], $0x190  }
0x52: {  	[sflag:s30] =	ssyncset.done $0x0  }
0x53: {  	s19 =	sadd.s32 s1, s19;
	[sflag:s30] =	ssyncadd.s32 $0xFFFFFE70  }
0x54: {  	[tilespmem:s31], [sflag:$0x3] =	stream.linear.gather [hbm4b:s19+s4], $0x190, $0x38;
	[tilespmem:$0xF550] =	vst v63  }
0x55: {  	_ =	swait.ge [sflag:s30], $0x190  }
0x56: {  	[sflag:s30] =	ssyncset.done $0x0  }
0x57: {  	[sflag:s30] =	ssyncadd.s32 $0xFFFFFE70  }
0x58: {  	[tilespmem:s0], [sflag:$0x1] =	stream.indirect.gather [hbm4b:s7+s31], $0x20, s4, s31, $0xb8;
	[tilespmem:$0xF550] =	vst v63  }
0x59: {  	_ = 	snop  }
0x5a: {  	[tilespmem:s5], [sflag:$0x2] =	stream.indirect.gather [hbm4b:s8+s31], $0x10, s4, s31, $0xb8;
	[tilespmem:$0xF550] =	vst v63  }
0x5b: {  	_ = 	snop  }
0x5c: {  	[tilespmem:s9], [sflag:$0x2] =	stream.indirect.gather [hbm4b:s8+s31], $0x10, s31, s31, $0xb8;
	[tilespmem:$0xF550] =	vst v63  }
0x5d: {  	_ =	swait.ge [sflag:s10], $0x1900  }
0x5e: {  	[sflag:s10] =	ssyncset.done $0x0  }
0x5f: {  	[sflag:s10] =	ssyncadd.s32 $0xFFFFE700  }
0x60: {  	_ =	swait.ge [sflag:s10], $0x1900  }
0x61: {  	[sflag:s10] =	ssyncset.done $0x0  }
0x62: {  	[sflag:s10] =	ssyncadd.s32 $0xFFFFE700  }
0x63: {  	v51 =	vld.idx.msk [tilespmem:v0+s5+$0x0], $0xffff  }
0x64: {  	v52 =	vld.idx.msk [tilespmem:v2+s9+$0x0], $0xffff;
	_ =	sdelay $0x4  }
0x65: {  	v51 =	vadd.f32 v52, v51;
	_ =	sdelay $0x1  }
0x66: {  	v52 =	vmul.f32 $2.000000030e-01, v51;
	_ =	sdelay $0x1  }
0x67: {  	v51 =	vmax.f32 v51, v52  }
0x68: {  	v51 =	vmul.f32 $1.442695020e+00, v51;
	_ =	sdelay $0x1  }
0x69: {  	(erf) = vpow2.f32 v51;
	_ =	sdelay $0x8  }
0x6a: {  	v51 =	vpop (erf)  }
0x6b: {  	[tilespmem:v0+s15+$0x0] =	vst.idx.msk $0xffff, v51  }
0x6c: {  	v51 =	vld.idx.msk [tilespmem:v3+s5+$0x0], $0xffff  }
0x6d: {  	v56 =	vld.idx.msk [tilespmem:v4+s9+$0x0], $0xffff;
	_ =	sdelay $0x4  }
0x6e: {  	v51 =	vadd.f32 v56, v51;
	_ =	sdelay $0x1  }
0x6f: {  	v52 =	vmul.f32 $2.000000030e-01, v51;
	_ =	sdelay $0x1  }
0x70: {  	v51 =	vmax.f32 v51, v52  }
0x71: {  	v51 =	vmul.f32 $1.442695020e+00, v51;
	_ =	sdelay $0x1  }
0x72: {  	(erf) = vpow2.f32 v51;
	_ =	sdelay $0x8  }
0x73: {  	v51 =	vpop (erf)  }
0x74: {  	[tilespmem:v3+s15+$0x0] =	vst.idx.msk $0xffff, v51  }
0x75: {  	v51 =	vld.idx.msk [tilespmem:v5+s5+$0x0], $0xffff  }
0x76: {  	v57 =	vld.idx.msk [tilespmem:v6+s9+$0x0], $0xffff;
	_ =	sdelay $0x4  }
0x77: {  	v51 =	vadd.f32 v57, v51;
	_ =	sdelay $0x1  }
0x78: {  	v52 =	vmul.f32 $2.000000030e-01, v51;
	_ =	sdelay $0x1  }
0x79: {  	v51 =	vmax.f32 v51, v52  }
0x7a: {  	v51 =	vmul.f32 $1.442695020e+00, v51;
	_ =	sdelay $0x1  }
0x7b: {  	(erf) = vpow2.f32 v51;
	_ =	sdelay $0x8  }
0x7c: {  	v51 =	vpop (erf)  }
0x7d: {  	[tilespmem:v5+s15+$0x0] =	vst.idx.msk $0xffff, v51  }
0x7e: {  	v51 =	vld.idx.msk [tilespmem:v7+s5+$0x0], $0xffff  }
0x7f: {  	v58 =	vld.idx.msk [tilespmem:v8+s9+$0x0], $0xffff;
	_ =	sdelay $0x4  }
0x80: {  	v51 =	vadd.f32 v58, v51;
	_ =	sdelay $0x1  }
0x81: {  	v52 =	vmul.f32 $2.000000030e-01, v51;
	_ =	sdelay $0x1  }
0x82: {  	v51 =	vmax.f32 v51, v52  }
0x83: {  	v51 =	vmul.f32 $1.442695020e+00, v51;
	_ =	sdelay $0x1  }
0x84: {  	(erf) = vpow2.f32 v51;
	_ =	sdelay $0x8  }
0x85: {  	v51 =	vpop (erf)  }
0x86: {  	[tilespmem:v7+s15+$0x0] =	vst.idx.msk $0xffff, v51  }
0x87: {  	v51 =	vld.idx.msk [tilespmem:v9+s5+$0x0], $0xffff  }
0x88: {  	v59 =	vld.idx.msk [tilespmem:v10+s9+$0x0], $0xffff;
	_ =	sdelay $0x4  }
0x89: {  	v51 =	vadd.f32 v59, v51;
	_ =	sdelay $0x1  }
0x8a: {  	v52 =	vmul.f32 $2.000000030e-01, v51;
	_ =	sdelay $0x1  }
0x8b: {  	v51 =	vmax.f32 v51, v52  }
0x8c: {  	v51 =	vmul.f32 $1.442695020e+00, v51;
	_ =	sdelay $0x1  }
0x8d: {  	(erf) = vpow2.f32 v51;
	_ =	sdelay $0x8  }
0x8e: {  	v51 =	vpop (erf)  }
0x8f: {  	[tilespmem:v9+s15+$0x0] =	vst.idx.msk $0xffff, v51  }
0x90: {  	v51 =	vld.idx.msk [tilespmem:v11+s5+$0x0], $0xffff  }
0x91: {  	v60 =	vld.idx.msk [tilespmem:v12+s9+$0x0], $0xffff;
	_ =	sdelay $0x4  }
0x92: {  	v51 =	vadd.f32 v60, v51;
	_ =	sdelay $0x1  }
0x93: {  	v52 =	vmul.f32 $2.000000030e-01, v51;
	_ =	sdelay $0x1  }
0x94: {  	v51 =	vmax.f32 v51, v52  }
0x95: {  	v51 =	vmul.f32 $1.442695020e+00, v51;
	_ =	sdelay $0x1  }
0x96: {  	(erf) = vpow2.f32 v51;
	_ =	sdelay $0x8  }
0x97: {  	v51 =	vpop (erf)  }
0x98: {  	[tilespmem:v11+s15+$0x0] =	vst.idx.msk $0xffff, v51  }
0x99: {  	v51 =	vld.idx.msk [tilespmem:v13+s5+$0x0], $0xffff  }
0x9a: {  	v61 =	vld.idx.msk [tilespmem:v14+s9+$0x0], $0xffff;
	_ =	sdelay $0x4  }
0x9b: {  	v51 =	vadd.f32 v61, v51;
	_ =	sdelay $0x1  }
0x9c: {  	v52 =	vmul.f32 $2.000000030e-01, v51;
	_ =	sdelay $0x1  }
0x9d: {  	v51 =	vmax.f32 v51, v52  }
0x9e: {  	v51 =	vmul.f32 $1.442695020e+00, v51;
	_ =	sdelay $0x1  }
0x9f: {  	(erf) = vpow2.f32 v51;
	_ =	sdelay $0x8  }
0xa0: {  	v51 =	vpop (erf)  }
0xa1: {  	[tilespmem:v13+s15+$0x0] =	vst.idx.msk $0xffff, v51  }
0xa2: {  	v51 =	vld.idx.msk [tilespmem:v15+s5+$0x0], $0xffff  }
0xa3: {  	v62 =	vld.idx.msk [tilespmem:v16+s9+$0x0], $0xffff;
	_ =	sdelay $0x4  }
0xa4: {  	v51 =	vadd.f32 v62, v51;
	_ =	sdelay $0x1  }
0xa5: {  	v52 =	vmul.f32 $2.000000030e-01, v51;
	_ =	sdelay $0x1  }
0xa6: {  	v51 =	vmax.f32 v51, v52  }
0xa7: {  	v51 =	vmul.f32 $1.442695020e+00, v51;
	_ =	sdelay $0x1  }
0xa8: {  	(erf) = vpow2.f32 v51;
	_ =	sdelay $0x8  }
0xa9: {  	v51 =	vpop (erf)  }
0xaa: {  	[tilespmem:v15+s15+$0x0] =	vst.idx.msk $0xffff, v51  }
0xab: {  	v51 =	vld.idx.msk [tilespmem:v17+s5+$0x0], $0xffff  }
0xac: {  	v63 =	vld.idx.msk [tilespmem:v18+s9+$0x0], $0xffff;
	_ =	sdelay $0x4  }
0xad: {  	v51 =	vadd.f32 v63, v51;
	_ =	sdelay $0x1  }
0xae: {  	v52 =	vmul.f32 $2.000000030e-01, v51;
	_ =	sdelay $0x1  }
0xaf: {  	v51 =	vmax.f32 v51, v52  }
0xb0: {  	v51 =	vmul.f32 $1.442695020e+00, v51;
	_ =	sdelay $0x1  }
0xb1: {  	(erf) = vpow2.f32 v51;
	_ =	sdelay $0x8  }
0xb2: {  	v51 =	vpop (erf)  }
0xb3: {  	[tilespmem:v17+s15+$0x0] =	vst.idx.msk $0xffff, v51  }
0xb4: {  	v51 =	vld.idx.msk [tilespmem:v19+s5+$0x0], $0xffff  }
0xb5: {  	v56 =	vld.idx.msk [tilespmem:v20+s9+$0x0], $0xffff;
	_ =	sdelay $0x4  }
0xb6: {  	v51 =	vadd.f32 v56, v51;
	_ =	sdelay $0x1  }
0xb7: {  	v52 =	vmul.f32 $2.000000030e-01, v51;
	_ =	sdelay $0x1  }
0xb8: {  	v51 =	vmax.f32 v51, v52  }
0xb9: {  	v51 =	vmul.f32 $1.442695020e+00, v51;
	_ =	sdelay $0x1  }
0xba: {  	(erf) = vpow2.f32 v51;
	_ =	sdelay $0x8  }
0xbb: {  	v51 =	vpop (erf)  }
0xbc: {  	[tilespmem:v19+s15+$0x0] =	vst.idx.msk $0xffff, v51  }
0xbd: {  	v51 =	vld.idx.msk [tilespmem:v21+s5+$0x0], $0xffff  }
0xbe: {  	v57 =	vld.idx.msk [tilespmem:v22+s9+$0x0], $0xffff;
	_ =	sdelay $0x4  }
0xbf: {  	v51 =	vadd.f32 v57, v51;
	_ =	sdelay $0x1  }
0xc0: {  	v52 =	vmul.f32 $2.000000030e-01, v51;
	_ =	sdelay $0x1  }
0xc1: {  	v51 =	vmax.f32 v51, v52  }
0xc2: {  	v51 =	vmul.f32 $1.442695020e+00, v51;
	_ =	sdelay $0x1  }
0xc3: {  	(erf) = vpow2.f32 v51;
	_ =	sdelay $0x8  }
0xc4: {  	v51 =	vpop (erf)  }
0xc5: {  	[tilespmem:v21+s15+$0x0] =	vst.idx.msk $0xffff, v51  }
0xc6: {  	v51 =	vld.idx.msk [tilespmem:v23+s5+$0x0], $0xffff  }
0xc7: {  	v58 =	vld.idx.msk [tilespmem:v24+s9+$0x0], $0xffff;
	_ =	sdelay $0x4  }
0xc8: {  	v51 =	vadd.f32 v58, v51;
	_ =	sdelay $0x1  }
0xc9: {  	v52 =	vmul.f32 $2.000000030e-01, v51;
	_ =	sdelay $0x1  }
0xca: {  	v51 =	vmax.f32 v51, v52  }
0xcb: {  	v51 =	vmul.f32 $1.442695020e+00, v51;
	_ =	sdelay $0x1  }
0xcc: {  	(erf) = vpow2.f32 v51;
	_ =	sdelay $0x8  }
0xcd: {  	v51 =	vpop (erf)  }
0xce: {  	[tilespmem:v23+s15+$0x0] =	vst.idx.msk $0xffff, v51  }
0xcf: {  	v51 =	vld.idx.msk [tilespmem:v25+s5+$0x0], $0xffff  }
0xd0: {  	v59 =	vld.idx.msk [tilespmem:v26+s9+$0x0], $0xffff;
	_ =	sdelay $0x4  }
0xd1: {  	v51 =	vadd.f32 v59, v51;
	_ =	sdelay $0x1  }
0xd2: {  	v52 =	vmul.f32 $2.000000030e-01, v51;
	_ =	sdelay $0x1  }
0xd3: {  	v51 =	vmax.f32 v51, v52  }
0xd4: {  	v51 =	vmul.f32 $1.442695020e+00, v51;
	_ =	sdelay $0x1  }
0xd5: {  	(erf) = vpow2.f32 v51;
	_ =	sdelay $0x8  }
0xd6: {  	v51 =	vpop (erf)  }
0xd7: {  	[tilespmem:v25+s15+$0x0] =	vst.idx.msk $0xffff, v51  }
0xd8: {  	v51 =	vld.idx.msk [tilespmem:v27+s5+$0x0], $0xffff  }
0xd9: {  	v60 =	vld.idx.msk [tilespmem:v28+s9+$0x0], $0xffff;
	_ =	sdelay $0x4  }
0xda: {  	v51 =	vadd.f32 v60, v51;
	_ =	sdelay $0x1  }
0xdb: {  	v52 =	vmul.f32 $2.000000030e-01, v51;
	_ =	sdelay $0x1  }
0xdc: {  	v51 =	vmax.f32 v51, v52  }
0xdd: {  	v51 =	vmul.f32 $1.442695020e+00, v51;
	_ =	sdelay $0x1  }
0xde: {  	(erf) = vpow2.f32 v51;
	_ =	sdelay $0x8  }
0xdf: {  	v51 =	vpop (erf)  }
0xe0: {  	[tilespmem:v27+s15+$0x0] =	vst.idx.msk $0xffff, v51  }
0xe1: {  	v51 =	vld.idx.msk [tilespmem:v29+s5+$0x0], $0xffff  }
0xe2: {  	v61 =	vld.idx.msk [tilespmem:v30+s9+$0x0], $0xffff;
	_ =	sdelay $0x4  }
0xe3: {  	v51 =	vadd.f32 v61, v51;
	_ =	sdelay $0x1  }
0xe4: {  	v52 =	vmul.f32 $2.000000030e-01, v51;
	_ =	sdelay $0x1  }
0xe5: {  	v51 =	vmax.f32 v51, v52  }
0xe6: {  	v51 =	vmul.f32 $1.442695020e+00, v51;
	_ =	sdelay $0x1  }
0xe7: {  	(erf) = vpow2.f32 v51;
	_ =	sdelay $0x8  }
0xe8: {  	v51 =	vpop (erf)  }
0xe9: {  	[tilespmem:v29+s15+$0x0] =	vst.idx.msk $0xffff, v51  }
0xea: {  	v51 =	vld.idx.msk [tilespmem:v31+s5+$0x0], $0xffff  }
0xeb: {  	v62 =	vld.idx.msk [tilespmem:v32+s9+$0x0], $0xffff;
	_ =	sdelay $0x4  }
0xec: {  	v51 =	vadd.f32 v62, v51;
	_ =	sdelay $0x1  }
0xed: {  	v52 =	vmul.f32 $2.000000030e-01, v51;
	_ =	sdelay $0x1  }
0xee: {  	v51 =	vmax.f32 v51, v52  }
0xef: {  	v51 =	vmul.f32 $1.442695020e+00, v51;
	_ =	sdelay $0x1  }
0xf0: {  	(erf) = vpow2.f32 v51;
	_ =	sdelay $0x8  }
0xf1: {  	v51 =	vpop (erf)  }
0xf2: {  	[tilespmem:v31+s15+$0x0] =	vst.idx.msk $0xffff, v51  }
0xf3: {  	v51 =	vld.idx.msk [tilespmem:v33+s5+$0x0], $0xffff  }
0xf4: {  	v63 =	vld.idx.msk [tilespmem:v34+s9+$0x0], $0xffff;
	_ =	sdelay $0x4  }
0xf5: {  	v51 =	vadd.f32 v63, v51;
	_ =	sdelay $0x1  }
0xf6: {  	v52 =	vmul.f32 $2.000000030e-01, v51;
	_ =	sdelay $0x1  }
0xf7: {  	v51 =	vmax.f32 v51, v52  }
0xf8: {  	v51 =	vmul.f32 $1.442695020e+00, v51;
	_ =	sdelay $0x1  }
0xf9: {  	(erf) = vpow2.f32 v51;
	_ =	sdelay $0x8  }
0xfa: {  	v51 =	vpop (erf)  }
0xfb: {  	[tilespmem:v33+s15+$0x0] =	vst.idx.msk $0xffff, v51  }
0xfc: {  	v51 =	vld.idx.msk [tilespmem:v35+s5+$0x0], $0xffff  }
0xfd: {  	v56 =	vld.idx.msk [tilespmem:v36+s9+$0x0], $0xffff;
	_ =	sdelay $0x4  }
0xfe: {  	v51 =	vadd.f32 v56, v51;
	_ =	sdelay $0x1  }
0xff: {  	v52 =	vmul.f32 $2.000000030e-01, v51;
	_ =	sdelay $0x1  }
0x100: {  	v51 =	vmax.f32 v51, v52  }
0x101: {  	v51 =	vmul.f32 $1.442695020e+00, v51;
	_ =	sdelay $0x1  }
0x102: {  	(erf) = vpow2.f32 v51;
	_ =	sdelay $0x8  }
0x103: {  	v51 =	vpop (erf)  }
0x104: {  	[tilespmem:v35+s15+$0x0] =	vst.idx.msk $0xffff, v51  }
0x105: {  	v51 =	vld.idx.msk [tilespmem:v37+s5+$0x0], $0xffff  }
0x106: {  	v57 =	vld.idx.msk [tilespmem:v38+s9+$0x0], $0xffff;
	_ =	sdelay $0x4  }
0x107: {  	v51 =	vadd.f32 v57, v51;
	_ =	sdelay $0x1  }
0x108: {  	v52 =	vmul.f32 $2.000000030e-01, v51;
	_ =	sdelay $0x1  }
0x109: {  	v51 =	vmax.f32 v51, v52  }
0x10a: {  	v51 =	vmul.f32 $1.442695020e+00, v51;
	_ =	sdelay $0x1  }
0x10b: {  	(erf) = vpow2.f32 v51;
	_ =	sdelay $0x8  }
0x10c: {  	v51 =	vpop (erf)  }
0x10d: {  	[tilespmem:v37+s15+$0x0] =	vst.idx.msk $0xffff, v51  }
0x10e: {  	v51 =	vld.idx.msk [tilespmem:v39+s5+$0x0], $0xffff  }
0x10f: {  	v58 =	vld.idx.msk [tilespmem:v40+s9+$0x0], $0xffff;
	_ =	sdelay $0x4  }
0x110: {  	v51 =	vadd.f32 v58, v51;
	_ =	sdelay $0x1  }
0x111: {  	v52 =	vmul.f32 $2.000000030e-01, v51;
	_ =	sdelay $0x1  }
0x112: {  	v51 =	vmax.f32 v51, v52  }
0x113: {  	v51 =	vmul.f32 $1.442695020e+00, v51;
	_ =	sdelay $0x1  }
0x114: {  	(erf) = vpow2.f32 v51;
	_ =	sdelay $0x8  }
0x115: {  	v51 =	vpop (erf)  }
0x116: {  	[tilespmem:v39+s15+$0x0] =	vst.idx.msk $0xffff, v51  }
0x117: {  	v51 =	vld.idx.msk [tilespmem:v41+s5+$0x0], $0xffff  }
0x118: {  	v59 =	vld.idx.msk [tilespmem:v42+s9+$0x0], $0xffff;
	_ =	sdelay $0x4  }
0x119: {  	v51 =	vadd.f32 v59, v51;
	_ =	sdelay $0x1  }
0x11a: {  	v52 =	vmul.f32 $2.000000030e-01, v51;
	_ =	sdelay $0x1  }
0x11b: {  	v51 =	vmax.f32 v51, v52  }
0x11c: {  	v51 =	vmul.f32 $1.442695020e+00, v51;
	_ =	sdelay $0x1  }
0x11d: {  	(erf) = vpow2.f32 v51;
	_ =	sdelay $0x8  }
0x11e: {  	v51 =	vpop (erf)  }
0x11f: {  	[tilespmem:v41+s15+$0x0] =	vst.idx.msk $0xffff, v51  }
0x120: {  	v51 =	vld.idx.msk [tilespmem:v43+s5+$0x0], $0xffff  }
0x121: {  	v60 =	vld.idx.msk [tilespmem:v44+s9+$0x0], $0xffff;
	_ =	sdelay $0x4  }
0x122: {  	v51 =	vadd.f32 v60, v51;
	_ =	sdelay $0x1  }
0x123: {  	v52 =	vmul.f32 $2.000000030e-01, v51;
	_ =	sdelay $0x1  }
0x124: {  	v51 =	vmax.f32 v51, v52  }
0x125: {  	v51 =	vmul.f32 $1.442695020e+00, v51;
	_ =	sdelay $0x1  }
0x126: {  	(erf) = vpow2.f32 v51;
	_ =	sdelay $0x8  }
0x127: {  	v51 =	vpop (erf)  }
0x128: {  	[tilespmem:v43+s15+$0x0] =	vst.idx.msk $0xffff, v51  }
0x129: {  	v51 =	vld.idx.msk [tilespmem:v45+s5+$0x0], $0xffff  }
0x12a: {  	v61 =	vld.idx.msk [tilespmem:v46+s9+$0x0], $0xffff;
	_ =	sdelay $0x4  }
0x12b: {  	v51 =	vadd.f32 v61, v51;
	_ =	sdelay $0x1  }
0x12c: {  	v52 =	vmul.f32 $2.000000030e-01, v51;
	_ =	sdelay $0x1  }
0x12d: {  	v51 =	vmax.f32 v51, v52  }
0x12e: {  	v51 =	vmul.f32 $1.442695020e+00, v51;
	_ =	sdelay $0x1  }
0x12f: {  	(erf) = vpow2.f32 v51;
	_ =	sdelay $0x8  }
0x130: {  	v51 =	vpop (erf)  }
0x131: {  	[tilespmem:v45+s15+$0x0] =	vst.idx.msk $0xffff, v51  }
0x132: {  	v51 =	vld.idx.msk [tilespmem:v47+s5+$0x0], $0xffff  }
0x133: {  	v62 =	vld.idx.msk [tilespmem:v48+s9+$0x0], $0xffff;
	_ =	sdelay $0x4  }
0x134: {  	v51 =	vadd.f32 v62, v51;
	_ =	sdelay $0x1  }
0x135: {  	v52 =	vmul.f32 $2.000000030e-01, v51;
	_ =	sdelay $0x1  }
0x136: {  	v51 =	vmax.f32 v51, v52  }
0x137: {  	v51 =	vmul.f32 $1.442695020e+00, v51;
	_ =	sdelay $0x1  }
0x138: {  	(erf) = vpow2.f32 v51;
	_ =	sdelay $0x8  }
0x139: {  	v51 =	vpop (erf)  }
0x13a: {  	[tilespmem:v47+s15+$0x0] =	vst.idx.msk $0xffff, v51  }
0x13b: {  	v51 =	vld.idx.msk [tilespmem:v49+s5+$0x0], $0xffff  }
0x13c: {  	v63 =	vld.idx.msk [tilespmem:v50+s9+$0x0], $0xffff;
	_ =	sdelay $0x4  }
0x13d: {  	v51 =	vadd.f32 v63, v51;
	_ =	sdelay $0x1  }
0x13e: {  	v52 =	vmul.f32 $2.000000030e-01, v51;
	_ =	sdelay $0x1  }
0x13f: {  	v51 =	vmax.f32 v51, v52  }
0x140: {  	v51 =	vmul.f32 $1.442695020e+00, v51;
	_ =	sdelay $0x1  }
0x141: {  	(erf) = vpow2.f32 v51;
	_ =	sdelay $0x8  }
0x142: {  	v51 =	vpop (erf)  }
0x143: {  	[tilespmem:v49+s15+$0x0] =	vst.idx.msk $0xffff, v51  }
0x144: {  	_ =	swait.ge [sflag:s16], $0x3200  }
0x145: {  	[sflag:s16] =	ssyncset.done $0x0  }
0x146: {  	s22 =	simm.s32 $0x3540;
	[sflag:s16] =	ssyncadd.s32 $0xFFFFCE00  }
0x147: {  	s19 =	simm.s32 $0x360;
	v52 =	vld.msk [tilespmem:s22+$0x10 ss:$0x0], $0xffff  }
0x148: {  	v54 =	vld [tilespmem:s19+$0x30]  }
0x149: {  	v53 =	vld.msk [tilespmem:s22+$0xFFFFFFF0 ss:$0x0], $0xffff  }
0x14a: {  	v51 =	vld.msk [tilespmem:s22+$0x0 ss:$0x0], $0xffff  }
0x14b: {  	v56 =	vld.msk [tilespmem:s22+$0xFFFFFFE0 ss:$0x0], $0xffff  }
0x14c: {  	v59 =	vld [tilespmem:s19+$0xFFFFFFC0]  }
0x14d: {  	v61 =	vld [tilespmem:s19+$0xFFFFFFD0]  }
0x14e: {  	v58 =	vld [tilespmem:s19+$0xFFFFFFE0]  }
0x14f: {  	v57 =	vld [tilespmem:s19+$0xFFFFFFF0];
	v55 =	vmul.f32 v54, v52  }
0x150: {  	v54 =	vld [tilespmem:s19+$0x0]  }
0x151: {  	v60 =	vmul.f32 v56, v59;
	[tilespmem:s19+$0x30] =	vst v55;
	v55 =	vld [tilespmem:s19+$0x10]  }
0x152: {  	s21 =	simm.s32 $0x3580;
	s20 =	simm.s32 $0x0;
	s22 =	simm.s32 $0x360;
	v59 =	vmul.f32 v61, v56;
	v56 =	vld [tilespmem:s19+$0x20]  }
.LBB2_5:
0x153: {  	v61 =	vld.msk [tilespmem:s21+$0x10 ss:$0x0], $0xffff;
	s20 =	sadd.s32 $0x4, s20;
	[tilespmem:s19+$0xFFFFFFC0] =	vst v60;
	v58 =	vmul.f32 v53, v58;
	s22 =	sadd.s32 $0x80, s22  }
0x154: {  	v60 =	vld [tilespmem:s22+$0x30];
	p1 =	slt.u32 s20, $0x18C;
	[tilespmem:s19+$0xFFFFFFD0] =	vst v59;
	v57 =	vmul.f32 v57, v53  }
0x155: {  	v53 =	vld.msk [tilespmem:s21+$0xFFFFFFF0 ss:$0x0], $0xffff;
	[tilespmem:s19+$0xFFFFFFE0] =	vst v58;
	v54 =	vmul.f32 v51, v54  }
0x156: {  	[tilespmem:s19+$0xFFFFFFF0] =	vst v57;
	v55 =	vmul.f32 v55, v51;
	v51 =	vld.msk [tilespmem:s21+$0x0 ss:$0x0], $0xffff  }
0x157: {  	v59 =	vld.msk [tilespmem:s21+$0xFFFFFFE0 ss:$0x0], $0xffff;
	[tilespmem:s19+$0x0] =	vst v54;
	v57 =	vmul.f32 v52, v56  }
0x158: {  	v56 =	vld [tilespmem:s22+$0xFFFFFFC0];
	[tilespmem:s19+$0x10] =	vst v55  }
0x159: {  	v52 =	vmov v61;
	v62 =	vld [tilespmem:s22+$0xFFFFFFD0];
	v54 =	vmul.f32 v60, v61;
	[tilespmem:s19+$0x20] =	vst v57;
	s19 =	smov.u32 s22  }
.Ltmp1:
0x15a: {  	v58 =	vld [tilespmem:s22+$0xFFFFFFE0];
	(pc) =	sbr.rel @p1 .LBB2_5-.Ltmp1, $4  }
0x15b: {  	v57 =	vld [tilespmem:s22+$0xFFFFFFF0];
	[tilespmem:s22+$0x30] =	vst v54  }
0x15c: {  	v54 =	vld [tilespmem:s22+$0x0]  }
0x15d: {  	v60 =	vmul.f32 v59, v56;
	v55 =	vld [tilespmem:s22+$0x10]  }
0x15e: {  	s21 =	sadd.s32 $0x40, s21;
	v59 =	vmul.f32 v62, v59;
	v56 =	vld [tilespmem:s22+$0x20]  }
0x15f: {  	[tilespmem:s19+$0xFFFFFFC0] =	vst v60;
	v58 =	vmul.f32 v53, v58  }
0x160: {  	[tilespmem:s19+$0xFFFFFFD0] =	vst v59;
	v62 =	vmul.f32 v57, v53  }
0x161: {  	[tilespmem:s19+$0xFFFFFFE0] =	vst v58;
	v54 =	vmul.f32 v51, v54  }
0x162: {  	[tilespmem:s19+$0xFFFFFFF0] =	vst v62;
	v63 =	vmul.f32 v55, v51  }
0x163: {  	[tilespmem:s19+$0x0] =	vst v54;
	v52 =	vmul.f32 v52, v56  }
0x164: {  	[tilespmem:s19+$0x10] =	vst v63  }
0x165: {  	[tilespmem:s19+$0x20] =	vst v52  }
0x166: {  	[spmem:s2] =	stream.indirect.scatter.add.f32 [tilespmem:s0], [sflag:$0x3], $0x20, s31, s31, $0xb8;
	[tilespmem:$0xF550] =	vst v63  }
0x167: {  	s18 =	sadd.s32 $0x1, s18;
	_ =	swait.ge [sflag:s30], $0x3200  }
0x168: {  	p1 =	sne.s32 s18, $0x19;
	[sflag:s30] =	ssyncset.done $0x0  }
.Ltmp2:
0x169: {  	[sflag:s30] =	ssyncadd.s32 $0xFFFFCE00;
	(pc) =	sbr.rel @p1 .LBB2_4-.Ltmp2, $4  }
0x16a: {  	[spmem:s3] =	stream.indirect.scatter.add.f32 [tilespmem:s15], [sflag:$0x3], $0x10, s31, s31, $0xb8;
	[tilespmem:$0xF550] =	vst v63  }
0x16b: {  	_ =	swait.ge [sflag:s30], $0x1900  }
0x16c: {  	[sflag:s30] =	ssyncset.done $0x0  }
0x16d: {  	[sflag:s30] =	ssyncadd.s32 $0xFFFFE700  }
0x16e: {  	[bflag:$0x0] =	sbarrier.arrive $0xFFFF;
	s18 =	simm.s32 @p0 $0x320;
	s19 =	simm.s32 @p0 $0x3  }
0x16f: {  	[tilespmem:s18], [sflag:$0x3] =	stream.linear.gather @p0 [spmem:s13], $0x3200, $0x38;
	[tilespmem:$0xF550] =	vst v63  }
0x170: {  	_ =	swait.ge @p0 [sflag:s19], $0x3200  }
0x171: {  	[sflag:s19] =	ssyncset.done @p0 $0x0  }
0x172: {  	s20 =	simm.s32 @p0 $0x0;
	s21 =	rddreg [dreg:$0xd];
	[sflag:s19] =	ssyncadd.s32 @p0 $0xFFFFCE00  }
0x173: {  	[hbm4b:s21+s20] =	stream.linear.scatter @p0 [tilespmem:s18], [sflag:$0x3], $0x3200, $0x38;
	[tilespmem:$0xF550] =	vst v63  }
0x174: {  	_ =	swait.ge @p0 [sflag:s19], $0x3200  }
0x175: {  	[sflag:s19] =	ssyncset.done @p0 $0x0  }
0x176: {  	s21 =	simm.s32 @p0 $0x3520;
	[sflag:s19] =	ssyncadd.s32 @p0 $0xFFFFCE00  }
0x177: {  	[tilespmem:s21], [sflag:$0x3] =	stream.linear.gather @p0 [spmem:s26], $0x1900, $0x38;
	[tilespmem:$0xF550] =	vst v63  }
0x178: {  	_ =	swait.ge @p0 [sflag:s19], $0x1900  }
0x179: {  	[sflag:s19] =	ssyncset.done @p0 $0x0  }
0x17a: {  	s22 =	rddreg [dreg:$0xe];
	[sflag:s19] =	ssyncadd.s32 @p0 $0xFFFFE700  }
0x17b: {  	[hbm4b:s22+s20] =	stream.linear.scatter @p0 [tilespmem:s21], [sflag:$0x3], $0x1900, $0x38;
	[tilespmem:$0xF550] =	vst v63  }
0x17c: {  	_ =	swait.ge @p0 [sflag:s19], $0x1900  }
0x17d: {  	[sflag:s19] =	ssyncset.done @p0 $0x0  }
0x17e: {  	[sflag:s19] =	ssyncadd.s32 @p0 $0xFFFFE700  }
0x17f: {  	[tilespmem:s18], [sflag:$0x3] =	stream.linear.gather @p0 [spmem:s28], $0xF00, $0x38;
	[tilespmem:$0xF550] =	vst v63  }
0x180: {  	_ =	swait.ge @p0 [sflag:s19], $0xF00  }
0x181: {  	[sflag:s19] =	ssyncset.done @p0 $0x0  }
0x182: {  	[sflag:s19] =	ssyncadd.s32 @p0 $0xFFFFF100  }
0x183: {  	[hbm4b:s23+s20] =	stream.linear.scatter @p0 [tilespmem:s18], [sflag:$0x3], $0xF00, $0x38;
	[tilespmem:$0xF550] =	vst v63  }
0x184: {  	_ =	swait.ge @p0 [sflag:s19], $0xF00  }
0x185: {  	[sflag:s19] =	ssyncset.done @p0 $0x0  }
0x186: {  	[sflag:s19] =	ssyncadd.s32 @p0 $0xFFFFF100  }
0x187: {  	[tilespmem:s21], [sflag:$0x3] =	stream.linear.gather @p0 [spmem:s29], $0x780, $0x38;
	[tilespmem:$0xF550] =	vst v63  }
0x188: {  	_ =	swait.ge @p0 [sflag:s19], $0x780  }
0x189: {  	[sflag:s19] =	ssyncset.done @p0 $0x0  }
0x18a: {  	[sflag:s19] =	ssyncadd.s32 @p0 $0xFFFFF880  }
0x18b: {  	[hbm4b:s24+s20] =	stream.linear.scatter @p0 [tilespmem:s21], [sflag:$0x3], $0x780, $0x38;
	[tilespmem:$0xF550] =	vst v63  }
0x18c: {  	_ =	swait.ge @p0 [sflag:s19], $0x780  }
0x18d: {  	[sflag:s19] =	ssyncset.done @p0 $0x0  }
0x18e: {  	s18 =	simm.s32 @!p0 $0x320;
	[sflag:s19] =	ssyncadd.s32 @p0 $0xFFFFF880;
	s19 =	rddreg [dreg:$0x7]  }
0x18f: {  	[tilespmem:s18], [sflag:$0x3] =	stream.linear.gather @!p0 [spmem:s19], $0x3200, $0x38;
	[tilespmem:$0xF550] =	vst v63  }
0x190: {  	s19 =	simm.s32 @!p0 $0x3  }
0x191: {  	_ =	swait.ge @!p0 [sflag:s19], $0x3200  }
0x192: {  	[sflag:s19] =	ssyncset.done @!p0 $0x0  }
0x193: {  	s20 =	simm.s32 @!p0 $0x0;
	s21 =	rddreg [dreg:$0x8];
	[sflag:s19] =	ssyncadd.s32 @!p0 $0xFFFFCE00  }
0x194: {  	[hbm4b:s21+s20] =	stream.linear.scatter @!p0 [tilespmem:s18], [sflag:$0x3], $0x3200, $0x38;
	[tilespmem:$0xF550] =	vst v63  }
0x195: {  	_ =	swait.ge @!p0 [sflag:s19], $0x3200  }
0x196: {  	[sflag:s19] =	ssyncset.done @!p0 $0x0  }
0x197: {  	s21 =	simm.s32 @!p0 $0x3520;
	s22 =	rddreg [dreg:$0x9];
	[sflag:s19] =	ssyncadd.s32 @!p0 $0xFFFFCE00  }
0x198: {  	[tilespmem:s21], [sflag:$0x3] =	stream.linear.gather @!p0 [spmem:s22], $0x1900, $0x38;
	[tilespmem:$0xF550] =	vst v63  }
0x199: {  	_ =	swait.ge @!p0 [sflag:s19], $0x1900  }
0x19a: {  	[sflag:s19] =	ssyncset.done @!p0 $0x0  }
0x19b: {  	s22 =	rddreg [dreg:$0xa];
	[sflag:s19] =	ssyncadd.s32 @!p0 $0xFFFFE700  }
0x19c: {  	[hbm4b:s22+s20] =	stream.linear.scatter @!p0 [tilespmem:s21], [sflag:$0x3], $0x1900, $0x38;
	[tilespmem:$0xF550] =	vst v63  }
0x19d: {  	_ =	swait.ge @!p0 [sflag:s19], $0x1900  }
0x19e: {  	[sflag:s19] =	ssyncset.done @!p0 $0x0  }
0x19f: {  	[sflag:s19] =	ssyncadd.s32 @!p0 $0xFFFFE700  }
0x1a0: {  	[tilespmem:s18], [sflag:$0x3] =	stream.linear.gather @!p0 [spmem:s11], $0x1D00, $0x38;
	[tilespmem:$0xF550] =	vst v63  }
0x1a1: {  	_ =	swait.ge @!p0 [sflag:s19], $0x1D00  }
0x1a2: {  	[sflag:s19] =	ssyncset.done @!p0 $0x0  }
0x1a3: {  	s22 =	rddreg [dreg:$0xb];
	[sflag:s19] =	ssyncadd.s32 @!p0 $0xFFFFE300  }
0x1a4: {  	[hbm4b:s22+s20] =	stream.linear.scatter @!p0 [tilespmem:s18], [sflag:$0x3], $0x1D00, $0x38;
	[tilespmem:$0xF550] =	vst v63  }
0x1a5: {  	_ =	swait.ge @!p0 [sflag:s19], $0x1D00  }
0x1a6: {  	[sflag:s19] =	ssyncset.done @!p0 $0x0  }
0x1a7: {  	[sflag:s19] =	ssyncadd.s32 @!p0 $0xFFFFE300  }
0x1a8: {  	[tilespmem:s21], [sflag:$0x3] =	stream.linear.gather @!p0 [spmem:s12], $0xE80, $0x38;
	[tilespmem:$0xF550] =	vst v63  }
0x1a9: {  	s17 =	sadd.s32 $0x1, s17;
	_ =	swait.ge @!p0 [sflag:s19], $0xE80  }
0x1aa: {  	p1 =	sne.s32 s17, s25;
	[sflag:s19] =	ssyncset.done @!p0 $0x0  }
.Ltmp3:
0x1ab: {  	s18 =	rddreg [dreg:$0xc];
	[sflag:s19] =	ssyncadd.s32 @!p0 $0xFFFFF180;
	(pc) =	sbr.rel @p1 .LBB2_1-.Ltmp3, $4  }
0x1ac: {  	[hbm4b:s18+s20] =	stream.linear.scatter @!p0 [tilespmem:s21], [sflag:$0x3], $0xE80, $0x38;
	[tilespmem:$0xF550] =	vst v63  }
0x1ad: {  	_ =	swait.ge @!p0 [sflag:s19], $0xE80  }
0x1ae: {  	[sflag:s19] =	ssyncset.done @!p0 $0x0  }
0x1af: {  	[sflag:s19] =	ssyncadd.s32 @!p0 $0xFFFFF180  }
0x1b0: {  	_ =	sfence.sel $0x180000  }
0x1b1: {  	[bflag:$0x0] =	sbarrier.arrive $0xFFFF  }
0x1b2: {  	_ =	strace $0x9000004A  }
0x1b3: {  	s0 =	stileid.u32;
	[bflag:$0x2] =	sbarrier.arrive $0xFFFF  }
0x1b4: {  	p0 =	sne.s32 s0, $0x0;
	s0 =	rddreg [dreg:$0x4]  }
0x1b5: {  	s0 =	sadd.s32 @!p0 $0x100000, s0  }
0x1b6: {  	[sflag:s0] =	ssyncadd.tile.s32 @!p0 $0x1;
	_ =	shalt  }
.Lfunc_end2:
_tile_overlayer_lowered:
.L_overlay_start_2:
0x1b7: {  	(tag) =	ssettag $0x2  }
0x1b8: {  	s0 =	rddreg [dreg:$0x0];
	s2 =	stileid.u32  }
0x1b9: {  	s1 =	rddreg [dreg:$0x1];
	p0 =	sne.s32 s2, $0x0  }
0x1ba: {  	s3 =	rddreg [dreg:$0x2];
	[bflag:$0x3] =	sbarrier.arrive $0xFFFF;
	s2 =	simm.s32 @!p0 $0x1C03  }
0x1bb: {  	[timem:s3], [sflag:s2] =	dma.local @!p0 [hbm:s0], s1  }
0x1bc: {  	s0 =	simm.s32 @!p0 $0x3  }
0x1bd: {  	_ =	swait.ge @!p0 [sflag:s0], s1  }
0x1be: {  	s1 =	ssub.s32 @!p0 $0x0, s1;
	[sflag:s0] =	ssyncset.done @!p0 $0x0  }
0x1bf: {  	[sflag:s0] =	ssyncadd.s32 @!p0 s1  }
0x1c0: {  	[bflag:$0x3] =	sbarrier.arrive $0xFFFF  }
0x1c1: {  	_ =	shalt  }

// kernel: kernel.15.cloned.1.call-start
scs
__scs_entry_jumppad:
0x0: {  	(pc) =	sbr.rel $0x88, $3  }
0x1: {  	(tag) =	ssettag $0x0;
	lr =	simm.s32 $0x1  }
0x2: {  	[smem:$0x3F90] =	sst lr;
	_ =	strace $0xD0000000  }
0x3: {  	_ = 	snop  }
0x4: {  	_ = 	snop  }
0x5: {  	_ = 	snop  }
0x6: {  	_ = 	snop  }
0x7: {  	_ = 	snop  }
__scs_overlays_trampoline_lowered:
0x8: {  	[smem:$0x3F9F] =	sst s0  }
0x9: {  	[smem:$0x3FA0] =	sst s1  }
0xa: {  	[smem:$0x3FA1] =	sst s2  }
0xb: {  	[smem:$0x3FA2] =	sst s3  }
0xc: {  	[smem:$0x3FA3] =	sst s4  }
0xd: {  	[smem:$0x3FA4] =	sst s5  }
0xe: {  	[smem:$0x3FA5] =	sst s6  }
0xf: {  	[smem:$0x3FA6] =	sst s7  }
0x10: {  	[smem:$0x3FA7] =	sst s8  }
0x11: {  	[smem:$0x3FA8] =	sst s9;
	s0 =	simm.s32 @!p0 $0x0  }
0x12: {  	s1 =	sld [smem:$0x3F8E];
	s0 =	simm.s32 @p0 $0x1  }
0x13: {  	[smem:$0x3FA9] =	sst s0;
	s0 =	simm.s32 @!p1 $0x0  }
0x14: {  	s2 =	sld [smem:$0x3F8D];
	s0 =	simm.s32 @p1 $0x1  }
0x15: {  	[smem:$0x3FAA] =	sst s0;
	s0 =	simm.s32 @!p2 $0x0  }
0x16: {  	s3 =	sld [smem:$0x3FDB];
	s0 =	simm.s32 @p2 $0x1  }
0x17: {  	s4 =	simm.s32 $0x1BF5;
	[smem:$0x3FAC] =	sst s0  }
0x18: {  	s0 =	sld [smem:$0x3F8F];
	_ =	swait.ge [sflag:s4], $0x0  }
0x19: {  	s7 =	sld [smem:$0x3F90]  }
0x1a: {  	s8 =	sadd.s32 $0xFFFFE003, lr  }
0x1b: {  	s9 =	sadd.s32 $0xFFFFFEF7, lr;
	s5 =	simm.s32 $0xFFFFFFFF;
	p2 =	slt.u32 s8, $0xFFFFF086  }
0x1c: {  	p1 =	slt.u32 s9, $0xF7A;
	s5 =	simm.s32 @!p2 $0x0  }
0x1d: {  	s5 =	simm.s32 @p1 $0x1;
	p0 =	seq.s32 s7, s2  }
0x1e: {  	s7 =	smul.u32 @!p0 $0xF7A, s2;
	p2 =	seq.s32 @!p0 s5, $0x0  }
0x1f: {  	s9 =	smul.u32 $0xF7A, s1;
	s8 =	simm.s32 @!p0 $0x1BF5;
	p2 =	por !p2, p0  }
0x20: {  	[sflag:s8] =	ssyncset.s32 @!p0 $0xFFFFF086;
	s6 =	sadd.s32 @!p0 s3, s7;
	s7 =	simm.s32 @!p0 $0x108  }
0x21: {  	s3 =	sadd.s32 s3, s9;
	s6 =	sadd.s32 @!p0 $0x88, s6;
	s7 =	simm.s32 @p2 $0x1082  }
0x22: {  	[simem:s7], [sflag:s8] =	dma.local @!p0 [hbm:s6], $0xF7A  }
0x23: {  	s9 =	sor.u32 $0xD0000000, s2;
	s6 =	simm.s32 $0x108;
	_ =	swait.ge @!p0 [sflag:s8], $0x0  }
0x24: {  	s3 =	sadd.s32 $0x88, s3;
	s6 =	simm.s32 @!p1 $0x1082;
	[sflag:s4] =	ssyncset.s32 $0xFFFFF086  }
0x25: {  	[simem:s6], [sflag:s4] =	dma.local [hbm:s3], $0xF7A  }
0x26: {  	[smem:$0x3F90] =	sst s1;
	(tag) =	ssettag s2;
	_ =	strace s9  }
0x27: {  	s1 =	sld [smem:$0x3FA0]  }
0x28: {  	s2 =	sld [smem:$0x3FA1]  }
0x29: {  	s4 =	sld [smem:$0x3FA3]  }
0x2a: {  	p0 =	seq.s32 s5, $0x0;
	s5 =	sld [smem:$0x3FA4]  }
0x2b: {  	s6 =	sld [smem:$0x3FA5]  }
0x2c: {  	s7 =	sld [smem:$0x3FA6]  }
0x2d: {  	s3 =	simm.s32 $0x108;
	s8 =	sld [smem:$0x3FA7]  }
0x2e: {  	s3 =	simm.s32 @!p0 $0x1082;
	s9 =	sld [smem:$0x3FA8]  }
0x2f: {  	lr =	sadd.s32 s0, s3;
	s0 =	sld [smem:$0x3F9F]  }
0x30: {  	s3 =	sld [smem:$0x3FA2]  }
0x31: {  	[smem:$0x3FAB] =	sst s10  }
0x32: {  	s10 =	sld [smem:$0x3FA9];
	_ =	sdelay $0x3  }
0x33: {  	p0 =	seq.s32 s10, $0x1;
	s10 =	sld [smem:$0x3FAB];
	_ =	sdelay $0x3  }
0x34: {  	[smem:$0x3FAB] =	sst s10  }
0x35: {  	s10 =	sld [smem:$0x3FAA];
	_ =	sdelay $0x3  }
0x36: {  	p1 =	seq.s32 s10, $0x1;
	s10 =	sld [smem:$0x3FAB];
	_ =	sdelay $0x3  }
0x37: {  	[smem:$0x3FAB] =	sst s10  }
0x38: {  	s10 =	sld [smem:$0x3FAC]  }
0x39: {  	_ = 	snop;
	(pc) =	sbr.ind lr, $3  }
0x3a: {  	_ = 	snop  }
0x3b: {  	_ = 	snop  }
0x3c: {  	p2 =	seq.s32 s10, $0x1;
	s10 =	sld [smem:$0x3FAB]  }
0x3d: {  	_ =	shalt  }
0x3e: {  	_ =	shalt  }
0x3f: {  	_ =	shalt  }
0x40: {  	_ =	shalt  }
0x41: {  	_ =	shalt  }
0x42: {  	_ =	shalt  }
0x43: {  	_ =	shalt  }
0x44: {  	_ =	shalt  }
0x45: {  	_ =	shalt  }
0x46: {  	_ =	shalt  }
0x47: {  	_ =	shalt  }
0x48: {  	_ =	shalt  }
0x49: {  	_ =	shalt  }
0x4a: {  	_ =	shalt  }
0x4b: {  	_ =	shalt  }
0x4c: {  	_ =	shalt  }
0x4d: {  	_ =	shalt  }
0x4e: {  	_ =	shalt  }
0x4f: {  	_ =	shalt  }
0x50: {  	_ =	shalt  }
0x51: {  	_ =	shalt  }
0x52: {  	_ =	shalt  }
0x53: {  	_ =	shalt  }
0x54: {  	_ =	shalt  }
0x55: {  	_ =	shalt  }
0x56: {  	_ =	shalt  }
0x57: {  	_ =	shalt  }
0x58: {  	_ =	shalt  }
0x59: {  	_ =	shalt  }
0x5a: {  	_ =	shalt  }
0x5b: {  	_ =	shalt  }
0x5c: {  	_ =	shalt  }
0x5d: {  	_ =	shalt  }
0x5e: {  	_ =	shalt  }
0x5f: {  	_ =	shalt  }
0x60: {  	_ =	shalt  }
0x61: {  	_ =	shalt  }
0x62: {  	_ =	shalt  }
0x63: {  	_ =	shalt  }
0x64: {  	_ =	shalt  }
0x65: {  	_ =	shalt  }
0x66: {  	_ =	shalt  }
0x67: {  	_ =	shalt  }
0x68: {  	_ =	shalt  }
0x69: {  	_ =	shalt  }
0x6a: {  	_ =	shalt  }
0x6b: {  	_ =	shalt  }
0x6c: {  	_ =	shalt  }
0x6d: {  	_ =	shalt  }
0x6e: {  	_ =	shalt  }
0x6f: {  	_ =	shalt  }
0x70: {  	_ =	shalt  }
0x71: {  	_ =	shalt  }
0x72: {  	_ =	shalt  }
0x73: {  	_ =	shalt  }
0x74: {  	_ =	shalt  }
0x75: {  	_ =	shalt  }
0x76: {  	_ =	shalt  }
0x77: {  	_ =	shalt  }
0x78: {  	_ =	shalt  }
0x79: {  	_ =	shalt  }
0x7a: {  	_ =	shalt  }
0x7b: {  	_ =	shalt  }
0x7c: {  	_ =	shalt  }
0x7d: {  	_ =	shalt  }
0x7e: {  	_ =	shalt  }
0x7f: {  	_ =	shalt  }
0x80: {  	_ =	shalt  }
0x81: {  	_ =	shalt  }
0x82: {  	_ =	shalt  }
0x83: {  	_ =	shalt  }
0x84: {  	_ =	shalt  }
0x85: {  	_ =	shalt  }
0x86: {  	_ =	shalt  }
0x87: {  	_ =	shalt  }
.Lfunc_end0:
.L_simem_size_0:
called_computation.2_lowered:
.L_overlay_start_0:
0x88: {  	s2 =	sld [smem:$0x3FD9]  }
0x89: {  	s3 =	sld [smem:$0x3FFE];
	_ =	sdelay $0x1  }
0x8a: {  	s1 =	srdreg.scid  }
0x8b: {  	s0 =	sand.u32 $0x1, s1  }
0x8c: {  	s17 =	sshll.u32 s0, $0xA;
	s2 =	sadd.s32 s3, s2  }
0x8d: {  	s2 =	sadd.s32 s2, s17  }
0x8e: {  	[smem:$0x3FB7] =	sst s2  }
0x8f: {  	_ = 	snop  }
0x90: {  	s2 =	sld [smem:$0x3FD0];
	(tm) =	ssettm $0x1  }
0x91: {  	s18 =	sld [smem:$0x3FFB];
	_ =	sdelay $0x3  }
0x92: {  	_ =	strace s18  }
0x93: {  	s3 =	sld [smem:$0x3FFC];
	_ =	sdelay $0x3  }
0x94: {  	_ =	strace s3  }
0x95: {  	s3 =	sld [smem:$0x3FFD];
	_ =	sdelay $0x3  }
0x96: {  	_ =	strace s3  }
0x97: {  	_ =	strace $0x8FFFFFFF  }
0x98: {  	s19 =	sld [smem:$0x3FDB];
	_ =	sdelay $0x1  }
0x99: {  	s4 =	simm.s32 $_scs_section_size  }
0x9a: {  	s5 =	simm.s32 $_size__tile_overlayer_lowered;
	s6 =	simm.s32 $_tile_overlayer_lowered  }
0x9b: {  	s22 =	simm.s32 $0x1BFF;
	s21 =	sshll.u32 s6, $0x1;
	s3 =	sadd.s32 s4, s19  }
0x9c: {  	s7 =	simm.s32 $0x0;
	s20 =	sshll.u32 s5, $0x1;
	s5 =	sadd.s32 s21, s3  }
0x9d: {  	[timem:s7], [sflag:s22] =	dma.local [hbm:s5], s20  }
0x9e: {  	_ =	swait.ge [sflag:s22], s20  }
0x9f: {  	s4 =	ssub.s32 $0x0, s20;
	[sflag:s22] =	ssyncset.done $0x0  }
0xa0: {  	[sflag:s22] =	ssyncadd.s32 s4;
	_ =	sdelay $0x1  }
0xa1: {  	s23 =	simm.s32 $0x1B8B  }
0xa2: {  	_ =	swait.ge [sflag:s23], $0x1  }
0xa3: {  	[sflag:s23] =	ssyncset.done $0x0  }
0xa4: {  	s25 =	simm.s32 $0x1B8E;
	s24 =	sld [smem:$0x3FFE];
	[sflag:s23] =	ssyncadd.s32 $0xFFFFFFFF  }
0xa5: {  	s26 =	simm.s32 $execute0_lowered;
	[smem:$0x3FD2] =	sst s25  }
0xa6: {  	s5 =	sshll.u32 s26, $0x1;
	_ =	strace $0x8000004C;
	[dreg:$0x1] =	wrdreg $0xFFFFFFFF  }
0xa7: {  	s28 =	simm.s32 $_size_execute0_lowered;
	s3 =	sadd.s32 s3, s5;
	[dreg:$0x0] =	wrdreg $0x0  }
0xa8: {  	s5 =	sshll.u32 s28, $0x1;
	[dreg:$0x2] =	wrdreg s3  }
0xa9: {  	[dreg:$0x3] =	wrdreg s5  }
0xaa: {  	[dreg:$0x4] =	wrdreg $0xC0  }
0xab: {  	_ =	task [dreg:s7], $0x5FFFF  }
0xac: {  	[dreg:$0x1] =	wrdreg $0xFFFFFFFF  }
0xad: {  	[dreg:$0x0] =	wrdreg $0x60  }
0xae: {  	[dreg:$0x2] =	wrdreg s24  }
0xaf: {  	[dreg:$0x3] =	wrdreg s2  }
0xb0: {  	[dreg:$0x4] =	wrdreg $0x9  }
0xb1: {  	_ =	task.clear_ibuf [dreg:s7], $0x5FFFF;
	_ =	strace $0x9000004C  }
0xb2: {  	s29 =	simm.s32 $0x9;
	_ =	strace $0x8000004E  }
0xb3: {  	_ =	swait.ge [sflag:s29], $0x1  }
0xb4: {  	[sflag:s29] =	ssyncadd.s32 $0xFFFFFFFF  }
0xb5: {  	_ =	strace $0x9000004E  }
0xb6: {  	_ =	sfence  }
0xb7: {  	s30 =	sld [smem:$0x0];
	_ =	sdelay $0x2  }
0xb8: {  	s31 =	sshll.u32 s1, $0xD;
	s1 =	sshrl.u32 s1, $0x2  }
0xb9: {  	s3 =	sand.u32 $0x4000, s31;
	s1 =	sadd.s32 s1, s30  }
0xba: {  	s0 =	sor.u32 s3, s0;
	s1 =	sshll.u32 s1, $0x11  }
0xbb: {  	s0 =	sor.u32 s1, s0  }
0xbc: {  	s0 =	sadd.s32 $0x8F2B, s0  }
0xbd: {  	[sflag:s0] =	ssyncadd.remote.s32 $0x1  }
0xbe: {  	_ =	sfence.sel $0xFFFF  }
0xbf: {  	[dreg:$0x0] =	wrdreg $0xFFFFFFFF;
	(pc) =	sbr.abs _section_cstart, $3  }
0xc0: {  	[dreg:$0x1] =	wrdreg $0xFFFFFFFF  }
0xc1: {  	_ =	task.clear_ibuf [dreg:s7], $0x2FFFF;
	_ =	strace $0x9FFFFFFF  }
0xc2: {  	(tm) =	ssettm $0x7FFFFFFF  }
0xc3: {  	_ =	shalt  }
tec
execute0_lowered:
.L_overlay_start_1:
0x0: {  	(tag) =	ssettag $0x1  }
0x1: {  	s7 =	rddreg [dreg:$0x0]  }
0x2: {  	s1 =	rddreg [dreg:$0x1]  }
0x3: {  	s0 =	rddreg [dreg:$0x2]  }
0x4: {  	s2 =	simm.s32 $0x0;
	s4 =	srdreg.scid;
	s11 =	simm.s32 $0x190  }
0x5: {  	s12 =	simm.s32 $0x320;
	s13 =	simm.s32 $0x3520;
	s14 =	simm.s32 $0x1  }
0x6: {  	s15 =	simm.s32 $0x6720;
	s16 =	simm.s32 $0x0;
	[smem:$0x7FF] =	sst s2  }
0x7: {  	s3 =	sadd.s32 $0x6B000, s7;
	s8 =	sand.u32 $0x1, s4;
	s5 =	sadd.s32 $0x3E00, s7  }
0x8: {  	s6 =	sadd.s32 $0x57A00, s7;
	s4 =	stileid.u32;
	s9 =	ssub.s32 $0x2, s8  }
0x9: {  	s7 =	sadd.s32 $0x74E00, s7;
	s8 =	sshll.u32 s8, $0x4;
	s10 =	sshrl.u32 s9, $0x1  }
0xa: {  	_ =	strace $0x8000004D;
	s8 =	sor.u32 s4, s8;
	s9 =	ssub.s32 s9, s10  }
0xb: {  	s8 =	smul.u32 $0x2710, s8;
	s10 =	simm.s32 $0x2;
	s9 =	smax.u32 s9, $0x1  }
.LBB2_1:
0xc: {  	s17 =	simm.s32 $0x0  }
.LBB2_2:
0xd: {  	s18 =	smul.u32 $0x190, s17;
	_ =	sdelay $0x1  }
0xe: {  	s18 =	sadd.s32 s8, s18  }
0xf: {  	s19 =	sshrl.u32 s18, $0x3  }
0x10: {  	s20 =	sadd.s32 s3, s19  }
0x11: {  	[tilespmem:s2], [sflag:$0x2] =	stream.linear.gather [hbm4b:s20+s2], $0x190, $0x38;
	[tilespmem:$0x9920] =	vst v63  }
0x12: {  	_ =	swait.ge [sflag:s10], $0x190  }
0x13: {  	[sflag:s10] =	ssyncset.done $0x0  }
0x14: {  	s19 =	sadd.s32 s1, s19;
	[sflag:s10] =	ssyncadd.s32 $0xFFFFFE70  }
0x15: {  	[tilespmem:s11], [sflag:$0x2] =	stream.linear.gather [hbm4b:s19+s2], $0x190, $0x38;
	[tilespmem:$0x9920] =	vst v63  }
0x16: {  	_ =	swait.ge [sflag:s10], $0x190  }
0x17: {  	[sflag:s10] =	ssyncset.done $0x0  }
0x18: {  	[sflag:s10] =	ssyncadd.s32 $0xFFFFFE70  }
0x19: {  	[tilespmem:s12], [sflag:$0x1] =	stream.indirect.gather [hbm4b:s5+s11], $0x20, s2, s11, $0xb8;
	[tilespmem:$0x9920] =	vst v63  }
0x1a: {  	_ = 	snop  }
0x1b: {  	[tilespmem:s13], [sflag:$0x1] =	stream.indirect.gather [hbm4b:s6+s11], $0x20, s11, s11, $0xb8;
	[tilespmem:$0x9920] =	vst v63  }
0x1c: {  	_ =	swait.ge [sflag:s14], $0x3200  }
0x1d: {  	[sflag:s14] =	ssyncset.done $0x0  }
0x1e: {  	[sflag:s14] =	ssyncadd.s32 $0xFFFFCE00  }
0x1f: {  	_ =	swait.ge [sflag:s14], $0x3200  }
0x20: {  	[sflag:s14] =	ssyncset.done $0x0  }
0x21: {  	s31 =	simm.s32 $0x360;
	[sflag:s14] =	ssyncadd.s32 $0xFFFFCE00  }
0x22: {  	s22 =	simm.s32 $0x3560;
	v0 =	vld [tilespmem:s31+$0x20]  }
0x23: {  	v1 =	vld [tilespmem:s22+$0x20]  }
0x24: {  	v2 =	vld [tilespmem:s22+$0xFFFFFFC0]  }
0x25: {  	v3 =	vld [tilespmem:s31+$0xFFFFFFE0]  }
0x26: {  	v4 =	vld [tilespmem:s22+$0xFFFFFFE0]  }
0x27: {  	v5 =	vld [tilespmem:s31+$0x0]  }
0x28: {  	s21 =	simm.s32 $0x35E0;
	v6 =	vld [tilespmem:s22+$0x0]  }
0x29: {  	v7 =	vld [tilespmem:s21+$0x20]  }
0x2a: {  	s23 =	simm.s32 $0x3E0;
	v8 =	vld [tilespmem:s21+$0xFFFFFFC0]  }
0x2b: {  	v9 =	vld [tilespmem:s23+$0xFFFFFFE0]  }
0x2c: {  	v10 =	vld [tilespmem:s21+$0xFFFFFFE0]  }
0x2d: {  	v11 =	vld [tilespmem:s23+$0x0];
	v0 =	vadd.f32 v1, v0  }
0x2e: {  	s19 =	simm.s32 $0x6760;
	v1 =	vld [tilespmem:s31+$0xFFFFFFC0]  }
0x2f: {  	v12 =	vld [tilespmem:s21+$0x0];
	[tilespmem:s19+$0x20] =	vst v0;
	v0 =	vadd.f32 v4, v3  }
0x30: {  	v3 =	vld [tilespmem:s31+$0x30]  }
0x31: {  	[tilespmem:s19+$0xFFFFFFE0] =	vst v0;
	v0 =	vadd.f32 v6, v5;
	v6 =	vld [tilespmem:s23+$0x20]  }
0x32: {  	v4 =	vld [tilespmem:s22+$0x30]  }
0x33: {  	v1 =	vadd.f32 v2, v1;
	v2 =	vld [tilespmem:s31+$0xFFFFFFF0]  }
0x34: {  	v5 =	vld [tilespmem:s22+$0xFFFFFFF0];
	[tilespmem:s19+$0x0] =	vst v0  }
0x35: {  	[tilespmem:s19+$0xFFFFFFC0] =	vst v1;
	v0 =	vld [tilespmem:s31+$0x10]  }
0x36: {  	v1 =	vld [tilespmem:s31+$0xFFFFFFD0];
	v6 =	vadd.f32 v7, v6  }
0x37: {  	s20 =	simm.s32 $0x67E0;
	v7 =	vld [tilespmem:s23+$0xFFFFFFC0]  }
0x38: {  	v3 =	vadd.f32 v4, v3;
	v4 =	vld [tilespmem:s22+$0xFFFFFFD0];
	[tilespmem:s20+$0x20] =	vst v6  }
0x39: {  	v6 =	vadd.f32 v10, v9;
	v62 =	vld [tilespmem:s23+$0x30]  }
0x3a: {  	[tilespmem:s19+$0x30] =	vst v3;
	v2 =	vadd.f32 v5, v2;
	v63 =	vld [tilespmem:s21+$0x30]  }
0x3b: {  	v3 =	vld [tilespmem:s22+$0x10];
	[tilespmem:s20+$0xFFFFFFE0] =	vst v6;
	v6 =	vadd.f32 v12, v11  }
0x3c: {  	[tilespmem:s19+$0xFFFFFFF0] =	vst v2;
	v7 =	vadd.f32 v8, v7;
	v2 =	vld [tilespmem:s23+$0xFFFFFFF0]  }
0x3d: {  	v5 =	vld [tilespmem:s21+$0xFFFFFFF0];
	v8 =	vadd.f32 v4, v1;
	[tilespmem:s20+$0x0] =	vst v6  }
0x3e: {  	[tilespmem:s20+$0xFFFFFFC0] =	vst v7;
	v4 =	vld [tilespmem:s23+$0x10]  }
0x3f: {  	s24 =	simm.s32 $0x35E0;
	s22 =	simm.s32 $0x4;
	[tilespmem:s19+$0xFFFFFFD0] =	vst v8;
	v1 =	vld [tilespmem:s23+$0xFFFFFFD0];
	v6 =	vadd.f32 v63, v62;
	s23 =	simm.s32 $0x460  }
.LBB2_3:
0x40: {  	v7 =	vld [tilespmem:s23+$0x20];
	s21 =	sadd.s32 $0x80, s21;
	v8 =	vadd.f32 v3, v0  }
0x41: {  	v3 =	vld [tilespmem:s21+$0x20];
	[tilespmem:s20+$0x30] =	vst v6  }
0x42: {  	s22 =	sadd.s32 $0x4, s22;
	v6 =	vld [tilespmem:s21+$0xFFFFFFC0];
	v2 =	vadd.f32 v5, v2;
	[tilespmem:s19+$0x10] =	vst v8;
	s19 =	smov.u32 s20  }
0x43: {  	p0 =	slt.u32 s22, $0x18C;
	v5 =	vld [tilespmem:s23+$0xFFFFFFE0];
	v0 =	vmov v4  }
0x44: {  	v4 =	vld [tilespmem:s21+$0xFFFFFFE0];
	[tilespmem:s20+$0xFFFFFFF0] =	vst v2  }
0x45: {  	v2 =	vld [tilespmem:s23+$0x0]  }
0x46: {  	v8 =	vld [tilespmem:s21+$0x0];
	v3 =	vadd.f32 v3, v7  }
0x47: {  	s20 =	sadd.s32 $0x80, s20;
	v7 =	vld [tilespmem:s23+$0xFFFFFFC0]  }
0x48: {  	[tilespmem:s20+$0x20] =	vst v3;
	v9 =	vld [tilespmem:s24+$0xFFFFFFD0]  }
0x49: {  	v3 =	vadd.f32 v4, v5;
	v10 =	vld [tilespmem:s23+$0x30]  }
0x4a: {  	v11 =	vld [tilespmem:s21+$0x30]  }
.Ltmp0:
0x4b: {  	[tilespmem:s20+$0xFFFFFFE0] =	vst v3;
	v4 =	vadd.f32 v8, v2;
	v3 =	vld [tilespmem:s24+$0x10];
	s24 =	smov.u32 s21;
	(pc) =	sbr.rel @p0 .LBB2_3-.Ltmp0, $4  }
0x4c: {  	v6 =	vadd.f32 v6, v7;
	v2 =	vld [tilespmem:s23+$0xFFFFFFF0]  }
0x4d: {  	v5 =	vld [tilespmem:s21+$0xFFFFFFF0];
	[tilespmem:s20+$0x0] =	vst v4;
	v7 =	vadd.f32 v9, v1  }
0x4e: {  	[tilespmem:s20+$0xFFFFFFC0] =	vst v6;
	v4 =	vld [tilespmem:s23+$0x10]  }
0x4f: {  	v1 =	vld [tilespmem:s23+$0xFFFFFFD0];
	v6 =	vadd.f32 v11, v10;
	s23 =	sadd.s32 $0x80, s23;
	[tilespmem:s19+$0xFFFFFFD0] =	vst v7  }
0x50: {  	v7 =	vld [tilespmem:s24+$0xFFFFFFD0]  }
0x51: {  	v8 =	vld [tilespmem:s24+$0x10];
	_ =	sdelay $0x1  }
0x52: {  	v0 =	vadd.f32 v3, v0  }
0x53: {  	[tilespmem:s20+$0x30] =	vst v6;
	v2 =	vadd.f32 v5, v2  }
0x54: {  	[tilespmem:s19+$0x10] =	vst v0;
	v62 =	vadd.f32 v7, v1  }
0x55: {  	s17 =	sadd.s32 $0x1, s17;
	[tilespmem:s20+$0xFFFFFFF0] =	vst v2;
	v63 =	vadd.f32 v8, v4  }
0x56: {  	s18 =	sshll.u32 s18, $0x2;
	p0 =	sne.s32 s17, $0x19;
	[tilespmem:s20+$0xFFFFFFD0] =	vst v62  }
.Ltmp1:
0x57: {  	s18 =	sadd.s32 s7, s18;
	[tilespmem:s20+$0x10] =	vst v63;
	(pc) =	sbr.rel @p0 .LBB2_2-.Ltmp1, $4  }
0x58: {  	[hbm4b:s18+s2] =	stream.linear.scatter [tilespmem:s15], [sflag:$0x2], $0x3200, $0x38;
	[tilespmem:$0x9920] =	vst v63  }
0x59: {  	_ =	swait.ge [sflag:s10], $0x3200  }
0x5a: {  	[sflag:s10] =	ssyncset.done $0x0  }
0x5b: {  	[sflag:s10] =	ssyncadd.s32 $0xFFFFCE00  }
0x5c: {  	s16 =	sadd.s32 $0x1, s16  }
0x5d: {  	p0 =	sne.s32 s16, s9  }
.Ltmp2:
0x5e: {  	_ = 	snop;
	(pc) =	sbr.rel @p0 .LBB2_1-.Ltmp2, $1  }
0x5f: {  	_ =	sdelay $0x3  }
0x60: {  	_ =	sfence.sel $0x180000  }
0x61: {  	[bflag:$0x0] =	sbarrier.arrive $0xFFFF  }
0x62: {  	p0 =	sne.s32 s4, $0x0;
	_ =	strace $0x9000004D  }
0x63: {  	s0 =	sadd.s32 @!p0 $0x100000, s0;
	[bflag:$0x2] =	sbarrier.arrive $0xFFFF  }
0x64: {  	[sflag:s0] =	ssyncadd.tile.s32 @!p0 $0x1;
	_ =	shalt  }
.Lfunc_end2:
_tile_overlayer_lowered:
.L_overlay_start_2:
0x65: {  	(tag) =	ssettag $0x2  }
0x66: {  	s0 =	rddreg [dreg:$0x0];
	s2 =	stileid.u32  }
0x67: {  	s1 =	rddreg [dreg:$0x1];
	p0 =	sne.s32 s2, $0x0  }
0x68: {  	s3 =	rddreg [dreg:$0x2];
	[bflag:$0x3] =	sbarrier.arrive $0xFFFF;
	s2 =	simm.s32 @!p0 $0x1C02  }
0x69: {  	[timem:s3], [sflag:s2] =	dma.local @!p0 [hbm:s0], s1  }
0x6a: {  	s0 =	simm.s32 @!p0 $0x2  }
0x6b: {  	_ =	swait.ge @!p0 [sflag:s0], s1  }
0x6c: {  	s1 =	ssub.s32 @!p0 $0x0, s1;
	[sflag:s0] =	ssyncset.done @!p0 $0x0  }
0x6d: {  	[sflag:s0] =	ssyncadd.s32 @!p0 s1  }
0x6e: {  	[bflag:$0x3] =	sbarrier.arrive $0xFFFF  }
0x6f: {  	_ =	shalt  }

// kernel: kernel.9.cloned.1.call-start
scs
__scs_entry_jumppad:
0x0: {  	(pc) =	sbr.rel $0x88, $3  }
0x1: {  	(tag) =	ssettag $0x0;
	lr =	simm.s32 $0x1  }
0x2: {  	[smem:$0x3F90] =	sst lr;
	_ =	strace $0xD0000000  }
0x3: {  	_ = 	snop  }
0x4: {  	_ = 	snop  }
0x5: {  	_ = 	snop  }
0x6: {  	_ = 	snop  }
0x7: {  	_ = 	snop  }
__scs_overlays_trampoline_lowered:
0x8: {  	[smem:$0x3F9F] =	sst s0  }
0x9: {  	[smem:$0x3FA0] =	sst s1  }
0xa: {  	[smem:$0x3FA1] =	sst s2  }
0xb: {  	[smem:$0x3FA2] =	sst s3  }
0xc: {  	[smem:$0x3FA3] =	sst s4  }
0xd: {  	[smem:$0x3FA4] =	sst s5  }
0xe: {  	[smem:$0x3FA5] =	sst s6  }
0xf: {  	[smem:$0x3FA6] =	sst s7  }
0x10: {  	[smem:$0x3FA7] =	sst s8  }
0x11: {  	[smem:$0x3FA8] =	sst s9;
	s0 =	simm.s32 @!p0 $0x0  }
0x12: {  	s1 =	sld [smem:$0x3F8E];
	s0 =	simm.s32 @p0 $0x1  }
0x13: {  	[smem:$0x3FA9] =	sst s0;
	s0 =	simm.s32 @!p1 $0x0  }
0x14: {  	s2 =	sld [smem:$0x3F8D];
	s0 =	simm.s32 @p1 $0x1  }
0x15: {  	[smem:$0x3FAA] =	sst s0;
	s0 =	simm.s32 @!p2 $0x0  }
0x16: {  	s3 =	sld [smem:$0x3FDB];
	s0 =	simm.s32 @p2 $0x1  }
0x17: {  	s4 =	simm.s32 $0x1BF5;
	[smem:$0x3FAC] =	sst s0  }
0x18: {  	s0 =	sld [smem:$0x3F8F];
	_ =	swait.ge [sflag:s4], $0x0  }
0x19: {  	s7 =	sld [smem:$0x3F90]  }
0x1a: {  	s8 =	sadd.s32 $0xFFFFE003, lr  }
0x1b: {  	s9 =	sadd.s32 $0xFFFFFEF7, lr;
	s5 =	simm.s32 $0xFFFFFFFF;
	p2 =	slt.u32 s8, $0xFFFFF086  }
0x1c: {  	p1 =	slt.u32 s9, $0xF7A;
	s5 =	simm.s32 @!p2 $0x0  }
0x1d: {  	s5 =	simm.s32 @p1 $0x1;
	p0 =	seq.s32 s7, s2  }
0x1e: {  	s7 =	smul.u32 @!p0 $0xF7A, s2;
	p2 =	seq.s32 @!p0 s5, $0x0  }
0x1f: {  	s9 =	smul.u32 $0xF7A, s1;
	s8 =	simm.s32 @!p0 $0x1BF5;
	p2 =	por !p2, p0  }
0x20: {  	[sflag:s8] =	ssyncset.s32 @!p0 $0xFFFFF086;
	s6 =	sadd.s32 @!p0 s3, s7;
	s7 =	simm.s32 @!p0 $0x108  }
0x21: {  	s3 =	sadd.s32 s3, s9;
	s6 =	sadd.s32 @!p0 $0x88, s6;
	s7 =	simm.s32 @p2 $0x1082  }
0x22: {  	[simem:s7], [sflag:s8] =	dma.local @!p0 [hbm:s6], $0xF7A  }
0x23: {  	s9 =	sor.u32 $0xD0000000, s2;
	s6 =	simm.s32 $0x108;
	_ =	swait.ge @!p0 [sflag:s8], $0x0  }
0x24: {  	s3 =	sadd.s32 $0x88, s3;
	s6 =	simm.s32 @!p1 $0x1082;
	[sflag:s4] =	ssyncset.s32 $0xFFFFF086  }
0x25: {  	[simem:s6], [sflag:s4] =	dma.local [hbm:s3], $0xF7A  }
0x26: {  	[smem:$0x3F90] =	sst s1;
	(tag) =	ssettag s2;
	_ =	strace s9  }
0x27: {  	s1 =	sld [smem:$0x3FA0]  }
0x28: {  	s2 =	sld [smem:$0x3FA1]  }
0x29: {  	s4 =	sld [smem:$0x3FA3]  }
0x2a: {  	p0 =	seq.s32 s5, $0x0;
	s5 =	sld [smem:$0x3FA4]  }
0x2b: {  	s6 =	sld [smem:$0x3FA5]  }
0x2c: {  	s7 =	sld [smem:$0x3FA6]  }
0x2d: {  	s3 =	simm.s32 $0x108;
	s8 =	sld [smem:$0x3FA7]  }
0x2e: {  	s3 =	simm.s32 @!p0 $0x1082;
	s9 =	sld [smem:$0x3FA8]  }
0x2f: {  	lr =	sadd.s32 s0, s3;
	s0 =	sld [smem:$0x3F9F]  }
0x30: {  	s3 =	sld [smem:$0x3FA2]  }
0x31: {  	[smem:$0x3FAB] =	sst s10  }
0x32: {  	s10 =	sld [smem:$0x3FA9];
	_ =	sdelay $0x3  }
0x33: {  	p0 =	seq.s32 s10, $0x1;
	s10 =	sld [smem:$0x3FAB];
	_ =	sdelay $0x3  }
0x34: {  	[smem:$0x3FAB] =	sst s10  }
0x35: {  	s10 =	sld [smem:$0x3FAA];
	_ =	sdelay $0x3  }
0x36: {  	p1 =	seq.s32 s10, $0x1;
	s10 =	sld [smem:$0x3FAB];
	_ =	sdelay $0x3  }
0x37: {  	[smem:$0x3FAB] =	sst s10  }
0x38: {  	s10 =	sld [smem:$0x3FAC]  }
0x39: {  	_ = 	snop;
	(pc) =	sbr.ind lr, $3  }
0x3a: {  	_ = 	snop  }
0x3b: {  	_ = 	snop  }
0x3c: {  	p2 =	seq.s32 s10, $0x1;
	s10 =	sld [smem:$0x3FAB]  }
0x3d: {  	_ =	shalt  }
0x3e: {  	_ =	shalt  }
0x3f: {  	_ =	shalt  }
0x40: {  	_ =	shalt  }
0x41: {  	_ =	shalt  }
0x42: {  	_ =	shalt  }
0x43: {  	_ =	shalt  }
0x44: {  	_ =	shalt  }
0x45: {  	_ =	shalt  }
0x46: {  	_ =	shalt  }
0x47: {  	_ =	shalt  }
0x48: {  	_ =	shalt  }
0x49: {  	_ =	shalt  }
0x4a: {  	_ =	shalt  }
0x4b: {  	_ =	shalt  }
0x4c: {  	_ =	shalt  }
0x4d: {  	_ =	shalt  }
0x4e: {  	_ =	shalt  }
0x4f: {  	_ =	shalt  }
0x50: {  	_ =	shalt  }
0x51: {  	_ =	shalt  }
0x52: {  	_ =	shalt  }
0x53: {  	_ =	shalt  }
0x54: {  	_ =	shalt  }
0x55: {  	_ =	shalt  }
0x56: {  	_ =	shalt  }
0x57: {  	_ =	shalt  }
0x58: {  	_ =	shalt  }
0x59: {  	_ =	shalt  }
0x5a: {  	_ =	shalt  }
0x5b: {  	_ =	shalt  }
0x5c: {  	_ =	shalt  }
0x5d: {  	_ =	shalt  }
0x5e: {  	_ =	shalt  }
0x5f: {  	_ =	shalt  }
0x60: {  	_ =	shalt  }
0x61: {  	_ =	shalt  }
0x62: {  	_ =	shalt  }
0x63: {  	_ =	shalt  }
0x64: {  	_ =	shalt  }
0x65: {  	_ =	shalt  }
0x66: {  	_ =	shalt  }
0x67: {  	_ =	shalt  }
0x68: {  	_ =	shalt  }
0x69: {  	_ =	shalt  }
0x6a: {  	_ =	shalt  }
0x6b: {  	_ =	shalt  }
0x6c: {  	_ =	shalt  }
0x6d: {  	_ =	shalt  }
0x6e: {  	_ =	shalt  }
0x6f: {  	_ =	shalt  }
0x70: {  	_ =	shalt  }
0x71: {  	_ =	shalt  }
0x72: {  	_ =	shalt  }
0x73: {  	_ =	shalt  }
0x74: {  	_ =	shalt  }
0x75: {  	_ =	shalt  }
0x76: {  	_ =	shalt  }
0x77: {  	_ =	shalt  }
0x78: {  	_ =	shalt  }
0x79: {  	_ =	shalt  }
0x7a: {  	_ =	shalt  }
0x7b: {  	_ =	shalt  }
0x7c: {  	_ =	shalt  }
0x7d: {  	_ =	shalt  }
0x7e: {  	_ =	shalt  }
0x7f: {  	_ =	shalt  }
0x80: {  	_ =	shalt  }
0x81: {  	_ =	shalt  }
0x82: {  	_ =	shalt  }
0x83: {  	_ =	shalt  }
0x84: {  	_ =	shalt  }
0x85: {  	_ =	shalt  }
0x86: {  	_ =	shalt  }
0x87: {  	_ =	shalt  }
.Lfunc_end0:
.L_simem_size_0:
called_computation_lowered:
.L_overlay_start_0:
0x88: {  	s2 =	sld [smem:$0x3FD9]  }
0x89: {  	s3 =	sld [smem:$0x3FFE];
	_ =	sdelay $0x1  }
0x8a: {  	s1 =	srdreg.scid  }
0x8b: {  	s0 =	sand.u32 $0x1, s1  }
0x8c: {  	s17 =	sshll.u32 s0, $0xA;
	s2 =	sadd.s32 s3, s2  }
0x8d: {  	s2 =	sadd.s32 s2, s17  }
0x8e: {  	[smem:$0x3FB7] =	sst s2  }
0x8f: {  	_ = 	snop  }
0x90: {  	s2 =	sld [smem:$0x3FD0];
	(tm) =	ssettm $0x1  }
0x91: {  	s18 =	sld [smem:$0x3FFB];
	_ =	sdelay $0x3  }
0x92: {  	_ =	strace s18  }
0x93: {  	s3 =	sld [smem:$0x3FFC];
	_ =	sdelay $0x3  }
0x94: {  	_ =	strace s3  }
0x95: {  	s3 =	sld [smem:$0x3FFD];
	_ =	sdelay $0x3  }
0x96: {  	_ =	strace s3  }
0x97: {  	_ =	strace $0x8FFFFFFF  }
0x98: {  	s19 =	sld [smem:$0x3FDB];
	_ =	sdelay $0x1  }
0x99: {  	s4 =	simm.s32 $_scs_section_size  }
0x9a: {  	s5 =	simm.s32 $_size__tile_overlayer_lowered;
	s6 =	simm.s32 $_tile_overlayer_lowered  }
0x9b: {  	s22 =	simm.s32 $0x1BFF;
	s21 =	sshll.u32 s6, $0x1;
	s3 =	sadd.s32 s4, s19  }
0x9c: {  	s7 =	simm.s32 $0x0;
	s20 =	sshll.u32 s5, $0x1;
	s5 =	sadd.s32 s21, s3  }
0x9d: {  	[timem:s7], [sflag:s22] =	dma.local [hbm:s5], s20  }
0x9e: {  	_ =	swait.ge [sflag:s22], s20  }
0x9f: {  	s4 =	ssub.s32 $0x0, s20;
	[sflag:s22] =	ssyncset.done $0x0  }
0xa0: {  	[sflag:s22] =	ssyncadd.s32 s4;
	_ =	sdelay $0x1  }
0xa1: {  	s23 =	simm.s32 $0x1B8B  }
0xa2: {  	_ =	swait.ge [sflag:s23], $0x1  }
0xa3: {  	[sflag:s23] =	ssyncset.done $0x0  }
0xa4: {  	s25 =	simm.s32 $0x1B8E;
	s24 =	sld [smem:$0x3FFE];
	[sflag:s23] =	ssyncadd.s32 $0xFFFFFFFF  }
0xa5: {  	s26 =	simm.s32 $execute0_lowered;
	[smem:$0x3FD2] =	sst s25  }
0xa6: {  	s5 =	sshll.u32 s26, $0x1;
	_ =	strace $0x80000046;
	[dreg:$0x1] =	wrdreg $0xFFFFFFFF  }
0xa7: {  	s28 =	simm.s32 $_size_execute0_lowered;
	s3 =	sadd.s32 s3, s5;
	[dreg:$0x0] =	wrdreg $0x0  }
0xa8: {  	s5 =	sshll.u32 s28, $0x1;
	[dreg:$0x2] =	wrdreg s3  }
0xa9: {  	[dreg:$0x3] =	wrdreg s5  }
0xaa: {  	[dreg:$0x4] =	wrdreg $0xC0  }
0xab: {  	_ =	task [dreg:s7], $0x5FFFF  }
0xac: {  	[dreg:$0x1] =	wrdreg $0xFFFFFFFF  }
0xad: {  	[dreg:$0x0] =	wrdreg $0x60  }
0xae: {  	[dreg:$0x2] =	wrdreg s24  }
0xaf: {  	[dreg:$0x3] =	wrdreg s2  }
0xb0: {  	[dreg:$0x4] =	wrdreg $0xB2200  }
0xb1: {  	[dreg:$0x5] =	wrdreg $0x14E600  }
0xb2: {  	[dreg:$0x6] =	wrdreg $0x9  }
0xb3: {  	_ =	task.clear_ibuf [dreg:s7], $0x7FFFF;
	_ =	strace $0x90000046  }
0xb4: {  	s29 =	simm.s32 $0x9;
	_ =	strace $0x80000048  }
0xb5: {  	_ =	swait.ge [sflag:s29], $0x1  }
0xb6: {  	[sflag:s29] =	ssyncadd.s32 $0xFFFFFFFF  }
0xb7: {  	_ =	strace $0x90000048  }
0xb8: {  	_ =	sfence  }
0xb9: {  	s30 =	sld [smem:$0x0];
	_ =	sdelay $0x2  }
0xba: {  	s31 =	sshll.u32 s1, $0xD;
	s1 =	sshrl.u32 s1, $0x2  }
0xbb: {  	s3 =	sand.u32 $0x4000, s31;
	s1 =	sadd.s32 s1, s30  }
0xbc: {  	s0 =	sor.u32 s3, s0;
	s1 =	sshll.u32 s1, $0x11  }
0xbd: {  	s0 =	sor.u32 s1, s0  }
0xbe: {  	s0 =	sadd.s32 $0x8F2B, s0  }
0xbf: {  	[sflag:s0] =	ssyncadd.remote.s32 $0x1  }
0xc0: {  	_ =	sfence.sel $0xFFFF  }
0xc1: {  	[dreg:$0x0] =	wrdreg $0xFFFFFFFF;
	(pc) =	sbr.abs _section_cstart, $3  }
0xc2: {  	[dreg:$0x1] =	wrdreg $0xFFFFFFFF  }
0xc3: {  	_ =	task.clear_ibuf [dreg:s7], $0x2FFFF;
	_ =	strace $0x9FFFFFFF  }
0xc4: {  	(tm) =	ssettm $0x7FFFFFFF  }
0xc5: {  	_ =	shalt  }
tec
execute0_lowered:
.L_overlay_start_1:
0x0: {  	(tag) =	ssettag $0x1  }
0x1: {  	s0 =	rddreg [dreg:$0x0]  }
0x2: {  	s1 =	rddreg [dreg:$0x1]  }
0x3: {  	s2 =	rddreg [dreg:$0x2]  }
0x4: {  	s3 =	rddreg [dreg:$0x3];
	s4 =	simm.s32 $0x0  }
0x5: {  	s9 =	srdreg.scid;
	s19 =	stileid.u32;
	s31 =	simm.s32 $0x3  }
0x6: {  	[smem:$0x7FF] =	sst s4;
	s5 =	sadd.s32 $0x6B000, s0;
	s11 =	smul.u32 $0x278, s19  }
0x7: {  	s7 =	sadd.s32 $0x52600, s0;
	s8 =	sadd.s32 $0x66000, s0;
	s12 =	smul.u32 $0x27800, s19  }
0x8: {  	v0 =	vlaneseq.u32;
	s6 =	sadd.s32 $0x7EC00, s0;
	s10 =	sand.u32 $0x1, s9;
	s15 =	smul.u32 $0x9E00, s19  }
0x9: {  	v0 =	vmul.u32 $0x10, v0;
	s0 =	sadd.s32 $0x74E00, s0;
	s18 =	smul.u32 $0x2780, s19;
	p0 =	seq.s32 s19, $0xF  }
0xa: {  	s28 =	sadd.s32 $0x25080, s3;
	s29 =	sadd.s32 $0x9A600, s2;
	s30 =	sadd.s32 $0x26980, s3  }
0xb: {  	v1 =	vimm.f32 $0.0e+00;
	_ =	strace $0x80000047;
	s9 =	ssub.s32 $0x2, s10;
	s16 =	smul.u32 $0x9C400, s10;
	v2 =	vor.u32 $0x2, v0;
	v3 =	vor.u32 $0x1, v0  }
0xc: {  	s14 =	sshll.u32 s10, $0x4;
	s10 =	smul.u32 $0x27100, s10;
	v5 =	vor.u32 $0x100, v0;
	s13 =	sshrl.u32 s9, $0x1;
	v7 =	vor.u32 $0x101, v0;
	v9 =	vor.u32 $0x200, v0  }
0xd: {  	s22 =	sor.u32 s19, s14;
	s12 =	sshrl.u32 s12, $0x2;
	v11 =	vor.u32 $0x201, v0;
	s23 =	sshrl.u32 s15, $0x2;
	v13 =	vor.u32 $0x300, v0;
	v15 =	vor.u32 $0x301, v0  }
0xe: {  	s24 =	sadd.s32 $0x190, s11;
	v17 =	vor.u32 $0x400, v0;
	v19 =	vor.u32 $0x401, v0;
	v21 =	vor.u32 $0x500, v0;
	s9 =	ssub.s32 s9, s13;
	s12 =	sadd.s32 s12, s2  }
0xf: {  	v23 =	vor.u32 $0x501, v0;
	v25 =	vor.u32 $0x600, v0;
	v27 =	vor.u32 $0x601, v0;
	s25 =	sadd.s32 s23, s3;
	s26 =	sshll.u32 s24, $0x6;
	s20 =	sadd.s32 s15, s16  }
0x10: {  	v29 =	vor.u32 $0x700, v0;
	v31 =	vor.u32 $0x701, v0;
	v32 =	vor.u32 $0x703, v0;
	s13 =	smul.u32 $0x2710, s22;
	s15 =	sadd.s32 s15, s2;
	s22 =	sadd.s32 s18, s10  }
0x11: {  	v33 =	vor.u32 $0x800, v0;
	v34 =	vor.u32 $0x802, v0;
	[tilespmem:$0x1FF10] =	vst v2;
	v2 =	vor.u32 $0x3, v0;
	s23 =	sadd.s32 s18, s3;
	s24 =	sshll.u32 s24, $0x4;
	[dreg:$0x5] =	wrdreg s12  }
0x12: {  	v35 =	vor.u32 $0x801, v0;
	v36 =	vor.u32 $0x803, v0;
	[tilespmem:$0x1FF20] =	vst v2;
	v2 =	vor.u32 $0x102, v0;
	[dreg:$0x6] =	wrdreg s25;
	s11 =	sadd.s32 s26, s2;
	s17 =	sshrl.u32 s26, $0x2  }
0x13: {  	v37 =	vor.u32 $0x900, v0;
	v38 =	vor.u32 $0x902, v0;
	[dreg:$0x8] =	wrdreg s15;
	s21 =	sshrl.u32 s20, $0x3;
	s12 =	sadd.s32 s16, s26;
	[tilespmem:$0x1FF30] =	vst v2;
	v2 =	vor.u32 $0x103, v0  }
0x14: {  	v39 =	vor.u32 $0x901, v0;
	v40 =	vor.u32 $0x903, v0;
	[dreg:$0xa] =	wrdreg s23;
	s14 =	sadd.s32 s24, s3;
	s25 =	sshrl.u32 s16, $0x3;
	[tilespmem:$0x1FF40] =	vst v2;
	v2 =	vor.u32 $0x202, v0  }
0x15: {  	v41 =	vor.u32 $0xA00, v0;
	v42 =	vor.u32 $0xA02, v0;
	s16 =	simm.s32 $0x0;
	s17 =	sadd.s32 s17, s3;
	[dreg:$0xd] =	wrdreg s14;
	[tilespmem:$0x1FF50] =	vst v2;
	v2 =	vor.u32 $0x203, v0  }
0x16: {  	v43 =	vor.u32 $0xA01, v0;
	v44 =	vor.u32 $0xA03, v0;
	s15 =	sadd.s32 s6, s21;
	s12 =	sshrl.u32 s12, $0x3;
	[dreg:$0x7] =	wrdreg s17;
	[tilespmem:$0x1FF60] =	vst v2;
	v2 =	vor.u32 $0x302, v0  }
0x17: {  	v45 =	vor.u32 $0xB00, v0;
	v46 =	vor.u32 $0xB02, v0;
	s14 =	simm.s32 $0x6720;
	[dreg:$0x9] =	wrdreg s15;
	s15 =	sshrl.u32 s22, $0x3;
	[tilespmem:$0x1FF70] =	vst v2;
	v2 =	vor.u32 $0x303, v0  }
0x18: {  	v47 =	vor.u32 $0xB01, v0;
	v48 =	vor.u32 $0xB03, v0;
	s12 =	sadd.s32 s6, s12;
	s6 =	sadd.s32 s6, s25;
	s25 =	smax.u32 s9, $0x1;
	[tilespmem:$0x1FF80] =	vst v2;
	v2 =	vor.u32 $0x402, v0  }
0x19: {  	v49 =	vor.u32 $0xC00, v0;
	v50 =	vor.u32 $0xC02, v0;
	s9 =	simm.s32 $0x8020;
	s15 =	sadd.s32 s0, s15;
	[dreg:$0xc] =	wrdreg s12;
	[tilespmem:$0x1FF90] =	vst v2;
	v2 =	vor.u32 $0x403, v0  }
0x1a: {  	v51 =	vor.u32 $0xC01, v0;
	v52 =	vor.u32 $0xC03, v0;
	s12 =	sadd.s32 s10, s24;
	s10 =	sshrl.u32 s10, $0x3;
	s26 =	sadd.s32 $0x12840, s6;
	[tilespmem:$0x1FFA0] =	vst v2;
	v2 =	vor.u32 $0x502, v0  }
0x1b: {  	v53 =	vor.u32 $0xD00, v0;
	v54 =	vor.u32 $0xD02, v0;
	s23 =	sadd.s32 $0x134C0, s6;
	s6 =	simm.s32 $0x320;
	[dreg:$0xb] =	wrdreg s15;
	[tilespmem:$0x1FFB0] =	vst v2;
	v2 =	vor.u32 $0x503, v0  }
0x1c: {  	v55 =	vor.u32 $0xD01, v0;
	v56 =	vor.u32 $0xD03, v0;
	s12 =	sshrl.u32 s12, $0x3;
	[dreg:$0xf] =	wrdreg s26;
	s26 =	sadd.s32 $0x94200, s2;
	[tilespmem:$0x1FFC0] =	vst v2;
	v2 =	vor.u32 $0x602, v0  }
0x1d: {  	v57 =	vor.u32 $0xE00, v0;
	v58 =	vor.u32 $0xE02, v0;
	s15 =	simm.s32 $0x1;
	s12 =	sadd.s32 s0, s12;
	s0 =	sadd.s32 s0, s10;
	[tilespmem:$0x1FFD0] =	vst v2;
	v2 =	vor.u32 $0x603, v0  }
0x1e: {  	v59 =	vor.u32 $0xE01, v0;
	v60 =	vor.u32 $0xE03, v0;
	s10 =	simm.s32 $0x9920;
	[dreg:$0xe] =	wrdreg s12;
	s22 =	sadd.s32 $0x4A10, s0;
	[tilespmem:$0x1FFE0] =	vst v2;
	v2 =	vor.u32 $0x702, v0  }
0x1f: {  	v61 =	vor.u32 $0xF00, v0;
	v62 =	vor.u32 $0xF02, v0;
	v63 =	vor.u32 $0xF01, v0;
	s24 =	sadd.s32 $0x4D30, s0;
	s0 =	simm.s32 $0x190;
	s12 =	simm.s32 $0x2;
	[tilespmem:$0x1FFF0] =	vst v2  }
.LBB2_1:
0x20: {  	s18 =	simm.s32 $0x0  }
0x21: {  	s17 =	simm.s32 $0x340;
	[tilespmem:s18+$0x6720] =	vst v1  }
0x22: {  	[tilespmem:s17+$0xFFFFFFE0] =	vst v1  }
0x23: {  	[tilespmem:s17+$0xFFFFFFF0] =	vst v1  }
0x24: {  	[tilespmem:s17+$0x0] =	vst v1  }
0x25: {  	s18 =	simm.s32 $0x40;
	[tilespmem:s17+$0x10] =	vst v1  }
.LBB2_2:
0x26: {  	s19 =	sshra.s32 s18, $0x2;
	p1 =	sne.s32 s18, $0x63C0  }
.Ltmp0:
0x27: {  	s18 =	sadd.s32 $0x40, s18;
	s17 =	sadd.s32 $0x40, s17;
	[tilespmem:s19+$0x6720] =	vst v1;
	(pc) =	sbr.rel @p1 .LBB2_2-.Ltmp0, $4  }
0x28: {  	[tilespmem:s17+$0xFFFFFFE0] =	vst v1  }
0x29: {  	[tilespmem:s17+$0xFFFFFFF0] =	vst v1  }
0x2a: {  	[tilespmem:s17+$0x0] =	vst v1  }
0x2b: {  	[tilespmem:s17+$0x10] =	vst v1  }
0x2c: {  	s17 =	simm.s32 @p0 $0x320;
	s18 =	simm.s32 @p0 $0x3  }
0x2d: {  	[spmem:s26] =	stream.linear.scatter @p0 [tilespmem:s17], [sflag:$0x3], $0x6400, $0x38;
	[tilespmem:$0x17570] =	vst v63  }
0x2e: {  	_ =	swait.ge @p0 [sflag:s18], $0x6400  }
0x2f: {  	[sflag:s18] =	ssyncset.done @p0 $0x0  }
0x30: {  	s19 =	simm.s32 @p0 $0x6720;
	[sflag:s18] =	ssyncadd.s32 @p0 $0xFFFF9C00  }
0x31: {  	[spmem:s28] =	stream.linear.scatter @p0 [tilespmem:s19], [sflag:$0x3], $0x1900, $0x38;
	[tilespmem:$0x17570] =	vst v63  }
0x32: {  	_ =	swait.ge @p0 [sflag:s18], $0x1900  }
0x33: {  	[sflag:s18] =	ssyncset.done @p0 $0x0  }
0x34: {  	[sflag:s18] =	ssyncadd.s32 @p0 $0xFFFFE700  }
0x35: {  	[spmem:s29] =	stream.linear.scatter @p0 [tilespmem:s17], [sflag:$0x3], $0x1E00, $0x38;
	[tilespmem:$0x17570] =	vst v63  }
0x36: {  	_ =	swait.ge @p0 [sflag:s18], $0x1E00  }
0x37: {  	[sflag:s18] =	ssyncset.done @p0 $0x0  }
0x38: {  	[sflag:s18] =	ssyncadd.s32 @p0 $0xFFFFE200  }
0x39: {  	[spmem:s30] =	stream.linear.scatter @p0 [tilespmem:s19], [sflag:$0x3], $0x780, $0x38;
	[tilespmem:$0x17570] =	vst v63  }
0x3a: {  	_ =	swait.ge @p0 [sflag:s18], $0x780  }
0x3b: {  	[sflag:s18] =	ssyncset.done @p0 $0x0  }
0x3c: {  	s17 =	simm.s32 @!p0 $0x320;
	[sflag:s18] =	ssyncadd.s32 @p0 $0xFFFFF880;
	s18 =	rddreg [dreg:$0x5]  }
0x3d: {  	[spmem:s18] =	stream.linear.scatter @!p0 [tilespmem:s17], [sflag:$0x3], $0x6400, $0x38;
	[tilespmem:$0x17570] =	vst v63  }
0x3e: {  	s18 =	simm.s32 @!p0 $0x3  }
0x3f: {  	_ =	swait.ge @!p0 [sflag:s18], $0x6400  }
0x40: {  	[sflag:s18] =	ssyncset.done @!p0 $0x0  }
0x41: {  	s19 =	simm.s32 @!p0 $0x6720;
	s20 =	rddreg [dreg:$0x6];
	[sflag:s18] =	ssyncadd.s32 @!p0 $0xFFFF9C00  }
0x42: {  	[spmem:s20] =	stream.linear.scatter @!p0 [tilespmem:s19], [sflag:$0x3], $0x1900, $0x38;
	[tilespmem:$0x17570] =	vst v63  }
0x43: {  	_ =	swait.ge @!p0 [sflag:s18], $0x1900  }
0x44: {  	[sflag:s18] =	ssyncset.done @!p0 $0x0  }
0x45: {  	[sflag:s18] =	ssyncadd.s32 @!p0 $0xFFFFE700  }
0x46: {  	[spmem:s11] =	stream.linear.scatter @!p0 [tilespmem:s17], [sflag:$0x3], $0x3A00, $0x38;
	[tilespmem:$0x17570] =	vst v63  }
0x47: {  	_ =	swait.ge @!p0 [sflag:s18], $0x3A00  }
0x48: {  	[sflag:s18] =	ssyncset.done @!p0 $0x0  }
0x49: {  	s17 =	rddreg [dreg:$0x7];
	[sflag:s18] =	ssyncadd.s32 @!p0 $0xFFFFC600  }
0x4a: {  	[spmem:s17] =	stream.linear.scatter @!p0 [tilespmem:s19], [sflag:$0x3], $0xE80, $0x38;
	[tilespmem:$0x17570] =	vst v63  }
0x4b: {  	_ =	swait.ge @!p0 [sflag:s18], $0xE80  }
0x4c: {  	[sflag:s18] =	ssyncset.done @!p0 $0x0  }
0x4d: {  	[sflag:s18] =	ssyncadd.s32 @!p0 $0xFFFFF180  }
0x4e: {  	s17 =	simm.s32 $0x0;
	[bflag:$0x0] =	sbarrier.arrive $0xFFFF  }
.LBB2_4:
0x4f: {  	s18 =	smul.u32 $0x190, s17;
	_ =	sdelay $0x1  }
0x50: {  	s18 =	sadd.s32 s13, s18  }
0x51: {  	s18 =	sshrl.u32 s18, $0x3  }
0x52: {  	s19 =	sadd.s32 s5, s18  }
0x53: {  	[tilespmem:s4], [sflag:$0x3] =	stream.linear.gather [hbm4b:s19+s4], $0x190, $0x38;
	[tilespmem:$0x17570] =	vst v63  }
0x54: {  	_ =	swait.ge [sflag:s31], $0x190  }
0x55: {  	[sflag:s31] =	ssyncset.done $0x0  }
0x56: {  	s18 =	sadd.s32 s1, s18;
	[sflag:s31] =	ssyncadd.s32 $0xFFFFFE70  }
0x57: {  	[tilespmem:s0], [sflag:$0x3] =	stream.linear.gather [hbm4b:s18+s4], $0x190, $0x38;
	[tilespmem:$0x17570] =	vst v63  }
0x58: {  	_ =	swait.ge [sflag:s31], $0x190  }
0x59: {  	[sflag:s31] =	ssyncset.done $0x0  }
0x5a: {  	[sflag:s31] =	ssyncadd.s32 $0xFFFFFE70  }
0x5b: {  	[tilespmem:s6], [sflag:$0x1] =	stream.indirect.gather [hbm4b:s7+s0], $0x40, s4, s0, $0xb8;
	[tilespmem:$0x17570] =	vst v63  }
0x5c: {  	_ = 	snop  }
0x5d: {  	[tilespmem:s9], [sflag:$0x2] =	stream.indirect.gather [hbm4b:s8+s0], $0x10, s4, s0, $0xb8;
	[tilespmem:$0x17570] =	vst v63  }
0x5e: {  	_ = 	snop  }
0x5f: {  	[tilespmem:s10], [sflag:$0x2] =	stream.indirect.gather [hbm4b:s8+s0], $0x10, s0, s0, $0xb8;
	[tilespmem:$0x17570] =	vst v63  }
0x60: {  	_ =	swait.ge [sflag:s12], $0x1900  }
0x61: {  	[sflag:s12] =	ssyncset.done $0x0  }
0x62: {  	[sflag:s12] =	ssyncadd.s32 $0xFFFFE700  }
0x63: {  	_ =	swait.ge [sflag:s12], $0x1900  }
0x64: {  	v4 =	vld [tilespmem:$0x1FF10];
	_ =	sdelay $0x4  }
0x65: {  	[sflag:s12] =	ssyncset.done $0x0  }
0x66: {  	[sflag:s12] =	ssyncadd.s32 $0xFFFFE700  }
0x67: {  	v2 =	vld.idx.msk [tilespmem:v0+s9+$0x0], $0xffff  }
0x68: {  	v4 =	vld.idx.msk [tilespmem:v4+s10+$0x0], $0xffff;
	_ =	sdelay $0x4  }
0x69: {  	v2 =	vadd.f32 v4, v2;
	_ =	sdelay $0x1  }
0x6a: {  	v4 =	vmul.f32 $2.000000030e-01, v2;
	_ =	sdelay $0x1  }
0x6b: {  	v2 =	vmax.f32 v2, v4  }
0x6c: {  	v2 =	vmul.f32 $1.442695020e+00, v2;
	_ =	sdelay $0x1  }
0x6d: {  	(erf) = vpow2.f32 v2;
	_ =	sdelay $0x3  }
0x6e: {  	v4 =	vld [tilespmem:$0x1FF20];
	_ =	sdelay $0x4  }
0x6f: {  	v2 =	vpop (erf)  }
0x70: {  	[tilespmem:v0+s14+$0x0] =	vst.idx.msk $0xffff, v2  }
0x71: {  	v2 =	vld.idx.msk [tilespmem:v3+s9+$0x0], $0xffff  }
0x72: {  	v4 =	vld.idx.msk [tilespmem:v4+s10+$0x0], $0xffff;
	_ =	sdelay $0x4  }
0x73: {  	v2 =	vadd.f32 v4, v2;
	_ =	sdelay $0x1  }
0x74: {  	v4 =	vmul.f32 $2.000000030e-01, v2;
	_ =	sdelay $0x1  }
0x75: {  	v2 =	vmax.f32 v2, v4  }
0x76: {  	v2 =	vmul.f32 $1.442695020e+00, v2;
	_ =	sdelay $0x1  }
0x77: {  	(erf) = vpow2.f32 v2;
	_ =	sdelay $0x3  }
0x78: {  	v4 =	vld [tilespmem:$0x1FF30];
	_ =	sdelay $0x4  }
0x79: {  	v2 =	vpop (erf)  }
0x7a: {  	[tilespmem:v3+s14+$0x0] =	vst.idx.msk $0xffff, v2  }
0x7b: {  	v2 =	vld.idx.msk [tilespmem:v5+s9+$0x0], $0xffff  }
0x7c: {  	v4 =	vld.idx.msk [tilespmem:v4+s10+$0x0], $0xffff;
	_ =	sdelay $0x4  }
0x7d: {  	v2 =	vadd.f32 v4, v2;
	_ =	sdelay $0x1  }
0x7e: {  	v4 =	vmul.f32 $2.000000030e-01, v2;
	_ =	sdelay $0x1  }
0x7f: {  	v2 =	vmax.f32 v2, v4  }
0x80: {  	v2 =	vmul.f32 $1.442695020e+00, v2;
	_ =	sdelay $0x1  }
0x81: {  	(erf) = vpow2.f32 v2;
	_ =	sdelay $0x3  }
0x82: {  	v4 =	vld [tilespmem:$0x1FF40];
	_ =	sdelay $0x4  }
0x83: {  	v2 =	vpop (erf)  }
0x84: {  	[tilespmem:v5+s14+$0x0] =	vst.idx.msk $0xffff, v2  }
0x85: {  	v2 =	vld.idx.msk [tilespmem:v7+s9+$0x0], $0xffff  }
0x86: {  	v4 =	vld.idx.msk [tilespmem:v4+s10+$0x0], $0xffff;
	_ =	sdelay $0x4  }
0x87: {  	v2 =	vadd.f32 v4, v2;
	_ =	sdelay $0x1  }
0x88: {  	v4 =	vmul.f32 $2.000000030e-01, v2;
	_ =	sdelay $0x1  }
0x89: {  	v2 =	vmax.f32 v2, v4  }
0x8a: {  	v2 =	vmul.f32 $1.442695020e+00, v2;
	_ =	sdelay $0x1  }
0x8b: {  	(erf) = vpow2.f32 v2;
	_ =	sdelay $0x3  }
0x8c: {  	v4 =	vld [tilespmem:$0x1FF50];
	_ =	sdelay $0x4  }
0x8d: {  	v2 =	vpop (erf)  }
0x8e: {  	[tilespmem:v7+s14+$0x0] =	vst.idx.msk $0xffff, v2  }
0x8f: {  	v2 =	vld.idx.msk [tilespmem:v9+s9+$0x0], $0xffff  }
0x90: {  	v4 =	vld.idx.msk [tilespmem:v4+s10+$0x0], $0xffff;
	_ =	sdelay $0x4  }
0x91: {  	v2 =	vadd.f32 v4, v2;
	_ =	sdelay $0x1  }
0x92: {  	v4 =	vmul.f32 $2.000000030e-01, v2;
	_ =	sdelay $0x1  }
0x93: {  	v2 =	vmax.f32 v2, v4  }
0x94: {  	v2 =	vmul.f32 $1.442695020e+00, v2;
	_ =	sdelay $0x1  }
0x95: {  	(erf) = vpow2.f32 v2;
	_ =	sdelay $0x3  }
0x96: {  	v4 =	vld [tilespmem:$0x1FF60];
	_ =	sdelay $0x4  }
0x97: {  	v2 =	vpop (erf)  }
0x98: {  	[tilespmem:v9+s14+$0x0] =	vst.idx.msk $0xffff, v2  }
0x99: {  	v2 =	vld.idx.msk [tilespmem:v11+s9+$0x0], $0xffff  }
0x9a: {  	v4 =	vld.idx.msk [tilespmem:v4+s10+$0x0], $0xffff;
	_ =	sdelay $0x4  }
0x9b: {  	v2 =	vadd.f32 v4, v2;
	_ =	sdelay $0x1  }
0x9c: {  	v4 =	vmul.f32 $2.000000030e-01, v2;
	_ =	sdelay $0x1  }
0x9d: {  	v2 =	vmax.f32 v2, v4  }
0x9e: {  	v2 =	vmul.f32 $1.442695020e+00, v2;
	_ =	sdelay $0x1  }
0x9f: {  	(erf) = vpow2.f32 v2;
	_ =	sdelay $0x3  }
0xa0: {  	v4 =	vld [tilespmem:$0x1FF70];
	_ =	sdelay $0x4  }
0xa1: {  	v2 =	vpop (erf)  }
0xa2: {  	[tilespmem:v11+s14+$0x0] =	vst.idx.msk $0xffff, v2  }
0xa3: {  	v2 =	vld.idx.msk [tilespmem:v13+s9+$0x0], $0xffff  }
0xa4: {  	v4 =	vld.idx.msk [tilespmem:v4+s10+$0x0], $0xffff;
	_ =	sdelay $0x4  }
0xa5: {  	v2 =	vadd.f32 v4, v2;
	_ =	sdelay $0x1  }
0xa6: {  	v4 =	vmul.f32 $2.000000030e-01, v2;
	_ =	sdelay $0x1  }
0xa7: {  	v2 =	vmax.f32 v2, v4  }
0xa8: {  	v2 =	vmul.f32 $1.442695020e+00, v2;
	_ =	sdelay $0x1  }
0xa9: {  	(erf) = vpow2.f32 v2;
	_ =	sdelay $0x3  }
0xaa: {  	v4 =	vld [tilespmem:$0x1FF80];
	_ =	sdelay $0x4  }
0xab: {  	v2 =	vpop (erf)  }
0xac: {  	[tilespmem:v13+s14+$0x0] =	vst.idx.msk $0xffff, v2  }
0xad: {  	v2 =	vld.idx.msk [tilespmem:v15+s9+$0x0], $0xffff  }
0xae: {  	v4 =	vld.idx.msk [tilespmem:v4+s10+$0x0], $0xffff;
	_ =	sdelay $0x4  }
0xaf: {  	v2 =	vadd.f32 v4, v2;
	_ =	sdelay $0x1  }
0xb0: {  	v4 =	vmul.f32 $2.000000030e-01, v2;
	_ =	sdelay $0x1  }
0xb1: {  	v2 =	vmax.f32 v2, v4  }
0xb2: {  	v2 =	vmul.f32 $1.442695020e+00, v2;
	_ =	sdelay $0x1  }
0xb3: {  	(erf) = vpow2.f32 v2;
	_ =	sdelay $0x3  }
0xb4: {  	v4 =	vld [tilespmem:$0x1FF90];
	_ =	sdelay $0x4  }
0xb5: {  	v2 =	vpop (erf)  }
0xb6: {  	[tilespmem:v15+s14+$0x0] =	vst.idx.msk $0xffff, v2  }
0xb7: {  	v2 =	vld.idx.msk [tilespmem:v17+s9+$0x0], $0xffff  }
0xb8: {  	v4 =	vld.idx.msk [tilespmem:v4+s10+$0x0], $0xffff;
	_ =	sdelay $0x4  }
0xb9: {  	v2 =	vadd.f32 v4, v2;
	_ =	sdelay $0x1  }
0xba: {  	v4 =	vmul.f32 $2.000000030e-01, v2;
	_ =	sdelay $0x1  }
0xbb: {  	v2 =	vmax.f32 v2, v4  }
0xbc: {  	v2 =	vmul.f32 $1.442695020e+00, v2;
	_ =	sdelay $0x1  }
0xbd: {  	(erf) = vpow2.f32 v2;
	_ =	sdelay $0x3  }
0xbe: {  	v4 =	vld [tilespmem:$0x1FFA0];
	_ =	sdelay $0x4  }
0xbf: {  	v2 =	vpop (erf)  }
0xc0: {  	[tilespmem:v17+s14+$0x0] =	vst.idx.msk $0xffff, v2  }
0xc1: {  	v2 =	vld.idx.msk [tilespmem:v19+s9+$0x0], $0xffff  }
0xc2: {  	v4 =	vld.idx.msk [tilespmem:v4+s10+$0x0], $0xffff;
	_ =	sdelay $0x4  }
0xc3: {  	v2 =	vadd.f32 v4, v2;
	_ =	sdelay $0x1  }
0xc4: {  	v4 =	vmul.f32 $2.000000030e-01, v2;
	_ =	sdelay $0x1  }
0xc5: {  	v2 =	vmax.f32 v2, v4  }
0xc6: {  	v2 =	vmul.f32 $1.442695020e+00, v2;
	_ =	sdelay $0x1  }
0xc7: {  	(erf) = vpow2.f32 v2;
	_ =	sdelay $0x3  }
0xc8: {  	v4 =	vld [tilespmem:$0x1FFB0];
	_ =	sdelay $0x4  }
0xc9: {  	v2 =	vpop (erf)  }
0xca: {  	[tilespmem:v19+s14+$0x0] =	vst.idx.msk $0xffff, v2  }
0xcb: {  	v2 =	vld.idx.msk [tilespmem:v21+s9+$0x0], $0xffff  }
0xcc: {  	v4 =	vld.idx.msk [tilespmem:v4+s10+$0x0], $0xffff;
	_ =	sdelay $0x4  }
0xcd: {  	v2 =	vadd.f32 v4, v2;
	_ =	sdelay $0x1  }
0xce: {  	v4 =	vmul.f32 $2.000000030e-01, v2;
	_ =	sdelay $0x1  }
0xcf: {  	v2 =	vmax.f32 v2, v4  }
0xd0: {  	v2 =	vmul.f32 $1.442695020e+00, v2;
	_ =	sdelay $0x1  }
0xd1: {  	(erf) = vpow2.f32 v2;
	_ =	sdelay $0x3  }
0xd2: {  	v4 =	vld [tilespmem:$0x1FFC0];
	_ =	sdelay $0x4  }
0xd3: {  	v2 =	vpop (erf)  }
0xd4: {  	[tilespmem:v21+s14+$0x0] =	vst.idx.msk $0xffff, v2  }
0xd5: {  	v2 =	vld.idx.msk [tilespmem:v23+s9+$0x0], $0xffff  }
0xd6: {  	v4 =	vld.idx.msk [tilespmem:v4+s10+$0x0], $0xffff;
	_ =	sdelay $0x4  }
0xd7: {  	v2 =	vadd.f32 v4, v2;
	_ =	sdelay $0x1  }
0xd8: {  	v4 =	vmul.f32 $2.000000030e-01, v2;
	_ =	sdelay $0x1  }
0xd9: {  	v2 =	vmax.f32 v2, v4  }
0xda: {  	v2 =	vmul.f32 $1.442695020e+00, v2;
	_ =	sdelay $0x1  }
0xdb: {  	(erf) = vpow2.f32 v2;
	_ =	sdelay $0x3  }
0xdc: {  	v4 =	vld [tilespmem:$0x1FFD0];
	_ =	sdelay $0x4  }
0xdd: {  	v2 =	vpop (erf)  }
0xde: {  	[tilespmem:v23+s14+$0x0] =	vst.idx.msk $0xffff, v2  }
0xdf: {  	v2 =	vld.idx.msk [tilespmem:v25+s9+$0x0], $0xffff  }
0xe0: {  	v4 =	vld.idx.msk [tilespmem:v4+s10+$0x0], $0xffff;
	_ =	sdelay $0x4  }
0xe1: {  	v2 =	vadd.f32 v4, v2;
	_ =	sdelay $0x1  }
0xe2: {  	v4 =	vmul.f32 $2.000000030e-01, v2;
	_ =	sdelay $0x1  }
0xe3: {  	v2 =	vmax.f32 v2, v4  }
0xe4: {  	v2 =	vmul.f32 $1.442695020e+00, v2;
	_ =	sdelay $0x1  }
0xe5: {  	(erf) = vpow2.f32 v2;
	_ =	sdelay $0x3  }
0xe6: {  	v4 =	vld [tilespmem:$0x1FFE0];
	_ =	sdelay $0x4  }
0xe7: {  	v2 =	vpop (erf)  }
0xe8: {  	[tilespmem:v25+s14+$0x0] =	vst.idx.msk $0xffff, v2  }
0xe9: {  	v2 =	vld.idx.msk [tilespmem:v27+s9+$0x0], $0xffff  }
0xea: {  	v4 =	vld.idx.msk [tilespmem:v4+s10+$0x0], $0xffff;
	_ =	sdelay $0x4  }
0xeb: {  	v2 =	vadd.f32 v4, v2;
	_ =	sdelay $0x1  }
0xec: {  	v4 =	vmul.f32 $2.000000030e-01, v2;
	_ =	sdelay $0x1  }
0xed: {  	v2 =	vmax.f32 v2, v4  }
0xee: {  	v2 =	vmul.f32 $1.442695020e+00, v2;
	_ =	sdelay $0x1  }
0xef: {  	(erf) = vpow2.f32 v2;
	_ =	sdelay $0x3  }
0xf0: {  	v4 =	vld [tilespmem:$0x1FFF0];
	_ =	sdelay $0x4  }
0xf1: {  	v2 =	vpop (erf)  }
0xf2: {  	[tilespmem:v27+s14+$0x0] =	vst.idx.msk $0xffff, v2  }
0xf3: {  	v2 =	vld.idx.msk [tilespmem:v29+s9+$0x0], $0xffff  }
0xf4: {  	v4 =	vld.idx.msk [tilespmem:v4+s10+$0x0], $0xffff;
	_ =	sdelay $0x4  }
0xf5: {  	v2 =	vadd.f32 v4, v2;
	_ =	sdelay $0x1  }
0xf6: {  	v4 =	vmul.f32 $2.000000030e-01, v2;
	_ =	sdelay $0x1  }
0xf7: {  	v2 =	vmax.f32 v2, v4  }
0xf8: {  	v2 =	vmul.f32 $1.442695020e+00, v2;
	_ =	sdelay $0x1  }
0xf9: {  	(erf) = vpow2.f32 v2;
	_ =	sdelay $0x8  }
0xfa: {  	v2 =	vpop (erf)  }
0xfb: {  	[tilespmem:v29+s14+$0x0] =	vst.idx.msk $0xffff, v2  }
0xfc: {  	v2 =	vld.idx.msk [tilespmem:v31+s9+$0x0], $0xffff  }
0xfd: {  	v4 =	vld.idx.msk [tilespmem:v32+s10+$0x0], $0xffff;
	_ =	sdelay $0x4  }
0xfe: {  	v2 =	vadd.f32 v4, v2;
	_ =	sdelay $0x1  }
0xff: {  	v4 =	vmul.f32 $2.000000030e-01, v2;
	_ =	sdelay $0x1  }
0x100: {  	v2 =	vmax.f32 v2, v4  }
0x101: {  	v2 =	vmul.f32 $1.442695020e+00, v2;
	_ =	sdelay $0x1  }
0x102: {  	(erf) = vpow2.f32 v2;
	_ =	sdelay $0x8  }
0x103: {  	v2 =	vpop (erf)  }
0x104: {  	[tilespmem:v31+s14+$0x0] =	vst.idx.msk $0xffff, v2  }
0x105: {  	v2 =	vld.idx.msk [tilespmem:v33+s9+$0x0], $0xffff  }
0x106: {  	v4 =	vld.idx.msk [tilespmem:v34+s10+$0x0], $0xffff;
	_ =	sdelay $0x4  }
0x107: {  	v2 =	vadd.f32 v4, v2;
	_ =	sdelay $0x1  }
0x108: {  	v4 =	vmul.f32 $2.000000030e-01, v2;
	_ =	sdelay $0x1  }
0x109: {  	v2 =	vmax.f32 v2, v4  }
0x10a: {  	v2 =	vmul.f32 $1.442695020e+00, v2;
	_ =	sdelay $0x1  }
0x10b: {  	(erf) = vpow2.f32 v2;
	_ =	sdelay $0x8  }
0x10c: {  	v2 =	vpop (erf)  }
0x10d: {  	[tilespmem:v33+s14+$0x0] =	vst.idx.msk $0xffff, v2  }
0x10e: {  	v2 =	vld.idx.msk [tilespmem:v35+s9+$0x0], $0xffff  }
0x10f: {  	v4 =	vld.idx.msk [tilespmem:v36+s10+$0x0], $0xffff;
	_ =	sdelay $0x4  }
0x110: {  	v2 =	vadd.f32 v4, v2;
	_ =	sdelay $0x1  }
0x111: {  	v4 =	vmul.f32 $2.000000030e-01, v2;
	_ =	sdelay $0x1  }
0x112: {  	v2 =	vmax.f32 v2, v4  }
0x113: {  	v2 =	vmul.f32 $1.442695020e+00, v2;
	_ =	sdelay $0x1  }
0x114: {  	(erf) = vpow2.f32 v2;
	_ =	sdelay $0x8  }
0x115: {  	v2 =	vpop (erf)  }
0x116: {  	[tilespmem:v35+s14+$0x0] =	vst.idx.msk $0xffff, v2  }
0x117: {  	v2 =	vld.idx.msk [tilespmem:v37+s9+$0x0], $0xffff  }
0x118: {  	v4 =	vld.idx.msk [tilespmem:v38+s10+$0x0], $0xffff;
	_ =	sdelay $0x4  }
0x119: {  	v2 =	vadd.f32 v4, v2;
	_ =	sdelay $0x1  }
0x11a: {  	v4 =	vmul.f32 $2.000000030e-01, v2;
	_ =	sdelay $0x1  }
0x11b: {  	v2 =	vmax.f32 v2, v4  }
0x11c: {  	v2 =	vmul.f32 $1.442695020e+00, v2;
	_ =	sdelay $0x1  }
0x11d: {  	(erf) = vpow2.f32 v2;
	_ =	sdelay $0x8  }
0x11e: {  	v2 =	vpop (erf)  }
0x11f: {  	[tilespmem:v37+s14+$0x0] =	vst.idx.msk $0xffff, v2  }
0x120: {  	v2 =	vld.idx.msk [tilespmem:v39+s9+$0x0], $0xffff  }
0x121: {  	v4 =	vld.idx.msk [tilespmem:v40+s10+$0x0], $0xffff;
	_ =	sdelay $0x4  }
0x122: {  	v2 =	vadd.f32 v4, v2;
	_ =	sdelay $0x1  }
0x123: {  	v4 =	vmul.f32 $2.000000030e-01, v2;
	_ =	sdelay $0x1  }
0x124: {  	v2 =	vmax.f32 v2, v4  }
0x125: {  	v2 =	vmul.f32 $1.442695020e+00, v2;
	_ =	sdelay $0x1  }
0x126: {  	(erf) = vpow2.f32 v2;
	_ =	sdelay $0x8  }
0x127: {  	v2 =	vpop (erf)  }
0x128: {  	[tilespmem:v39+s14+$0x0] =	vst.idx.msk $0xffff, v2  }
0x129: {  	v2 =	vld.idx.msk [tilespmem:v41+s9+$0x0], $0xffff  }
0x12a: {  	v4 =	vld.idx.msk [tilespmem:v42+s10+$0x0], $0xffff;
	_ =	sdelay $0x4  }
0x12b: {  	v2 =	vadd.f32 v4, v2;
	_ =	sdelay $0x1  }
0x12c: {  	v4 =	vmul.f32 $2.000000030e-01, v2;
	_ =	sdelay $0x1  }
0x12d: {  	v2 =	vmax.f32 v2, v4  }
0x12e: {  	v2 =	vmul.f32 $1.442695020e+00, v2;
	_ =	sdelay $0x1  }
0x12f: {  	(erf) = vpow2.f32 v2;
	_ =	sdelay $0x8  }
0x130: {  	v2 =	vpop (erf)  }
0x131: {  	[tilespmem:v41+s14+$0x0] =	vst.idx.msk $0xffff, v2  }
0x132: {  	v2 =	vld.idx.msk [tilespmem:v43+s9+$0x0], $0xffff  }
0x133: {  	v4 =	vld.idx.msk [tilespmem:v44+s10+$0x0], $0xffff;
	_ =	sdelay $0x4  }
0x134: {  	v2 =	vadd.f32 v4, v2;
	_ =	sdelay $0x1  }
0x135: {  	v4 =	vmul.f32 $2.000000030e-01, v2;
	_ =	sdelay $0x1  }
0x136: {  	v2 =	vmax.f32 v2, v4  }
0x137: {  	v2 =	vmul.f32 $1.442695020e+00, v2;
	_ =	sdelay $0x1  }
0x138: {  	(erf) = vpow2.f32 v2;
	_ =	sdelay $0x8  }
0x139: {  	v2 =	vpop (erf)  }
0x13a: {  	[tilespmem:v43+s14+$0x0] =	vst.idx.msk $0xffff, v2  }
0x13b: {  	v2 =	vld.idx.msk [tilespmem:v45+s9+$0x0], $0xffff  }
0x13c: {  	v4 =	vld.idx.msk [tilespmem:v46+s10+$0x0], $0xffff;
	_ =	sdelay $0x4  }
0x13d: {  	v2 =	vadd.f32 v4, v2;
	_ =	sdelay $0x1  }
0x13e: {  	v4 =	vmul.f32 $2.000000030e-01, v2;
	_ =	sdelay $0x1  }
0x13f: {  	v2 =	vmax.f32 v2, v4  }
0x140: {  	v2 =	vmul.f32 $1.442695020e+00, v2;
	_ =	sdelay $0x1  }
0x141: {  	(erf) = vpow2.f32 v2;
	_ =	sdelay $0x8  }
0x142: {  	v2 =	vpop (erf)  }
0x143: {  	[tilespmem:v45+s14+$0x0] =	vst.idx.msk $0xffff, v2  }
0x144: {  	v2 =	vld.idx.msk [tilespmem:v47+s9+$0x0], $0xffff  }
0x145: {  	v4 =	vld.idx.msk [tilespmem:v48+s10+$0x0], $0xffff;
	_ =	sdelay $0x4  }
0x146: {  	v2 =	vadd.f32 v4, v2;
	_ =	sdelay $0x1  }
0x147: {  	v4 =	vmul.f32 $2.000000030e-01, v2;
	_ =	sdelay $0x1  }
0x148: {  	v2 =	vmax.f32 v2, v4  }
0x149: {  	v2 =	vmul.f32 $1.442695020e+00, v2;
	_ =	sdelay $0x1  }
0x14a: {  	(erf) = vpow2.f32 v2;
	_ =	sdelay $0x8  }
0x14b: {  	v2 =	vpop (erf)  }
0x14c: {  	[tilespmem:v47+s14+$0x0] =	vst.idx.msk $0xffff, v2  }
0x14d: {  	v2 =	vld.idx.msk [tilespmem:v49+s9+$0x0], $0xffff  }
0x14e: {  	v4 =	vld.idx.msk [tilespmem:v50+s10+$0x0], $0xffff;
	_ =	sdelay $0x4  }
0x14f: {  	v2 =	vadd.f32 v4, v2;
	_ =	sdelay $0x1  }
0x150: {  	v4 =	vmul.f32 $2.000000030e-01, v2;
	_ =	sdelay $0x1  }
0x151: {  	v2 =	vmax.f32 v2, v4  }
0x152: {  	v2 =	vmul.f32 $1.442695020e+00, v2;
	_ =	sdelay $0x1  }
0x153: {  	(erf) = vpow2.f32 v2;
	_ =	sdelay $0x8  }
0x154: {  	v2 =	vpop (erf)  }
0x155: {  	[tilespmem:v49+s14+$0x0] =	vst.idx.msk $0xffff, v2  }
0x156: {  	v2 =	vld.idx.msk [tilespmem:v51+s9+$0x0], $0xffff  }
0x157: {  	v4 =	vld.idx.msk [tilespmem:v52+s10+$0x0], $0xffff;
	_ =	sdelay $0x4  }
0x158: {  	v2 =	vadd.f32 v4, v2;
	_ =	sdelay $0x1  }
0x159: {  	v4 =	vmul.f32 $2.000000030e-01, v2;
	_ =	sdelay $0x1  }
0x15a: {  	v2 =	vmax.f32 v2, v4  }
0x15b: {  	v2 =	vmul.f32 $1.442695020e+00, v2;
	_ =	sdelay $0x1  }
0x15c: {  	(erf) = vpow2.f32 v2;
	_ =	sdelay $0x8  }
0x15d: {  	v2 =	vpop (erf)  }
0x15e: {  	[tilespmem:v51+s14+$0x0] =	vst.idx.msk $0xffff, v2  }
0x15f: {  	v2 =	vld.idx.msk [tilespmem:v53+s9+$0x0], $0xffff  }
0x160: {  	v4 =	vld.idx.msk [tilespmem:v54+s10+$0x0], $0xffff;
	_ =	sdelay $0x4  }
0x161: {  	v2 =	vadd.f32 v4, v2;
	_ =	sdelay $0x1  }
0x162: {  	v4 =	vmul.f32 $2.000000030e-01, v2;
	_ =	sdelay $0x1  }
0x163: {  	v2 =	vmax.f32 v2, v4  }
0x164: {  	v2 =	vmul.f32 $1.442695020e+00, v2;
	_ =	sdelay $0x1  }
0x165: {  	(erf) = vpow2.f32 v2;
	_ =	sdelay $0x8  }
0x166: {  	v2 =	vpop (erf)  }
0x167: {  	[tilespmem:v53+s14+$0x0] =	vst.idx.msk $0xffff, v2  }
0x168: {  	v2 =	vld.idx.msk [tilespmem:v55+s9+$0x0], $0xffff  }
0x169: {  	v4 =	vld.idx.msk [tilespmem:v56+s10+$0x0], $0xffff;
	_ =	sdelay $0x4  }
0x16a: {  	v2 =	vadd.f32 v4, v2;
	_ =	sdelay $0x1  }
0x16b: {  	v4 =	vmul.f32 $2.000000030e-01, v2;
	_ =	sdelay $0x1  }
0x16c: {  	v2 =	vmax.f32 v2, v4  }
0x16d: {  	v2 =	vmul.f32 $1.442695020e+00, v2;
	_ =	sdelay $0x1  }
0x16e: {  	(erf) = vpow2.f32 v2;
	_ =	sdelay $0x8  }
0x16f: {  	v2 =	vpop (erf)  }
0x170: {  	[tilespmem:v55+s14+$0x0] =	vst.idx.msk $0xffff, v2  }
0x171: {  	v2 =	vld.idx.msk [tilespmem:v57+s9+$0x0], $0xffff  }
0x172: {  	v4 =	vld.idx.msk [tilespmem:v58+s10+$0x0], $0xffff;
	_ =	sdelay $0x4  }
0x173: {  	v2 =	vadd.f32 v4, v2;
	_ =	sdelay $0x1  }
0x174: {  	v4 =	vmul.f32 $2.000000030e-01, v2;
	_ =	sdelay $0x1  }
0x175: {  	v2 =	vmax.f32 v2, v4  }
0x176: {  	v2 =	vmul.f32 $1.442695020e+00, v2;
	_ =	sdelay $0x1  }
0x177: {  	(erf) = vpow2.f32 v2;
	_ =	sdelay $0x8  }
0x178: {  	v2 =	vpop (erf)  }
0x179: {  	[tilespmem:v57+s14+$0x0] =	vst.idx.msk $0xffff, v2  }
0x17a: {  	v2 =	vld.idx.msk [tilespmem:v59+s9+$0x0], $0xffff  }
0x17b: {  	v4 =	vld.idx.msk [tilespmem:v60+s10+$0x0], $0xffff;
	_ =	sdelay $0x4  }
0x17c: {  	v2 =	vadd.f32 v4, v2;
	_ =	sdelay $0x1  }
0x17d: {  	v4 =	vmul.f32 $2.000000030e-01, v2;
	_ =	sdelay $0x1  }
0x17e: {  	v2 =	vmax.f32 v2, v4  }
0x17f: {  	v2 =	vmul.f32 $1.442695020e+00, v2;
	_ =	sdelay $0x1  }
0x180: {  	(erf) = vpow2.f32 v2;
	_ =	sdelay $0x8  }
0x181: {  	v2 =	vpop (erf)  }
0x182: {  	[tilespmem:v59+s14+$0x0] =	vst.idx.msk $0xffff, v2  }
0x183: {  	v2 =	vld.idx.msk [tilespmem:v61+s9+$0x0], $0xffff  }
0x184: {  	v4 =	vld.idx.msk [tilespmem:v62+s10+$0x0], $0xffff;
	_ =	sdelay $0x4  }
0x185: {  	v2 =	vadd.f32 v4, v2;
	_ =	sdelay $0x1  }
0x186: {  	v4 =	vmul.f32 $2.000000030e-01, v2;
	_ =	sdelay $0x1  }
0x187: {  	v2 =	vmax.f32 v2, v4  }
0x188: {  	v2 =	vmul.f32 $1.442695020e+00, v2;
	_ =	sdelay $0x1  }
0x189: {  	(erf) = vpow2.f32 v2;
	_ =	sdelay $0x6  }
0x18a: {  	v2 =	vor.u32 $0xF03, v0;
	_ =	sdelay $0x1  }
0x18b: {  	v4 =	vpop (erf)  }
0x18c: {  	[tilespmem:v61+s14+$0x0] =	vst.idx.msk $0xffff, v4  }
0x18d: {  	v4 =	vld.idx.msk [tilespmem:v63+s9+$0x0], $0xffff  }
0x18e: {  	v2 =	vld.idx.msk [tilespmem:v2+s10+$0x0], $0xffff;
	_ =	sdelay $0x4  }
0x18f: {  	v2 =	vadd.f32 v2, v4;
	_ =	sdelay $0x1  }
0x190: {  	v4 =	vmul.f32 $2.000000030e-01, v2;
	_ =	sdelay $0x1  }
0x191: {  	v2 =	vmax.f32 v2, v4  }
0x192: {  	v2 =	vmul.f32 $1.442695020e+00, v2;
	_ =	sdelay $0x1  }
0x193: {  	(erf) = vpow2.f32 v2;
	_ =	sdelay $0x5  }
0x194: {  	v2 =	vor.u32 $0x1000, v0  }
0x195: {  	v4 =	vor.u32 $0x1002, v0;
	_ =	sdelay $0x1  }
0x196: {  	v6 =	vpop (erf)  }
0x197: {  	[tilespmem:v63+s14+$0x0] =	vst.idx.msk $0xffff, v6  }
0x198: {  	v6 =	vld.idx.msk [tilespmem:v2+s9+$0x0], $0xffff  }
0x199: {  	v4 =	vld.idx.msk [tilespmem:v4+s10+$0x0], $0xffff;
	_ =	sdelay $0x4  }
0x19a: {  	v4 =	vadd.f32 v4, v6;
	_ =	sdelay $0x1  }
0x19b: {  	v6 =	vmul.f32 $2.000000030e-01, v4;
	_ =	sdelay $0x1  }
0x19c: {  	v4 =	vmax.f32 v4, v6  }
0x19d: {  	v4 =	vmul.f32 $1.442695020e+00, v4;
	_ =	sdelay $0x1  }
0x19e: {  	(erf) = vpow2.f32 v4;
	_ =	sdelay $0x5  }
0x19f: {  	v4 =	vor.u32 $0x1001, v0  }
0x1a0: {  	v6 =	vor.u32 $0x1003, v0;
	_ =	sdelay $0x1  }
0x1a1: {  	v8 =	vpop (erf)  }
0x1a2: {  	[tilespmem:v2+s14+$0x0] =	vst.idx.msk $0xffff, v8  }
0x1a3: {  	v2 =	vld.idx.msk [tilespmem:v4+s9+$0x0], $0xffff  }
0x1a4: {  	v6 =	vld.idx.msk [tilespmem:v6+s10+$0x0], $0xffff;
	_ =	sdelay $0x4  }
0x1a5: {  	v2 =	vadd.f32 v6, v2;
	_ =	sdelay $0x1  }
0x1a6: {  	v6 =	vmul.f32 $2.000000030e-01, v2;
	_ =	sdelay $0x1  }
0x1a7: {  	v2 =	vmax.f32 v2, v6  }
0x1a8: {  	v2 =	vmul.f32 $1.442695020e+00, v2;
	_ =	sdelay $0x1  }
0x1a9: {  	(erf) = vpow2.f32 v2;
	_ =	sdelay $0x5  }
0x1aa: {  	v2 =	vor.u32 $0x1100, v0  }
0x1ab: {  	v6 =	vor.u32 $0x1102, v0;
	_ =	sdelay $0x1  }
0x1ac: {  	v8 =	vpop (erf)  }
0x1ad: {  	[tilespmem:v4+s14+$0x0] =	vst.idx.msk $0xffff, v8  }
0x1ae: {  	v4 =	vld.idx.msk [tilespmem:v2+s9+$0x0], $0xffff  }
0x1af: {  	v6 =	vld.idx.msk [tilespmem:v6+s10+$0x0], $0xffff;
	_ =	sdelay $0x4  }
0x1b0: {  	v4 =	vadd.f32 v6, v4;
	_ =	sdelay $0x1  }
0x1b1: {  	v6 =	vmul.f32 $2.000000030e-01, v4;
	_ =	sdelay $0x1  }
0x1b2: {  	v4 =	vmax.f32 v4, v6  }
0x1b3: {  	v4 =	vmul.f32 $1.442695020e+00, v4;
	_ =	sdelay $0x1  }
0x1b4: {  	(erf) = vpow2.f32 v4;
	_ =	sdelay $0x5  }
0x1b5: {  	v4 =	vor.u32 $0x1101, v0  }
0x1b6: {  	v6 =	vor.u32 $0x1103, v0;
	_ =	sdelay $0x1  }
0x1b7: {  	v8 =	vpop (erf)  }
0x1b8: {  	[tilespmem:v2+s14+$0x0] =	vst.idx.msk $0xffff, v8  }
0x1b9: {  	v2 =	vld.idx.msk [tilespmem:v4+s9+$0x0], $0xffff  }
0x1ba: {  	v6 =	vld.idx.msk [tilespmem:v6+s10+$0x0], $0xffff;
	_ =	sdelay $0x4  }
0x1bb: {  	v2 =	vadd.f32 v6, v2;
	_ =	sdelay $0x1  }
0x1bc: {  	v6 =	vmul.f32 $2.000000030e-01, v2;
	_ =	sdelay $0x1  }
0x1bd: {  	v2 =	vmax.f32 v2, v6  }
0x1be: {  	v2 =	vmul.f32 $1.442695020e+00, v2;
	_ =	sdelay $0x1  }
0x1bf: {  	(erf) = vpow2.f32 v2;
	_ =	sdelay $0x5  }
0x1c0: {  	v2 =	vor.u32 $0x1200, v0  }
0x1c1: {  	v6 =	vor.u32 $0x1202, v0;
	_ =	sdelay $0x1  }
0x1c2: {  	v8 =	vpop (erf)  }
0x1c3: {  	[tilespmem:v4+s14+$0x0] =	vst.idx.msk $0xffff, v8  }
0x1c4: {  	v4 =	vld.idx.msk [tilespmem:v2+s9+$0x0], $0xffff  }
0x1c5: {  	v6 =	vld.idx.msk [tilespmem:v6+s10+$0x0], $0xffff;
	_ =	sdelay $0x4  }
0x1c6: {  	v4 =	vadd.f32 v6, v4;
	_ =	sdelay $0x1  }
0x1c7: {  	v6 =	vmul.f32 $2.000000030e-01, v4;
	_ =	sdelay $0x1  }
0x1c8: {  	v4 =	vmax.f32 v4, v6  }
0x1c9: {  	v4 =	vmul.f32 $1.442695020e+00, v4;
	_ =	sdelay $0x1  }
0x1ca: {  	(erf) = vpow2.f32 v4;
	_ =	sdelay $0x5  }
0x1cb: {  	v4 =	vor.u32 $0x1201, v0  }
0x1cc: {  	v6 =	vor.u32 $0x1203, v0;
	_ =	sdelay $0x1  }
0x1cd: {  	v8 =	vpop (erf)  }
0x1ce: {  	[tilespmem:v2+s14+$0x0] =	vst.idx.msk $0xffff, v8  }
0x1cf: {  	v2 =	vld.idx.msk [tilespmem:v4+s9+$0x0], $0xffff  }
0x1d0: {  	v6 =	vld.idx.msk [tilespmem:v6+s10+$0x0], $0xffff;
	_ =	sdelay $0x4  }
0x1d1: {  	v2 =	vadd.f32 v6, v2;
	_ =	sdelay $0x1  }
0x1d2: {  	v6 =	vmul.f32 $2.000000030e-01, v2;
	_ =	sdelay $0x1  }
0x1d3: {  	v2 =	vmax.f32 v2, v6  }
0x1d4: {  	v2 =	vmul.f32 $1.442695020e+00, v2;
	_ =	sdelay $0x1  }
0x1d5: {  	(erf) = vpow2.f32 v2;
	_ =	sdelay $0x5  }
0x1d6: {  	v2 =	vor.u32 $0x1300, v0  }
0x1d7: {  	v6 =	vor.u32 $0x1302, v0;
	_ =	sdelay $0x1  }
0x1d8: {  	v8 =	vpop (erf)  }
0x1d9: {  	[tilespmem:v4+s14+$0x0] =	vst.idx.msk $0xffff, v8  }
0x1da: {  	v4 =	vld.idx.msk [tilespmem:v2+s9+$0x0], $0xffff  }
0x1db: {  	v6 =	vld.idx.msk [tilespmem:v6+s10+$0x0], $0xffff;
	_ =	sdelay $0x4  }
0x1dc: {  	v4 =	vadd.f32 v6, v4;
	_ =	sdelay $0x1  }
0x1dd: {  	v6 =	vmul.f32 $2.000000030e-01, v4;
	_ =	sdelay $0x1  }
0x1de: {  	v4 =	vmax.f32 v4, v6  }
0x1df: {  	v4 =	vmul.f32 $1.442695020e+00, v4;
	_ =	sdelay $0x1  }
0x1e0: {  	(erf) = vpow2.f32 v4;
	_ =	sdelay $0x5  }
0x1e1: {  	v4 =	vor.u32 $0x1301, v0  }
0x1e2: {  	v6 =	vor.u32 $0x1303, v0;
	_ =	sdelay $0x1  }
0x1e3: {  	v8 =	vpop (erf)  }
0x1e4: {  	[tilespmem:v2+s14+$0x0] =	vst.idx.msk $0xffff, v8  }
0x1e5: {  	v2 =	vld.idx.msk [tilespmem:v4+s9+$0x0], $0xffff  }
0x1e6: {  	v6 =	vld.idx.msk [tilespmem:v6+s10+$0x0], $0xffff;
	_ =	sdelay $0x4  }
0x1e7: {  	v2 =	vadd.f32 v6, v2;
	_ =	sdelay $0x1  }
0x1e8: {  	v6 =	vmul.f32 $2.000000030e-01, v2;
	_ =	sdelay $0x1  }
0x1e9: {  	v2 =	vmax.f32 v2, v6  }
0x1ea: {  	v2 =	vmul.f32 $1.442695020e+00, v2;
	_ =	sdelay $0x1  }
0x1eb: {  	(erf) = vpow2.f32 v2;
	_ =	sdelay $0x5  }
0x1ec: {  	v2 =	vor.u32 $0x1400, v0  }
0x1ed: {  	v6 =	vor.u32 $0x1402, v0;
	_ =	sdelay $0x1  }
0x1ee: {  	v8 =	vpop (erf)  }
0x1ef: {  	[tilespmem:v4+s14+$0x0] =	vst.idx.msk $0xffff, v8  }
0x1f0: {  	v4 =	vld.idx.msk [tilespmem:v2+s9+$0x0], $0xffff  }
0x1f1: {  	v6 =	vld.idx.msk [tilespmem:v6+s10+$0x0], $0xffff;
	_ =	sdelay $0x4  }
0x1f2: {  	v4 =	vadd.f32 v6, v4;
	_ =	sdelay $0x1  }
0x1f3: {  	v6 =	vmul.f32 $2.000000030e-01, v4;
	_ =	sdelay $0x1  }
0x1f4: {  	v4 =	vmax.f32 v4, v6  }
0x1f5: {  	v4 =	vmul.f32 $1.442695020e+00, v4;
	_ =	sdelay $0x1  }
0x1f6: {  	(erf) = vpow2.f32 v4;
	_ =	sdelay $0x5  }
0x1f7: {  	v4 =	vor.u32 $0x1401, v0  }
0x1f8: {  	v6 =	vor.u32 $0x1403, v0;
	_ =	sdelay $0x1  }
0x1f9: {  	v8 =	vpop (erf)  }
0x1fa: {  	[tilespmem:v2+s14+$0x0] =	vst.idx.msk $0xffff, v8  }
0x1fb: {  	v2 =	vld.idx.msk [tilespmem:v4+s9+$0x0], $0xffff  }
0x1fc: {  	v6 =	vld.idx.msk [tilespmem:v6+s10+$0x0], $0xffff;
	_ =	sdelay $0x4  }
0x1fd: {  	v2 =	vadd.f32 v6, v2;
	_ =	sdelay $0x1  }
0x1fe: {  	v6 =	vmul.f32 $2.000000030e-01, v2;
	_ =	sdelay $0x1  }
0x1ff: {  	v2 =	vmax.f32 v2, v6  }
0x200: {  	v2 =	vmul.f32 $1.442695020e+00, v2;
	_ =	sdelay $0x1  }
0x201: {  	(erf) = vpow2.f32 v2;
	_ =	sdelay $0x5  }
0x202: {  	v2 =	vor.u32 $0x1500, v0  }
0x203: {  	v6 =	vor.u32 $0x1502, v0;
	_ =	sdelay $0x1  }
0x204: {  	v8 =	vpop (erf)  }
0x205: {  	[tilespmem:v4+s14+$0x0] =	vst.idx.msk $0xffff, v8  }
0x206: {  	v4 =	vld.idx.msk [tilespmem:v2+s9+$0x0], $0xffff  }
0x207: {  	v6 =	vld.idx.msk [tilespmem:v6+s10+$0x0], $0xffff;
	_ =	sdelay $0x4  }
0x208: {  	v4 =	vadd.f32 v6, v4;
	_ =	sdelay $0x1  }
0x209: {  	v6 =	vmul.f32 $2.000000030e-01, v4;
	_ =	sdelay $0x1  }
0x20a: {  	v4 =	vmax.f32 v4, v6  }
0x20b: {  	v4 =	vmul.f32 $1.442695020e+00, v4;
	_ =	sdelay $0x1  }
0x20c: {  	(erf) = vpow2.f32 v4;
	_ =	sdelay $0x5  }
0x20d: {  	v4 =	vor.u32 $0x1501, v0  }
0x20e: {  	v6 =	vor.u32 $0x1503, v0;
	_ =	sdelay $0x1  }
0x20f: {  	v8 =	vpop (erf)  }
0x210: {  	[tilespmem:v2+s14+$0x0] =	vst.idx.msk $0xffff, v8  }
0x211: {  	v2 =	vld.idx.msk [tilespmem:v4+s9+$0x0], $0xffff  }
0x212: {  	v6 =	vld.idx.msk [tilespmem:v6+s10+$0x0], $0xffff;
	_ =	sdelay $0x4  }
0x213: {  	v2 =	vadd.f32 v6, v2;
	_ =	sdelay $0x1  }
0x214: {  	v6 =	vmul.f32 $2.000000030e-01, v2;
	_ =	sdelay $0x1  }
0x215: {  	v2 =	vmax.f32 v2, v6  }
0x216: {  	v2 =	vmul.f32 $1.442695020e+00, v2;
	_ =	sdelay $0x1  }
0x217: {  	(erf) = vpow2.f32 v2;
	_ =	sdelay $0x5  }
0x218: {  	v2 =	vor.u32 $0x1600, v0  }
0x219: {  	v6 =	vor.u32 $0x1602, v0;
	_ =	sdelay $0x1  }
0x21a: {  	v8 =	vpop (erf)  }
0x21b: {  	[tilespmem:v4+s14+$0x0] =	vst.idx.msk $0xffff, v8  }
0x21c: {  	v4 =	vld.idx.msk [tilespmem:v2+s9+$0x0], $0xffff  }
0x21d: {  	v6 =	vld.idx.msk [tilespmem:v6+s10+$0x0], $0xffff;
	_ =	sdelay $0x4  }
0x21e: {  	v4 =	vadd.f32 v6, v4;
	_ =	sdelay $0x1  }
0x21f: {  	v6 =	vmul.f32 $2.000000030e-01, v4;
	_ =	sdelay $0x1  }
0x220: {  	v4 =	vmax.f32 v4, v6  }
0x221: {  	v4 =	vmul.f32 $1.442695020e+00, v4;
	_ =	sdelay $0x1  }
0x222: {  	(erf) = vpow2.f32 v4;
	_ =	sdelay $0x5  }
0x223: {  	v4 =	vor.u32 $0x1601, v0  }
0x224: {  	v6 =	vor.u32 $0x1603, v0;
	_ =	sdelay $0x1  }
0x225: {  	v8 =	vpop (erf)  }
0x226: {  	[tilespmem:v2+s14+$0x0] =	vst.idx.msk $0xffff, v8  }
0x227: {  	v2 =	vld.idx.msk [tilespmem:v4+s9+$0x0], $0xffff  }
0x228: {  	v6 =	vld.idx.msk [tilespmem:v6+s10+$0x0], $0xffff;
	_ =	sdelay $0x4  }
0x229: {  	v2 =	vadd.f32 v6, v2;
	_ =	sdelay $0x1  }
0x22a: {  	v6 =	vmul.f32 $2.000000030e-01, v2;
	_ =	sdelay $0x1  }
0x22b: {  	v2 =	vmax.f32 v2, v6  }
0x22c: {  	v2 =	vmul.f32 $1.442695020e+00, v2;
	_ =	sdelay $0x1  }
0x22d: {  	(erf) = vpow2.f32 v2;
	_ =	sdelay $0x5  }
0x22e: {  	v2 =	vor.u32 $0x1700, v0  }
0x22f: {  	v6 =	vor.u32 $0x1702, v0;
	_ =	sdelay $0x1  }
0x230: {  	v8 =	vpop (erf)  }
0x231: {  	[tilespmem:v4+s14+$0x0] =	vst.idx.msk $0xffff, v8  }
0x232: {  	v4 =	vld.idx.msk [tilespmem:v2+s9+$0x0], $0xffff  }
0x233: {  	v6 =	vld.idx.msk [tilespmem:v6+s10+$0x0], $0xffff;
	_ =	sdelay $0x4  }
0x234: {  	v4 =	vadd.f32 v6, v4;
	_ =	sdelay $0x1  }
0x235: {  	v6 =	vmul.f32 $2.000000030e-01, v4;
	_ =	sdelay $0x1  }
0x236: {  	v4 =	vmax.f32 v4, v6  }
0x237: {  	v4 =	vmul.f32 $1.442695020e+00, v4;
	_ =	sdelay $0x1  }
0x238: {  	(erf) = vpow2.f32 v4;
	_ =	sdelay $0x5  }
0x239: {  	v4 =	vor.u32 $0x1701, v0  }
0x23a: {  	v6 =	vor.u32 $0x1703, v0;
	_ =	sdelay $0x1  }
0x23b: {  	v8 =	vpop (erf)  }
0x23c: {  	[tilespmem:v2+s14+$0x0] =	vst.idx.msk $0xffff, v8  }
0x23d: {  	v2 =	vld.idx.msk [tilespmem:v4+s9+$0x0], $0xffff  }
0x23e: {  	v6 =	vld.idx.msk [tilespmem:v6+s10+$0x0], $0xffff;
	_ =	sdelay $0x4  }
0x23f: {  	v2 =	vadd.f32 v6, v2;
	_ =	sdelay $0x1  }
0x240: {  	v6 =	vmul.f32 $2.000000030e-01, v2;
	_ =	sdelay $0x1  }
0x241: {  	v2 =	vmax.f32 v2, v6  }
0x242: {  	v2 =	vmul.f32 $1.442695020e+00, v2;
	_ =	sdelay $0x1  }
0x243: {  	(erf) = vpow2.f32 v2;
	_ =	sdelay $0x5  }
0x244: {  	v2 =	vor.u32 $0x1800, v0  }
0x245: {  	v6 =	vor.u32 $0x1802, v0;
	_ =	sdelay $0x1  }
0x246: {  	v8 =	vpop (erf)  }
0x247: {  	[tilespmem:v4+s14+$0x0] =	vst.idx.msk $0xffff, v8  }
0x248: {  	v4 =	vld.idx.msk [tilespmem:v2+s9+$0x0], $0xffff  }
0x249: {  	v6 =	vld.idx.msk [tilespmem:v6+s10+$0x0], $0xffff;
	_ =	sdelay $0x4  }
0x24a: {  	v4 =	vadd.f32 v6, v4;
	_ =	sdelay $0x1  }
0x24b: {  	v6 =	vmul.f32 $2.000000030e-01, v4;
	_ =	sdelay $0x1  }
0x24c: {  	v4 =	vmax.f32 v4, v6  }
0x24d: {  	v4 =	vmul.f32 $1.442695020e+00, v4;
	_ =	sdelay $0x1  }
0x24e: {  	(erf) = vpow2.f32 v4;
	_ =	sdelay $0x5  }
0x24f: {  	v4 =	vor.u32 $0x1801, v0  }
0x250: {  	v6 =	vor.u32 $0x1803, v0;
	_ =	sdelay $0x1  }
0x251: {  	v8 =	vpop (erf)  }
0x252: {  	[tilespmem:v2+s14+$0x0] =	vst.idx.msk $0xffff, v8  }
0x253: {  	v2 =	vld.idx.msk [tilespmem:v4+s9+$0x0], $0xffff  }
0x254: {  	v6 =	vld.idx.msk [tilespmem:v6+s10+$0x0], $0xffff;
	_ =	sdelay $0x4  }
0x255: {  	v2 =	vadd.f32 v6, v2;
	_ =	sdelay $0x1  }
0x256: {  	v6 =	vmul.f32 $2.000000030e-01, v2;
	_ =	sdelay $0x1  }
0x257: {  	v2 =	vmax.f32 v2, v6  }
0x258: {  	v2 =	vmul.f32 $1.442695020e+00, v2;
	_ =	sdelay $0x1  }
0x259: {  	(erf) = vpow2.f32 v2;
	_ =	sdelay $0x8  }
0x25a: {  	v2 =	vpop (erf)  }
0x25b: {  	[tilespmem:v4+s14+$0x0] =	vst.idx.msk $0xffff, v2  }
0x25c: {  	_ =	swait.ge [sflag:s15], $0x6400  }
0x25d: {  	[sflag:s15] =	ssyncset.done $0x0  }
0x25e: {  	s21 =	simm.s32 $0x6740;
	[sflag:s15] =	ssyncadd.s32 $0xFFFF9C00  }
0x25f: {  	v4 =	vld [tilespmem:s21+$0x10]  }
0x260: {  	s18 =	simm.s32 $0x3A0;
	v6 =	vld [tilespmem:s21+$0xFFFFFFF0]  }
0x261: {  	v8 =	vld [tilespmem:s18+$0x70]  }
0x262: {  	v14 =	vld [tilespmem:s21+$0x0]  }
0x263: {  	v10 =	vld [tilespmem:s21+$0xFFFFFFE0]  }
0x264: {  	v12 =	vld [tilespmem:s18+$0xFFFFFF80]  }
0x265: {  	v16 =	vld [tilespmem:s18+$0xFFFFFF90]  }
0x266: {  	v18 =	vld [tilespmem:s18+$0xFFFFFFA0]  }
0x267: {  	v20 =	vld [tilespmem:s18+$0xFFFFFFB0];
	v2 =	vbroadcast v4, $0x1  }
0x268: {  	v24 =	vld [tilespmem:s18+$0xFFFFFFC0];
	v22 =	vbroadcast v10, $0x0  }
0x269: {  	v26 =	vld [tilespmem:s18+$0xFFFFFFD0];
	v10 =	vbroadcast v10, $0x1;
	v8 =	vmul.f32 v8, v2  }
0x26a: {  	v28 =	vld [tilespmem:s18+$0xFFFFFFE0];
	v12 =	vmul.f32 v22, v12  }
0x26b: {  	v30 =	vld [tilespmem:s18+$0x0];
	v18 =	vmul.f32 v18, v10;
	[tilespmem:s18+$0x70] =	vst v8  }
0x26c: {  	v8 =	vmul.f32 v16, v22;
	v16 =	vld [tilespmem:s18+$0xFFFFFFF0];
	v22 =	vbroadcast v6, $0x0;
	[tilespmem:s18+$0xFFFFFF80] =	vst v12  }
0x26d: {  	v10 =	vmul.f32 v20, v10;
	v20 =	vld [tilespmem:s18+$0x10];
	[tilespmem:s18+$0xFFFFFFA0] =	vst v18  }
0x26e: {  	v6 =	vbroadcast v6, $0x1;
	[tilespmem:s18+$0xFFFFFF90] =	vst v8;
	v12 =	vmul.f32 v22, v24;
	v8 =	vld [tilespmem:s18+$0x20]  }
0x26f: {  	v4 =	vbroadcast v4, $0x0;
	[tilespmem:s18+$0xFFFFFFB0] =	vst v10;
	v10 =	vld [tilespmem:s18+$0x30];
	v22 =	vmul.f32 v26, v22  }
0x270: {  	v24 =	vbroadcast v14, $0x0;
	v26 =	vmul.f32 v28, v6;
	[tilespmem:s18+$0xFFFFFFC0] =	vst v12;
	v12 =	vld [tilespmem:s18+$0x40]  }
0x271: {  	[tilespmem:s18+$0xFFFFFFD0] =	vst v22;
	v18 =	vmul.f32 v16, v6;
	v6 =	vbroadcast v14, $0x1;
	v14 =	vld [tilespmem:s18+$0x50]  }
0x272: {  	s20 =	simm.s32 $0x0;
	s19 =	simm.s32 $0x3A0;
	s21 =	simm.s32 $0x6780;
	[tilespmem:s18+$0xFFFFFFE0] =	vst v26;
	v22 =	vmul.f32 v24, v30;
	v20 =	vmul.f32 v20, v24;
	v16 =	vld [tilespmem:s18+$0x60]  }
.LBB2_5:
0x273: {  	v24 =	vld [tilespmem:s21+$0x10];
	s20 =	sadd.s32 $0x4, s20;
	[tilespmem:s18+$0xFFFFFFF0] =	vst v18;
	v8 =	vmul.f32 v8, v6  }
0x274: {  	s18 =	sadd.s32 $0x100, s18;
	v18 =	vld [tilespmem:s21+$0xFFFFFFF0];
	p1 =	slt.u32 s20, $0x18C;
	[tilespmem:s19+$0x0] =	vst v22;
	v6 =	vmul.f32 v10, v6  }
0x275: {  	v10 =	vld [tilespmem:s18+$0x70];
	[tilespmem:s19+$0x10] =	vst v20;
	v12 =	vmul.f32 v4, v12  }
0x276: {  	v20 =	vld [tilespmem:s21+$0x0];
	[tilespmem:s19+$0x20] =	vst v8;
	v8 =	vmul.f32 v14, v4  }
0x277: {  	v14 =	vld [tilespmem:s21+$0xFFFFFFE0];
	[tilespmem:s19+$0x30] =	vst v6;
	v6 =	vmul.f32 v16, v2  }
0x278: {  	v16 =	vld [tilespmem:s18+$0xFFFFFF80];
	v4 =	vbroadcast v24, $0x0;
	v2 =	vbroadcast v24, $0x1;
	[tilespmem:s19+$0x40] =	vst v12  }
0x279: {  	v12 =	vld [tilespmem:s18+$0xFFFFFF90];
	v22 =	vbroadcast v18, $0x0;
	v18 =	vbroadcast v18, $0x1;
	[tilespmem:s19+$0x50] =	vst v8  }
0x27a: {  	v8 =	vld [tilespmem:s18+$0xFFFFFFA0];
	v10 =	vmul.f32 v10, v2;
	[tilespmem:s19+$0x60] =	vst v6;
	s19 =	smov.u32 s18  }
0x27b: {  	v24 =	vld [tilespmem:s18+$0xFFFFFFB0];
	v26 =	vbroadcast v20, $0x0;
	v6 =	vbroadcast v20, $0x1  }
0x27c: {  	v20 =	vbroadcast v14, $0x0;
	v14 =	vbroadcast v14, $0x1;
	v28 =	vld [tilespmem:s18+$0xFFFFFFC0];
	[tilespmem:s18+$0x70] =	vst v10  }
0x27d: {  	v10 =	vld [tilespmem:s18+$0xFFFFFFD0]  }
0x27e: {  	v16 =	vmul.f32 v20, v16;
	v12 =	vmul.f32 v12, v20;
	v20 =	vld [tilespmem:s18+$0xFFFFFFE0]  }
0x27f: {  	v8 =	vmul.f32 v8, v14;
	v30 =	vld [tilespmem:s18+$0xFFFFFFF0]  }
0x280: {  	[tilespmem:s18+$0xFFFFFF80] =	vst v16;
	v14 =	vmul.f32 v24, v14;
	v16 =	vld [tilespmem:s18+$0x0]  }
0x281: {  	[tilespmem:s18+$0xFFFFFF90] =	vst v12;
	v12 =	vmul.f32 v22, v28;
	v24 =	vld [tilespmem:s18+$0x10]  }
.Ltmp1:
0x282: {  	[tilespmem:s18+$0xFFFFFFA0] =	vst v8;
	v22 =	vmul.f32 v10, v22;
	v8 =	vld [tilespmem:s18+$0x20];
	(pc) =	sbr.rel @p1 .LBB2_5-.Ltmp1, $4  }
0x283: {  	[tilespmem:s18+$0xFFFFFFB0] =	vst v14;
	v20 =	vmul.f32 v20, v18;
	v10 =	vld [tilespmem:s18+$0x30]  }
0x284: {  	[tilespmem:s18+$0xFFFFFFC0] =	vst v12;
	v18 =	vmul.f32 v30, v18;
	v12 =	vld [tilespmem:s18+$0x40]  }
0x285: {  	[tilespmem:s18+$0xFFFFFFD0] =	vst v22;
	v22 =	vmul.f32 v26, v16;
	v14 =	vld [tilespmem:s18+$0x50]  }
0x286: {  	s21 =	sadd.s32 $0x40, s21;
	[tilespmem:s18+$0xFFFFFFE0] =	vst v20;
	v20 =	vmul.f32 v24, v26;
	v16 =	vld [tilespmem:s18+$0x60]  }
0x287: {  	[tilespmem:s18+$0xFFFFFFF0] =	vst v18  }
0x288: {  	v8 =	vmul.f32 v8, v6;
	[tilespmem:s19+$0x0] =	vst v22  }
0x289: {  	v6 =	vmul.f32 v10, v6;
	[tilespmem:s19+$0x10] =	vst v20  }
0x28a: {  	v10 =	vmul.f32 v4, v12;
	[tilespmem:s19+$0x20] =	vst v8  }
0x28b: {  	v4 =	vmul.f32 v14, v4;
	[tilespmem:s19+$0x30] =	vst v6  }
0x28c: {  	v2 =	vmul.f32 v16, v2;
	[tilespmem:s19+$0x40] =	vst v10  }
0x28d: {  	[tilespmem:s19+$0x50] =	vst v4  }
0x28e: {  	[tilespmem:s19+$0x60] =	vst v2  }
0x28f: {  	[spmem:s2] =	stream.indirect.scatter.add.f32 [tilespmem:s6], [sflag:$0x3], $0x40, s0, s0, $0xb8;
	[tilespmem:$0x17570] =	vst v63  }
0x290: {  	s17 =	sadd.s32 $0x1, s17;
	_ =	swait.ge [sflag:s31], $0x6400  }
0x291: {  	p1 =	sne.s32 s17, $0x19;
	[sflag:s31] =	ssyncset.done $0x0  }
.Ltmp2:
0x292: {  	[sflag:s31] =	ssyncadd.s32 $0xFFFF9C00;
	(pc) =	sbr.rel @p1 .LBB2_4-.Ltmp2, $4  }
0x293: {  	[spmem:s3] =	stream.indirect.scatter.add.f32 [tilespmem:s14], [sflag:$0x3], $0x10, s0, s0, $0xb8;
	[tilespmem:$0x17570] =	vst v63  }
0x294: {  	_ =	swait.ge [sflag:s31], $0x1900  }
0x295: {  	[sflag:s31] =	ssyncset.done $0x0  }
0x296: {  	[sflag:s31] =	ssyncadd.s32 $0xFFFFE700  }
0x297: {  	[bflag:$0x0] =	sbarrier.arrive $0xFFFF;
	s17 =	simm.s32 @p0 $0x320;
	s18 =	simm.s32 @p0 $0x3  }
0x298: {  	[tilespmem:s17], [sflag:$0x3] =	stream.linear.gather @p0 [spmem:s26], $0x6400, $0x38;
	[tilespmem:$0x17570] =	vst v63  }
0x299: {  	_ =	swait.ge @p0 [sflag:s18], $0x6400  }
0x29a: {  	[sflag:s18] =	ssyncset.done @p0 $0x0  }
0x29b: {  	s19 =	simm.s32 @p0 $0x0;
	s20 =	rddreg [dreg:$0xf];
	[sflag:s18] =	ssyncadd.s32 @p0 $0xFFFF9C00  }
0x29c: {  	[hbm4b:s20+s19] =	stream.linear.scatter @p0 [tilespmem:s17], [sflag:$0x3], $0x6400, $0x38;
	[tilespmem:$0x17570] =	vst v63  }
0x29d: {  	_ =	swait.ge @p0 [sflag:s18], $0x6400  }
0x29e: {  	[sflag:s18] =	ssyncset.done @p0 $0x0  }
0x29f: {  	s20 =	simm.s32 @p0 $0x6720;
	[sflag:s18] =	ssyncadd.s32 @p0 $0xFFFF9C00  }
0x2a0: {  	[tilespmem:s20], [sflag:$0x3] =	stream.linear.gather @p0 [spmem:s28], $0x1900, $0x38;
	[tilespmem:$0x17570] =	vst v63  }
0x2a1: {  	_ =	swait.ge @p0 [sflag:s18], $0x1900  }
0x2a2: {  	[sflag:s18] =	ssyncset.done @p0 $0x0  }
0x2a3: {  	[sflag:s18] =	ssyncadd.s32 @p0 $0xFFFFE700  }
0x2a4: {  	[hbm4b:s22+s19] =	stream.linear.scatter @p0 [tilespmem:s20], [sflag:$0x3], $0x1900, $0x38;
	[tilespmem:$0x17570] =	vst v63  }
0x2a5: {  	_ =	swait.ge @p0 [sflag:s18], $0x1900  }
0x2a6: {  	[sflag:s18] =	ssyncset.done @p0 $0x0  }
0x2a7: {  	[sflag:s18] =	ssyncadd.s32 @p0 $0xFFFFE700  }
0x2a8: {  	[tilespmem:s17], [sflag:$0x3] =	stream.linear.gather @p0 [spmem:s29], $0x1E00, $0x38;
	[tilespmem:$0x17570] =	vst v63  }
0x2a9: {  	_ =	swait.ge @p0 [sflag:s18], $0x1E00  }
0x2aa: {  	[sflag:s18] =	ssyncset.done @p0 $0x0  }
0x2ab: {  	[sflag:s18] =	ssyncadd.s32 @p0 $0xFFFFE200  }
0x2ac: {  	[hbm4b:s23+s19] =	stream.linear.scatter @p0 [tilespmem:s17], [sflag:$0x3], $0x1E00, $0x38;
	[tilespmem:$0x17570] =	vst v63  }
0x2ad: {  	_ =	swait.ge @p0 [sflag:s18], $0x1E00  }
0x2ae: {  	[sflag:s18] =	ssyncset.done @p0 $0x0  }
0x2af: {  	[sflag:s18] =	ssyncadd.s32 @p0 $0xFFFFE200  }
0x2b0: {  	[tilespmem:s20], [sflag:$0x3] =	stream.linear.gather @p0 [spmem:s30], $0x780, $0x38;
	[tilespmem:$0x17570] =	vst v63  }
0x2b1: {  	_ =	swait.ge @p0 [sflag:s18], $0x780  }
0x2b2: {  	[sflag:s18] =	ssyncset.done @p0 $0x0  }
0x2b3: {  	[sflag:s18] =	ssyncadd.s32 @p0 $0xFFFFF880  }
0x2b4: {  	[hbm4b:s24+s19] =	stream.linear.scatter @p0 [tilespmem:s20], [sflag:$0x3], $0x780, $0x38;
	[tilespmem:$0x17570] =	vst v63  }
0x2b5: {  	_ =	swait.ge @p0 [sflag:s18], $0x780  }
0x2b6: {  	[sflag:s18] =	ssyncset.done @p0 $0x0  }
0x2b7: {  	s17 =	simm.s32 @!p0 $0x320;
	[sflag:s18] =	ssyncadd.s32 @p0 $0xFFFFF880;
	s18 =	rddreg [dreg:$0x8]  }
0x2b8: {  	[tilespmem:s17], [sflag:$0x3] =	stream.linear.gather @!p0 [spmem:s18], $0x6400, $0x38;
	[tilespmem:$0x17570] =	vst v63  }
0x2b9: {  	s18 =	simm.s32 @!p0 $0x3  }
0x2ba: {  	_ =	swait.ge @!p0 [sflag:s18], $0x6400  }
0x2bb: {  	[sflag:s18] =	ssyncset.done @!p0 $0x0  }
0x2bc: {  	s19 =	simm.s32 @!p0 $0x0;
	s20 =	rddreg [dreg:$0x9];
	[sflag:s18] =	ssyncadd.s32 @!p0 $0xFFFF9C00  }
0x2bd: {  	[hbm4b:s20+s19] =	stream.linear.scatter @!p0 [tilespmem:s17], [sflag:$0x3], $0x6400, $0x38;
	[tilespmem:$0x17570] =	vst v63  }
0x2be: {  	_ =	swait.ge @!p0 [sflag:s18], $0x6400  }
0x2bf: {  	[sflag:s18] =	ssyncset.done @!p0 $0x0  }
0x2c0: {  	s20 =	simm.s32 @!p0 $0x6720;
	s21 =	rddreg [dreg:$0xa];
	[sflag:s18] =	ssyncadd.s32 @!p0 $0xFFFF9C00  }
0x2c1: {  	[tilespmem:s20], [sflag:$0x3] =	stream.linear.gather @!p0 [spmem:s21], $0x1900, $0x38;
	[tilespmem:$0x17570] =	vst v63  }
0x2c2: {  	_ =	swait.ge @!p0 [sflag:s18], $0x1900  }
0x2c3: {  	[sflag:s18] =	ssyncset.done @!p0 $0x0  }
0x2c4: {  	s21 =	rddreg [dreg:$0xb];
	[sflag:s18] =	ssyncadd.s32 @!p0 $0xFFFFE700  }
0x2c5: {  	[hbm4b:s21+s19] =	stream.linear.scatter @!p0 [tilespmem:s20], [sflag:$0x3], $0x1900, $0x38;
	[tilespmem:$0x17570] =	vst v63  }
0x2c6: {  	_ =	swait.ge @!p0 [sflag:s18], $0x1900  }
0x2c7: {  	[sflag:s18] =	ssyncset.done @!p0 $0x0  }
0x2c8: {  	[sflag:s18] =	ssyncadd.s32 @!p0 $0xFFFFE700  }
0x2c9: {  	[tilespmem:s17], [sflag:$0x3] =	stream.linear.gather @!p0 [spmem:s11], $0x3A00, $0x38;
	[tilespmem:$0x17570] =	vst v63  }
0x2ca: {  	_ =	swait.ge @!p0 [sflag:s18], $0x3A00  }
0x2cb: {  	[sflag:s18] =	ssyncset.done @!p0 $0x0  }
0x2cc: {  	s21 =	rddreg [dreg:$0xc];
	[sflag:s18] =	ssyncadd.s32 @!p0 $0xFFFFC600  }
0x2cd: {  	[hbm4b:s21+s19] =	stream.linear.scatter @!p0 [tilespmem:s17], [sflag:$0x3], $0x3A00, $0x38;
	[tilespmem:$0x17570] =	vst v63  }
0x2ce: {  	_ =	swait.ge @!p0 [sflag:s18], $0x3A00  }
0x2cf: {  	[sflag:s18] =	ssyncset.done @!p0 $0x0  }
0x2d0: {  	s17 =	rddreg [dreg:$0xd];
	[sflag:s18] =	ssyncadd.s32 @!p0 $0xFFFFC600  }
0x2d1: {  	[tilespmem:s20], [sflag:$0x3] =	stream.linear.gather @!p0 [spmem:s17], $0xE80, $0x38;
	[tilespmem:$0x17570] =	vst v63  }
0x2d2: {  	s16 =	sadd.s32 $0x1, s16;
	_ =	swait.ge @!p0 [sflag:s18], $0xE80  }
0x2d3: {  	p1 =	sne.s32 s16, s25;
	[sflag:s18] =	ssyncset.done @!p0 $0x0  }
.Ltmp3:
0x2d4: {  	s17 =	rddreg [dreg:$0xe];
	[sflag:s18] =	ssyncadd.s32 @!p0 $0xFFFFF180;
	(pc) =	sbr.rel @p1 .LBB2_1-.Ltmp3, $4  }
0x2d5: {  	[hbm4b:s17+s19] =	stream.linear.scatter @!p0 [tilespmem:s20], [sflag:$0x3], $0xE80, $0x38;
	[tilespmem:$0x17570] =	vst v63  }
0x2d6: {  	_ =	swait.ge @!p0 [sflag:s18], $0xE80  }
0x2d7: {  	[sflag:s18] =	ssyncset.done @!p0 $0x0  }
0x2d8: {  	[sflag:s18] =	ssyncadd.s32 @!p0 $0xFFFFF180  }
0x2d9: {  	_ =	sfence.sel $0x180000  }
0x2da: {  	[bflag:$0x0] =	sbarrier.arrive $0xFFFF  }
0x2db: {  	_ =	strace $0x90000047  }
0x2dc: {  	s0 =	stileid.u32;
	[bflag:$0x2] =	sbarrier.arrive $0xFFFF  }
0x2dd: {  	p0 =	sne.s32 s0, $0x0;
	s0 =	rddreg [dreg:$0x4]  }
0x2de: {  	s0 =	sadd.s32 @!p0 $0x100000, s0  }
0x2df: {  	[sflag:s0] =	ssyncadd.tile.s32 @!p0 $0x1;
	_ =	shalt  }
.Lfunc_end2:
_tile_overlayer_lowered:
.L_overlay_start_2:
0x2e0: {  	(tag) =	ssettag $0x2  }
0x2e1: {  	s0 =	rddreg [dreg:$0x0];
	s2 =	stileid.u32  }
0x2e2: {  	s1 =	rddreg [dreg:$0x1];
	p0 =	sne.s32 s2, $0x0  }
0x2e3: {  	s3 =	rddreg [dreg:$0x2];
	[bflag:$0x3] =	sbarrier.arrive $0xFFFF;
	s2 =	simm.s32 @!p0 $0x1C03  }
0x2e4: {  	[timem:s3], [sflag:s2] =	dma.local @!p0 [hbm:s0], s1  }
0x2e5: {  	s0 =	simm.s32 @!p0 $0x3  }
0x2e6: {  	_ =	swait.ge @!p0 [sflag:s0], s1  }
0x2e7: {  	s1 =	ssub.s32 @!p0 $0x0, s1;
	[sflag:s0] =	ssyncset.done @!p0 $0x0  }
0x2e8: {  	[sflag:s0] =	ssyncadd.s32 @!p0 s1  }
0x2e9: {  	[bflag:$0x3] =	sbarrier.arrive $0xFFFF  }
0x2ea: {  	_ =	shalt  }

</sc_bundles>
